<compile_context>
chip_gen: v7x
topology: tpu7x:2x2x1
jax: 0.10.2.dev20260603
libtpu: 0.0.44.dev20260713+nightly
codegen_flags: <defaults>
</compile_context>

<pallas_src>
import functools

import jax
import jax.numpy as jnp
from jax import lax
from jax.experimental import pallas as pl
from jax.experimental.pallas import tpu as pltpu
from jax.experimental.pallas import tpu_sc as plsc

D = 64
B = 4096
S = 50

NC = 2
NS = 16
NW = NC * NS

CB = 2
ROWS = CB * S
CHUNK_IDX = 112
B_PER_W = B // NW
CHUNKS_PER_W = B_PER_W // CB
IDX_PER_W = CHUNKS_PER_W * CHUNK_IDX


@functools.partial(
    pl.kernel,
    mesh=plsc.VectorSubcoreMesh(core_axis_name="c", subcore_axis_name="s"),
    out_type=jax.ShapeDtypeStruct((B, D), jnp.float32),
    compiler_params=pltpu.CompilerParams(
        needs_layout_passes=False, use_tc_tiling_on_sc=False
    ),
    scratch_types=[
        pltpu.VMEM((IDX_PER_W,), jnp.int32),
        pltpu.VMEM((ROWS, D), jnp.float32),
        pltpu.VMEM((ROWS, D), jnp.float32),
        pltpu.VMEM((1, D), jnp.float32),
        pltpu.VMEM((B_PER_W, D), jnp.float32),
        pltpu.SemaphoreType.DMA,
        pltpu.SemaphoreType.DMA,
    ],
)
def _cbow_sc(idx_hbm, table_hbm, out_hbm, idx_v, rows_a, rows_b, t0_v, out_v,
             sem_a, sem_b):
    wid = lax.axis_index("s") * NC + lax.axis_index("c")

    pltpu.sync_copy(idx_hbm.at[pl.ds(wid * IDX_PER_W, IDX_PER_W)], idx_v)
    pltpu.sync_copy(table_hbm.at[pl.ds(0, 1)], t0_v)

    t0 = [t0_v[0, pl.ds(q * 16, 16)] for q in range(4)]
    lane = lax.iota(jnp.int32, 16)
    inv_s = jnp.float32(1.0 / S)

    def popcnt(zb):
        return plsc.all_reduce_population_count(zb)

    def start_gather(c, buf, sem):
        off = pl.multiple_of(c * CHUNK_IDX, 8)
        pltpu.async_copy(table_hbm.at[idx_v.at[pl.ds(off, ROWS)]], buf, sem)

    def wait_gather(buf, sem):
        pltpu.make_async_copy(
            table_hbm.at[idx_v.at[pl.ds(0, ROWS)]], buf, sem
        ).wait()

    def compute_chunk(c, rows_v):
        off = pl.multiple_of(c * CHUNK_IDX, 8)

        z = []
        for v in range(7):
            iv = idx_v[pl.ds(off + v * 16, 16)]
            z.append(iv == 0)
        cnt0 = (
            popcnt(z[0])
            + popcnt(z[1])
            + popcnt(z[2])
            + popcnt(jnp.logical_and(z[3], lane < 2))
        ).astype(jnp.float32)
        cnt1 = (
            popcnt(jnp.logical_and(z[3], lane >= 2))
            + popcnt(z[4])
            + popcnt(z[5])
            + popcnt(jnp.logical_and(z[6], lane < 4))
        ).astype(jnp.float32)

        for b in range(CB):
            acc = [jnp.zeros((16,), jnp.float32) for _ in range(4)]
            for r in range(S):
                row_i = b * S + r
                for q in range(4):
                    acc[q] = acc[q] + rows_v[row_i, pl.ds(q * 16, 16)]
            cnt = cnt0 if b == 0 else cnt1
            for q in range(4):
                out_v[c * CB + b, pl.ds(q * 16, 16)] = (
                    acc[q] - t0[q] * cnt
                ) * inv_s

    start_gather(0, rows_a, sem_a)

    def pair_body(i, carry):
        c0 = i * 2
        start_gather(c0 + 1, rows_b, sem_b)
        wait_gather(rows_a, sem_a)
        compute_chunk(c0, rows_a)

        @pl.when(c0 + 2 < CHUNKS_PER_W)
        def _():
            start_gather(c0 + 2, rows_a, sem_a)

        wait_gather(rows_b, sem_b)
        compute_chunk(c0 + 1, rows_b)
        return carry

    lax.fori_loop(0, CHUNKS_PER_W // 2, pair_body, None)

    pltpu.sync_copy(out_v, out_hbm.at[pl.ds(wid * B_PER_W, B_PER_W)])


def kernel(indices, table):
    idx = indices.astype(jnp.int32).reshape(B // CB, ROWS)
    idx = jnp.pad(idx, ((0, 0), (0, CHUNK_IDX - ROWS)))
    return _cbow_sc(idx.reshape(-1), table)

# --- scband reference (transcript-rebuilt; emitter-appended) ---
"""Pipeline reference for scband-cbo-w-27341761806499 (READ-ONLY COPY).

The authoritative reference and input builder live on the scoring server;
editing this copy changes nothing except your own understanding.
"""

import jax, jax.numpy as jnp
import numpy as np

NUM_EMBEDDINGS = 1000000
EMBED_DIM = 64
BATCH = 4096
SEQ = 50

def setup_inputs(seed: int = 0) -> dict:
    key = jax.random.key(seed)
    k1, k2 = jax.random.split(key)
    indices = jax.random.randint(k1, (BATCH, SEQ), 0, NUM_EMBEDDINGS, dtype=jnp.int64 if jax.config.jax_enable_x64 else jnp.int32)
    table = jax.random.normal(k2, (NUM_EMBEDDINGS, EMBED_DIM), dtype=jnp.float32) * 0.02
    return {"indices": indices, "table": table}

def reference(indices, table):
    # CBoW: embed tokens then mean-pool over the sequence dimension.
    # padding_idx=0 in nn.Embedding zeros out row 0.
    mask = jnp.ones((NUM_EMBEDDINGS, 1), dtype=table.dtype).at[0, 0].set(0.0)
    table_eff = table * mask
    embedded = jnp.take(table_eff, indices, axis=0)  # [B, L, D] gather
    return embedded.mean(axis=1)  # [B, D]

if __name__ == "__main__":
    import jax
    _d = setup_inputs()
    print(jax.jit(kernel)(*tuple(_d.values())))

</pallas_src>

<mosaic_0001>
#map = affine_map<(d0, d1) -> (0)>
#map1 = affine_map<(d0, d1) -> (0, 0)>
module attributes {stable_mosaic.version = 14 : i64} {
  func.func @_cbow_sc(%arg0: i32, %arg1: i32, %arg2: memref<229376xi32, #tpu.memory_space<hbm>>, %arg3: memref<1000000x64xf32, #tpu.memory_space<hbm>>, %arg4: memref<4096x64xf32, #tpu.memory_space<hbm>>, %arg5: memref<7168xi32, #tpu.memory_space<vmem>>, %arg6: memref<100x64xf32, #tpu.memory_space<vmem>>, %arg7: memref<100x64xf32, #tpu.memory_space<vmem>>, %arg8: memref<1x64xf32, #tpu.memory_space<vmem>>, %arg9: memref<128x64xf32, #tpu.memory_space<vmem>>, %arg10: memref<!tpu.dma_semaphore, #tpu.memory_space<semaphore_mem>>, %arg11: memref<!tpu.dma_semaphore, #tpu.memory_space<semaphore_mem>>) attributes {dimension_semantics = [#tpu.dimension_semantics<core_parallel>, #tpu.dimension_semantics<subcore_parallel>], iteration_bounds = array<i64: 2, 16>, scalar_prefetch = 0 : i64, scratch_operands = 7 : i64, tpu.core_type = #tpu.core_type<sc_vector_subcore>, window_params = [{transform_indices = #map}, {transform_indices = #map1}, {transform_indices = #map1}]} {
    %mul3A = arith.constant 2 : i32
    %mul3A_0 = arith.muli %arg1, %mul3A : i32
    %add3A = arith.addi %mul3A_0, %arg0 : i32
    %mul3A_1 = arith.constant 7168 : i32
    %mul3A_2 = arith.muli %add3A, %mul3A_1 : i32
    "tpu.region"() ({
      %run_scoped3A = tpu.sem_alloc : memref<!tpu.dma_semaphore, #tpu.memory_space<semaphore_mem>>
      %dma_start3A_29 = tpu.memref_slice %arg2[%mul3A_2] : memref<229376xi32, #tpu.memory_space<hbm>> -> memref<7168xi32, #tpu.memory_space<hbm>>
      %dma_start3A_30 = tpu.memref_slice %arg2[%mul3A_2] : memref<229376xi32, #tpu.memory_space<hbm>> -> memref<7168xi32, #tpu.memory_space<hbm>>
      tpu.enqueue_dma source(%dma_start3A_30 : memref<7168xi32, #tpu.memory_space<hbm>>) target(%arg5 : memref<7168xi32, #tpu.memory_space<vmem>>) target_semaphore(%run_scoped3A : memref<!tpu.dma_semaphore, #tpu.memory_space<semaphore_mem>>)
      %dma_wait3A = tpu.memref_slice %arg2[%mul3A_2] : memref<229376xi32, #tpu.memory_space<hbm>> -> memref<7168xi32, #tpu.memory_space<hbm>>
      %dma_wait3A_31 = tpu.memref_slice %arg2[%mul3A_2] : memref<229376xi32, #tpu.memory_space<hbm>> -> memref<7168xi32, #tpu.memory_space<hbm>>
      tpu.wait_dma2 semaphore(%run_scoped3A : memref<!tpu.dma_semaphore, #tpu.memory_space<semaphore_mem>>) src(%dma_wait3A_31 : memref<7168xi32, #tpu.memory_space<hbm>>) dst(%arg5 : memref<7168xi32, #tpu.memory_space<vmem>>)
      tpu.yield
    }) : () -> ()
    "tpu.region"() ({
      %run_scoped3A = tpu.sem_alloc : memref<!tpu.dma_semaphore, #tpu.memory_space<semaphore_mem>>
      %dma_start3A_29 = arith.constant 0 : i32
      %dma_start3A_30 = arith.constant 0 : i32
      %dma_start3A_31 = tpu.memref_slice %arg3[%dma_start3A_29, %dma_start3A_30] : memref<1000000x64xf32, #tpu.memory_space<hbm>> -> memref<1x64xf32, #tpu.memory_space<hbm>>
      %dma_start3A_32 = arith.constant 0 : i32
      %dma_start3A_33 = arith.constant 0 : i32
      %dma_start3A_34 = tpu.memref_slice %arg3[%dma_start3A_32, %dma_start3A_33] : memref<1000000x64xf32, #tpu.memory_space<hbm>> -> memref<1x64xf32, #tpu.memory_space<hbm>>
      tpu.enqueue_dma source(%dma_start3A_34 : memref<1x64xf32, #tpu.memory_space<hbm>>) target(%arg8 : memref<1x64xf32, #tpu.memory_space<vmem>>) target_semaphore(%run_scoped3A : memref<!tpu.dma_semaphore, #tpu.memory_space<semaphore_mem>>)
      %dma_wait3A = arith.constant 0 : i32
      %dma_wait3A_35 = arith.constant 0 : i32
      %dma_wait3A_36 = tpu.memref_slice %arg3[%dma_wait3A, %dma_wait3A_35] : memref<1000000x64xf32, #tpu.memory_space<hbm>> -> memref<1x64xf32, #tpu.memory_space<hbm>>
      %dma_wait3A_37 = arith.constant 0 : i32
      %dma_wait3A_38 = arith.constant 0 : i32
      %dma_wait3A_39 = tpu.memref_slice %arg3[%dma_wait3A_37, %dma_wait3A_38] : memref<1000000x64xf32, #tpu.memory_space<hbm>> -> memref<1x64xf32, #tpu.memory_space<hbm>>
      tpu.wait_dma2 semaphore(%run_scoped3A : memref<!tpu.dma_semaphore, #tpu.memory_space<semaphore_mem>>) src(%dma_wait3A_39 : memref<1x64xf32, #tpu.memory_space<hbm>>) dst(%arg8 : memref<1x64xf32, #tpu.memory_space<vmem>>)
      tpu.yield
    }) : () -> ()
    %get3A = arith.constant 0 : i32
    %get3A_3 = arith.index_cast %get3A : i32 to index
    %get3A_4 = arith.constant 0 : index
    %get3A_5 = tpu.vector_load %arg8[%get3A_3, %get3A_4] {strides = array<i32>} : memref<1x64xf32, #tpu.memory_space<vmem>>, vector<16xf32>,
    %get3A_6 = arith.constant 0 : i32
    %get3A_7 = arith.index_cast %get3A_6 : i32 to index
    %get3A_8 = arith.constant 16 : index
    %get3A_9 = tpu.vector_load %arg8[%get3A_7, %get3A_8] {strides = array<i32>} : memref<1x64xf32, #tpu.memory_space<vmem>>, vector<16xf32>,
    %get3A_10 = arith.constant 0 : i32
    %get3A_11 = arith.index_cast %get3A_10 : i32 to index
    %get3A_12 = arith.constant 32 : index
    %get3A_13 = tpu.vector_load %arg8[%get3A_11, %get3A_12] {strides = array<i32>} : memref<1x64xf32, #tpu.memory_space<vmem>>, vector<16xf32>,
    %get3A_14 = arith.constant 0 : i32
    %get3A_15 = arith.index_cast %get3A_14 : i32 to index
    %get3A_16 = arith.constant 48 : index
    %get3A_17 = tpu.vector_load %arg8[%get3A_15, %get3A_16] {strides = array<i32>} : memref<1x64xf32, #tpu.memory_space<vmem>>, vector<16xf32>,
    %iota3A = tpu.iota {dimensions = array<i32: 0>} : vector<16xi32>
    %multiple_of3A = arith.constant 0 : i32
    %multiple_of3A_18 = tpu.assume_multiple %multiple_of3A, 8 : i32
    %dma_start3A = tpu.memref_slice %arg5[%multiple_of3A_18] : memref<7168xi32, #tpu.memory_space<vmem>> -> memref<100xi32, #tpu.memory_space<vmem>>
    %dma_start3A_19 = arith.constant 0 : i32
    %dma_start3A_20 = arith.constant 0 : i32
    %dma_start3A_21 = tpu.memref_slice %arg3[%dma_start3A_19, %dma_start3A_20] : memref<1000000x64xf32, #tpu.memory_space<hbm>> -> memref<1000000x64xf32, #tpu.memory_space<hbm>>
    tpu.enqueue_indirect_dma source(%dma_start3A_21 : memref<1000000x64xf32, #tpu.memory_space<hbm>>) target(%arg6 : memref<100x64xf32, #tpu.memory_space<vmem>>) offsets(%dma_start3A : memref<100xi32, #tpu.memory_space<vmem>>) semaphore(%arg10 : memref<!tpu.dma_semaphore, #tpu.memory_space<semaphore_mem>>)
    %scan3A = arith.constant 2.000000e-02 : f32
    %scan3A_22 = arith.constant 0 : i32
    %scan3A_23 = arith.constant 32 : i32
    %scan3A_24 = arith.addi %scan3A_22, %scan3A_23 : i32
    %scan3A_25 = arith.constant 1 : i32
    scf.for %scan3A_29 = %scan3A_22 to %scan3A_24 step %scan3A_25  : i32 {
      %mul3A_30 = arith.constant 2 : i32
      %mul3A_31 = arith.muli %scan3A_29, %mul3A_30 : i32
      %add3A_32 = arith.constant 1 : i32
      %add3A_33 = arith.addi %mul3A_31, %add3A_32 : i32
      %mul3A_34 = arith.constant 112 : i32
      %mul3A_35 = arith.muli %add3A_33, %mul3A_34 : i32
      %multiple_of3A_36 = tpu.assume_multiple %mul3A_35, 8 : i32
      %dma_start3A_37 = tpu.memref_slice %arg5[%multiple_of3A_36] : memref<7168xi32, #tpu.memory_space<vmem>> -> memref<100xi32, #tpu.memory_space<vmem>>
      %dma_start3A_38 = arith.constant 0 : i32
      %dma_start3A_39 = arith.constant 0 : i32
      %dma_start3A_40 = tpu.memref_slice %arg3[%dma_start3A_38, %dma_start3A_39] : memref<1000000x64xf32, #tpu.memory_space<hbm>> -> memref<1000000x64xf32, #tpu.memory_space<hbm>>
      tpu.enqueue_indirect_dma source(%dma_start3A_40 : memref<1000000x64xf32, #tpu.memory_space<hbm>>) target(%arg7 : memref<100x64xf32, #tpu.memory_space<vmem>>) offsets(%dma_start3A_37 : memref<100xi32, #tpu.memory_space<vmem>>) semaphore(%arg11 : memref<!tpu.dma_semaphore, #tpu.memory_space<semaphore_mem>>)
      %dma_wait3A = arith.constant 0 : i32
      %dma_wait3A_41 = tpu.memref_slice %arg5[%dma_wait3A] : memref<7168xi32, #tpu.memory_space<vmem>> -> memref<100xi32, #tpu.memory_space<vmem>>
      %dma_wait3A_42 = arith.constant 0 : i32
      %dma_wait3A_43 = arith.constant 0 : i32
      %dma_wait3A_44 = tpu.memref_slice %arg3[%dma_wait3A_42, %dma_wait3A_43] : memref<1000000x64xf32, #tpu.memory_space<hbm>> -> memref<1000000x64xf32, #tpu.memory_space<hbm>>
      tpu.wait_indirect_dma semaphore(%arg10 : memref<!tpu.dma_semaphore, #tpu.memory_space<semaphore_mem>>) src(%dma_wait3A_44 : memref<1000000x64xf32, #tpu.memory_space<hbm>>) dst(%arg6 : memref<100x64xf32, #tpu.memory_space<vmem>>)
      %mul3A_45 = arith.constant 112 : i32
      %mul3A_46 = arith.muli %mul3A_31, %mul3A_45 : i32
      %multiple_of3A_47 = tpu.assume_multiple %mul3A_46, 8 : i32
      %add3A_48 = arith.constant 0 : i32
      %add3A_49 = arith.addi %multiple_of3A_47, %add3A_48 : i32
      %get3A_50 = arith.index_cast %add3A_49 : i32 to index
      %get3A_51 = tpu.vector_load %arg5[%get3A_50] {strides = array<i32>} : memref<7168xi32, #tpu.memory_space<vmem>>, vector<16xi32>,
      %eq3A = arith.constant 0 : i32
      %eq3A_52 = vector.broadcast %eq3A : i32 to vector<16xi32>
      %eq3A_53 = arith.cmpi eq, %get3A_51, %eq3A_52 : vector<16xi32>
      %add3A_54 = arith.constant 16 : i32
      %add3A_55 = arith.addi %multiple_of3A_47, %add3A_54 : i32
      %get3A_56 = arith.index_cast %add3A_55 : i32 to index
      %get3A_57 = tpu.vector_load %arg5[%get3A_56] {strides = array<i32>} : memref<7168xi32, #tpu.memory_space<vmem>>, vector<16xi32>,
      %eq3A_58 = arith.constant 0 : i32
      %eq3A_59 = vector.broadcast %eq3A_58 : i32 to vector<16xi32>
      %eq3A_60 = arith.cmpi eq, %get3A_57, %eq3A_59 : vector<16xi32>
      %add3A_61 = arith.constant 32 : i32
      %add3A_62 = arith.addi %multiple_of3A_47, %add3A_61 : i32
      %get3A_63 = arith.index_cast %add3A_62 : i32 to index
      %get3A_64 = tpu.vector_load %arg5[%get3A_63] {strides = array<i32>} : memref<7168xi32, #tpu.memory_space<vmem>>, vector<16xi32>,
      %eq3A_65 = arith.constant 0 : i32
      %eq3A_66 = vector.broadcast %eq3A_65 : i32 to vector<16xi32>
      %eq3A_67 = arith.cmpi eq, %get3A_64, %eq3A_66 : vector<16xi32>
      %add3A_68 = arith.constant 48 : i32
      %add3A_69 = arith.addi %multiple_of3A_47, %add3A_68 : i32
      %get3A_70 = arith.index_cast %add3A_69 : i32 to index
      %get3A_71 = tpu.vector_load %arg5[%get3A_70] {strides = array<i32>} : memref<7168xi32, #tpu.memory_space<vmem>>, vector<16xi32>,
      %eq3A_72 = arith.constant 0 : i32
      %eq3A_73 = vector.broadcast %eq3A_72 : i32 to vector<16xi32>
      %eq3A_74 = arith.cmpi eq, %get3A_71, %eq3A_73 : vector<16xi32>
      %add3A_75 = arith.constant 64 : i32
      %add3A_76 = arith.addi %multiple_of3A_47, %add3A_75 : i32
      %get3A_77 = arith.index_cast %add3A_76 : i32 to index
      %get3A_78 = tpu.vector_load %arg5[%get3A_77] {strides = array<i32>} : memref<7168xi32, #tpu.memory_space<vmem>>, vector<16xi32>,
      %eq3A_79 = arith.constant 0 : i32
      %eq3A_80 = vector.broadcast %eq3A_79 : i32 to vector<16xi32>
      %eq3A_81 = arith.cmpi eq, %get3A_78, %eq3A_80 : vector<16xi32>
      %add3A_82 = arith.constant 80 : i32
      %add3A_83 = arith.addi %multiple_of3A_47, %add3A_82 : i32
      %get3A_84 = arith.index_cast %add3A_83 : i32 to index
      %get3A_85 = tpu.vector_load %arg5[%get3A_84] {strides = array<i32>} : memref<7168xi32, #tpu.memory_space<vmem>>, vector<16xi32>,
      %eq3A_86 = arith.constant 0 : i32
      %eq3A_87 = vector.broadcast %eq3A_86 : i32 to vector<16xi32>
      %eq3A_88 = arith.cmpi eq, %get3A_85, %eq3A_87 : vector<16xi32>
      %add3A_89 = arith.constant 96 : i32
      %add3A_90 = arith.addi %multiple_of3A_47, %add3A_89 : i32
      %get3A_91 = arith.index_cast %add3A_90 : i32 to index
      %get3A_92 = tpu.vector_load %arg5[%get3A_91] {strides = array<i32>} : memref<7168xi32, #tpu.memory_space<vmem>>, vector<16xi32>,
      %eq3A_93 = arith.constant 0 : i32
      %eq3A_94 = vector.broadcast %eq3A_93 : i32 to vector<16xi32>
      %eq3A_95 = arith.cmpi eq, %get3A_92, %eq3A_94 : vector<16xi32>
      %all_reduce_population_count3A = tpu.all_reduce %eq3A_53 {dim = 0 : i64, kind = #tpu.reduction_kind<sum>} : vector<16xi1> -> vector<16xi32>
      %all_reduce_population_count3A_96 = tpu.all_reduce %eq3A_60 {dim = 0 : i64, kind = #tpu.reduction_kind<sum>} : vector<16xi1> -> vector<16xi32>
      %add3A_97 = arith.addi %all_reduce_population_count3A, %all_reduce_population_count3A_96 : vector<16xi32>
      %all_reduce_population_count3A_98 = tpu.all_reduce %eq3A_67 {dim = 0 : i64, kind = #tpu.reduction_kind<sum>} : vector<16xi1> -> vector<16xi32>
      %add3A_99 = arith.addi %add3A_97, %all_reduce_population_count3A_98 : vector<16xi32>
      %lt3A = arith.constant 2 : i32
      %lt3A_100 = vector.broadcast %lt3A : i32 to vector<16xi32>
      %lt3A_101 = arith.cmpi slt, %iota3A, %lt3A_100 : vector<16xi32>
      %and3A = arith.andi %eq3A_74, %lt3A_101 : vector<16xi1>
      %all_reduce_population_count3A_102 = tpu.all_reduce %and3A {dim = 0 : i64, kind = #tpu.reduction_kind<sum>} : vector<16xi1> -> vector<16xi32>
      %add3A_103 = arith.addi %add3A_99, %all_reduce_population_count3A_102 : vector<16xi32>
      %convert_element_type3A = arith.sitofp %add3A_103 : vector<16xi32> to vector<16xf32>
      %ge3A = arith.constant 2 : i32
      %ge3A_104 = vector.broadcast %ge3A : i32 to vector<16xi32>
      %ge3A_105 = arith.cmpi sge, %iota3A, %ge3A_104 : vector<16xi32>
      %and3A_106 = arith.andi %eq3A_74, %ge3A_105 : vector<16xi1>
      %all_reduce_population_count3A_107 = tpu.all_reduce %and3A_106 {dim = 0 : i64, kind = #tpu.reduction_kind<sum>} : vector<16xi1> -> vector<16xi32>
      %all_reduce_population_count3A_108 = tpu.all_reduce %eq3A_81 {dim = 0 : i64, kind = #tpu.reduction_kind<sum>} : vector<16xi1> -> vector<16xi32>
      %add3A_109 = arith.addi %all_reduce_population_count3A_107, %all_reduce_population_count3A_108 : vector<16xi32>
      %all_reduce_population_count3A_110 = tpu.all_reduce %eq3A_88 {dim = 0 : i64, kind = #tpu.reduction_kind<sum>} : vector<16xi1> -> vector<16xi32>
      %add3A_111 = arith.addi %add3A_109, %all_reduce_population_count3A_110 : vector<16xi32>
      %lt3A_112 = arith.constant 4 : i32
      %lt3A_113 = vector.broadcast %lt3A_112 : i32 to vector<16xi32>
      %lt3A_114 = arith.cmpi slt, %iota3A, %lt3A_113 : vector<16xi32>
      %and3A_115 = arith.andi %eq3A_95, %lt3A_114 : vector<16xi1>
      %all_reduce_population_count3A_116 = tpu.all_reduce %and3A_115 {dim = 0 : i64, kind = #tpu.reduction_kind<sum>} : vector<16xi1> -> vector<16xi32>
      %add3A_117 = arith.addi %add3A_111, %all_reduce_population_count3A_116 : vector<16xi32>
      %convert_element_type3A_118 = arith.sitofp %add3A_117 : vector<16xi32> to vector<16xf32>
      %broadcast_in_dim3A = arith.constant 0.000000e+00 : f32
      %broadcast_in_dim3A_119 = vector.broadcast %broadcast_in_dim3A : f32 to vector<16xf32>
      %broadcast_in_dim3A_120 = arith.constant 0.000000e+00 : f32
      %broadcast_in_dim3A_121 = vector.broadcast %broadcast_in_dim3A_120 : f32 to vector<16xf32>
      %broadcast_in_dim3A_122 = arith.constant 0.000000e+00 : f32
      %broadcast_in_dim3A_123 = vector.broadcast %broadcast_in_dim3A_122 : f32 to vector<16xf32>
      %broadcast_in_dim3A_124 = arith.constant 0.000000e+00 : f32
      %broadcast_in_dim3A_125 = vector.broadcast %broadcast_in_dim3A_124 : f32 to vector<16xf32>
      %get3A_126 = arith.constant 0 : i32
      %get3A_127 = arith.index_cast %get3A_126 : i32 to index
      %get3A_128 = arith.constant 0 : index
      %get3A_129 = tpu.vector_load %arg6[%get3A_127, %get3A_128] {strides = array<i32>} : memref<100x64xf32, #tpu.memory_space<vmem>>, vector<16xf32>,
      %add3A_130 = arith.addf %broadcast_in_dim3A_119, %get3A_129 : vector<16xf32>
      %get3A_131 = arith.constant 0 : i32
      %get3A_132 = arith.index_cast %get3A_131 : i32 to index
      %get3A_133 = arith.constant 16 : index
      %get3A_134 = tpu.vector_load %arg6[%get3A_132, %get3A_133] {strides = array<i32>} : memref<100x64xf32, #tpu.memory_space<vmem>>, vector<16xf32>,
      %add3A_135 = arith.addf %broadcast_in_dim3A_121, %get3A_134 : vector<16xf32>
      %get3A_136 = arith.constant 0 : i32
      %get3A_137 = arith.index_cast %get3A_136 : i32 to index
      %get3A_138 = arith.constant 32 : index
      %get3A_139 = tpu.vector_load %arg6[%get3A_137, %get3A_138] {strides = array<i32>} : memref<100x64xf32, #tpu.memory_space<vmem>>, vector<16xf32>,
      %add3A_140 = arith.addf %broadcast_in_dim3A_123, %get3A_139 : vector<16xf32>
      %get3A_141 = arith.constant 0 : i32
      %get3A_142 = arith.index_cast %get3A_141 : i32 to index
      %get3A_143 = arith.constant 48 : index
      %get3A_144 = tpu.vector_load %arg6[%get3A_142, %get3A_143] {strides = array<i32>} : memref<100x64xf32, #tpu.memory_space<vmem>>, vector<16xf32>,
      %add3A_145 = arith.addf %broadcast_in_dim3A_125, %get3A_144 : vector<16xf32>
      %get3A_146 = arith.constant 1 : i32
      %get3A_147 = arith.index_cast %get3A_146 : i32 to index
      %get3A_148 = arith.constant 0 : index
      %get3A_149 = tpu.vector_load %arg6[%get3A_147, %get3A_148] {strides = array<i32>} : memref<100x64xf32, #tpu.memory_space<vmem>>, vector<16xf32>,
      %add3A_150 = arith.addf %add3A_130, %get3A_149 : vector<16xf32>
      %get3A_151 = arith.constant 1 : i32
      %get3A_152 = arith.index_cast %get3A_151 : i32 to index
      %get3A_153 = arith.constant 16 : index
      %get3A_154 = tpu.vector_load %arg6[%get3A_152, %get3A_153] {strides = array<i32>} : memref<100x64xf32, #tpu.memory_space<vmem>>, vector<16xf32>,
      %add3A_155 = arith.addf %add3A_135, %get3A_154 : vector<16xf32>
      %get3A_156 = arith.constant 1 : i32
      %get3A_157 = arith.index_cast %get3A_156 : i32 to index
      %get3A_158 = arith.constant 32 : index
      %get3A_159 = tpu.vector_load %arg6[%get3A_157, %get3A_158] {strides = array<i32>} : memref<100x64xf32, #tpu.memory_space<vmem>>, vector<16xf32>,
      %add3A_160 = arith.addf %add3A_140, %get3A_159 : vector<16xf32>
      %get3A_161 = arith.constant 1 : i32
      %get3A_162 = arith.index_cast %get3A_161 : i32 to index
      %get3A_163 = arith.constant 48 : index
      %get3A_164 = tpu.vector_load %arg6[%get3A_162, %get3A_163] {strides = array<i32>} : memref<100x64xf32, #tpu.memory_space<vmem>>, vector<16xf32>,
      %add3A_165 = arith.addf %add3A_145, %get3A_164 : vector<16xf32>
      %get3A_166 = arith.constant 2 : i32
      %get3A_167 = arith.index_cast %get3A_166 : i32 to index
      %get3A_168 = arith.constant 0 : index
      %get3A_169 = tpu.vector_load %arg6[%get3A_167, %get3A_168] {strides = array<i32>} : memref<100x64xf32, #tpu.memory_space<vmem>>, vector<16xf32>,
      %add3A_170 = arith.addf %add3A_150, %get3A_169 : vector<16xf32>
      %get3A_171 = arith.constant 2 : i32
      %get3A_172 = arith.index_cast %get3A_171 : i32 to index
      %get3A_173 = arith.constant 16 : index
      %get3A_174 = tpu.vector_load %arg6[%get3A_172, %get3A_173] {strides = array<i32>} : memref<100x64xf32, #tpu.memory_space<vmem>>, vector<16xf32>,
      %add3A_175 = arith.addf %add3A_155, %get3A_174 : vector<16xf32>
      %get3A_176 = arith.constant 2 : i32
      %get3A_177 = arith.index_cast %get3A_176 : i32 to index
      %get3A_178 = arith.constant 32 : index
      %get3A_179 = tpu.vector_load %arg6[%get3A_177, %get3A_178] {strides = array<i32>} : memref<100x64xf32, #tpu.memory_space<vmem>>, vector<16xf32>,
      %add3A_180 = arith.addf %add3A_160, %get3A_179 : vector<16xf32>
      %get3A_181 = arith.constant 2 : i32
      %get3A_182 = arith.index_cast %get3A_181 : i32 to index
      %get3A_183 = arith.constant 48 : index
      %get3A_184 = tpu.vector_load %arg6[%get3A_182, %get3A_183] {strides = array<i32>} : memref<100x64xf32, #tpu.memory_space<vmem>>, vector<16xf32>,
      %add3A_185 = arith.addf %add3A_165, %get3A_184 : vector<16xf32>
      %get3A_186 = arith.constant 3 : i32
      %get3A_187 = arith.index_cast %get3A_186 : i32 to index
      %get3A_188 = arith.constant 0 : index
      %get3A_189 = tpu.vector_load %arg6[%get3A_187, %get3A_188] {strides = array<i32>} : memref<100x64xf32, #tpu.memory_space<vmem>>, vector<16xf32>,
      %add3A_190 = arith.addf %add3A_170, %get3A_189 : vector<16xf32>
      %get3A_191 = arith.constant 3 : i32
      %get3A_192 = arith.index_cast %get3A_191 : i32 to index
      %get3A_193 = arith.constant 16 : index
      %get3A_194 = tpu.vector_load %arg6[%get3A_192, %get3A_193] {strides = array<i32>} : memref<100x64xf32, #tpu.memory_space<vmem>>, vector<16xf32>,
      %add3A_195 = arith.addf %add3A_175, %get3A_194 : vector<16xf32>
      %get3A_196 = arith.constant 3 : i32
      %get3A_197 = arith.index_cast %get3A_196 : i32 to index
      %get3A_198 = arith.constant 32 : index
      %get3A_199 = tpu.vector_load %arg6[%get3A_197, %get3A_198] {strides = array<i32>} : memref<100x64xf32, #tpu.memory_space<vmem>>, vector<16xf32>,
      %add3A_200 = arith.addf %add3A_180, %get3A_199 : vector<16xf32>
      %get3A_201 = arith.constant 3 : i32
      %get3A_202 = arith.index_cast %get3A_201 : i32 to index
      %get3A_203 = arith.constant 48 : index
      %get3A_204 = tpu.vector_load %arg6[%get3A_202, %get3A_203] {strides = array<i32>} : memref<100x64xf32, #tpu.memory_space<vmem>>, vector<16xf32>,
      %add3A_205 = arith.addf %add3A_185, %get3A_204 : vector<16xf32>
      %get3A_206 = arith.constant 4 : i32
      %get3A_207 = arith.index_cast %get3A_206 : i32 to index
      %get3A_208 = arith.constant 0 : index
      %get3A_209 = tpu.vector_load %arg6[%get3A_207, %get3A_208] {strides = array<i32>} : memref<100x64xf32, #tpu.memory_space<vmem>>, vector<16xf32>,
      %add3A_210 = arith.addf %add3A_190, %get3A_209 : vector<16xf32>
      %get3A_211 = arith.constant 4 : i32
      %get3A_212 = arith.index_cast %get3A_211 : i32 to index
      %get3A_213 = arith.constant 16 : index
      %get3A_214 = tpu.vector_load %arg6[%get3A_212, %get3A_213] {strides = array<i32>} : memref<100x64xf32, #tpu.memory_space<vmem>>, vector<16xf32>,
      %add3A_215 = arith.addf %add3A_195, %get3A_214 : vector<16xf32>
      %get3A_216 = arith.constant 4 : i32
      %get3A_217 = arith.index_cast %get3A_216 : i32 to index
      %get3A_218 = arith.constant 32 : index
      %get3A_219 = tpu.vector_load %arg6[%get3A_217, %get3A_218] {strides = array<i32>} : memref<100x64xf32, #tpu.memory_space<vmem>>, vector<16xf32>,
      %add3A_220 = arith.addf %add3A_200, %get3A_219 : vector<16xf32>
      %get3A_221 = arith.constant 4 : i32
      %get3A_222 = arith.index_cast %get3A_221 : i32 to index
      %get3A_223 = arith.constant 48 : index
      %get3A_224 = tpu.vector_load %arg6[%get3A_222, %get3A_223] {strides = array<i32>} : memref<100x64xf32, #tpu.memory_space<vmem>>, vector<16xf32>,
      %add3A_225 = arith.addf %add3A_205, %get3A_224 : vector<16xf32>
      %get3A_226 = arith.constant 5 : i32
      %get3A_227 = arith.index_cast %get3A_226 : i32 to index
      %get3A_228 = arith.constant 0 : index
      %get3A_229 = tpu.vector_load %arg6[%get3A_227, %get3A_228] {strides = array<i32>} : memref<100x64xf32, #tpu.memory_space<vmem>>, vector<16xf32>,
      %add3A_230 = arith.addf %add3A_210, %get3A_229 : vector<16xf32>
      %get3A_231 = arith.constant 5 : i32
      %get3A_232 = arith.index_cast %get3A_231 : i32 to index
      %get3A_233 = arith.constant 16 : index
      %get3A_234 = tpu.vector_load %arg6[%get3A_232, %get3A_233] {strides = array<i32>} : memref<100x64xf32, #tpu.memory_space<vmem>>, vector<16xf32>,
      %add3A_235 = arith.addf %add3A_215, %get3A_234 : vector<16xf32>
      %get3A_236 = arith.constant 5 : i32
      %get3A_237 = arith.index_cast %get3A_236 : i32 to index
      %get3A_238 = arith.constant 32 : index
      %get3A_239 = tpu.vector_load %arg6[%get3A_237, %get3A_238] {strides = array<i32>} : memref<100x64xf32, #tpu.memory_space<vmem>>, vector<16xf32>,
      %add3A_240 = arith.addf %add3A_220, %get3A_239 : vector<16xf32>
      %get3A_241 = arith.constant 5 : i32
      %get3A_242 = arith.index_cast %get3A_241 : i32 to index
      %get3A_243 = arith.constant 48 : index
      %get3A_244 = tpu.vector_load %arg6[%get3A_242, %get3A_243] {strides = array<i32>} : memref<100x64xf32, #tpu.memory_space<vmem>>, vector<16xf32>,
      %add3A_245 = arith.addf %add3A_225, %get3A_244 : vector<16xf32>
      %get3A_246 = arith.constant 6 : i32
      %get3A_247 = arith.index_cast %get3A_246 : i32 to index
      %get3A_248 = arith.constant 0 : index
      %get3A_249 = tpu.vector_load %arg6[%get3A_247, %get3A_248] {strides = array<i32>} : memref<100x64xf32, #tpu.memory_space<vmem>>, vector<16xf32>,
      %add3A_250 = arith.addf %add3A_230, %get3A_249 : vector<16xf32>
      %get3A_251 = arith.constant 6 : i32
      %get3A_252 = arith.index_cast %get3A_251 : i32 to index
      %get3A_253 = arith.constant 16 : index
      %get3A_254 = tpu.vector_load %arg6[%get3A_252, %get3A_253] {strides = array<i32>} : memref<100x64xf32, #tpu.memory_space<vmem>>, vector<16xf32>,
      %add3A_255 = arith.addf %add3A_235, %get3A_254 : vector<16xf32>
      %get3A_256 = arith.constant 6 : i32
      %get3A_257 = arith.index_cast %get3A_256 : i32 to index
      %get3A_258 = arith.constant 32 : index
      %get3A_259 = tpu.vector_load %arg6[%get3A_257, %get3A_258] {strides = array<i32>} : memref<100x64xf32, #tpu.memory_space<vmem>>, vector<16xf32>,
      %add3A_260 = arith.addf %add3A_240, %get3A_259 : vector<16xf32>
      %get3A_261 = arith.constant 6 : i32
      %get3A_262 = arith.index_cast %get3A_261 : i32 to index
      %get3A_263 = arith.constant 48 : index
      %get3A_264 = tpu.vector_load %arg6[%get3A_262, %get3A_263] {strides = array<i32>} : memref<100x64xf32, #tpu.memory_space<vmem>>, vector<16xf32>,
      %add3A_265 = arith.addf %add3A_245, %get3A_264 : vector<16xf32>
      %get3A_266 = arith.constant 7 : i32
      %get3A_267 = arith.index_cast %get3A_266 : i32 to index
      %get3A_268 = arith.constant 0 : index
      %get3A_269 = tpu.vector_load %arg6[%get3A_267, %get3A_268] {strides = array<i32>} : memref<100x64xf32, #tpu.memory_space<vmem>>, vector<16xf32>,
      %add3A_270 = arith.addf %add3A_250, %get3A_269 : vector<16xf32>
      %get3A_271 = arith.constant 7 : i32
      %get3A_272 = arith.index_cast %get3A_271 : i32 to index
      %get3A_273 = arith.constant 16 : index
      %get3A_274 = tpu.vector_load %arg6[%get3A_272, %get3A_273] {strides = array<i32>} : memref<100x64xf32, #tpu.memory_space<vmem>>, vector<16xf32>,
      %add3A_275 = arith.addf %add3A_255, %get3A_274 : vector<16xf32>
      %get3A_276 = arith.constant 7 : i32
      %get3A_277 = arith.index_cast %get3A_276 : i32 to index
      %get3A_278 = arith.constant 32 : index
      %get3A_279 = tpu.vector_load %arg6[%get3A_277, %get3A_278] {strides = array<i32>} : memref<100x64xf32, #tpu.memory_space<vmem>>, vector<16xf32>,
      %add3A_280 = arith.addf %add3A_260, %get3A_279 : vector<16xf32>
      %get3A_281 = arith.constant 7 : i32
      %get3A_282 = arith.index_cast %get3A_281 : i32 to index
      %get3A_283 = arith.constant 48 : index
      %get3A_284 = tpu.vector_load %arg6[%get3A_282, %get3A_283] {strides = array<i32>} : memref<100x64xf32, #tpu.memory_space<vmem>>, vector<16xf32>,
      %add3A_285 = arith.addf %add3A_265, %get3A_284 : vector<16xf32>
      %get3A_286 = arith.constant 8 : i32
      %get3A_287 = arith.index_cast %get3A_286 : i32 to index
      %get3A_288 = arith.constant 0 : index
      %get3A_289 = tpu.vector_load %arg6[%get3A_287, %get3A_288] {strides = array<i32>} : memref<100x64xf32, #tpu.memory_space<vmem>>, vector<16xf32>,
      %add3A_290 = arith.addf %add3A_270, %get3A_289 : vector<16xf32>
      %get3A_291 = arith.constant 8 : i32
      %get3A_292 = arith.index_cast %get3A_291 : i32 to index
      %get3A_293 = arith.constant 16 : index
      %get3A_294 = tpu.vector_load %arg6[%get3A_292, %get3A_293] {strides = array<i32>} : memref<100x64xf32, #tpu.memory_space<vmem>>, vector<16xf32>,
      %add3A_295 = arith.addf %add3A_275, %get3A_294 : vector<16xf32>
      %get3A_296 = arith.constant 8 : i32
      %get3A_297 = arith.index_cast %get3A_296 : i32 to index
      %get3A_298 = arith.constant 32 : index
      %get3A_299 = tpu.vector_load %arg6[%get3A_297, %get3A_298] {strides = array<i32>} : memref<100x64xf32, #tpu.memory_space<vmem>>, vector<16xf32>,
      %add3A_300 = arith.addf %add3A_280, %get3A_299 : vector<16xf32>
      %get3A_301 = arith.constant 8 : i32
      %get3A_302 = arith.index_cast %get3A_301 : i32 to index
      %get3A_303 = arith.constant 48 : index
      %get3A_304 = tpu.vector_load %arg6[%get3A_302, %get3A_303] {strides = array<i32>} : memref<100x64xf32, #tpu.memory_space<vmem>>, vector<16xf32>,
      %add3A_305 = arith.addf %add3A_285, %get3A_304 : vector<16xf32>
      %get3A_306 = arith.constant 9 : i32
      %get3A_307 = arith.index_cast %get3A_306 : i32 to index
      %get3A_308 = arith.constant 0 : index
      %get3A_309 = tpu.vector_load %arg6[%get3A_307, %get3A_308] {strides = array<i32>} : memref<100x64xf32, #tpu.memory_space<vmem>>, vector<16xf32>,
      %add3A_310 = arith.addf %add3A_290, %get3A_309 : vector<16xf32>
      %get3A_311 = arith.constant 9 : i32
      %get3A_312 = arith.index_cast %get3A_311 : i32 to index
      %get3A_313 = arith.constant 16 : index
      %get3A_314 = tpu.vector_load %arg6[%get3A_312, %get3A_313] {strides = array<i32>} : memref<100x64xf32, #tpu.memory_space<vmem>>, vector<16xf32>,
      %add3A_315 = arith.addf %add3A_295, %get3A_314 : vector<16xf32>
      %get3A_316 = arith.constant 9 : i32
      %get3A_317 = arith.index_cast %get3A_316 : i32 to index
      %get3A_318 = arith.constant 32 : index
      %get3A_319 = tpu.vector_load %arg6[%get3A_317, %get3A_318] {strides = array<i32>} : memref<100x64xf32, #tpu.memory_space<vmem>>, vector<16xf32>,
      %add3A_320 = arith.addf %add3A_300, %get3A_319 : vector<16xf32>
      %get3A_321 = arith.constant 9 : i32
      %get3A_322 = arith.index_cast %get3A_321 : i32 to index
      %get3A_323 = arith.constant 48 : index
      %get3A_324 = tpu.vector_load %arg6[%get3A_322, %get3A_323] {strides = array<i32>} : memref<100x64xf32, #tpu.memory_space<vmem>>, vector<16xf32>,
      %add3A_325 = arith.addf %add3A_305, %get3A_324 : vector<16xf32>
      %get3A_326 = arith.constant 10 : i32
      %get3A_327 = arith.index_cast %get3A_326 : i32 to index
      %get3A_328 = arith.constant 0 : index
      %get3A_329 = tpu.vector_load %arg6[%get3A_327, %get3A_328] {strides = array<i32>} : memref<100x64xf32, #tpu.memory_space<vmem>>, vector<16xf32>,
      %add3A_330 = arith.addf %add3A_310, %get3A_329 : vector<16xf32>
      %get3A_331 = arith.constant 10 : i32
      %get3A_332 = arith.index_cast %get3A_331 : i32 to index
      %get3A_333 = arith.constant 16 : index
      %get3A_334 = tpu.vector_load %arg6[%get3A_332, %get3A_333] {strides = array<i32>} : memref<100x64xf32, #tpu.memory_space<vmem>>, vector<16xf32>,
      %add3A_335 = arith.addf %add3A_315, %get3A_334 : vector<16xf32>
      %get3A_336 = arith.constant 10 : i32
      %get3A_337 = arith.index_cast %get3A_336 : i32 to index
      %get3A_338 = arith.constant 32 : index
      %get3A_339 = tpu.vector_load %arg6[%get3A_337, %get3A_338] {strides = array<i32>} : memref<100x64xf32, #tpu.memory_space<vmem>>, vector<16xf32>,
      %add3A_340 = arith.addf %add3A_320, %get3A_339 : vector<16xf32>
      %get3A_341 = arith.constant 10 : i32
      %get3A_342 = arith.index_cast %get3A_341 : i32 to index
      %get3A_343 = arith.constant 48 : index
      %get3A_344 = tpu.vector_load %arg6[%get3A_342, %get3A_343] {strides = array<i32>} : memref<100x64xf32, #tpu.memory_space<vmem>>, vector<16xf32>,
      %add3A_345 = arith.addf %add3A_325, %get3A_344 : vector<16xf32>
      %get3A_346 = arith.constant 11 : i32
      %get3A_347 = arith.index_cast %get3A_346 : i32 to index
      %get3A_348 = arith.constant 0 : index
      %get3A_349 = tpu.vector_load %arg6[%get3A_347, %get3A_348] {strides = array<i32>} : memref<100x64xf32, #tpu.memory_space<vmem>>, vector<16xf32>,
      %add3A_350 = arith.addf %add3A_330, %get3A_349 : vector<16xf32>
      %get3A_351 = arith.constant 11 : i32
      %get3A_352 = arith.index_cast %get3A_351 : i32 to index
      %get3A_353 = arith.constant 16 : index
      %get3A_354 = tpu.vector_load %arg6[%get3A_352, %get3A_353] {strides = array<i32>} : memref<100x64xf32, #tpu.memory_space<vmem>>, vector<16xf32>,
      %add3A_355 = arith.addf %add3A_335, %get3A_354 : vector<16xf32>
      %get3A_356 = arith.constant 11 : i32
      %get3A_357 = arith.index_cast %get3A_356 : i32 to index
      %get3A_358 = arith.constant 32 : index
      %get3A_359 = tpu.vector_load %arg6[%get3A_357, %get3A_358] {strides = array<i32>} : memref<100x64xf32, #tpu.memory_space<vmem>>, vector<16xf32>,
      %add3A_360 = arith.addf %add3A_340, %get3A_359 : vector<16xf32>
      %get3A_361 = arith.constant 11 : i32
      %get3A_362 = arith.index_cast %get3A_361 : i32 to index
      %get3A_363 = arith.constant 48 : index
      %get3A_364 = tpu.vector_load %arg6[%get3A_362, %get3A_363] {strides = array<i32>} : memref<100x64xf32, #tpu.memory_space<vmem>>, vector<16xf32>,
      %add3A_365 = arith.addf %add3A_345, %get3A_364 : vector<16xf32>
      %get3A_366 = arith.constant 12 : i32
      %get3A_367 = arith.index_cast %get3A_366 : i32 to index
      %get3A_368 = arith.constant 0 : index
      %get3A_369 = tpu.vector_load %arg6[%get3A_367, %get3A_368] {strides = array<i32>} : memref<100x64xf32, #tpu.memory_space<vmem>>, vector<16xf32>,
      %add3A_370 = arith.addf %add3A_350, %get3A_369 : vector<16xf32>
      %get3A_371 = arith.constant 12 : i32
      %get3A_372 = arith.index_cast %get3A_371 : i32 to index
      %get3A_373 = arith.constant 16 : index
      %get3A_374 = tpu.vector_load %arg6[%get3A_372, %get3A_373] {strides = array<i32>} : memref<100x64xf32, #tpu.memory_space<vmem>>, vector<16xf32>,
      %add3A_375 = arith.addf %add3A_355, %get3A_374 : vector<16xf32>
      %get3A_376 = arith.constant 12 : i32
      %get3A_377 = arith.index_cast %get3A_376 : i32 to index
      %get3A_378 = arith.constant 32 : index
      %get3A_379 = tpu.vector_load %arg6[%get3A_377, %get3A_378] {strides = array<i32>} : memref<100x64xf32, #tpu.memory_space<vmem>>, vector<16xf32>,
      %add3A_380 = arith.addf %add3A_360, %get3A_379 : vector<16xf32>
      %get3A_381 = arith.constant 12 : i32
      %get3A_382 = arith.index_cast %get3A_381 : i32 to index
      %get3A_383 = arith.constant 48 : index
      %get3A_384 = tpu.vector_load %arg6[%get3A_382, %get3A_383] {strides = array<i32>} : memref<100x64xf32, #tpu.memory_space<vmem>>, vector<16xf32>,
      %add3A_385 = arith.addf %add3A_365, %get3A_384 : vector<16xf32>
      %get3A_386 = arith.constant 13 : i32
      %get3A_387 = arith.index_cast %get3A_386 : i32 to index
      %get3A_388 = arith.constant 0 : index
      %get3A_389 = tpu.vector_load %arg6[%get3A_387, %get3A_388] {strides = array<i32>} : memref<100x64xf32, #tpu.memory_space<vmem>>, vector<16xf32>,
      %add3A_390 = arith.addf %add3A_370, %get3A_389 : vector<16xf32>
      %get3A_391 = arith.constant 13 : i32
      %get3A_392 = arith.index_cast %get3A_391 : i32 to index
      %get3A_393 = arith.constant 16 : index
      %get3A_394 = tpu.vector_load %arg6[%get3A_392, %get3A_393] {strides = array<i32>} : memref<100x64xf32, #tpu.memory_space<vmem>>, vector<16xf32>,
      %add3A_395 = arith.addf %add3A_375, %get3A_394 : vector<16xf32>
      %get3A_396 = arith.constant 13 : i32
      %get3A_397 = arith.index_cast %get3A_396 : i32 to index
      %get3A_398 = arith.constant 32 : index
      %get3A_399 = tpu.vector_load %arg6[%get3A_397, %get3A_398] {strides = array<i32>} : memref<100x64xf32, #tpu.memory_space<vmem>>, vector<16xf32>,
      %add3A_400 = arith.addf %add3A_380, %get3A_399 : vector<16xf32>
      %get3A_401 = arith.constant 13 : i32
      %get3A_402 = arith.index_cast %get3A_401 : i32 to index
      %get3A_403 = arith.constant 48 : index
      %get3A_404 = tpu.vector_load %arg6[%get3A_402, %get3A_403] {strides = array<i32>} : memref<100x64xf32, #tpu.memory_space<vmem>>, vector<16xf32>,
      %add3A_405 = arith.addf %add3A_385, %get3A_404 : vector<16xf32>
      %get3A_406 = arith.constant 14 : i32
      %get3A_407 = arith.index_cast %get3A_406 : i32 to index
      %get3A_408 = arith.constant 0 : index
      %get3A_409 = tpu.vector_load %arg6[%get3A_407, %get3A_408] {strides = array<i32>} : memref<100x64xf32, #tpu.memory_space<vmem>>, vector<16xf32>,
      %add3A_410 = arith.addf %add3A_390, %get3A_409 : vector<16xf32>
      %get3A_411 = arith.constant 14 : i32
      %get3A_412 = arith.index_cast %get3A_411 : i32 to index
      %get3A_413 = arith.constant 16 : index
      %get3A_414 = tpu.vector_load %arg6[%get3A_412, %get3A_413] {strides = array<i32>} : memref<100x64xf32, #tpu.memory_space<vmem>>, vector<16xf32>,
      %add3A_415 = arith.addf %add3A_395, %get3A_414 : vector<16xf32>
      %get3A_416 = arith.constant 14 : i32
      %get3A_417 = arith.index_cast %get3A_416 : i32 to index
      %get3A_418 = arith.constant 32 : index
      %get3A_419 = tpu.vector_load %arg6[%get3A_417, %get3A_418] {strides = array<i32>} : memref<100x64xf32, #tpu.memory_space<vmem>>, vector<16xf32>,
      %add3A_420 = arith.addf %add3A_400, %get3A_419 : vector<16xf32>
      %get3A_421 = arith.constant 14 : i32
      %get3A_422 = arith.index_cast %get3A_421 : i32 to index
      %get3A_423 = arith.constant 48 : index
      %get3A_424 = tpu.vector_load %arg6[%get3A_422, %get3A_423] {strides = array<i32>} : memref<100x64xf32, #tpu.memory_space<vmem>>, vector<16xf32>,
      %add3A_425 = arith.addf %add3A_405, %get3A_424 : vector<16xf32>
      %get3A_426 = arith.constant 15 : i32
      %get3A_427 = arith.index_cast %get3A_426 : i32 to index
      %get3A_428 = arith.constant 0 : index
      %get3A_429 = tpu.vector_load %arg6[%get3A_427, %get3A_428] {strides = array<i32>} : memref<100x64xf32, #tpu.memory_space<vmem>>, vector<16xf32>,
      %add3A_430 = arith.addf %add3A_410, %get3A_429 : vector<16xf32>
      %get3A_431 = arith.constant 15 : i32
      %get3A_432 = arith.index_cast %get3A_431 : i32 to index
      %get3A_433 = arith.constant 16 : index
      %get3A_434 = tpu.vector_load %arg6[%get3A_432, %get3A_433] {strides = array<i32>} : memref<100x64xf32, #tpu.memory_space<vmem>>, vector<16xf32>,
      %add3A_435 = arith.addf %add3A_415, %get3A_434 : vector<16xf32>
      %get3A_436 = arith.constant 15 : i32
      %get3A_437 = arith.index_cast %get3A_436 : i32 to index
      %get3A_438 = arith.constant 32 : index
      %get3A_439 = tpu.vector_load %arg6[%get3A_437, %get3A_438] {strides = array<i32>} : memref<100x64xf32, #tpu.memory_space<vmem>>, vector<16xf32>,
      %add3A_440 = arith.addf %add3A_420, %get3A_439 : vector<16xf32>
      %get3A_441 = arith.constant 15 : i32
      %get3A_442 = arith.index_cast %get3A_441 : i32 to index
      %get3A_443 = arith.constant 48 : index
      %get3A_444 = tpu.vector_load %arg6[%get3A_442, %get3A_443] {strides = array<i32>} : memref<100x64xf32, #tpu.memory_space<vmem>>, vector<16xf32>,
      %add3A_445 = arith.addf %add3A_425, %get3A_444 : vector<16xf32>
      %get3A_446 = arith.constant 16 : i32
      %get3A_447 = arith.index_cast %get3A_446 : i32 to index
      %get3A_448 = arith.constant 0 : index
      %get3A_449 = tpu.vector_load %arg6[%get3A_447, %get3A_448] {strides = array<i32>} : memref<100x64xf32, #tpu.memory_space<vmem>>, vector<16xf32>,
      %add3A_450 = arith.addf %add3A_430, %get3A_449 : vector<16xf32>
      %get3A_451 = arith.constant 16 : i32
      %get3A_452 = arith.index_cast %get3A_451 : i32 to index
      %get3A_453 = arith.constant 16 : index
      %get3A_454 = tpu.vector_load %arg6[%get3A_452, %get3A_453] {strides = array<i32>} : memref<100x64xf32, #tpu.memory_space<vmem>>, vector<16xf32>,
      %add3A_455 = arith.addf %add3A_435, %get3A_454 : vector<16xf32>
      %get3A_456 = arith.constant 16 : i32
      %get3A_457 = arith.index_cast %get3A_456 : i32 to index
      %get3A_458 = arith.constant 32 : index
      %get3A_459 = tpu.vector_load %arg6[%get3A_457, %get3A_458] {strides = array<i32>} : memref<100x64xf32, #tpu.memory_space<vmem>>, vector<16xf32>,
      %add3A_460 = arith.addf %add3A_440, %get3A_459 : vector<16xf32>
      %get3A_461 = arith.constant 16 : i32
      %get3A_462 = arith.index_cast %get3A_461 : i32 to index
      %get3A_463 = arith.constant 48 : index
      %get3A_464 = tpu.vector_load %arg6[%get3A_462, %get3A_463] {strides = array<i32>} : memref<100x64xf32, #tpu.memory_space<vmem>>, vector<16xf32>,
      %add3A_465 = arith.addf %add3A_445, %get3A_464 : vector<16xf32>
      %get3A_466 = arith.constant 17 : i32
      %get3A_467 = arith.index_cast %get3A_466 : i32 to index
      %get3A_468 = arith.constant 0 : index
      %get3A_469 = tpu.vector_load %arg6[%get3A_467, %get3A_468] {strides = array<i32>} : memref<100x64xf32, #tpu.memory_space<vmem>>, vector<16xf32>,
      %add3A_470 = arith.addf %add3A_450, %get3A_469 : vector<16xf32>
      %get3A_471 = arith.constant 17 : i32
      %get3A_472 = arith.index_cast %get3A_471 : i32 to index
      %get3A_473 = arith.constant 16 : index
      %get3A_474 = tpu.vector_load %arg6[%get3A_472, %get3A_473] {strides = array<i32>} : memref<100x64xf32, #tpu.memory_space<vmem>>, vector<16xf32>,
      %add3A_475 = arith.addf %add3A_455, %get3A_474 : vector<16xf32>
      %get3A_476 = arith.constant 17 : i32
      %get3A_477 = arith.index_cast %get3A_476 : i32 to index
      %get3A_478 = arith.constant 32 : index
      %get3A_479 = tpu.vector_load %arg6[%get3A_477, %get3A_478] {strides = array<i32>} : memref<100x64xf32, #tpu.memory_space<vmem>>, vector<16xf32>,
      %add3A_480 = arith.addf %add3A_460, %get3A_479 : vector<16xf32>
      %get3A_481 = arith.constant 17 : i32
      %get3A_482 = arith.index_cast %get3A_481 : i32 to index
      %get3A_483 = arith.constant 48 : index
      %get3A_484 = tpu.vector_load %arg6[%get3A_482, %get3A_483] {strides = array<i32>} : memref<100x64xf32, #tpu.memory_space<vmem>>, vector<16xf32>,
      %add3A_485 = arith.addf %add3A_465, %get3A_484 : vector<16xf32>
      %get3A_486 = arith.constant 18 : i32
      %get3A_487 = arith.index_cast %get3A_486 : i32 to index
      %get3A_488 = arith.constant 0 : index
      %get3A_489 = tpu.vector_load %arg6[%get3A_487, %get3A_488] {strides = array<i32>} : memref<100x64xf32, #tpu.memory_space<vmem>>, vector<16xf32>,
      %add3A_490 = arith.addf %add3A_470, %get3A_489 : vector<16xf32>
      %get3A_491 = arith.constant 18 : i32
      %get3A_492 = arith.index_cast %get3A_491 : i32 to index
      %get3A_493 = arith.constant 16 : index
      %get3A_494 = tpu.vector_load %arg6[%get3A_492, %get3A_493] {strides = array<i32>} : memref<100x64xf32, #tpu.memory_space<vmem>>, vector<16xf32>,
      %add3A_495 = arith.addf %add3A_475, %get3A_494 : vector<16xf32>
      %get3A_496 = arith.constant 18 : i32
      %get3A_497 = arith.index_cast %get3A_496 : i32 to index
      %get3A_498 = arith.constant 32 : index
      %get3A_499 = tpu.vector_load %arg6[%get3A_497, %get3A_498] {strides = array<i32>} : memref<100x64xf32, #tpu.memory_space<vmem>>, vector<16xf32>,
      %add3A_500 = arith.addf %add3A_480, %get3A_499 : vector<16xf32>
      %get3A_501 = arith.constant 18 : i32
      %get3A_502 = arith.index_cast %get3A_501 : i32 to index
      %get3A_503 = arith.constant 48 : index
      %get3A_504 = tpu.vector_load %arg6[%get3A_502, %get3A_503] {strides = array<i32>} : memref<100x64xf32, #tpu.memory_space<vmem>>, vector<16xf32>,
      %add3A_505 = arith.addf %add3A_485, %get3A_504 : vector<16xf32>
      %get3A_506 = arith.constant 19 : i32
      %get3A_507 = arith.index_cast %get3A_506 : i32 to index
      %get3A_508 = arith.constant 0 : index
      %get3A_509 = tpu.vector_load %arg6[%get3A_507, %get3A_508] {strides = array<i32>} : memref<100x64xf32, #tpu.memory_space<vmem>>, vector<16xf32>,
      %add3A_510 = arith.addf %add3A_490, %get3A_509 : vector<16xf32>
      %get3A_511 = arith.constant 19 : i32
      %get3A_512 = arith.index_cast %get3A_511 : i32 to index
      %get3A_513 = arith.constant 16 : index
      %get3A_514 = tpu.vector_load %arg6[%get3A_512, %get3A_513] {strides = array<i32>} : memref<100x64xf32, #tpu.memory_space<vmem>>, vector<16xf32>,
      %add3A_515 = arith.addf %add3A_495, %get3A_514 : vector<16xf32>
      %get3A_516 = arith.constant 19 : i32
      %get3A_517 = arith.index_cast %get3A_516 : i32 to index
      %get3A_518 = arith.constant 32 : index
      %get3A_519 = tpu.vector_load %arg6[%get3A_517, %get3A_518] {strides = array<i32>} : memref<100x64xf32, #tpu.memory_space<vmem>>, vector<16xf32>,
      %add3A_520 = arith.addf %add3A_500, %get3A_519 : vector<16xf32>
      %get3A_521 = arith.constant 19 : i32
      %get3A_522 = arith.index_cast %get3A_521 : i32 to index
      %get3A_523 = arith.constant 48 : index
      %get3A_524 = tpu.vector_load %arg6[%get3A_522, %get3A_523] {strides = array<i32>} : memref<100x64xf32, #tpu.memory_space<vmem>>, vector<16xf32>,
      %add3A_525 = arith.addf %add3A_505, %get3A_524 : vector<16xf32>
      %get3A_526 = arith.constant 20 : i32
      %get3A_527 = arith.index_cast %get3A_526 : i32 to index
      %get3A_528 = arith.constant 0 : index
      %get3A_529 = tpu.vector_load %arg6[%get3A_527, %get3A_528] {strides = array<i32>} : memref<100x64xf32, #tpu.memory_space<vmem>>, vector<16xf32>,
      %add3A_530 = arith.addf %add3A_510, %get3A_529 : vector<16xf32>
      %get3A_531 = arith.constant 20 : i32
      %get3A_532 = arith.index_cast %get3A_531 : i32 to index
      %get3A_533 = arith.constant 16 : index
      %get3A_534 = tpu.vector_load %arg6[%get3A_532, %get3A_533] {strides = array<i32>} : memref<100x64xf32, #tpu.memory_space<vmem>>, vector<16xf32>,
      %add3A_535 = arith.addf %add3A_515, %get3A_534 : vector<16xf32>
      %get3A_536 = arith.constant 20 : i32
      %get3A_537 = arith.index_cast %get3A_536 : i32 to index
      %get3A_538 = arith.constant 32 : index
      %get3A_539 = tpu.vector_load %arg6[%get3A_537, %get3A_538] {strides = array<i32>} : memref<100x64xf32, #tpu.memory_space<vmem>>, vector<16xf32>,
      %add3A_540 = arith.addf %add3A_520, %get3A_539 : vector<16xf32>
      %get3A_541 = arith.constant 20 : i32
      %get3A_542 = arith.index_cast %get3A_541 : i32 to index
      %get3A_543 = arith.constant 48 : index
      %get3A_544 = tpu.vector_load %arg6[%get3A_542, %get3A_543] {strides = array<i32>} : memref<100x64xf32, #tpu.memory_space<vmem>>, vector<16xf32>,
      %add3A_545 = arith.addf %add3A_525, %get3A_544 : vector<16xf32>
      %get3A_546 = arith.constant 21 : i32
      %get3A_547 = arith.index_cast %get3A_546 : i32 to index
      %get3A_548 = arith.constant 0 : index
      %get3A_549 = tpu.vector_load %arg6[%get3A_547, %get3A_548] {strides = array<i32>} : memref<100x64xf32, #tpu.memory_space<vmem>>, vector<16xf32>,
      %add3A_550 = arith.addf %add3A_530, %get3A_549 : vector<16xf32>
      %get3A_551 = arith.constant 21 : i32
      %get3A_552 = arith.index_cast %get3A_551 : i32 to index
      %get3A_553 = arith.constant 16 : index
      %get3A_554 = tpu.vector_load %arg6[%get3A_552, %get3A_553] {strides = array<i32>} : memref<100x64xf32, #tpu.memory_space<vmem>>, vector<16xf32>,
      %add3A_555 = arith.addf %add3A_535, %get3A_554 : vector<16xf32>
      %get3A_556 = arith.constant 21 : i32
      %get3A_557 = arith.index_cast %get3A_556 : i32 to index
      %get3A_558 = arith.constant 32 : index
      %get3A_559 = tpu.vector_load %arg6[%get3A_557, %get3A_558] {strides = array<i32>} : memref<100x64xf32, #tpu.memory_space<vmem>>, vector<16xf32>,
      %add3A_560 = arith.addf %add3A_540, %get3A_559 : vector<16xf32>
      %get3A_561 = arith.constant 21 : i32
      %get3A_562 = arith.index_cast %get3A_561 : i32 to index
      %get3A_563 = arith.constant 48 : index
      %get3A_564 = tpu.vector_load %arg6[%get3A_562, %get3A_563] {strides = array<i32>} : memref<100x64xf32, #tpu.memory_space<vmem>>, vector<16xf32>,
      %add3A_565 = arith.addf %add3A_545, %get3A_564 : vector<16xf32>
      %get3A_566 = arith.constant 22 : i32
      %get3A_567 = arith.index_cast %get3A_566 : i32 to index
      %get3A_568 = arith.constant 0 : index
      %get3A_569 = tpu.vector_load %arg6[%get3A_567, %get3A_568] {strides = array<i32>} : memref<100x64xf32, #tpu.memory_space<vmem>>, vector<16xf32>,
      %add3A_570 = arith.addf %add3A_550, %get3A_569 : vector<16xf32>
      %get3A_571 = arith.constant 22 : i32
      %get3A_572 = arith.index_cast %get3A_571 : i32 to index
      %get3A_573 = arith.constant 16 : index
      %get3A_574 = tpu.vector_load %arg6[%get3A_572, %get3A_573] {strides = array<i32>} : memref<100x64xf32, #tpu.memory_space<vmem>>, vector<16xf32>,
      %add3A_575 = arith.addf %add3A_555, %get3A_574 : vector<16xf32>
      %get3A_576 = arith.constant 22 : i32
      %get3A_577 = arith.index_cast %get3A_576 : i32 to index
      %get3A_578 = arith.constant 32 : index
      %get3A_579 = tpu.vector_load %arg6[%get3A_577, %get3A_578] {strides = array<i32>} : memref<100x64xf32, #tpu.memory_space<vmem>>, vector<16xf32>,
      %add3A_580 = arith.addf %add3A_560, %get3A_579 : vector<16xf32>
      %get3A_581 = arith.constant 22 : i32
      %get3A_582 = arith.index_cast %get3A_581 : i32 to index
      %get3A_583 = arith.constant 48 : index
      %get3A_584 = tpu.vector_load %arg6[%get3A_582, %get3A_583] {strides = array<i32>} : memref<100x64xf32, #tpu.memory_space<vmem>>, vector<16xf32>,
      %add3A_585 = arith.addf %add3A_565, %get3A_584 : vector<16xf32>
      %get3A_586 = arith.constant 23 : i32
      %get3A_587 = arith.index_cast %get3A_586 : i32 to index
      %get3A_588 = arith.constant 0 : index
      %get3A_589 = tpu.vector_load %arg6[%get3A_587, %get3A_588] {strides = array<i32>} : memref<100x64xf32, #tpu.memory_space<vmem>>, vector<16xf32>,
      %add3A_590 = arith.addf %add3A_570, %get3A_589 : vector<16xf32>
      %get3A_591 = arith.constant 23 : i32
      %get3A_592 = arith.index_cast %get3A_591 : i32 to index
      %get3A_593 = arith.constant 16 : index
      %get3A_594 = tpu.vector_load %arg6[%get3A_592, %get3A_593] {strides = array<i32>} : memref<100x64xf32, #tpu.memory_space<vmem>>, vector<16xf32>,
      %add3A_595 = arith.addf %add3A_575, %get3A_594 : vector<16xf32>
      %get3A_596 = arith.constant 23 : i32
      %get3A_597 = arith.index_cast %get3A_596 : i32 to index
      %get3A_598 = arith.constant 32 : index
      %get3A_599 = tpu.vector_load %arg6[%get3A_597, %get3A_598] {strides = array<i32>} : memref<100x64xf32, #tpu.memory_space<vmem>>, vector<16xf32>,
      %add3A_600 = arith.addf %add3A_580, %get3A_599 : vector<16xf32>
      %get3A_601 = arith.constant 23 : i32
      %get3A_602 = arith.index_cast %get3A_601 : i32 to index
      %get3A_603 = arith.constant 48 : index
      %get3A_604 = tpu.vector_load %arg6[%get3A_602, %get3A_603] {strides = array<i32>} : memref<100x64xf32, #tpu.memory_space<vmem>>, vector<16xf32>,
      %add3A_605 = arith.addf %add3A_585, %get3A_604 : vector<16xf32>
      %get3A_606 = arith.constant 24 : i32
      %get3A_607 = arith.index_cast %get3A_606 : i32 to index
      %get3A_608 = arith.constant 0 : index
      %get3A_609 = tpu.vector_load %arg6[%get3A_607, %get3A_608] {strides = array<i32>} : memref<100x64xf32, #tpu.memory_space<vmem>>, vector<16xf32>,
      %add3A_610 = arith.addf %add3A_590, %get3A_609 : vector<16xf32>
      %get3A_611 = arith.constant 24 : i32
      %get3A_612 = arith.index_cast %get3A_611 : i32 to index
      %get3A_613 = arith.constant 16 : index
      %get3A_614 = tpu.vector_load %arg6[%get3A_612, %get3A_613] {strides = array<i32>} : memref<100x64xf32, #tpu.memory_space<vmem>>, vector<16xf32>,
      %add3A_615 = arith.addf %add3A_595, %get3A_614 : vector<16xf32>
      %get3A_616 = arith.constant 24 : i32
      %get3A_617 = arith.index_cast %get3A_616 : i32 to index
      %get3A_618 = arith.constant 32 : index
      %get3A_619 = tpu.vector_load %arg6[%get3A_617, %get3A_618] {strides = array<i32>} : memref<100x64xf32, #tpu.memory_space<vmem>>, vector<16xf32>,
      %add3A_620 = arith.addf %add3A_600, %get3A_619 : vector<16xf32>
      %get3A_621 = arith.constant 24 : i32
      %get3A_622 = arith.index_cast %get3A_621 : i32 to index
      %get3A_623 = arith.constant 48 : index
      %get3A_624 = tpu.vector_load %arg6[%get3A_622, %get3A_623] {strides = array<i32>} : memref<100x64xf32, #tpu.memory_space<vmem>>, vector<16xf32>,
      %add3A_625 = arith.addf %add3A_605, %get3A_624 : vector<16xf32>
      %get3A_626 = arith.constant 25 : i32
      %get3A_627 = arith.index_cast %get3A_626 : i32 to index
      %get3A_628 = arith.constant 0 : index
      %get3A_629 = tpu.vector_load %arg6[%get3A_627, %get3A_628] {strides = array<i32>} : memref<100x64xf32, #tpu.memory_space<vmem>>, vector<16xf32>,
      %add3A_630 = arith.addf %add3A_610, %get3A_629 : vector<16xf32>
      %get3A_631 = arith.constant 25 : i32
      %get3A_632 = arith.index_cast %get3A_631 : i32 to index
      %get3A_633 = arith.constant 16 : index
      %get3A_634 = tpu.vector_load %arg6[%get3A_632, %get3A_633] {strides = array<i32>} : memref<100x64xf32, #tpu.memory_space<vmem>>, vector<16xf32>,
      %add3A_635 = arith.addf %add3A_615, %get3A_634 : vector<16xf32>
      %get3A_636 = arith.constant 25 : i32
      %get3A_637 = arith.index_cast %get3A_636 : i32 to index
      %get3A_638 = arith.constant 32 : index
      %get3A_639 = tpu.vector_load %arg6[%get3A_637, %get3A_638] {strides = array<i32>} : memref<100x64xf32, #tpu.memory_space<vmem>>, vector<16xf32>,
      %add3A_640 = arith.addf %add3A_620, %get3A_639 : vector<16xf32>
      %get3A_641 = arith.constant 25 : i32
      %get3A_642 = arith.index_cast %get3A_641 : i32 to index
      %get3A_643 = arith.constant 48 : index
      %get3A_644 = tpu.vector_load %arg6[%get3A_642, %get3A_643] {strides = array<i32>} : memref<100x64xf32, #tpu.memory_space<vmem>>, vector<16xf32>,
      %add3A_645 = arith.addf %add3A_625, %get3A_644 : vector<16xf32>
      %get3A_646 = arith.constant 26 : i32
      %get3A_647 = arith.index_cast %get3A_646 : i32 to index
      %get3A_648 = arith.constant 0 : index
      %get3A_649 = tpu.vector_load %arg6[%get3A_647, %get3A_648] {strides = array<i32>} : memref<100x64xf32, #tpu.memory_space<vmem>>, vector<16xf32>,
      %add3A_650 = arith.addf %add3A_630, %get3A_649 : vector<16xf32>
      %get3A_651 = arith.constant 26 : i32
      %get3A_652 = arith.index_cast %get3A_651 : i32 to index
      %get3A_653 = arith.constant 16 : index
      %get3A_654 = tpu.vector_load %arg6[%get3A_652, %get3A_653] {strides = array<i32>} : memref<100x64xf32, #tpu.memory_space<vmem>>, vector<16xf32>,
      %add3A_655 = arith.addf %add3A_635, %get3A_654 : vector<16xf32>
      %get3A_656 = arith.constant 26 : i32
      %get3A_657 = arith.index_cast %get3A_656 : i32 to index
      %get3A_658 = arith.constant 32 : index
      %get3A_659 = tpu.vector_load %arg6[%get3A_657, %get3A_658] {strides = array<i32>} : memref<100x64xf32, #tpu.memory_space<vmem>>, vector<16xf32>,
      %add3A_660 = arith.addf %add3A_640, %get3A_659 : vector<16xf32>
      %get3A_661 = arith.constant 26 : i32
      %get3A_662 = arith.index_cast %get3A_661 : i32 to index
      %get3A_663 = arith.constant 48 : index
      %get3A_664 = tpu.vector_load %arg6[%get3A_662, %get3A_663] {strides = array<i32>} : memref<100x64xf32, #tpu.memory_space<vmem>>, vector<16xf32>,
      %add3A_665 = arith.addf %add3A_645, %get3A_664 : vector<16xf32>
      %get3A_666 = arith.constant 27 : i32
      %get3A_667 = arith.index_cast %get3A_666 : i32 to index
      %get3A_668 = arith.constant 0 : index
      %get3A_669 = tpu.vector_load %arg6[%get3A_667, %get3A_668] {strides = array<i32>} : memref<100x64xf32, #tpu.memory_space<vmem>>, vector<16xf32>,
      %add3A_670 = arith.addf %add3A_650, %get3A_669 : vector<16xf32>
      %get3A_671 = arith.constant 27 : i32
      %get3A_672 = arith.index_cast %get3A_671 : i32 to index
      %get3A_673 = arith.constant 16 : index
      %get3A_674 = tpu.vector_load %arg6[%get3A_672, %get3A_673] {strides = array<i32>} : memref<100x64xf32, #tpu.memory_space<vmem>>, vector<16xf32>,
      %add3A_675 = arith.addf %add3A_655, %get3A_674 : vector<16xf32>
      %get3A_676 = arith.constant 27 : i32
      %get3A_677 = arith.index_cast %get3A_676 : i32 to index
      %get3A_678 = arith.constant 32 : index
      %get3A_679 = tpu.vector_load %arg6[%get3A_677, %get3A_678] {strides = array<i32>} : memref<100x64xf32, #tpu.memory_space<vmem>>, vector<16xf32>,
      %add3A_680 = arith.addf %add3A_660, %get3A_679 : vector<16xf32>
      %get3A_681 = arith.constant 27 : i32
      %get3A_682 = arith.index_cast %get3A_681 : i32 to index
      %get3A_683 = arith.constant 48 : index
      %get3A_684 = tpu.vector_load %arg6[%get3A_682, %get3A_683] {strides = array<i32>} : memref<100x64xf32, #tpu.memory_space<vmem>>, vector<16xf32>,
      %add3A_685 = arith.addf %add3A_665, %get3A_684 : vector<16xf32>
      %get3A_686 = arith.constant 28 : i32
      %get3A_687 = arith.index_cast %get3A_686 : i32 to index
      %get3A_688 = arith.constant 0 : index
      %get3A_689 = tpu.vector_load %arg6[%get3A_687, %get3A_688] {strides = array<i32>} : memref<100x64xf32, #tpu.memory_space<vmem>>, vector<16xf32>,
      %add3A_690 = arith.addf %add3A_670, %get3A_689 : vector<16xf32>
      %get3A_691 = arith.constant 28 : i32
      %get3A_692 = arith.index_cast %get3A_691 : i32 to index
      %get3A_693 = arith.constant 16 : index
      %get3A_694 = tpu.vector_load %arg6[%get3A_692, %get3A_693] {strides = array<i32>} : memref<100x64xf32, #tpu.memory_space<vmem>>, vector<16xf32>,
      %add3A_695 = arith.addf %add3A_675, %get3A_694 : vector<16xf32>
      %get3A_696 = arith.constant 28 : i32
      %get3A_697 = arith.index_cast %get3A_696 : i32 to index
      %get3A_698 = arith.constant 32 : index
      %get3A_699 = tpu.vector_load %arg6[%get3A_697, %get3A_698] {strides = array<i32>} : memref<100x64xf32, #tpu.memory_space<vmem>>, vector<16xf32>,
      %add3A_700 = arith.addf %add3A_680, %get3A_699 : vector<16xf32>
      %get3A_701 = arith.constant 28 : i32
      %get3A_702 = arith.index_cast %get3A_701 : i32 to index
      %get3A_703 = arith.constant 48 : index
      %get3A_704 = tpu.vector_load %arg6[%get3A_702, %get3A_703] {strides = array<i32>} : memref<100x64xf32, #tpu.memory_space<vmem>>, vector<16xf32>,
      %add3A_705 = arith.addf %add3A_685, %get3A_704 : vector<16xf32>
      %get3A_706 = arith.constant 29 : i32
      %get3A_707 = arith.index_cast %get3A_706 : i32 to index
      %get3A_708 = arith.constant 0 : index
      %get3A_709 = tpu.vector_load %arg6[%get3A_707, %get3A_708] {strides = array<i32>} : memref<100x64xf32, #tpu.memory_space<vmem>>, vector<16xf32>,
      %add3A_710 = arith.addf %add3A_690, %get3A_709 : vector<16xf32>
      %get3A_711 = arith.constant 29 : i32
      %get3A_712 = arith.index_cast %get3A_711 : i32 to index
      %get3A_713 = arith.constant 16 : index
      %get3A_714 = tpu.vector_load %arg6[%get3A_712, %get3A_713] {strides = array<i32>} : memref<100x64xf32, #tpu.memory_space<vmem>>, vector<16xf32>,
      %add3A_715 = arith.addf %add3A_695, %get3A_714 : vector<16xf32>
      %get3A_716 = arith.constant 29 : i32
      %get3A_717 = arith.index_cast %get3A_716 : i32 to index
      %get3A_718 = arith.constant 32 : index
      %get3A_719 = tpu.vector_load %arg6[%get3A_717, %get3A_718] {strides = array<i32>} : memref<100x64xf32, #tpu.memory_space<vmem>>, vector<16xf32>,
      %add3A_720 = arith.addf %add3A_700, %get3A_719 : vector<16xf32>
      %get3A_721 = arith.constant 29 : i32
      %get3A_722 = arith.index_cast %get3A_721 : i32 to index
      %get3A_723 = arith.constant 48 : index
      %get3A_724 = tpu.vector_load %arg6[%get3A_722, %get3A_723] {strides = array<i32>} : memref<100x64xf32, #tpu.memory_space<vmem>>, vector<16xf32>,
      %add3A_725 = arith.addf %add3A_705, %get3A_724 : vector<16xf32>
      %get3A_726 = arith.constant 30 : i32
      %get3A_727 = arith.index_cast %get3A_726 : i32 to index
      %get3A_728 = arith.constant 0 : index
      %get3A_729 = tpu.vector_load %arg6[%get3A_727, %get3A_728] {strides = array<i32>} : memref<100x64xf32, #tpu.memory_space<vmem>>, vector<16xf32>,
      %add3A_730 = arith.addf %add3A_710, %get3A_729 : vector<16xf32>
      %get3A_731 = arith.constant 30 : i32
      %get3A_732 = arith.index_cast %get3A_731 : i32 to index
      %get3A_733 = arith.constant 16 : index
      %get3A_734 = tpu.vector_load %arg6[%get3A_732, %get3A_733] {strides = array<i32>} : memref<100x64xf32, #tpu.memory_space<vmem>>, vector<16xf32>,
      %add3A_735 = arith.addf %add3A_715, %get3A_734 : vector<16xf32>
      %get3A_736 = arith.constant 30 : i32
      %get3A_737 = arith.index_cast %get3A_736 : i32 to index
      %get3A_738 = arith.constant 32 : index
      %get3A_739 = tpu.vector_load %arg6[%get3A_737, %get3A_738] {strides = array<i32>} : memref<100x64xf32, #tpu.memory_space<vmem>>, vector<16xf32>,
      %add3A_740 = arith.addf %add3A_720, %get3A_739 : vector<16xf32>
      %get3A_741 = arith.constant 30 : i32
      %get3A_742 = arith.index_cast %get3A_741 : i32 to index
      %get3A_743 = arith.constant 48 : index
      %get3A_744 = tpu.vector_load %arg6[%get3A_742, %get3A_743] {strides = array<i32>} : memref<100x64xf32, #tpu.memory_space<vmem>>, vector<16xf32>,
      %add3A_745 = arith.addf %add3A_725, %get3A_744 : vector<16xf32>
      %get3A_746 = arith.constant 31 : i32
      %get3A_747 = arith.index_cast %get3A_746 : i32 to index
      %get3A_748 = arith.constant 0 : index
      %get3A_749 = tpu.vector_load %arg6[%get3A_747, %get3A_748] {strides = array<i32>} : memref<100x64xf32, #tpu.memory_space<vmem>>, vector<16xf32>,
      %add3A_750 = arith.addf %add3A_730, %get3A_749 : vector<16xf32>
      %get3A_751 = arith.constant 31 : i32
      %get3A_752 = arith.index_cast %get3A_751 : i32 to index
      %get3A_753 = arith.constant 16 : index
      %get3A_754 = tpu.vector_load %arg6[%get3A_752, %get3A_753] {strides = array<i32>} : memref<100x64xf32, #tpu.memory_space<vmem>>, vector<16xf32>,
      %add3A_755 = arith.addf %add3A_735, %get3A_754 : vector<16xf32>
      %get3A_756 = arith.constant 31 : i32
      %get3A_757 = arith.index_cast %get3A_756 : i32 to index
      %get3A_758 = arith.constant 32 : index
      %get3A_759 = tpu.vector_load %arg6[%get3A_757, %get3A_758] {strides = array<i32>} : memref<100x64xf32, #tpu.memory_space<vmem>>, vector<16xf32>,
      %add3A_760 = arith.addf %add3A_740, %get3A_759 : vector<16xf32>
      %get3A_761 = arith.constant 31 : i32
      %get3A_762 = arith.index_cast %get3A_761 : i32 to index
      %get3A_763 = arith.constant 48 : index
      %get3A_764 = tpu.vector_load %arg6[%get3A_762, %get3A_763] {strides = array<i32>} : memref<100x64xf32, #tpu.memory_space<vmem>>, vector<16xf32>,
      %add3A_765 = arith.addf %add3A_745, %get3A_764 : vector<16xf32>
      %get3A_766 = arith.constant 32 : i32
      %get3A_767 = arith.index_cast %get3A_766 : i32 to index
      %get3A_768 = arith.constant 0 : index
      %get3A_769 = tpu.vector_load %arg6[%get3A_767, %get3A_768] {strides = array<i32>} : memref<100x64xf32, #tpu.memory_space<vmem>>, vector<16xf32>,
      %add3A_770 = arith.addf %add3A_750, %get3A_769 : vector<16xf32>
      %get3A_771 = arith.constant 32 : i32
      %get3A_772 = arith.index_cast %get3A_771 : i32 to index
      %get3A_773 = arith.constant 16 : index
      %get3A_774 = tpu.vector_load %arg6[%get3A_772, %get3A_773] {strides = array<i32>} : memref<100x64xf32, #tpu.memory_space<vmem>>, vector<16xf32>,
      %add3A_775 = arith.addf %add3A_755, %get3A_774 : vector<16xf32>
      %get3A_776 = arith.constant 32 : i32
      %get3A_777 = arith.index_cast %get3A_776 : i32 to index
      %get3A_778 = arith.constant 32 : index
      %get3A_779 = tpu.vector_load %arg6[%get3A_777, %get3A_778] {strides = array<i32>} : memref<100x64xf32, #tpu.memory_space<vmem>>, vector<16xf32>,
      %add3A_780 = arith.addf %add3A_760, %get3A_779 : vector<16xf32>
      %get3A_781 = arith.constant 32 : i32
      %get3A_782 = arith.index_cast %get3A_781 : i32 to index
      %get3A_783 = arith.constant 48 : index
      %get3A_784 = tpu.vector_load %arg6[%get3A_782, %get3A_783] {strides = array<i32>} : memref<100x64xf32, #tpu.memory_space<vmem>>, vector<16xf32>,
      %add3A_785 = arith.addf %add3A_765, %get3A_784 : vector<16xf32>
      %get3A_786 = arith.constant 33 : i32
      %get3A_787 = arith.index_cast %get3A_786 : i32 to index
      %get3A_788 = arith.constant 0 : index
      %get3A_789 = tpu.vector_load %arg6[%get3A_787, %get3A_788] {strides = array<i32>} : memref<100x64xf32, #tpu.memory_space<vmem>>, vector<16xf32>,
      %add3A_790 = arith.addf %add3A_770, %get3A_789 : vector<16xf32>
      %get3A_791 = arith.constant 33 : i32
      %get3A_792 = arith.index_cast %get3A_791 : i32 to index
      %get3A_793 = arith.constant 16 : index
      %get3A_794 = tpu.vector_load %arg6[%get3A_792, %get3A_793] {strides = array<i32>} : memref<100x64xf32, #tpu.memory_space<vmem>>, vector<16xf32>,
      %add3A_795 = arith.addf %add3A_775, %get3A_794 : vector<16xf32>
      %get3A_796 = arith.constant 33 : i32
      %get3A_797 = arith.index_cast %get3A_796 : i32 to index
      %get3A_798 = arith.constant 32 : index
      %get3A_799 = tpu.vector_load %arg6[%get3A_797, %get3A_798] {strides = array<i32>} : memref<100x64xf32, #tpu.memory_space<vmem>>, vector<16xf32>,
      %add3A_800 = arith.addf %add3A_780, %get3A_799 : vector<16xf32>
      %get3A_801 = arith.constant 33 : i32
      %get3A_802 = arith.index_cast %get3A_801 : i32 to index
      %get3A_803 = arith.constant 48 : index
      %get3A_804 = tpu.vector_load %arg6[%get3A_802, %get3A_803] {strides = array<i32>} : memref<100x64xf32, #tpu.memory_space<vmem>>, vector<16xf32>,
      %add3A_805 = arith.addf %add3A_785, %get3A_804 : vector<16xf32>
      %get3A_806 = arith.constant 34 : i32
      %get3A_807 = arith.index_cast %get3A_806 : i32 to index
      %get3A_808 = arith.constant 0 : index
      %get3A_809 = tpu.vector_load %arg6[%get3A_807, %get3A_808] {strides = array<i32>} : memref<100x64xf32, #tpu.memory_space<vmem>>, vector<16xf32>,
      %add3A_810 = arith.addf %add3A_790, %get3A_809 : vector<16xf32>
      %get3A_811 = arith.constant 34 : i32
      %get3A_812 = arith.index_cast %get3A_811 : i32 to index
      %get3A_813 = arith.constant 16 : index
      %get3A_814 = tpu.vector_load %arg6[%get3A_812, %get3A_813] {strides = array<i32>} : memref<100x64xf32, #tpu.memory_space<vmem>>, vector<16xf32>,
      %add3A_815 = arith.addf %add3A_795, %get3A_814 : vector<16xf32>
      %get3A_816 = arith.constant 34 : i32
      %get3A_817 = arith.index_cast %get3A_816 : i32 to index
      %get3A_818 = arith.constant 32 : index
      %get3A_819 = tpu.vector_load %arg6[%get3A_817, %get3A_818] {strides = array<i32>} : memref<100x64xf32, #tpu.memory_space<vmem>>, vector<16xf32>,
      %add3A_820 = arith.addf %add3A_800, %get3A_819 : vector<16xf32>
      %get3A_821 = arith.constant 34 : i32
      %get3A_822 = arith.index_cast %get3A_821 : i32 to index
      %get3A_823 = arith.constant 48 : index
      %get3A_824 = tpu.vector_load %arg6[%get3A_822, %get3A_823] {strides = array<i32>} : memref<100x64xf32, #tpu.memory_space<vmem>>, vector<16xf32>,
      %add3A_825 = arith.addf %add3A_805, %get3A_824 : vector<16xf32>
      %get3A_826 = arith.constant 35 : i32
      %get3A_827 = arith.index_cast %get3A_826 : i32 to index
      %get3A_828 = arith.constant 0 : index
      %get3A_829 = tpu.vector_load %arg6[%get3A_827, %get3A_828] {strides = array<i32>} : memref<100x64xf32, #tpu.memory_space<vmem>>, vector<16xf32>,
      %add3A_830 = arith.addf %add3A_810, %get3A_829 : vector<16xf32>
      %get3A_831 = arith.constant 35 : i32
      %get3A_832 = arith.index_cast %get3A_831 : i32 to index
      %get3A_833 = arith.constant 16 : index
      %get3A_834 = tpu.vector_load %arg6[%get3A_832, %get3A_833] {strides = array<i32>} : memref<100x64xf32, #tpu.memory_space<vmem>>, vector<16xf32>,
      %add3A_835 = arith.addf %add3A_815, %get3A_834 : vector<16xf32>
      %get3A_836 = arith.constant 35 : i32
      %get3A_837 = arith.index_cast %get3A_836 : i32 to index
      %get3A_838 = arith.constant 32 : index
      %get3A_839 = tpu.vector_load %arg6[%get3A_837, %get3A_838] {strides = array<i32>} : memref<100x64xf32, #tpu.memory_space<vmem>>, vector<16xf32>,
      %add3A_840 = arith.addf %add3A_820, %get3A_839 : vector<16xf32>
      %get3A_841 = arith.constant 35 : i32
      %get3A_842 = arith.index_cast %get3A_841 : i32 to index
      %get3A_843 = arith.constant 48 : index
      %get3A_844 = tpu.vector_load %arg6[%get3A_842, %get3A_843] {strides = array<i32>} : memref<100x64xf32, #tpu.memory_space<vmem>>, vector<16xf32>,
      %add3A_845 = arith.addf %add3A_825, %get3A_844 : vector<16xf32>
      %get3A_846 = arith.constant 36 : i32
      %get3A_847 = arith.index_cast %get3A_846 : i32 to index
      %get3A_848 = arith.constant 0 : index
      %get3A_849 = tpu.vector_load %arg6[%get3A_847, %get3A_848] {strides = array<i32>} : memref<100x64xf32, #tpu.memory_space<vmem>>, vector<16xf32>,
      %add3A_850 = arith.addf %add3A_830, %get3A_849 : vector<16xf32>
      %get3A_851 = arith.constant 36 : i32
      %get3A_852 = arith.index_cast %get3A_851 : i32 to index
      %get3A_853 = arith.constant 16 : index
      %get3A_854 = tpu.vector_load %arg6[%get3A_852, %get3A_853] {strides = array<i32>} : memref<100x64xf32, #tpu.memory_space<vmem>>, vector<16xf32>,
      %add3A_855 = arith.addf %add3A_835, %get3A_854 : vector<16xf32>
      %get3A_856 = arith.constant 36 : i32
      %get3A_857 = arith.index_cast %get3A_856 : i32 to index
      %get3A_858 = arith.constant 32 : index
      %get3A_859 = tpu.vector_load %arg6[%get3A_857, %get3A_858] {strides = array<i32>} : memref<100x64xf32, #tpu.memory_space<vmem>>, vector<16xf32>,
      %add3A_860 = arith.addf %add3A_840, %get3A_859 : vector<16xf32>
      %get3A_861 = arith.constant 36 : i32
      %get3A_862 = arith.index_cast %get3A_861 : i32 to index
      %get3A_863 = arith.constant 48 : index
      %get3A_864 = tpu.vector_load %arg6[%get3A_862, %get3A_863] {strides = array<i32>} : memref<100x64xf32, #tpu.memory_space<vmem>>, vector<16xf32>,
      %add3A_865 = arith.addf %add3A_845, %get3A_864 : vector<16xf32>
      %get3A_866 = arith.constant 37 : i32
      %get3A_867 = arith.index_cast %get3A_866 : i32 to index
      %get3A_868 = arith.constant 0 : index
      %get3A_869 = tpu.vector_load %arg6[%get3A_867, %get3A_868] {strides = array<i32>} : memref<100x64xf32, #tpu.memory_space<vmem>>, vector<16xf32>,
      %add3A_870 = arith.addf %add3A_850, %get3A_869 : vector<16xf32>
      %get3A_871 = arith.constant 37 : i32
      %get3A_872 = arith.index_cast %get3A_871 : i32 to index
      %get3A_873 = arith.constant 16 : index
      %get3A_874 = tpu.vector_load %arg6[%get3A_872, %get3A_873] {strides = array<i32>} : memref<100x64xf32, #tpu.memory_space<vmem>>, vector<16xf32>,
      %add3A_875 = arith.addf %add3A_855, %get3A_874 : vector<16xf32>
      %get3A_876 = arith.constant 37 : i32
      %get3A_877 = arith.index_cast %get3A_876 : i32 to index
      %get3A_878 = arith.constant 32 : index
      %get3A_879 = tpu.vector_load %arg6[%get3A_877, %get3A_878] {strides = array<i32>} : memref<100x64xf32, #tpu.memory_space<vmem>>, vector<16xf32>,
      %add3A_880 = arith.addf %add3A_860, %get3A_879 : vector<16xf32>
      %get3A_881 = arith.constant 37 : i32
      %get3A_882 = arith.index_cast %get3A_881 : i32 to index
      %get3A_883 = arith.constant 48 : index
      %get3A_884 = tpu.vector_load %arg6[%get3A_882, %get3A_883] {strides = array<i32>} : memref<100x64xf32, #tpu.memory_space<vmem>>, vector<16xf32>,
      %add3A_885 = arith.addf %add3A_865, %get3A_884 : vector<16xf32>
      %get3A_886 = arith.constant 38 : i32
      %get3A_887 = arith.index_cast %get3A_886 : i32 to index
      %get3A_888 = arith.constant 0 : index
      %get3A_889 = tpu.vector_load %arg6[%get3A_887, %get3A_888] {strides = array<i32>} : memref<100x64xf32, #tpu.memory_space<vmem>>, vector<16xf32>,
      %add3A_890 = arith.addf %add3A_870, %get3A_889 : vector<16xf32>
      %get3A_891 = arith.constant 38 : i32
      %get3A_892 = arith.index_cast %get3A_891 : i32 to index
      %get3A_893 = arith.constant 16 : index
      %get3A_894 = tpu.vector_load %arg6[%get3A_892, %get3A_893] {strides = array<i32>} : memref<100x64xf32, #tpu.memory_space<vmem>>, vector<16xf32>,
      %add3A_895 = arith.addf %add3A_875, %get3A_894 : vector<16xf32>
      %get3A_896 = arith.constant 38 : i32
      %get3A_897 = arith.index_cast %get3A_896 : i32 to index
      %get3A_898 = arith.constant 32 : index
      %get3A_899 = tpu.vector_load %arg6[%get3A_897, %get3A_898] {strides = array<i32>} : memref<100x64xf32, #tpu.memory_space<vmem>>, vector<16xf32>,
      %add3A_900 = arith.addf %add3A_880, %get3A_899 : vector<16xf32>
      %get3A_901 = arith.constant 38 : i32
      %get3A_902 = arith.index_cast %get3A_901 : i32 to index
      %get3A_903 = arith.constant 48 : index
      %get3A_904 = tpu.vector_load %arg6[%get3A_902, %get3A_903] {strides = array<i32>} : memref<100x64xf32, #tpu.memory_space<vmem>>, vector<16xf32>,
      %add3A_905 = arith.addf %add3A_885, %get3A_904 : vector<16xf32>
      %get3A_906 = arith.constant 39 : i32
      %get3A_907 = arith.index_cast %get3A_906 : i32 to index
      %get3A_908 = arith.constant 0 : index
      %get3A_909 = tpu.vector_load %arg6[%get3A_907, %get3A_908] {strides = array<i32>} : memref<100x64xf32, #tpu.memory_space<vmem>>, vector<16xf32>,
      %add3A_910 = arith.addf %add3A_890, %get3A_909 : vector<16xf32>
      %get3A_911 = arith.constant 39 : i32
      %get3A_912 = arith.index_cast %get3A_911 : i32 to index
      %get3A_913 = arith.constant 16 : index
      %get3A_914 = tpu.vector_load %arg6[%get3A_912, %get3A_913] {strides = array<i32>} : memref<100x64xf32, #tpu.memory_space<vmem>>, vector<16xf32>,
      %add3A_915 = arith.addf %add3A_895, %get3A_914 : vector<16xf32>
      %get3A_916 = arith.constant 39 : i32
      %get3A_917 = arith.index_cast %get3A_916 : i32 to index
      %get3A_918 = arith.constant 32 : index
      %get3A_919 = tpu.vector_load %arg6[%get3A_917, %get3A_918] {strides = array<i32>} : memref<100x64xf32, #tpu.memory_space<vmem>>, vector<16xf32>,
      %add3A_920 = arith.addf %add3A_900, %get3A_919 : vector<16xf32>
      %get3A_921 = arith.constant 39 : i32
      %get3A_922 = arith.index_cast %get3A_921 : i32 to index
      %get3A_923 = arith.constant 48 : index
      %get3A_924 = tpu.vector_load %arg6[%get3A_922, %get3A_923] {strides = array<i32>} : memref<100x64xf32, #tpu.memory_space<vmem>>, vector<16xf32>,
      %add3A_925 = arith.addf %add3A_905, %get3A_924 : vector<16xf32>
      %get3A_926 = arith.constant 40 : i32
      %get3A_927 = arith.index_cast %get3A_926 : i32 to index
      %get3A_928 = arith.constant 0 : index
      %get3A_929 = tpu.vector_load %arg6[%get3A_927, %get3A_928] {strides = array<i32>} : memref<100x64xf32, #tpu.memory_space<vmem>>, vector<16xf32>,
      %add3A_930 = arith.addf %add3A_910, %get3A_929 : vector<16xf32>
      %get3A_931 = arith.constant 40 : i32
      %get3A_932 = arith.index_cast %get3A_931 : i32 to index
      %get3A_933 = arith.constant 16 : index
      %get3A_934 = tpu.vector_load %arg6[%get3A_932, %get3A_933] {strides = array<i32>} : memref<100x64xf32, #tpu.memory_space<vmem>>, vector<16xf32>,
      %add3A_935 = arith.addf %add3A_915, %get3A_934 : vector<16xf32>
      %get3A_936 = arith.constant 40 : i32
      %get3A_937 = arith.index_cast %get3A_936 : i32 to index
      %get3A_938 = arith.constant 32 : index
      %get3A_939 = tpu.vector_load %arg6[%get3A_937, %get3A_938] {strides = array<i32>} : memref<100x64xf32, #tpu.memory_space<vmem>>, vector<16xf32>,
      %add3A_940 = arith.addf %add3A_920, %get3A_939 : vector<16xf32>
      %get3A_941 = arith.constant 40 : i32
      %get3A_942 = arith.index_cast %get3A_941 : i32 to index
      %get3A_943 = arith.constant 48 : index
      %get3A_944 = tpu.vector_load %arg6[%get3A_942, %get3A_943] {strides = array<i32>} : memref<100x64xf32, #tpu.memory_space<vmem>>, vector<16xf32>,
      %add3A_945 = arith.addf %add3A_925, %get3A_944 : vector<16xf32>
      %get3A_946 = arith.constant 41 : i32
      %get3A_947 = arith.index_cast %get3A_946 : i32 to index
      %get3A_948 = arith.constant 0 : index
      %get3A_949 = tpu.vector_load %arg6[%get3A_947, %get3A_948] {strides = array<i32>} : memref<100x64xf32, #tpu.memory_space<vmem>>, vector<16xf32>,
      %add3A_950 = arith.addf %add3A_930, %get3A_949 : vector<16xf32>
      %get3A_951 = arith.constant 41 : i32
      %get3A_952 = arith.index_cast %get3A_951 : i32 to index
      %get3A_953 = arith.constant 16 : index
      %get3A_954 = tpu.vector_load %arg6[%get3A_952, %get3A_953] {strides = array<i32>} : memref<100x64xf32, #tpu.memory_space<vmem>>, vector<16xf32>,
      %add3A_955 = arith.addf %add3A_935, %get3A_954 : vector<16xf32>
      %get3A_956 = arith.constant 41 : i32
      %get3A_957 = arith.index_cast %get3A_956 : i32 to index
      %get3A_958 = arith.constant 32 : index
      %get3A_959 = tpu.vector_load %arg6[%get3A_957, %get3A_958] {strides = array<i32>} : memref<100x64xf32, #tpu.memory_space<vmem>>, vector<16xf32>,
      %add3A_960 = arith.addf %add3A_940, %get3A_959 : vector<16xf32>
      %get3A_961 = arith.constant 41 : i32
      %get3A_962 = arith.index_cast %get3A_961 : i32 to index
      %get3A_963 = arith.constant 48 : index
      %get3A_964 = tpu.vector_load %arg6[%get3A_962, %get3A_963] {strides = array<i32>} : memref<100x64xf32, #tpu.memory_space<vmem>>, vector<16xf32>,
      %add3A_965 = arith.addf %add3A_945, %get3A_964 : vector<16xf32>
      %get3A_966 = arith.constant 42 : i32
      %get3A_967 = arith.index_cast %get3A_966 : i32 to index
      %get3A_968 = arith.constant 0 : index
      %get3A_969 = tpu.vector_load %arg6[%get3A_967, %get3A_968] {strides = array<i32>} : memref<100x64xf32, #tpu.memory_space<vmem>>, vector<16xf32>,
      %add3A_970 = arith.addf %add3A_950, %get3A_969 : vector<16xf32>
      %get3A_971 = arith.constant 42 : i32
      %get3A_972 = arith.index_cast %get3A_971 : i32 to index
      %get3A_973 = arith.constant 16 : index
      %get3A_974 = tpu.vector_load %arg6[%get3A_972, %get3A_973] {strides = array<i32>} : memref<100x64xf32, #tpu.memory_space<vmem>>, vector<16xf32>,
      %add3A_975 = arith.addf %add3A_955, %get3A_974 : vector<16xf32>
      %get3A_976 = arith.constant 42 : i32
      %get3A_977 = arith.index_cast %get3A_976 : i32 to index
      %get3A_978 = arith.constant 32 : index
      %get3A_979 = tpu.vector_load %arg6[%get3A_977, %get3A_978] {strides = array<i32>} : memref<100x64xf32, #tpu.memory_space<vmem>>, vector<16xf32>,
      %add3A_980 = arith.addf %add3A_960, %get3A_979 : vector<16xf32>
      %get3A_981 = arith.constant 42 : i32
      %get3A_982 = arith.index_cast %get3A_981 : i32 to index
      %get3A_983 = arith.constant 48 : index
      %get3A_984 = tpu.vector_load %arg6[%get3A_982, %get3A_983] {strides = array<i32>} : memref<100x64xf32, #tpu.memory_space<vmem>>, vector<16xf32>,
      %add3A_985 = arith.addf %add3A_965, %get3A_984 : vector<16xf32>
      %get3A_986 = arith.constant 43 : i32
      %get3A_987 = arith.index_cast %get3A_986 : i32 to index
      %get3A_988 = arith.constant 0 : index
      %get3A_989 = tpu.vector_load %arg6[%get3A_987, %get3A_988] {strides = array<i32>} : memref<100x64xf32, #tpu.memory_space<vmem>>, vector<16xf32>,
      %add3A_990 = arith.addf %add3A_970, %get3A_989 : vector<16xf32>
      %get3A_991 = arith.constant 43 : i32
      %get3A_992 = arith.index_cast %get3A_991 : i32 to index
      %get3A_993 = arith.constant 16 : index
      %get3A_994 = tpu.vector_load %arg6[%get3A_992, %get3A_993] {strides = array<i32>} : memref<100x64xf32, #tpu.memory_space<vmem>>, vector<16xf32>,
      %add3A_995 = arith.addf %add3A_975, %get3A_994 : vector<16xf32>
      %get3A_996 = arith.constant 43 : i32
      %get3A_997 = arith.index_cast %get3A_996 : i32 to index
      %get3A_998 = arith.constant 32 : index
      %get3A_999 = tpu.vector_load %arg6[%get3A_997, %get3A_998] {strides = array<i32>} : memref<100x64xf32, #tpu.memory_space<vmem>>, vector<16xf32>,
      %add3A_1000 = arith.addf %add3A_980, %get3A_999 : vector<16xf32>
      %get3A_1001 = arith.constant 43 : i32
      %get3A_1002 = arith.index_cast %get3A_1001 : i32 to index
      %get3A_1003 = arith.constant 48 : index
      %get3A_1004 = tpu.vector_load %arg6[%get3A_1002, %get3A_1003] {strides = array<i32>} : memref<100x64xf32, #tpu.memory_space<vmem>>, vector<16xf32>,
      %add3A_1005 = arith.addf %add3A_985, %get3A_1004 : vector<16xf32>
      %get3A_1006 = arith.constant 44 : i32
      %get3A_1007 = arith.index_cast %get3A_1006 : i32 to index
      %get3A_1008 = arith.constant 0 : index
      %get3A_1009 = tpu.vector_load %arg6[%get3A_1007, %get3A_1008] {strides = array<i32>} : memref<100x64xf32, #tpu.memory_space<vmem>>, vector<16xf32>,
      %add3A_1010 = arith.addf %add3A_990, %get3A_1009 : vector<16xf32>
      %get3A_1011 = arith.constant 44 : i32
      %get3A_1012 = arith.index_cast %get3A_1011 : i32 to index
      %get3A_1013 = arith.constant 16 : index
      %get3A_1014 = tpu.vector_load %arg6[%get3A_1012, %get3A_1013] {strides = array<i32>} : memref<100x64xf32, #tpu.memory_space<vmem>>, vector<16xf32>,
      %add3A_1015 = arith.addf %add3A_995, %get3A_1014 : vector<16xf32>
      %get3A_1016 = arith.constant 44 : i32
      %get3A_1017 = arith.index_cast %get3A_1016 : i32 to index
      %get3A_1018 = arith.constant 32 : index
      %get3A_1019 = tpu.vector_load %arg6[%get3A_1017, %get3A_1018] {strides = array<i32>} : memref<100x64xf32, #tpu.memory_space<vmem>>, vector<16xf32>,
      %add3A_1020 = arith.addf %add3A_1000, %get3A_1019 : vector<16xf32>
      %get3A_1021 = arith.constant 44 : i32
      %get3A_1022 = arith.index_cast %get3A_1021 : i32 to index
      %get3A_1023 = arith.constant 48 : index
      %get3A_1024 = tpu.vector_load %arg6[%get3A_1022, %get3A_1023] {strides = array<i32>} : memref<100x64xf32, #tpu.memory_space<vmem>>, vector<16xf32>,
      %add3A_1025 = arith.addf %add3A_1005, %get3A_1024 : vector<16xf32>
      %get3A_1026 = arith.constant 45 : i32
      %get3A_1027 = arith.index_cast %get3A_1026 : i32 to index
      %get3A_1028 = arith.constant 0 : index
      %get3A_1029 = tpu.vector_load %arg6[%get3A_1027, %get3A_1028] {strides = array<i32>} : memref<100x64xf32, #tpu.memory_space<vmem>>, vector<16xf32>,
      %add3A_1030 = arith.addf %add3A_1010, %get3A_1029 : vector<16xf32>
      %get3A_1031 = arith.constant 45 : i32
      %get3A_1032 = arith.index_cast %get3A_1031 : i32 to index
      %get3A_1033 = arith.constant 16 : index
      %get3A_1034 = tpu.vector_load %arg6[%get3A_1032, %get3A_1033] {strides = array<i32>} : memref<100x64xf32, #tpu.memory_space<vmem>>, vector<16xf32>,
      %add3A_1035 = arith.addf %add3A_1015, %get3A_1034 : vector<16xf32>
      %get3A_1036 = arith.constant 45 : i32
      %get3A_1037 = arith.index_cast %get3A_1036 : i32 to index
      %get3A_1038 = arith.constant 32 : index
      %get3A_1039 = tpu.vector_load %arg6[%get3A_1037, %get3A_1038] {strides = array<i32>} : memref<100x64xf32, #tpu.memory_space<vmem>>, vector<16xf32>,
      %add3A_1040 = arith.addf %add3A_1020, %get3A_1039 : vector<16xf32>
      %get3A_1041 = arith.constant 45 : i32
      %get3A_1042 = arith.index_cast %get3A_1041 : i32 to index
      %get3A_1043 = arith.constant 48 : index
      %get3A_1044 = tpu.vector_load %arg6[%get3A_1042, %get3A_1043] {strides = array<i32>} : memref<100x64xf32, #tpu.memory_space<vmem>>, vector<16xf32>,
      %add3A_1045 = arith.addf %add3A_1025, %get3A_1044 : vector<16xf32>
      %get3A_1046 = arith.constant 46 : i32
      %get3A_1047 = arith.index_cast %get3A_1046 : i32 to index
      %get3A_1048 = arith.constant 0 : index
      %get3A_1049 = tpu.vector_load %arg6[%get3A_1047, %get3A_1048] {strides = array<i32>} : memref<100x64xf32, #tpu.memory_space<vmem>>, vector<16xf32>,
      %add3A_1050 = arith.addf %add3A_1030, %get3A_1049 : vector<16xf32>
      %get3A_1051 = arith.constant 46 : i32
      %get3A_1052 = arith.index_cast %get3A_1051 : i32 to index
      %get3A_1053 = arith.constant 16 : index
      %get3A_1054 = tpu.vector_load %arg6[%get3A_1052, %get3A_1053] {strides = array<i32>} : memref<100x64xf32, #tpu.memory_space<vmem>>, vector<16xf32>,
      %add3A_1055 = arith.addf %add3A_1035, %get3A_1054 : vector<16xf32>
      %get3A_1056 = arith.constant 46 : i32
      %get3A_1057 = arith.index_cast %get3A_1056 : i32 to index
      %get3A_1058 = arith.constant 32 : index
      %get3A_1059 = tpu.vector_load %arg6[%get3A_1057, %get3A_1058] {strides = array<i32>} : memref<100x64xf32, #tpu.memory_space<vmem>>, vector<16xf32>,
      %add3A_1060 = arith.addf %add3A_1040, %get3A_1059 : vector<16xf32>
      %get3A_1061 = arith.constant 46 : i32
      %get3A_1062 = arith.index_cast %get3A_1061 : i32 to index
      %get3A_1063 = arith.constant 48 : index
      %get3A_1064 = tpu.vector_load %arg6[%get3A_1062, %get3A_1063] {strides = array<i32>} : memref<100x64xf32, #tpu.memory_space<vmem>>, vector<16xf32>,
      %add3A_1065 = arith.addf %add3A_1045, %get3A_1064 : vector<16xf32>
      %get3A_1066 = arith.constant 47 : i32
      %get3A_1067 = arith.index_cast %get3A_1066 : i32 to index
      %get3A_1068 = arith.constant 0 : index
      %get3A_1069 = tpu.vector_load %arg6[%get3A_1067, %get3A_1068] {strides = array<i32>} : memref<100x64xf32, #tpu.memory_space<vmem>>, vector<16xf32>,
      %add3A_1070 = arith.addf %add3A_1050, %get3A_1069 : vector<16xf32>
      %get3A_1071 = arith.constant 47 : i32
      %get3A_1072 = arith.index_cast %get3A_1071 : i32 to index
      %get3A_1073 = arith.constant 16 : index
      %get3A_1074 = tpu.vector_load %arg6[%get3A_1072, %get3A_1073] {strides = array<i32>} : memref<100x64xf32, #tpu.memory_space<vmem>>, vector<16xf32>,
      %add3A_1075 = arith.addf %add3A_1055, %get3A_1074 : vector<16xf32>
      %get3A_1076 = arith.constant 47 : i32
      %get3A_1077 = arith.index_cast %get3A_1076 : i32 to index
      %get3A_1078 = arith.constant 32 : index
      %get3A_1079 = tpu.vector_load %arg6[%get3A_1077, %get3A_1078] {strides = array<i32>} : memref<100x64xf32, #tpu.memory_space<vmem>>, vector<16xf32>,
      %add3A_1080 = arith.addf %add3A_1060, %get3A_1079 : vector<16xf32>
      %get3A_1081 = arith.constant 47 : i32
      %get3A_1082 = arith.index_cast %get3A_1081 : i32 to index
      %get3A_1083 = arith.constant 48 : index
      %get3A_1084 = tpu.vector_load %arg6[%get3A_1082, %get3A_1083] {strides = array<i32>} : memref<100x64xf32, #tpu.memory_space<vmem>>, vector<16xf32>,
      %add3A_1085 = arith.addf %add3A_1065, %get3A_1084 : vector<16xf32>
      %get3A_1086 = arith.constant 48 : i32
      %get3A_1087 = arith.index_cast %get3A_1086 : i32 to index
      %get3A_1088 = arith.constant 0 : index
      %get3A_1089 = tpu.vector_load %arg6[%get3A_1087, %get3A_1088] {strides = array<i32>} : memref<100x64xf32, #tpu.memory_space<vmem>>, vector<16xf32>,
      %add3A_1090 = arith.addf %add3A_1070, %get3A_1089 : vector<16xf32>
      %get3A_1091 = arith.constant 48 : i32
      %get3A_1092 = arith.index_cast %get3A_1091 : i32 to index
      %get3A_1093 = arith.constant 16 : index
      %get3A_1094 = tpu.vector_load %arg6[%get3A_1092, %get3A_1093] {strides = array<i32>} : memref<100x64xf32, #tpu.memory_space<vmem>>, vector<16xf32>,
      %add3A_1095 = arith.addf %add3A_1075, %get3A_1094 : vector<16xf32>
      %get3A_1096 = arith.constant 48 : i32
      %get3A_1097 = arith.index_cast %get3A_1096 : i32 to index
      %get3A_1098 = arith.constant 32 : index
      %get3A_1099 = tpu.vector_load %arg6[%get3A_1097, %get3A_1098] {strides = array<i32>} : memref<100x64xf32, #tpu.memory_space<vmem>>, vector<16xf32>,
      %add3A_1100 = arith.addf %add3A_1080, %get3A_1099 : vector<16xf32>
      %get3A_1101 = arith.constant 48 : i32
      %get3A_1102 = arith.index_cast %get3A_1101 : i32 to index
      %get3A_1103 = arith.constant 48 : index
      %get3A_1104 = tpu.vector_load %arg6[%get3A_1102, %get3A_1103] {strides = array<i32>} : memref<100x64xf32, #tpu.memory_space<vmem>>, vector<16xf32>,
      %add3A_1105 = arith.addf %add3A_1085, %get3A_1104 : vector<16xf32>
      %get3A_1106 = arith.constant 49 : i32
      %get3A_1107 = arith.index_cast %get3A_1106 : i32 to index
      %get3A_1108 = arith.constant 0 : index
      %get3A_1109 = tpu.vector_load %arg6[%get3A_1107, %get3A_1108] {strides = array<i32>} : memref<100x64xf32, #tpu.memory_space<vmem>>, vector<16xf32>,
      %add3A_1110 = arith.addf %add3A_1090, %get3A_1109 : vector<16xf32>
      %get3A_1111 = arith.constant 49 : i32
      %get3A_1112 = arith.index_cast %get3A_1111 : i32 to index
      %get3A_1113 = arith.constant 16 : index
      %get3A_1114 = tpu.vector_load %arg6[%get3A_1112, %get3A_1113] {strides = array<i32>} : memref<100x64xf32, #tpu.memory_space<vmem>>, vector<16xf32>,
      %add3A_1115 = arith.addf %add3A_1095, %get3A_1114 : vector<16xf32>
      %get3A_1116 = arith.constant 49 : i32
      %get3A_1117 = arith.index_cast %get3A_1116 : i32 to index
      %get3A_1118 = arith.constant 32 : index
      %get3A_1119 = tpu.vector_load %arg6[%get3A_1117, %get3A_1118] {strides = array<i32>} : memref<100x64xf32, #tpu.memory_space<vmem>>, vector<16xf32>,
      %add3A_1120 = arith.addf %add3A_1100, %get3A_1119 : vector<16xf32>
      %get3A_1121 = arith.constant 49 : i32
      %get3A_1122 = arith.index_cast %get3A_1121 : i32 to index
      %get3A_1123 = arith.constant 48 : index
      %get3A_1124 = tpu.vector_load %arg6[%get3A_1122, %get3A_1123] {strides = array<i32>} : memref<100x64xf32, #tpu.memory_space<vmem>>, vector<16xf32>,
      %add3A_1125 = arith.addf %add3A_1105, %get3A_1124 : vector<16xf32>
      %mul3A_1126 = arith.mulf %get3A_5, %convert_element_type3A : vector<16xf32>
      %sub3A = arith.subf %add3A_1110, %mul3A_1126 : vector<16xf32>
      %mul3A_1127 = vector.broadcast %scan3A : f32 to vector<16xf32>
      %mul3A_1128 = arith.mulf %sub3A, %mul3A_1127 : vector<16xf32>
      %mul3A_1129 = arith.constant 2 : i32
      %mul3A_1130 = arith.muli %mul3A_31, %mul3A_1129 : i32
      %add3A_1131 = arith.constant 0 : i32
      %add3A_1132 = arith.addi %mul3A_1130, %add3A_1131 : i32
      %swap3A = arith.index_cast %add3A_1132 : i32 to index
      %swap3A_1133 = arith.constant 0 : index
      %swap3A_1134 = tpu.vector_load %arg9[%swap3A, %swap3A_1133] {strides = array<i32>} : memref<128x64xf32, #tpu.memory_space<vmem>>, vector<16xf32>,
      tpu.vector_store %arg9[%swap3A, %swap3A_1133], %mul3A_1128 {strides = array<i32>} : memref<128x64xf32, #tpu.memory_space<vmem>>, vector<16xf32>,
      %mul3A_1135 = arith.mulf %get3A_9, %convert_element_type3A : vector<16xf32>
      %sub3A_1136 = arith.subf %add3A_1115, %mul3A_1135 : vector<16xf32>
      %mul3A_1137 = vector.broadcast %scan3A : f32 to vector<16xf32>
      %mul3A_1138 = arith.mulf %sub3A_1136, %mul3A_1137 : vector<16xf32>
      %mul3A_1139 = arith.constant 2 : i32
      %mul3A_1140 = arith.muli %mul3A_31, %mul3A_1139 : i32
      %add3A_1141 = arith.constant 0 : i32
      %add3A_1142 = arith.addi %mul3A_1140, %add3A_1141 : i32
      %swap3A_1143 = arith.index_cast %add3A_1142 : i32 to index
      %swap3A_1144 = arith.constant 16 : index
      %swap3A_1145 = tpu.vector_load %arg9[%swap3A_1143, %swap3A_1144] {strides = array<i32>} : memref<128x64xf32, #tpu.memory_space<vmem>>, vector<16xf32>,
      tpu.vector_store %arg9[%swap3A_1143, %swap3A_1144], %mul3A_1138 {strides = array<i32>} : memref<128x64xf32, #tpu.memory_space<vmem>>, vector<16xf32>,
      %mul3A_1146 = arith.mulf %get3A_13, %convert_element_type3A : vector<16xf32>
      %sub3A_1147 = arith.subf %add3A_1120, %mul3A_1146 : vector<16xf32>
      %mul3A_1148 = vector.broadcast %scan3A : f32 to vector<16xf32>
      %mul3A_1149 = arith.mulf %sub3A_1147, %mul3A_1148 : vector<16xf32>
      %mul3A_1150 = arith.constant 2 : i32
      %mul3A_1151 = arith.muli %mul3A_31, %mul3A_1150 : i32
      %add3A_1152 = arith.constant 0 : i32
      %add3A_1153 = arith.addi %mul3A_1151, %add3A_1152 : i32
      %swap3A_1154 = arith.index_cast %add3A_1153 : i32 to index
      %swap3A_1155 = arith.constant 32 : index
      %swap3A_1156 = tpu.vector_load %arg9[%swap3A_1154, %swap3A_1155] {strides = array<i32>} : memref<128x64xf32, #tpu.memory_space<vmem>>, vector<16xf32>,
      tpu.vector_store %arg9[%swap3A_1154, %swap3A_1155], %mul3A_1149 {strides = array<i32>} : memref<128x64xf32, #tpu.memory_space<vmem>>, vector<16xf32>,
      %mul3A_1157 = arith.mulf %get3A_17, %convert_element_type3A : vector<16xf32>
      %sub3A_1158 = arith.subf %add3A_1125, %mul3A_1157 : vector<16xf32>
      %mul3A_1159 = vector.broadcast %scan3A : f32 to vector<16xf32>
      %mul3A_1160 = arith.mulf %sub3A_1158, %mul3A_1159 : vector<16xf32>
      %mul3A_1161 = arith.constant 2 : i32
      %mul3A_1162 = arith.muli %mul3A_31, %mul3A_1161 : i32
      %add3A_1163 = arith.constant 0 : i32
      %add3A_1164 = arith.addi %mul3A_1162, %add3A_1163 : i32
      %swap3A_1165 = arith.index_cast %add3A_1164 : i32 to index
      %swap3A_1166 = arith.constant 48 : index
      %swap3A_1167 = tpu.vector_load %arg9[%swap3A_1165, %swap3A_1166] {strides = array<i32>} : memref<128x64xf32, #tpu.memory_space<vmem>>, vector<16xf32>,
      tpu.vector_store %arg9[%swap3A_1165, %swap3A_1166], %mul3A_1160 {strides = array<i32>} : memref<128x64xf32, #tpu.memory_space<vmem>>, vector<16xf32>,
      %broadcast_in_dim3A_1168 = arith.constant 0.000000e+00 : f32
      %broadcast_in_dim3A_1169 = vector.broadcast %broadcast_in_dim3A_1168 : f32 to vector<16xf32>
      %broadcast_in_dim3A_1170 = arith.constant 0.000000e+00 : f32
      %broadcast_in_dim3A_1171 = vector.broadcast %broadcast_in_dim3A_1170 : f32 to vector<16xf32>
      %broadcast_in_dim3A_1172 = arith.constant 0.000000e+00 : f32
      %broadcast_in_dim3A_1173 = vector.broadcast %broadcast_in_dim3A_1172 : f32 to vector<16xf32>
      %broadcast_in_dim3A_1174 = arith.constant 0.000000e+00 : f32
      %broadcast_in_dim3A_1175 = vector.broadcast %broadcast_in_dim3A_1174 : f32 to vector<16xf32>
      %get3A_1176 = arith.constant 50 : i32
      %get3A_1177 = arith.index_cast %get3A_1176 : i32 to index
      %get3A_1178 = arith.constant 0 : index
      %get3A_1179 = tpu.vector_load %arg6[%get3A_1177, %get3A_1178] {strides = array<i32>} : memref<100x64xf32, #tpu.memory_space<vmem>>, vector<16xf32>,
      %add3A_1180 = arith.addf %broadcast_in_dim3A_1169, %get3A_1179 : vector<16xf32>
      %get3A_1181 = arith.constant 50 : i32
      %get3A_1182 = arith.index_cast %get3A_1181 : i32 to index
      %get3A_1183 = arith.constant 16 : index
      %get3A_1184 = tpu.vector_load %arg6[%get3A_1182, %get3A_1183] {strides = array<i32>} : memref<100x64xf32, #tpu.memory_space<vmem>>, vector<16xf32>,
      %add3A_1185 = arith.addf %broadcast_in_dim3A_1171, %get3A_1184 : vector<16xf32>
      %get3A_1186 = arith.constant 50 : i32
      %get3A_1187 = arith.index_cast %get3A_1186 : i32 to index
      %get3A_1188 = arith.constant 32 : index
      %get3A_1189 = tpu.vector_load %arg6[%get3A_1187, %get3A_1188] {strides = array<i32>} : memref<100x64xf32, #tpu.memory_space<vmem>>, vector<16xf32>,
      %add3A_1190 = arith.addf %broadcast_in_dim3A_1173, %get3A_1189 : vector<16xf32>
      %get3A_1191 = arith.constant 50 : i32
      %get3A_1192 = arith.index_cast %get3A_1191 : i32 to index
      %get3A_1193 = arith.constant 48 : index
      %get3A_1194 = tpu.vector_load %arg6[%get3A_1192, %get3A_1193] {strides = array<i32>} : memref<100x64xf32, #tpu.memory_space<vmem>>, vector<16xf32>,
      %add3A_1195 = arith.addf %broadcast_in_dim3A_1175, %get3A_1194 : vector<16xf32>
      %get3A_1196 = arith.constant 51 : i32
      %get3A_1197 = arith.index_cast %get3A_1196 : i32 to index
      %get3A_1198 = arith.constant 0 : index
      %get3A_1199 = tpu.vector_load %arg6[%get3A_1197, %get3A_1198] {strides = array<i32>} : memref<100x64xf32, #tpu.memory_space<vmem>>, vector<16xf32>,
      %add3A_1200 = arith.addf %add3A_1180, %get3A_1199 : vector<16xf32>
      %get3A_1201 = arith.constant 51 : i32
      %get3A_1202 = arith.index_cast %get3A_1201 : i32 to index
      %get3A_1203 = arith.constant 16 : index
      %get3A_1204 = tpu.vector_load %arg6[%get3A_1202, %get3A_1203] {strides = array<i32>} : memref<100x64xf32, #tpu.memory_space<vmem>>, vector<16xf32>,
      %add3A_1205 = arith.addf %add3A_1185, %get3A_1204 : vector<16xf32>
      %get3A_1206 = arith.constant 51 : i32
      %get3A_1207 = arith.index_cast %get3A_1206 : i32 to index
      %get3A_1208 = arith.constant 32 : index
      %get3A_1209 = tpu.vector_load %arg6[%get3A_1207, %get3A_1208] {strides = array<i32>} : memref<100x64xf32, #tpu.memory_space<vmem>>, vector<16xf32>,
      %add3A_1210 = arith.addf %add3A_1190, %get3A_1209 : vector<16xf32>
      %get3A_1211 = arith.constant 51 : i32
      %get3A_1212 = arith.index_cast %get3A_1211 : i32 to index
      %get3A_1213 = arith.constant 48 : index
      %get3A_1214 = tpu.vector_load %arg6[%get3A_1212, %get3A_1213] {strides = array<i32>} : memref<100x64xf32, #tpu.memory_space<vmem>>, vector<16xf32>,
      %add3A_1215 = arith.addf %add3A_1195, %get3A_1214 : vector<16xf32>
      %get3A_1216 = arith.constant 52 : i32
      %get3A_1217 = arith.index_cast %get3A_1216 : i32 to index
      %get3A_1218 = arith.constant 0 : index
      %get3A_1219 = tpu.vector_load %arg6[%get3A_1217, %get3A_1218] {strides = array<i32>} : memref<100x64xf32, #tpu.memory_space<vmem>>, vector<16xf32>,
      %add3A_1220 = arith.addf %add3A_1200, %get3A_1219 : vector<16xf32>
      %get3A_1221 = arith.constant 52 : i32
      %get3A_1222 = arith.index_cast %get3A_1221 : i32 to index
      %get3A_1223 = arith.constant 16 : index
      %get3A_1224 = tpu.vector_load %arg6[%get3A_1222, %get3A_1223] {strides = array<i32>} : memref<100x64xf32, #tpu.memory_space<vmem>>, vector<16xf32>,
      %add3A_1225 = arith.addf %add3A_1205, %get3A_1224 : vector<16xf32>
      %get3A_1226 = arith.constant 52 : i32
      %get3A_1227 = arith.index_cast %get3A_1226 : i32 to index
      %get3A_1228 = arith.constant 32 : index
      %get3A_1229 = tpu.vector_load %arg6[%get3A_1227, %get3A_1228] {strides = array<i32>} : memref<100x64xf32, #tpu.memory_space<vmem>>, vector<16xf32>,
      %add3A_1230 = arith.addf %add3A_1210, %get3A_1229 : vector<16xf32>
      %get3A_1231 = arith.constant 52 : i32
      %get3A_1232 = arith.index_cast %get3A_1231 : i32 to index
      %get3A_1233 = arith.constant 48 : index
      %get3A_1234 = tpu.vector_load %arg6[%get3A_1232, %get3A_1233] {strides = array<i32>} : memref<100x64xf32, #tpu.memory_space<vmem>>, vector<16xf32>,
      %add3A_1235 = arith.addf %add3A_1215, %get3A_1234 : vector<16xf32>
      %get3A_1236 = arith.constant 53 : i32
      %get3A_1237 = arith.index_cast %get3A_1236 : i32 to index
      %get3A_1238 = arith.constant 0 : index
      %get3A_1239 = tpu.vector_load %arg6[%get3A_1237, %get3A_1238] {strides = array<i32>} : memref<100x64xf32, #tpu.memory_space<vmem>>, vector<16xf32>,
      %add3A_1240 = arith.addf %add3A_1220, %get3A_1239 : vector<16xf32>
      %get3A_1241 = arith.constant 53 : i32
      %get3A_1242 = arith.index_cast %get3A_1241 : i32 to index
      %get3A_1243 = arith.constant 16 : index
      %get3A_1244 = tpu.vector_load %arg6[%get3A_1242, %get3A_1243] {strides = array<i32>} : memref<100x64xf32, #tpu.memory_space<vmem>>, vector<16xf32>,
      %add3A_1245 = arith.addf %add3A_1225, %get3A_1244 : vector<16xf32>
      %get3A_1246 = arith.constant 53 : i32
      %get3A_1247 = arith.index_cast %get3A_1246 : i32 to index
      %get3A_1248 = arith.constant 32 : index
      %get3A_1249 = tpu.vector_load %arg6[%get3A_1247, %get3A_1248] {strides = array<i32>} : memref<100x64xf32, #tpu.memory_space<vmem>>, vector<16xf32>,
      %add3A_1250 = arith.addf %add3A_1230, %get3A_1249 : vector<16xf32>
      %get3A_1251 = arith.constant 53 : i32
      %get3A_1252 = arith.index_cast %get3A_1251 : i32 to index
      %get3A_1253 = arith.constant 48 : index
      %get3A_1254 = tpu.vector_load %arg6[%get3A_1252, %get3A_1253] {strides = array<i32>} : memref<100x64xf32, #tpu.memory_space<vmem>>, vector<16xf32>,
      %add3A_1255 = arith.addf %add3A_1235, %get3A_1254 : vector<16xf32>
      %get3A_1256 = arith.constant 54 : i32
      %get3A_1257 = arith.index_cast %get3A_1256 : i32 to index
      %get3A_1258 = arith.constant 0 : index
      %get3A_1259 = tpu.vector_load %arg6[%get3A_1257, %get3A_1258] {strides = array<i32>} : memref<100x64xf32, #tpu.memory_space<vmem>>, vector<16xf32>,
      %add3A_1260 = arith.addf %add3A_1240, %get3A_1259 : vector<16xf32>
      %get3A_1261 = arith.constant 54 : i32
      %get3A_1262 = arith.index_cast %get3A_1261 : i32 to index
      %get3A_1263 = arith.constant 16 : index
      %get3A_1264 = tpu.vector_load %arg6[%get3A_1262, %get3A_1263] {strides = array<i32>} : memref<100x64xf32, #tpu.memory_space<vmem>>, vector<16xf32>,
      %add3A_1265 = arith.addf %add3A_1245, %get3A_1264 : vector<16xf32>
      %get3A_1266 = arith.constant 54 : i32
      %get3A_1267 = arith.index_cast %get3A_1266 : i32 to index
      %get3A_1268 = arith.constant 32 : index
      %get3A_1269 = tpu.vector_load %arg6[%get3A_1267, %get3A_1268] {strides = array<i32>} : memref<100x64xf32, #tpu.memory_space<vmem>>, vector<16xf32>,
      %add3A_1270 = arith.addf %add3A_1250, %get3A_1269 : vector<16xf32>
      %get3A_1271 = arith.constant 54 : i32
      %get3A_1272 = arith.index_cast %get3A_1271 : i32 to index
      %get3A_1273 = arith.constant 48 : index
      %get3A_1274 = tpu.vector_load %arg6[%get3A_1272, %get3A_1273] {strides = array<i32>} : memref<100x64xf32, #tpu.memory_space<vmem>>, vector<16xf32>,
      %add3A_1275 = arith.addf %add3A_1255, %get3A_1274 : vector<16xf32>
      %get3A_1276 = arith.constant 55 : i32
      %get3A_1277 = arith.index_cast %get3A_1276 : i32 to index
      %get3A_1278 = arith.constant 0 : index
      %get3A_1279 = tpu.vector_load %arg6[%get3A_1277, %get3A_1278] {strides = array<i32>} : memref<100x64xf32, #tpu.memory_space<vmem>>, vector<16xf32>,
      %add3A_1280 = arith.addf %add3A_1260, %get3A_1279 : vector<16xf32>
      %get3A_1281 = arith.constant 55 : i32
      %get3A_1282 = arith.index_cast %get3A_1281 : i32 to index
      %get3A_1283 = arith.constant 16 : index
      %get3A_1284 = tpu.vector_load %arg6[%get3A_1282, %get3A_1283] {strides = array<i32>} : memref<100x64xf32, #tpu.memory_space<vmem>>, vector<16xf32>,
      %add3A_1285 = arith.addf %add3A_1265, %get3A_1284 : vector<16xf32>
      %get3A_1286 = arith.constant 55 : i32
      %get3A_1287 = arith.index_cast %get3A_1286 : i32 to index
      %get3A_1288 = arith.constant 32 : index
      %get3A_1289 = tpu.vector_load %arg6[%get3A_1287, %get3A_1288] {strides = array<i32>} : memref<100x64xf32, #tpu.memory_space<vmem>>, vector<16xf32>,
      %add3A_1290 = arith.addf %add3A_1270, %get3A_1289 : vector<16xf32>
      %get3A_1291 = arith.constant 55 : i32
      %get3A_1292 = arith.index_cast %get3A_1291 : i32 to index
      %get3A_1293 = arith.constant 48 : index
      %get3A_1294 = tpu.vector_load %arg6[%get3A_1292, %get3A_1293] {strides = array<i32>} : memref<100x64xf32, #tpu.memory_space<vmem>>, vector<16xf32>,
      %add3A_1295 = arith.addf %add3A_1275, %get3A_1294 : vector<16xf32>
      %get3A_1296 = arith.constant 56 : i32
      %get3A_1297 = arith.index_cast %get3A_1296 : i32 to index
      %get3A_1298 = arith.constant 0 : index
      %get3A_1299 = tpu.vector_load %arg6[%get3A_1297, %get3A_1298] {strides = array<i32>} : memref<100x64xf32, #tpu.memory_space<vmem>>, vector<16xf32>,
      %add3A_1300 = arith.addf %add3A_1280, %get3A_1299 : vector<16xf32>
      %get3A_1301 = arith.constant 56 : i32
      %get3A_1302 = arith.index_cast %get3A_1301 : i32 to index
      %get3A_1303 = arith.constant 16 : index
      %get3A_1304 = tpu.vector_load %arg6[%get3A_1302, %get3A_1303] {strides = array<i32>} : memref<100x64xf32, #tpu.memory_space<vmem>>, vector<16xf32>,
      %add3A_1305 = arith.addf %add3A_1285, %get3A_1304 : vector<16xf32>
      %get3A_1306 = arith.constant 56 : i32
      %get3A_1307 = arith.index_cast %get3A_1306 : i32 to index
      %get3A_1308 = arith.constant 32 : index
      %get3A_1309 = tpu.vector_load %arg6[%get3A_1307, %get3A_1308] {strides = array<i32>} : memref<100x64xf32, #tpu.memory_space<vmem>>, vector<16xf32>,
      %add3A_1310 = arith.addf %add3A_1290, %get3A_1309 : vector<16xf32>
      %get3A_1311 = arith.constant 56 : i32
      %get3A_1312 = arith.index_cast %get3A_1311 : i32 to index
      %get3A_1313 = arith.constant 48 : index
      %get3A_1314 = tpu.vector_load %arg6[%get3A_1312, %get3A_1313] {strides = array<i32>} : memref<100x64xf32, #tpu.memory_space<vmem>>, vector<16xf32>,
      %add3A_1315 = arith.addf %add3A_1295, %get3A_1314 : vector<16xf32>
      %get3A_1316 = arith.constant 57 : i32
      %get3A_1317 = arith.index_cast %get3A_1316 : i32 to index
      %get3A_1318 = arith.constant 0 : index
      %get3A_1319 = tpu.vector_load %arg6[%get3A_1317, %get3A_1318] {strides = array<i32>} : memref<100x64xf32, #tpu.memory_space<vmem>>, vector<16xf32>,
      %add3A_1320 = arith.addf %add3A_1300, %get3A_1319 : vector<16xf32>
      %get3A_1321 = arith.constant 57 : i32
      %get3A_1322 = arith.index_cast %get3A_1321 : i32 to index
      %get3A_1323 = arith.constant 16 : index
      %get3A_1324 = tpu.vector_load %arg6[%get3A_1322, %get3A_1323] {strides = array<i32>} : memref<100x64xf32, #tpu.memory_space<vmem>>, vector<16xf32>,
      %add3A_1325 = arith.addf %add3A_1305, %get3A_1324 : vector<16xf32>
      %get3A_1326 = arith.constant 57 : i32
      %get3A_1327 = arith.index_cast %get3A_1326 : i32 to index
      %get3A_1328 = arith.constant 32 : index
      %get3A_1329 = tpu.vector_load %arg6[%get3A_1327, %get3A_1328] {strides = array<i32>} : memref<100x64xf32, #tpu.memory_space<vmem>>, vector<16xf32>,
      %add3A_1330 = arith.addf %add3A_1310, %get3A_1329 : vector<16xf32>
      %get3A_1331 = arith.constant 57 : i32
      %get3A_1332 = arith.index_cast %get3A_1331 : i32 to index
      %get3A_1333 = arith.constant 48 : index
      %get3A_1334 = tpu.vector_load %arg6[%get3A_1332, %get3A_1333] {strides = array<i32>} : memref<100x64xf32, #tpu.memory_space<vmem>>, vector<16xf32>,
      %add3A_1335 = arith.addf %add3A_1315, %get3A_1334 : vector<16xf32>
      %get3A_1336 = arith.constant 58 : i32
      %get3A_1337 = arith.index_cast %get3A_1336 : i32 to index
      %get3A_1338 = arith.constant 0 : index
      %get3A_1339 = tpu.vector_load %arg6[%get3A_1337, %get3A_1338] {strides = array<i32>} : memref<100x64xf32, #tpu.memory_space<vmem>>, vector<16xf32>,
      %add3A_1340 = arith.addf %add3A_1320, %get3A_1339 : vector<16xf32>
      %get3A_1341 = arith.constant 58 : i32
      %get3A_1342 = arith.index_cast %get3A_1341 : i32 to index
      %get3A_1343 = arith.constant 16 : index
      %get3A_1344 = tpu.vector_load %arg6[%get3A_1342, %get3A_1343] {strides = array<i32>} : memref<100x64xf32, #tpu.memory_space<vmem>>, vector<16xf32>,
      %add3A_1345 = arith.addf %add3A_1325, %get3A_1344 : vector<16xf32>
      %get3A_1346 = arith.constant 58 : i32
      %get3A_1347 = arith.index_cast %get3A_1346 : i32 to index
      %get3A_1348 = arith.constant 32 : index
      %get3A_1349 = tpu.vector_load %arg6[%get3A_1347, %get3A_1348] {strides = array<i32>} : memref<100x64xf32, #tpu.memory_space<vmem>>, vector<16xf32>,
      %add3A_1350 = arith.addf %add3A_1330, %get3A_1349 : vector<16xf32>
      %get3A_1351 = arith.constant 58 : i32
      %get3A_1352 = arith.index_cast %get3A_1351 : i32 to index
      %get3A_1353 = arith.constant 48 : index
      %get3A_1354 = tpu.vector_load %arg6[%get3A_1352, %get3A_1353] {strides = array<i32>} : memref<100x64xf32, #tpu.memory_space<vmem>>, vector<16xf32>,
      %add3A_1355 = arith.addf %add3A_1335, %get3A_1354 : vector<16xf32>
      %get3A_1356 = arith.constant 59 : i32
      %get3A_1357 = arith.index_cast %get3A_1356 : i32 to index
      %get3A_1358 = arith.constant 0 : index
      %get3A_1359 = tpu.vector_load %arg6[%get3A_1357, %get3A_1358] {strides = array<i32>} : memref<100x64xf32, #tpu.memory_space<vmem>>, vector<16xf32>,
      %add3A_1360 = arith.addf %add3A_1340, %get3A_1359 : vector<16xf32>
      %get3A_1361 = arith.constant 59 : i32
      %get3A_1362 = arith.index_cast %get3A_1361 : i32 to index
      %get3A_1363 = arith.constant 16 : index
      %get3A_1364 = tpu.vector_load %arg6[%get3A_1362, %get3A_1363] {strides = array<i32>} : memref<100x64xf32, #tpu.memory_space<vmem>>, vector<16xf32>,
      %add3A_1365 = arith.addf %add3A_1345, %get3A_1364 : vector<16xf32>
      %get3A_1366 = arith.constant 59 : i32
      %get3A_1367 = arith.index_cast %get3A_1366 : i32 to index
      %get3A_1368 = arith.constant 32 : index
      %get3A_1369 = tpu.vector_load %arg6[%get3A_1367, %get3A_1368] {strides = array<i32>} : memref<100x64xf32, #tpu.memory_space<vmem>>, vector<16xf32>,
      %add3A_1370 = arith.addf %add3A_1350, %get3A_1369 : vector<16xf32>
      %get3A_1371 = arith.constant 59 : i32
      %get3A_1372 = arith.index_cast %get3A_1371 : i32 to index
      %get3A_1373 = arith.constant 48 : index
      %get3A_1374 = tpu.vector_load %arg6[%get3A_1372, %get3A_1373] {strides = array<i32>} : memref<100x64xf32, #tpu.memory_space<vmem>>, vector<16xf32>,
      %add3A_1375 = arith.addf %add3A_1355, %get3A_1374 : vector<16xf32>
      %get3A_1376 = arith.constant 60 : i32
      %get3A_1377 = arith.index_cast %get3A_1376 : i32 to index
      %get3A_1378 = arith.constant 0 : index
      %get3A_1379 = tpu.vector_load %arg6[%get3A_1377, %get3A_1378] {strides = array<i32>} : memref<100x64xf32, #tpu.memory_space<vmem>>, vector<16xf32>,
      %add3A_1380 = arith.addf %add3A_1360, %get3A_1379 : vector<16xf32>
      %get3A_1381 = arith.constant 60 : i32
      %get3A_1382 = arith.index_cast %get3A_1381 : i32 to index
      %get3A_1383 = arith.constant 16 : index
      %get3A_1384 = tpu.vector_load %arg6[%get3A_1382, %get3A_1383] {strides = array<i32>} : memref<100x64xf32, #tpu.memory_space<vmem>>, vector<16xf32>,
      %add3A_1385 = arith.addf %add3A_1365, %get3A_1384 : vector<16xf32>
      %get3A_1386 = arith.constant 60 : i32
      %get3A_1387 = arith.index_cast %get3A_1386 : i32 to index
      %get3A_1388 = arith.constant 32 : index
      %get3A_1389 = tpu.vector_load %arg6[%get3A_1387, %get3A_1388] {strides = array<i32>} : memref<100x64xf32, #tpu.memory_space<vmem>>, vector<16xf32>,
      %add3A_1390 = arith.addf %add3A_1370, %get3A_1389 : vector<16xf32>
      %get3A_1391 = arith.constant 60 : i32
      %get3A_1392 = arith.index_cast %get3A_1391 : i32 to index
      %get3A_1393 = arith.constant 48 : index
      %get3A_1394 = tpu.vector_load %arg6[%get3A_1392, %get3A_1393] {strides = array<i32>} : memref<100x64xf32, #tpu.memory_space<vmem>>, vector<16xf32>,
      %add3A_1395 = arith.addf %add3A_1375, %get3A_1394 : vector<16xf32>
      %get3A_1396 = arith.constant 61 : i32
      %get3A_1397 = arith.index_cast %get3A_1396 : i32 to index
      %get3A_1398 = arith.constant 0 : index
      %get3A_1399 = tpu.vector_load %arg6[%get3A_1397, %get3A_1398] {strides = array<i32>} : memref<100x64xf32, #tpu.memory_space<vmem>>, vector<16xf32>,
      %add3A_1400 = arith.addf %add3A_1380, %get3A_1399 : vector<16xf32>
      %get3A_1401 = arith.constant 61 : i32
      %get3A_1402 = arith.index_cast %get3A_1401 : i32 to index
      %get3A_1403 = arith.constant 16 : index
      %get3A_1404 = tpu.vector_load %arg6[%get3A_1402, %get3A_1403] {strides = array<i32>} : memref<100x64xf32, #tpu.memory_space<vmem>>, vector<16xf32>,
      %add3A_1405 = arith.addf %add3A_1385, %get3A_1404 : vector<16xf32>
      %get3A_1406 = arith.constant 61 : i32
      %get3A_1407 = arith.index_cast %get3A_1406 : i32 to index
      %get3A_1408 = arith.constant 32 : index
      %get3A_1409 = tpu.vector_load %arg6[%get3A_1407, %get3A_1408] {strides = array<i32>} : memref<100x64xf32, #tpu.memory_space<vmem>>, vector<16xf32>,
      %add3A_1410 = arith.addf %add3A_1390, %get3A_1409 : vector<16xf32>
      %get3A_1411 = arith.constant 61 : i32
      %get3A_1412 = arith.index_cast %get3A_1411 : i32 to index
      %get3A_1413 = arith.constant 48 : index
      %get3A_1414 = tpu.vector_load %arg6[%get3A_1412, %get3A_1413] {strides = array<i32>} : memref<100x64xf32, #tpu.memory_space<vmem>>, vector<16xf32>,
      %add3A_1415 = arith.addf %add3A_1395, %get3A_1414 : vector<16xf32>
      %get3A_1416 = arith.constant 62 : i32
      %get3A_1417 = arith.index_cast %get3A_1416 : i32 to index
      %get3A_1418 = arith.constant 0 : index
      %get3A_1419 = tpu.vector_load %arg6[%get3A_1417, %get3A_1418] {strides = array<i32>} : memref<100x64xf32, #tpu.memory_space<vmem>>, vector<16xf32>,
      %add3A_1420 = arith.addf %add3A_1400, %get3A_1419 : vector<16xf32>
      %get3A_1421 = arith.constant 62 : i32
      %get3A_1422 = arith.index_cast %get3A_1421 : i32 to index
      %get3A_1423 = arith.constant 16 : index
      %get3A_1424 = tpu.vector_load %arg6[%get3A_1422, %get3A_1423] {strides = array<i32>} : memref<100x64xf32, #tpu.memory_space<vmem>>, vector<16xf32>,
      %add3A_1425 = arith.addf %add3A_1405, %get3A_1424 : vector<16xf32>
      %get3A_1426 = arith.constant 62 : i32
      %get3A_1427 = arith.index_cast %get3A_1426 : i32 to index
      %get3A_1428 = arith.constant 32 : index
      %get3A_1429 = tpu.vector_load %arg6[%get3A_1427, %get3A_1428] {strides = array<i32>} : memref<100x64xf32, #tpu.memory_space<vmem>>, vector<16xf32>,
      %add3A_1430 = arith.addf %add3A_1410, %get3A_1429 : vector<16xf32>
      %get3A_1431 = arith.constant 62 : i32
      %get3A_1432 = arith.index_cast %get3A_1431 : i32 to index
      %get3A_1433 = arith.constant 48 : index
      %get3A_1434 = tpu.vector_load %arg6[%get3A_1432, %get3A_1433] {strides = array<i32>} : memref<100x64xf32, #tpu.memory_space<vmem>>, vector<16xf32>,
      %add3A_1435 = arith.addf %add3A_1415, %get3A_1434 : vector<16xf32>
      %get3A_1436 = arith.constant 63 : i32
      %get3A_1437 = arith.index_cast %get3A_1436 : i32 to index
      %get3A_1438 = arith.constant 0 : index
      %get3A_1439 = tpu.vector_load %arg6[%get3A_1437, %get3A_1438] {strides = array<i32>} : memref<100x64xf32, #tpu.memory_space<vmem>>, vector<16xf32>,
      %add3A_1440 = arith.addf %add3A_1420, %get3A_1439 : vector<16xf32>
      %get3A_1441 = arith.constant 63 : i32
      %get3A_1442 = arith.index_cast %get3A_1441 : i32 to index
      %get3A_1443 = arith.constant 16 : index
      %get3A_1444 = tpu.vector_load %arg6[%get3A_1442, %get3A_1443] {strides = array<i32>} : memref<100x64xf32, #tpu.memory_space<vmem>>, vector<16xf32>,
      %add3A_1445 = arith.addf %add3A_1425, %get3A_1444 : vector<16xf32>
      %get3A_1446 = arith.constant 63 : i32
      %get3A_1447 = arith.index_cast %get3A_1446 : i32 to index
      %get3A_1448 = arith.constant 32 : index
      %get3A_1449 = tpu.vector_load %arg6[%get3A_1447, %get3A_1448] {strides = array<i32>} : memref<100x64xf32, #tpu.memory_space<vmem>>, vector<16xf32>,
      %add3A_1450 = arith.addf %add3A_1430, %get3A_1449 : vector<16xf32>
      %get3A_1451 = arith.constant 63 : i32
      %get3A_1452 = arith.index_cast %get3A_1451 : i32 to index
      %get3A_1453 = arith.constant 48 : index
      %get3A_1454 = tpu.vector_load %arg6[%get3A_1452, %get3A_1453] {strides = array<i32>} : memref<100x64xf32, #tpu.memory_space<vmem>>, vector<16xf32>,
      %add3A_1455 = arith.addf %add3A_1435, %get3A_1454 : vector<16xf32>
      %get3A_1456 = arith.constant 64 : i32
      %get3A_1457 = arith.index_cast %get3A_1456 : i32 to index
      %get3A_1458 = arith.constant 0 : index
      %get3A_1459 = tpu.vector_load %arg6[%get3A_1457, %get3A_1458] {strides = array<i32>} : memref<100x64xf32, #tpu.memory_space<vmem>>, vector<16xf32>,
      %add3A_1460 = arith.addf %add3A_1440, %get3A_1459 : vector<16xf32>
      %get3A_1461 = arith.constant 64 : i32
      %get3A_1462 = arith.index_cast %get3A_1461 : i32 to index
      %get3A_1463 = arith.constant 16 : index
      %get3A_1464 = tpu.vector_load %arg6[%get3A_1462, %get3A_1463] {strides = array<i32>} : memref<100x64xf32, #tpu.memory_space<vmem>>, vector<16xf32>,
      %add3A_1465 = arith.addf %add3A_1445, %get3A_1464 : vector<16xf32>
      %get3A_1466 = arith.constant 64 : i32
      %get3A_1467 = arith.index_cast %get3A_1466 : i32 to index
      %get3A_1468 = arith.constant 32 : index
      %get3A_1469 = tpu.vector_load %arg6[%get3A_1467, %get3A_1468] {strides = array<i32>} : memref<100x64xf32, #tpu.memory_space<vmem>>, vector<16xf32>,
      %add3A_1470 = arith.addf %add3A_1450, %get3A_1469 : vector<16xf32>
      %get3A_1471 = arith.constant 64 : i32
      %get3A_1472 = arith.index_cast %get3A_1471 : i32 to index
      %get3A_1473 = arith.constant 48 : index
      %get3A_1474 = tpu.vector_load %arg6[%get3A_1472, %get3A_1473] {strides = array<i32>} : memref<100x64xf32, #tpu.memory_space<vmem>>, vector<16xf32>,
      %add3A_1475 = arith.addf %add3A_1455, %get3A_1474 : vector<16xf32>
      %get3A_1476 = arith.constant 65 : i32
      %get3A_1477 = arith.index_cast %get3A_1476 : i32 to index
      %get3A_1478 = arith.constant 0 : index
      %get3A_1479 = tpu.vector_load %arg6[%get3A_1477, %get3A_1478] {strides = array<i32>} : memref<100x64xf32, #tpu.memory_space<vmem>>, vector<16xf32>,
      %add3A_1480 = arith.addf %add3A_1460, %get3A_1479 : vector<16xf32>
      %get3A_1481 = arith.constant 65 : i32
      %get3A_1482 = arith.index_cast %get3A_1481 : i32 to index
      %get3A_1483 = arith.constant 16 : index
      %get3A_1484 = tpu.vector_load %arg6[%get3A_1482, %get3A_1483] {strides = array<i32>} : memref<100x64xf32, #tpu.memory_space<vmem>>, vector<16xf32>,
      %add3A_1485 = arith.addf %add3A_1465, %get3A_1484 : vector<16xf32>
      %get3A_1486 = arith.constant 65 : i32
      %get3A_1487 = arith.index_cast %get3A_1486 : i32 to index
      %get3A_1488 = arith.constant 32 : index
      %get3A_1489 = tpu.vector_load %arg6[%get3A_1487, %get3A_1488] {strides = array<i32>} : memref<100x64xf32, #tpu.memory_space<vmem>>, vector<16xf32>,
      %add3A_1490 = arith.addf %add3A_1470, %get3A_1489 : vector<16xf32>
      %get3A_1491 = arith.constant 65 : i32
      %get3A_1492 = arith.index_cast %get3A_1491 : i32 to index
      %get3A_1493 = arith.constant 48 : index
      %get3A_1494 = tpu.vector_load %arg6[%get3A_1492, %get3A_1493] {strides = array<i32>} : memref<100x64xf32, #tpu.memory_space<vmem>>, vector<16xf32>,
      %add3A_1495 = arith.addf %add3A_1475, %get3A_1494 : vector<16xf32>
      %get3A_1496 = arith.constant 66 : i32
      %get3A_1497 = arith.index_cast %get3A_1496 : i32 to index
      %get3A_1498 = arith.constant 0 : index
      %get3A_1499 = tpu.vector_load %arg6[%get3A_1497, %get3A_1498] {strides = array<i32>} : memref<100x64xf32, #tpu.memory_space<vmem>>, vector<16xf32>,
      %add3A_1500 = arith.addf %add3A_1480, %get3A_1499 : vector<16xf32>
      %get3A_1501 = arith.constant 66 : i32
      %get3A_1502 = arith.index_cast %get3A_1501 : i32 to index
      %get3A_1503 = arith.constant 16 : index
      %get3A_1504 = tpu.vector_load %arg6[%get3A_1502, %get3A_1503] {strides = array<i32>} : memref<100x64xf32, #tpu.memory_space<vmem>>, vector<16xf32>,
      %add3A_1505 = arith.addf %add3A_1485, %get3A_1504 : vector<16xf32>
      %get3A_1506 = arith.constant 66 : i32
      %get3A_1507 = arith.index_cast %get3A_1506 : i32 to index
      %get3A_1508 = arith.constant 32 : index
      %get3A_1509 = tpu.vector_load %arg6[%get3A_1507, %get3A_1508] {strides = array<i32>} : memref<100x64xf32, #tpu.memory_space<vmem>>, vector<16xf32>,
      %add3A_1510 = arith.addf %add3A_1490, %get3A_1509 : vector<16xf32>
      %get3A_1511 = arith.constant 66 : i32
      %get3A_1512 = arith.index_cast %get3A_1511 : i32 to index
      %get3A_1513 = arith.constant 48 : index
      %get3A_1514 = tpu.vector_load %arg6[%get3A_1512, %get3A_1513] {strides = array<i32>} : memref<100x64xf32, #tpu.memory_space<vmem>>, vector<16xf32>,
      %add3A_1515 = arith.addf %add3A_1495, %get3A_1514 : vector<16xf32>
      %get3A_1516 = arith.constant 67 : i32
      %get3A_1517 = arith.index_cast %get3A_1516 : i32 to index
      %get3A_1518 = arith.constant 0 : index
      %get3A_1519 = tpu.vector_load %arg6[%get3A_1517, %get3A_1518] {strides = array<i32>} : memref<100x64xf32, #tpu.memory_space<vmem>>, vector<16xf32>,
      %add3A_1520 = arith.addf %add3A_1500, %get3A_1519 : vector<16xf32>
      %get3A_1521 = arith.constant 67 : i32
      %get3A_1522 = arith.index_cast %get3A_1521 : i32 to index
      %get3A_1523 = arith.constant 16 : index
      %get3A_1524 = tpu.vector_load %arg6[%get3A_1522, %get3A_1523] {strides = array<i32>} : memref<100x64xf32, #tpu.memory_space<vmem>>, vector<16xf32>,
      %add3A_1525 = arith.addf %add3A_1505, %get3A_1524 : vector<16xf32>
      %get3A_1526 = arith.constant 67 : i32
      %get3A_1527 = arith.index_cast %get3A_1526 : i32 to index
      %get3A_1528 = arith.constant 32 : index
      %get3A_1529 = tpu.vector_load %arg6[%get3A_1527, %get3A_1528] {strides = array<i32>} : memref<100x64xf32, #tpu.memory_space<vmem>>, vector<16xf32>,
      %add3A_1530 = arith.addf %add3A_1510, %get3A_1529 : vector<16xf32>
      %get3A_1531 = arith.constant 67 : i32
      %get3A_1532 = arith.index_cast %get3A_1531 : i32 to index
      %get3A_1533 = arith.constant 48 : index
      %get3A_1534 = tpu.vector_load %arg6[%get3A_1532, %get3A_1533] {strides = array<i32>} : memref<100x64xf32, #tpu.memory_space<vmem>>, vector<16xf32>,
      %add3A_1535 = arith.addf %add3A_1515, %get3A_1534 : vector<16xf32>
      %get3A_1536 = arith.constant 68 : i32
      %get3A_1537 = arith.index_cast %get3A_1536 : i32 to index
      %get3A_1538 = arith.constant 0 : index
      %get3A_1539 = tpu.vector_load %arg6[%get3A_1537, %get3A_1538] {strides = array<i32>} : memref<100x64xf32, #tpu.memory_space<vmem>>, vector<16xf32>,
      %add3A_1540 = arith.addf %add3A_1520, %get3A_1539 : vector<16xf32>
      %get3A_1541 = arith.constant 68 : i32
      %get3A_1542 = arith.index_cast %get3A_1541 : i32 to index
      %get3A_1543 = arith.constant 16 : index
      %get3A_1544 = tpu.vector_load %arg6[%get3A_1542, %get3A_1543] {strides = array<i32>} : memref<100x64xf32, #tpu.memory_space<vmem>>, vector<16xf32>,
      %add3A_1545 = arith.addf %add3A_1525, %get3A_1544 : vector<16xf32>
      %get3A_1546 = arith.constant 68 : i32
      %get3A_1547 = arith.index_cast %get3A_1546 : i32 to index
      %get3A_1548 = arith.constant 32 : index
      %get3A_1549 = tpu.vector_load %arg6[%get3A_1547, %get3A_1548] {strides = array<i32>} : memref<100x64xf32, #tpu.memory_space<vmem>>, vector<16xf32>,
      %add3A_1550 = arith.addf %add3A_1530, %get3A_1549 : vector<16xf32>
      %get3A_1551 = arith.constant 68 : i32
      %get3A_1552 = arith.index_cast %get3A_1551 : i32 to index
      %get3A_1553 = arith.constant 48 : index
      %get3A_1554 = tpu.vector_load %arg6[%get3A_1552, %get3A_1553] {strides = array<i32>} : memref<100x64xf32, #tpu.memory_space<vmem>>, vector<16xf32>,
      %add3A_1555 = arith.addf %add3A_1535, %get3A_1554 : vector<16xf32>
      %get3A_1556 = arith.constant 69 : i32
      %get3A_1557 = arith.index_cast %get3A_1556 : i32 to index
      %get3A_1558 = arith.constant 0 : index
      %get3A_1559 = tpu.vector_load %arg6[%get3A_1557, %get3A_1558] {strides = array<i32>} : memref<100x64xf32, #tpu.memory_space<vmem>>, vector<16xf32>,
      %add3A_1560 = arith.addf %add3A_1540, %get3A_1559 : vector<16xf32>
      %get3A_1561 = arith.constant 69 : i32
      %get3A_1562 = arith.index_cast %get3A_1561 : i32 to index
      %get3A_1563 = arith.constant 16 : index
      %get3A_1564 = tpu.vector_load %arg6[%get3A_1562, %get3A_1563] {strides = array<i32>} : memref<100x64xf32, #tpu.memory_space<vmem>>, vector<16xf32>,
      %add3A_1565 = arith.addf %add3A_1545, %get3A_1564 : vector<16xf32>
      %get3A_1566 = arith.constant 69 : i32
      %get3A_1567 = arith.index_cast %get3A_1566 : i32 to index
      %get3A_1568 = arith.constant 32 : index
      %get3A_1569 = tpu.vector_load %arg6[%get3A_1567, %get3A_1568] {strides = array<i32>} : memref<100x64xf32, #tpu.memory_space<vmem>>, vector<16xf32>,
      %add3A_1570 = arith.addf %add3A_1550, %get3A_1569 : vector<16xf32>
      %get3A_1571 = arith.constant 69 : i32
      %get3A_1572 = arith.index_cast %get3A_1571 : i32 to index
      %get3A_1573 = arith.constant 48 : index
      %get3A_1574 = tpu.vector_load %arg6[%get3A_1572, %get3A_1573] {strides = array<i32>} : memref<100x64xf32, #tpu.memory_space<vmem>>, vector<16xf32>,
      %add3A_1575 = arith.addf %add3A_1555, %get3A_1574 : vector<16xf32>
      %get3A_1576 = arith.constant 70 : i32
      %get3A_1577 = arith.index_cast %get3A_1576 : i32 to index
      %get3A_1578 = arith.constant 0 : index
      %get3A_1579 = tpu.vector_load %arg6[%get3A_1577, %get3A_1578] {strides = array<i32>} : memref<100x64xf32, #tpu.memory_space<vmem>>, vector<16xf32>,
      %add3A_1580 = arith.addf %add3A_1560, %get3A_1579 : vector<16xf32>
      %get3A_1581 = arith.constant 70 : i32
      %get3A_1582 = arith.index_cast %get3A_1581 : i32 to index
      %get3A_1583 = arith.constant 16 : index
      %get3A_1584 = tpu.vector_load %arg6[%get3A_1582, %get3A_1583] {strides = array<i32>} : memref<100x64xf32, #tpu.memory_space<vmem>>, vector<16xf32>,
      %add3A_1585 = arith.addf %add3A_1565, %get3A_1584 : vector<16xf32>
      %get3A_1586 = arith.constant 70 : i32
      %get3A_1587 = arith.index_cast %get3A_1586 : i32 to index
      %get3A_1588 = arith.constant 32 : index
      %get3A_1589 = tpu.vector_load %arg6[%get3A_1587, %get3A_1588] {strides = array<i32>} : memref<100x64xf32, #tpu.memory_space<vmem>>, vector<16xf32>,
      %add3A_1590 = arith.addf %add3A_1570, %get3A_1589 : vector<16xf32>
      %get3A_1591 = arith.constant 70 : i32
      %get3A_1592 = arith.index_cast %get3A_1591 : i32 to index
      %get3A_1593 = arith.constant 48 : index
      %get3A_1594 = tpu.vector_load %arg6[%get3A_1592, %get3A_1593] {strides = array<i32>} : memref<100x64xf32, #tpu.memory_space<vmem>>, vector<16xf32>,
      %add3A_1595 = arith.addf %add3A_1575, %get3A_1594 : vector<16xf32>
      %get3A_1596 = arith.constant 71 : i32
      %get3A_1597 = arith.index_cast %get3A_1596 : i32 to index
      %get3A_1598 = arith.constant 0 : index
      %get3A_1599 = tpu.vector_load %arg6[%get3A_1597, %get3A_1598] {strides = array<i32>} : memref<100x64xf32, #tpu.memory_space<vmem>>, vector<16xf32>,
      %add3A_1600 = arith.addf %add3A_1580, %get3A_1599 : vector<16xf32>
      %get3A_1601 = arith.constant 71 : i32
      %get3A_1602 = arith.index_cast %get3A_1601 : i32 to index
      %get3A_1603 = arith.constant 16 : index
      %get3A_1604 = tpu.vector_load %arg6[%get3A_1602, %get3A_1603] {strides = array<i32>} : memref<100x64xf32, #tpu.memory_space<vmem>>, vector<16xf32>,
      %add3A_1605 = arith.addf %add3A_1585, %get3A_1604 : vector<16xf32>
      %get3A_1606 = arith.constant 71 : i32
      %get3A_1607 = arith.index_cast %get3A_1606 : i32 to index
      %get3A_1608 = arith.constant 32 : index
      %get3A_1609 = tpu.vector_load %arg6[%get3A_1607, %get3A_1608] {strides = array<i32>} : memref<100x64xf32, #tpu.memory_space<vmem>>, vector<16xf32>,
      %add3A_1610 = arith.addf %add3A_1590, %get3A_1609 : vector<16xf32>
      %get3A_1611 = arith.constant 71 : i32
      %get3A_1612 = arith.index_cast %get3A_1611 : i32 to index
      %get3A_1613 = arith.constant 48 : index
      %get3A_1614 = tpu.vector_load %arg6[%get3A_1612, %get3A_1613] {strides = array<i32>} : memref<100x64xf32, #tpu.memory_space<vmem>>, vector<16xf32>,
      %add3A_1615 = arith.addf %add3A_1595, %get3A_1614 : vector<16xf32>
      %get3A_1616 = arith.constant 72 : i32
      %get3A_1617 = arith.index_cast %get3A_1616 : i32 to index
      %get3A_1618 = arith.constant 0 : index
      %get3A_1619 = tpu.vector_load %arg6[%get3A_1617, %get3A_1618] {strides = array<i32>} : memref<100x64xf32, #tpu.memory_space<vmem>>, vector<16xf32>,
      %add3A_1620 = arith.addf %add3A_1600, %get3A_1619 : vector<16xf32>
      %get3A_1621 = arith.constant 72 : i32
      %get3A_1622 = arith.index_cast %get3A_1621 : i32 to index
      %get3A_1623 = arith.constant 16 : index
      %get3A_1624 = tpu.vector_load %arg6[%get3A_1622, %get3A_1623] {strides = array<i32>} : memref<100x64xf32, #tpu.memory_space<vmem>>, vector<16xf32>,
      %add3A_1625 = arith.addf %add3A_1605, %get3A_1624 : vector<16xf32>
      %get3A_1626 = arith.constant 72 : i32
      %get3A_1627 = arith.index_cast %get3A_1626 : i32 to index
      %get3A_1628 = arith.constant 32 : index
      %get3A_1629 = tpu.vector_load %arg6[%get3A_1627, %get3A_1628] {strides = array<i32>} : memref<100x64xf32, #tpu.memory_space<vmem>>, vector<16xf32>,
      %add3A_1630 = arith.addf %add3A_1610, %get3A_1629 : vector<16xf32>
      %get3A_1631 = arith.constant 72 : i32
      %get3A_1632 = arith.index_cast %get3A_1631 : i32 to index
      %get3A_1633 = arith.constant 48 : index
      %get3A_1634 = tpu.vector_load %arg6[%get3A_1632, %get3A_1633] {strides = array<i32>} : memref<100x64xf32, #tpu.memory_space<vmem>>, vector<16xf32>,
      %add3A_1635 = arith.addf %add3A_1615, %get3A_1634 : vector<16xf32>
      %get3A_1636 = arith.constant 73 : i32
      %get3A_1637 = arith.index_cast %get3A_1636 : i32 to index
      %get3A_1638 = arith.constant 0 : index
      %get3A_1639 = tpu.vector_load %arg6[%get3A_1637, %get3A_1638] {strides = array<i32>} : memref<100x64xf32, #tpu.memory_space<vmem>>, vector<16xf32>,
      %add3A_1640 = arith.addf %add3A_1620, %get3A_1639 : vector<16xf32>
      %get3A_1641 = arith.constant 73 : i32
      %get3A_1642 = arith.index_cast %get3A_1641 : i32 to index
      %get3A_1643 = arith.constant 16 : index
      %get3A_1644 = tpu.vector_load %arg6[%get3A_1642, %get3A_1643] {strides = array<i32>} : memref<100x64xf32, #tpu.memory_space<vmem>>, vector<16xf32>,
      %add3A_1645 = arith.addf %add3A_1625, %get3A_1644 : vector<16xf32>
      %get3A_1646 = arith.constant 73 : i32
      %get3A_1647 = arith.index_cast %get3A_1646 : i32 to index
      %get3A_1648 = arith.constant 32 : index
      %get3A_1649 = tpu.vector_load %arg6[%get3A_1647, %get3A_1648] {strides = array<i32>} : memref<100x64xf32, #tpu.memory_space<vmem>>, vector<16xf32>,
      %add3A_1650 = arith.addf %add3A_1630, %get3A_1649 : vector<16xf32>
      %get3A_1651 = arith.constant 73 : i32
      %get3A_1652 = arith.index_cast %get3A_1651 : i32 to index
      %get3A_1653 = arith.constant 48 : index
      %get3A_1654 = tpu.vector_load %arg6[%get3A_1652, %get3A_1653] {strides = array<i32>} : memref<100x64xf32, #tpu.memory_space<vmem>>, vector<16xf32>,
      %add3A_1655 = arith.addf %add3A_1635, %get3A_1654 : vector<16xf32>
      %get3A_1656 = arith.constant 74 : i32
      %get3A_1657 = arith.index_cast %get3A_1656 : i32 to index
      %get3A_1658 = arith.constant 0 : index
      %get3A_1659 = tpu.vector_load %arg6[%get3A_1657, %get3A_1658] {strides = array<i32>} : memref<100x64xf32, #tpu.memory_space<vmem>>, vector<16xf32>,
      %add3A_1660 = arith.addf %add3A_1640, %get3A_1659 : vector<16xf32>
      %get3A_1661 = arith.constant 74 : i32
      %get3A_1662 = arith.index_cast %get3A_1661 : i32 to index
      %get3A_1663 = arith.constant 16 : index
      %get3A_1664 = tpu.vector_load %arg6[%get3A_1662, %get3A_1663] {strides = array<i32>} : memref<100x64xf32, #tpu.memory_space<vmem>>, vector<16xf32>,
      %add3A_1665 = arith.addf %add3A_1645, %get3A_1664 : vector<16xf32>
      %get3A_1666 = arith.constant 74 : i32
      %get3A_1667 = arith.index_cast %get3A_1666 : i32 to index
      %get3A_1668 = arith.constant 32 : index
      %get3A_1669 = tpu.vector_load %arg6[%get3A_1667, %get3A_1668] {strides = array<i32>} : memref<100x64xf32, #tpu.memory_space<vmem>>, vector<16xf32>,
      %add3A_1670 = arith.addf %add3A_1650, %get3A_1669 : vector<16xf32>
      %get3A_1671 = arith.constant 74 : i32
      %get3A_1672 = arith.index_cast %get3A_1671 : i32 to index
      %get3A_1673 = arith.constant 48 : index
      %get3A_1674 = tpu.vector_load %arg6[%get3A_1672, %get3A_1673] {strides = array<i32>} : memref<100x64xf32, #tpu.memory_space<vmem>>, vector<16xf32>,
      %add3A_1675 = arith.addf %add3A_1655, %get3A_1674 : vector<16xf32>
      %get3A_1676 = arith.constant 75 : i32
      %get3A_1677 = arith.index_cast %get3A_1676 : i32 to index
      %get3A_1678 = arith.constant 0 : index
      %get3A_1679 = tpu.vector_load %arg6[%get3A_1677, %get3A_1678] {strides = array<i32>} : memref<100x64xf32, #tpu.memory_space<vmem>>, vector<16xf32>,
      %add3A_1680 = arith.addf %add3A_1660, %get3A_1679 : vector<16xf32>
      %get3A_1681 = arith.constant 75 : i32
      %get3A_1682 = arith.index_cast %get3A_1681 : i32 to index
      %get3A_1683 = arith.constant 16 : index
      %get3A_1684 = tpu.vector_load %arg6[%get3A_1682, %get3A_1683] {strides = array<i32>} : memref<100x64xf32, #tpu.memory_space<vmem>>, vector<16xf32>,
      %add3A_1685 = arith.addf %add3A_1665, %get3A_1684 : vector<16xf32>
      %get3A_1686 = arith.constant 75 : i32
      %get3A_1687 = arith.index_cast %get3A_1686 : i32 to index
      %get3A_1688 = arith.constant 32 : index
      %get3A_1689 = tpu.vector_load %arg6[%get3A_1687, %get3A_1688] {strides = array<i32>} : memref<100x64xf32, #tpu.memory_space<vmem>>, vector<16xf32>,
      %add3A_1690 = arith.addf %add3A_1670, %get3A_1689 : vector<16xf32>
      %get3A_1691 = arith.constant 75 : i32
      %get3A_1692 = arith.index_cast %get3A_1691 : i32 to index
      %get3A_1693 = arith.constant 48 : index
      %get3A_1694 = tpu.vector_load %arg6[%get3A_1692, %get3A_1693] {strides = array<i32>} : memref<100x64xf32, #tpu.memory_space<vmem>>, vector<16xf32>,
      %add3A_1695 = arith.addf %add3A_1675, %get3A_1694 : vector<16xf32>
      %get3A_1696 = arith.constant 76 : i32
      %get3A_1697 = arith.index_cast %get3A_1696 : i32 to index
      %get3A_1698 = arith.constant 0 : index
      %get3A_1699 = tpu.vector_load %arg6[%get3A_1697, %get3A_1698] {strides = array<i32>} : memref<100x64xf32, #tpu.memory_space<vmem>>, vector<16xf32>,
      %add3A_1700 = arith.addf %add3A_1680, %get3A_1699 : vector<16xf32>
      %get3A_1701 = arith.constant 76 : i32
      %get3A_1702 = arith.index_cast %get3A_1701 : i32 to index
      %get3A_1703 = arith.constant 16 : index
      %get3A_1704 = tpu.vector_load %arg6[%get3A_1702, %get3A_1703] {strides = array<i32>} : memref<100x64xf32, #tpu.memory_space<vmem>>, vector<16xf32>,
      %add3A_1705 = arith.addf %add3A_1685, %get3A_1704 : vector<16xf32>
      %get3A_1706 = arith.constant 76 : i32
      %get3A_1707 = arith.index_cast %get3A_1706 : i32 to index
      %get3A_1708 = arith.constant 32 : index
      %get3A_1709 = tpu.vector_load %arg6[%get3A_1707, %get3A_1708] {strides = array<i32>} : memref<100x64xf32, #tpu.memory_space<vmem>>, vector<16xf32>,
      %add3A_1710 = arith.addf %add3A_1690, %get3A_1709 : vector<16xf32>
      %get3A_1711 = arith.constant 76 : i32
      %get3A_1712 = arith.index_cast %get3A_1711 : i32 to index
      %get3A_1713 = arith.constant 48 : index
      %get3A_1714 = tpu.vector_load %arg6[%get3A_1712, %get3A_1713] {strides = array<i32>} : memref<100x64xf32, #tpu.memory_space<vmem>>, vector<16xf32>,
      %add3A_1715 = arith.addf %add3A_1695, %get3A_1714 : vector<16xf32>
      %get3A_1716 = arith.constant 77 : i32
      %get3A_1717 = arith.index_cast %get3A_1716 : i32 to index
      %get3A_1718 = arith.constant 0 : index
      %get3A_1719 = tpu.vector_load %arg6[%get3A_1717, %get3A_1718] {strides = array<i32>} : memref<100x64xf32, #tpu.memory_space<vmem>>, vector<16xf32>,
      %add3A_1720 = arith.addf %add3A_1700, %get3A_1719 : vector<16xf32>
      %get3A_1721 = arith.constant 77 : i32
      %get3A_1722 = arith.index_cast %get3A_1721 : i32 to index
      %get3A_1723 = arith.constant 16 : index
      %get3A_1724 = tpu.vector_load %arg6[%get3A_1722, %get3A_1723] {strides = array<i32>} : memref<100x64xf32, #tpu.memory_space<vmem>>, vector<16xf32>,
      %add3A_1725 = arith.addf %add3A_1705, %get3A_1724 : vector<16xf32>
      %get3A_1726 = arith.constant 77 : i32
      %get3A_1727 = arith.index_cast %get3A_1726 : i32 to index
      %get3A_1728 = arith.constant 32 : index
      %get3A_1729 = tpu.vector_load %arg6[%get3A_1727, %get3A_1728] {strides = array<i32>} : memref<100x64xf32, #tpu.memory_space<vmem>>, vector<16xf32>,
      %add3A_1730 = arith.addf %add3A_1710, %get3A_1729 : vector<16xf32>
      %get3A_1731 = arith.constant 77 : i32
      %get3A_1732 = arith.index_cast %get3A_1731 : i32 to index
      %get3A_1733 = arith.constant 48 : index
      %get3A_1734 = tpu.vector_load %arg6[%get3A_1732, %get3A_1733] {strides = array<i32>} : memref<100x64xf32, #tpu.memory_space<vmem>>, vector<16xf32>,
      %add3A_1735 = arith.addf %add3A_1715, %get3A_1734 : vector<16xf32>
      %get3A_1736 = arith.constant 78 : i32
      %get3A_1737 = arith.index_cast %get3A_1736 : i32 to index
      %get3A_1738 = arith.constant 0 : index
      %get3A_1739 = tpu.vector_load %arg6[%get3A_1737, %get3A_1738] {strides = array<i32>} : memref<100x64xf32, #tpu.memory_space<vmem>>, vector<16xf32>,
      %add3A_1740 = arith.addf %add3A_1720, %get3A_1739 : vector<16xf32>
      %get3A_1741 = arith.constant 78 : i32
      %get3A_1742 = arith.index_cast %get3A_1741 : i32 to index
      %get3A_1743 = arith.constant 16 : index
      %get3A_1744 = tpu.vector_load %arg6[%get3A_1742, %get3A_1743] {strides = array<i32>} : memref<100x64xf32, #tpu.memory_space<vmem>>, vector<16xf32>,
      %add3A_1745 = arith.addf %add3A_1725, %get3A_1744 : vector<16xf32>
      %get3A_1746 = arith.constant 78 : i32
      %get3A_1747 = arith.index_cast %get3A_1746 : i32 to index
      %get3A_1748 = arith.constant 32 : index
      %get3A_1749 = tpu.vector_load %arg6[%get3A_1747, %get3A_1748] {strides = array<i32>} : memref<100x64xf32, #tpu.memory_space<vmem>>, vector<16xf32>,
      %add3A_1750 = arith.addf %add3A_1730, %get3A_1749 : vector<16xf32>
      %get3A_1751 = arith.constant 78 : i32
      %get3A_1752 = arith.index_cast %get3A_1751 : i32 to index
      %get3A_1753 = arith.constant 48 : index
      %get3A_1754 = tpu.vector_load %arg6[%get3A_1752, %get3A_1753] {strides = array<i32>} : memref<100x64xf32, #tpu.memory_space<vmem>>, vector<16xf32>,
      %add3A_1755 = arith.addf %add3A_1735, %get3A_1754 : vector<16xf32>
      %get3A_1756 = arith.constant 79 : i32
      %get3A_1757 = arith.index_cast %get3A_1756 : i32 to index
      %get3A_1758 = arith.constant 0 : index
      %get3A_1759 = tpu.vector_load %arg6[%get3A_1757, %get3A_1758] {strides = array<i32>} : memref<100x64xf32, #tpu.memory_space<vmem>>, vector<16xf32>,
      %add3A_1760 = arith.addf %add3A_1740, %get3A_1759 : vector<16xf32>
      %get3A_1761 = arith.constant 79 : i32
      %get3A_1762 = arith.index_cast %get3A_1761 : i32 to index
      %get3A_1763 = arith.constant 16 : index
      %get3A_1764 = tpu.vector_load %arg6[%get3A_1762, %get3A_1763] {strides = array<i32>} : memref<100x64xf32, #tpu.memory_space<vmem>>, vector<16xf32>,
      %add3A_1765 = arith.addf %add3A_1745, %get3A_1764 : vector<16xf32>
      %get3A_1766 = arith.constant 79 : i32
      %get3A_1767 = arith.index_cast %get3A_1766 : i32 to index
      %get3A_1768 = arith.constant 32 : index
      %get3A_1769 = tpu.vector_load %arg6[%get3A_1767, %get3A_1768] {strides = array<i32>} : memref<100x64xf32, #tpu.memory_space<vmem>>, vector<16xf32>,
      %add3A_1770 = arith.addf %add3A_1750, %get3A_1769 : vector<16xf32>
      %get3A_1771 = arith.constant 79 : i32
      %get3A_1772 = arith.index_cast %get3A_1771 : i32 to index
      %get3A_1773 = arith.constant 48 : index
      %get3A_1774 = tpu.vector_load %arg6[%get3A_1772, %get3A_1773] {strides = array<i32>} : memref<100x64xf32, #tpu.memory_space<vmem>>, vector<16xf32>,
      %add3A_1775 = arith.addf %add3A_1755, %get3A_1774 : vector<16xf32>
      %get3A_1776 = arith.constant 80 : i32
      %get3A_1777 = arith.index_cast %get3A_1776 : i32 to index
      %get3A_1778 = arith.constant 0 : index
      %get3A_1779 = tpu.vector_load %arg6[%get3A_1777, %get3A_1778] {strides = array<i32>} : memref<100x64xf32, #tpu.memory_space<vmem>>, vector<16xf32>,
      %add3A_1780 = arith.addf %add3A_1760, %get3A_1779 : vector<16xf32>
      %get3A_1781 = arith.constant 80 : i32
      %get3A_1782 = arith.index_cast %get3A_1781 : i32 to index
      %get3A_1783 = arith.constant 16 : index
      %get3A_1784 = tpu.vector_load %arg6[%get3A_1782, %get3A_1783] {strides = array<i32>} : memref<100x64xf32, #tpu.memory_space<vmem>>, vector<16xf32>,
      %add3A_1785 = arith.addf %add3A_1765, %get3A_1784 : vector<16xf32>
      %get3A_1786 = arith.constant 80 : i32
      %get3A_1787 = arith.index_cast %get3A_1786 : i32 to index
      %get3A_1788 = arith.constant 32 : index
      %get3A_1789 = tpu.vector_load %arg6[%get3A_1787, %get3A_1788] {strides = array<i32>} : memref<100x64xf32, #tpu.memory_space<vmem>>, vector<16xf32>,
      %add3A_1790 = arith.addf %add3A_1770, %get3A_1789 : vector<16xf32>
      %get3A_1791 = arith.constant 80 : i32
      %get3A_1792 = arith.index_cast %get3A_1791 : i32 to index
      %get3A_1793 = arith.constant 48 : index
      %get3A_1794 = tpu.vector_load %arg6[%get3A_1792, %get3A_1793] {strides = array<i32>} : memref<100x64xf32, #tpu.memory_space<vmem>>, vector<16xf32>,
      %add3A_1795 = arith.addf %add3A_1775, %get3A_1794 : vector<16xf32>
      %get3A_1796 = arith.constant 81 : i32
      %get3A_1797 = arith.index_cast %get3A_1796 : i32 to index
      %get3A_1798 = arith.constant 0 : index
      %get3A_1799 = tpu.vector_load %arg6[%get3A_1797, %get3A_1798] {strides = array<i32>} : memref<100x64xf32, #tpu.memory_space<vmem>>, vector<16xf32>,
      %add3A_1800 = arith.addf %add3A_1780, %get3A_1799 : vector<16xf32>
      %get3A_1801 = arith.constant 81 : i32
      %get3A_1802 = arith.index_cast %get3A_1801 : i32 to index
      %get3A_1803 = arith.constant 16 : index
      %get3A_1804 = tpu.vector_load %arg6[%get3A_1802, %get3A_1803] {strides = array<i32>} : memref<100x64xf32, #tpu.memory_space<vmem>>, vector<16xf32>,
      %add3A_1805 = arith.addf %add3A_1785, %get3A_1804 : vector<16xf32>
      %get3A_1806 = arith.constant 81 : i32
      %get3A_1807 = arith.index_cast %get3A_1806 : i32 to index
      %get3A_1808 = arith.constant 32 : index
      %get3A_1809 = tpu.vector_load %arg6[%get3A_1807, %get3A_1808] {strides = array<i32>} : memref<100x64xf32, #tpu.memory_space<vmem>>, vector<16xf32>,
      %add3A_1810 = arith.addf %add3A_1790, %get3A_1809 : vector<16xf32>
      %get3A_1811 = arith.constant 81 : i32
      %get3A_1812 = arith.index_cast %get3A_1811 : i32 to index
      %get3A_1813 = arith.constant 48 : index
      %get3A_1814 = tpu.vector_load %arg6[%get3A_1812, %get3A_1813] {strides = array<i32>} : memref<100x64xf32, #tpu.memory_space<vmem>>, vector<16xf32>,
      %add3A_1815 = arith.addf %add3A_1795, %get3A_1814 : vector<16xf32>
      %get3A_1816 = arith.constant 82 : i32
      %get3A_1817 = arith.index_cast %get3A_1816 : i32 to index
      %get3A_1818 = arith.constant 0 : index
      %get3A_1819 = tpu.vector_load %arg6[%get3A_1817, %get3A_1818] {strides = array<i32>} : memref<100x64xf32, #tpu.memory_space<vmem>>, vector<16xf32>,
      %add3A_1820 = arith.addf %add3A_1800, %get3A_1819 : vector<16xf32>
      %get3A_1821 = arith.constant 82 : i32
      %get3A_1822 = arith.index_cast %get3A_1821 : i32 to index
      %get3A_1823 = arith.constant 16 : index
      %get3A_1824 = tpu.vector_load %arg6[%get3A_1822, %get3A_1823] {strides = array<i32>} : memref<100x64xf32, #tpu.memory_space<vmem>>, vector<16xf32>,
      %add3A_1825 = arith.addf %add3A_1805, %get3A_1824 : vector<16xf32>
      %get3A_1826 = arith.constant 82 : i32
      %get3A_1827 = arith.index_cast %get3A_1826 : i32 to index
      %get3A_1828 = arith.constant 32 : index
      %get3A_1829 = tpu.vector_load %arg6[%get3A_1827, %get3A_1828] {strides = array<i32>} : memref<100x64xf32, #tpu.memory_space<vmem>>, vector<16xf32>,
      %add3A_1830 = arith.addf %add3A_1810, %get3A_1829 : vector<16xf32>
      %get3A_1831 = arith.constant 82 : i32
      %get3A_1832 = arith.index_cast %get3A_1831 : i32 to index
      %get3A_1833 = arith.constant 48 : index
      %get3A_1834 = tpu.vector_load %arg6[%get3A_1832, %get3A_1833] {strides = array<i32>} : memref<100x64xf32, #tpu.memory_space<vmem>>, vector<16xf32>,
      %add3A_1835 = arith.addf %add3A_1815, %get3A_1834 : vector<16xf32>
      %get3A_1836 = arith.constant 83 : i32
      %get3A_1837 = arith.index_cast %get3A_1836 : i32 to index
      %get3A_1838 = arith.constant 0 : index
      %get3A_1839 = tpu.vector_load %arg6[%get3A_1837, %get3A_1838] {strides = array<i32>} : memref<100x64xf32, #tpu.memory_space<vmem>>, vector<16xf32>,
      %add3A_1840 = arith.addf %add3A_1820, %get3A_1839 : vector<16xf32>
      %get3A_1841 = arith.constant 83 : i32
      %get3A_1842 = arith.index_cast %get3A_1841 : i32 to index
      %get3A_1843 = arith.constant 16 : index
      %get3A_1844 = tpu.vector_load %arg6[%get3A_1842, %get3A_1843] {strides = array<i32>} : memref<100x64xf32, #tpu.memory_space<vmem>>, vector<16xf32>,
      %add3A_1845 = arith.addf %add3A_1825, %get3A_1844 : vector<16xf32>
      %get3A_1846 = arith.constant 83 : i32
      %get3A_1847 = arith.index_cast %get3A_1846 : i32 to index
      %get3A_1848 = arith.constant 32 : index
      %get3A_1849 = tpu.vector_load %arg6[%get3A_1847, %get3A_1848] {strides = array<i32>} : memref<100x64xf32, #tpu.memory_space<vmem>>, vector<16xf32>,
      %add3A_1850 = arith.addf %add3A_1830, %get3A_1849 : vector<16xf32>
      %get3A_1851 = arith.constant 83 : i32
      %get3A_1852 = arith.index_cast %get3A_1851 : i32 to index
      %get3A_1853 = arith.constant 48 : index
      %get3A_1854 = tpu.vector_load %arg6[%get3A_1852, %get3A_1853] {strides = array<i32>} : memref<100x64xf32, #tpu.memory_space<vmem>>, vector<16xf32>,
      %add3A_1855 = arith.addf %add3A_1835, %get3A_1854 : vector<16xf32>
      %get3A_1856 = arith.constant 84 : i32
      %get3A_1857 = arith.index_cast %get3A_1856 : i32 to index
      %get3A_1858 = arith.constant 0 : index
      %get3A_1859 = tpu.vector_load %arg6[%get3A_1857, %get3A_1858] {strides = array<i32>} : memref<100x64xf32, #tpu.memory_space<vmem>>, vector<16xf32>,
      %add3A_1860 = arith.addf %add3A_1840, %get3A_1859 : vector<16xf32>
      %get3A_1861 = arith.constant 84 : i32
      %get3A_1862 = arith.index_cast %get3A_1861 : i32 to index
      %get3A_1863 = arith.constant 16 : index
      %get3A_1864 = tpu.vector_load %arg6[%get3A_1862, %get3A_1863] {strides = array<i32>} : memref<100x64xf32, #tpu.memory_space<vmem>>, vector<16xf32>,
      %add3A_1865 = arith.addf %add3A_1845, %get3A_1864 : vector<16xf32>
      %get3A_1866 = arith.constant 84 : i32
      %get3A_1867 = arith.index_cast %get3A_1866 : i32 to index
      %get3A_1868 = arith.constant 32 : index
      %get3A_1869 = tpu.vector_load %arg6[%get3A_1867, %get3A_1868] {strides = array<i32>} : memref<100x64xf32, #tpu.memory_space<vmem>>, vector<16xf32>,
      %add3A_1870 = arith.addf %add3A_1850, %get3A_1869 : vector<16xf32>
      %get3A_1871 = arith.constant 84 : i32
      %get3A_1872 = arith.index_cast %get3A_1871 : i32 to index
      %get3A_1873 = arith.constant 48 : index
      %get3A_1874 = tpu.vector_load %arg6[%get3A_1872, %get3A_1873] {strides = array<i32>} : memref<100x64xf32, #tpu.memory_space<vmem>>, vector<16xf32>,
      %add3A_1875 = arith.addf %add3A_1855, %get3A_1874 : vector<16xf32>
      %get3A_1876 = arith.constant 85 : i32
      %get3A_1877 = arith.index_cast %get3A_1876 : i32 to index
      %get3A_1878 = arith.constant 0 : index
      %get3A_1879 = tpu.vector_load %arg6[%get3A_1877, %get3A_1878] {strides = array<i32>} : memref<100x64xf32, #tpu.memory_space<vmem>>, vector<16xf32>,
      %add3A_1880 = arith.addf %add3A_1860, %get3A_1879 : vector<16xf32>
      %get3A_1881 = arith.constant 85 : i32
      %get3A_1882 = arith.index_cast %get3A_1881 : i32 to index
      %get3A_1883 = arith.constant 16 : index
      %get3A_1884 = tpu.vector_load %arg6[%get3A_1882, %get3A_1883] {strides = array<i32>} : memref<100x64xf32, #tpu.memory_space<vmem>>, vector<16xf32>,
      %add3A_1885 = arith.addf %add3A_1865, %get3A_1884 : vector<16xf32>
      %get3A_1886 = arith.constant 85 : i32
      %get3A_1887 = arith.index_cast %get3A_1886 : i32 to index
      %get3A_1888 = arith.constant 32 : index
      %get3A_1889 = tpu.vector_load %arg6[%get3A_1887, %get3A_1888] {strides = array<i32>} : memref<100x64xf32, #tpu.memory_space<vmem>>, vector<16xf32>,
      %add3A_1890 = arith.addf %add3A_1870, %get3A_1889 : vector<16xf32>
      %get3A_1891 = arith.constant 85 : i32
      %get3A_1892 = arith.index_cast %get3A_1891 : i32 to index
      %get3A_1893 = arith.constant 48 : index
      %get3A_1894 = tpu.vector_load %arg6[%get3A_1892, %get3A_1893] {strides = array<i32>} : memref<100x64xf32, #tpu.memory_space<vmem>>, vector<16xf32>,
      %add3A_1895 = arith.addf %add3A_1875, %get3A_1894 : vector<16xf32>
      %get3A_1896 = arith.constant 86 : i32
      %get3A_1897 = arith.index_cast %get3A_1896 : i32 to index
      %get3A_1898 = arith.constant 0 : index
      %get3A_1899 = tpu.vector_load %arg6[%get3A_1897, %get3A_1898] {strides = array<i32>} : memref<100x64xf32, #tpu.memory_space<vmem>>, vector<16xf32>,
      %add3A_1900 = arith.addf %add3A_1880, %get3A_1899 : vector<16xf32>
      %get3A_1901 = arith.constant 86 : i32
      %get3A_1902 = arith.index_cast %get3A_1901 : i32 to index
      %get3A_1903 = arith.constant 16 : index
      %get3A_1904 = tpu.vector_load %arg6[%get3A_1902, %get3A_1903] {strides = array<i32>} : memref<100x64xf32, #tpu.memory_space<vmem>>, vector<16xf32>,
      %add3A_1905 = arith.addf %add3A_1885, %get3A_1904 : vector<16xf32>
      %get3A_1906 = arith.constant 86 : i32
      %get3A_1907 = arith.index_cast %get3A_1906 : i32 to index
      %get3A_1908 = arith.constant 32 : index
      %get3A_1909 = tpu.vector_load %arg6[%get3A_1907, %get3A_1908] {strides = array<i32>} : memref<100x64xf32, #tpu.memory_space<vmem>>, vector<16xf32>,
      %add3A_1910 = arith.addf %add3A_1890, %get3A_1909 : vector<16xf32>
      %get3A_1911 = arith.constant 86 : i32
      %get3A_1912 = arith.index_cast %get3A_1911 : i32 to index
      %get3A_1913 = arith.constant 48 : index
      %get3A_1914 = tpu.vector_load %arg6[%get3A_1912, %get3A_1913] {strides = array<i32>} : memref<100x64xf32, #tpu.memory_space<vmem>>, vector<16xf32>,
      %add3A_1915 = arith.addf %add3A_1895, %get3A_1914 : vector<16xf32>
      %get3A_1916 = arith.constant 87 : i32
      %get3A_1917 = arith.index_cast %get3A_1916 : i32 to index
      %get3A_1918 = arith.constant 0 : index
      %get3A_1919 = tpu.vector_load %arg6[%get3A_1917, %get3A_1918] {strides = array<i32>} : memref<100x64xf32, #tpu.memory_space<vmem>>, vector<16xf32>,
      %add3A_1920 = arith.addf %add3A_1900, %get3A_1919 : vector<16xf32>
      %get3A_1921 = arith.constant 87 : i32
      %get3A_1922 = arith.index_cast %get3A_1921 : i32 to index
      %get3A_1923 = arith.constant 16 : index
      %get3A_1924 = tpu.vector_load %arg6[%get3A_1922, %get3A_1923] {strides = array<i32>} : memref<100x64xf32, #tpu.memory_space<vmem>>, vector<16xf32>,
      %add3A_1925 = arith.addf %add3A_1905, %get3A_1924 : vector<16xf32>
      %get3A_1926 = arith.constant 87 : i32
      %get3A_1927 = arith.index_cast %get3A_1926 : i32 to index
      %get3A_1928 = arith.constant 32 : index
      %get3A_1929 = tpu.vector_load %arg6[%get3A_1927, %get3A_1928] {strides = array<i32>} : memref<100x64xf32, #tpu.memory_space<vmem>>, vector<16xf32>,
      %add3A_1930 = arith.addf %add3A_1910, %get3A_1929 : vector<16xf32>
      %get3A_1931 = arith.constant 87 : i32
      %get3A_1932 = arith.index_cast %get3A_1931 : i32 to index
      %get3A_1933 = arith.constant 48 : index
      %get3A_1934 = tpu.vector_load %arg6[%get3A_1932, %get3A_1933] {strides = array<i32>} : memref<100x64xf32, #tpu.memory_space<vmem>>, vector<16xf32>,
      %add3A_1935 = arith.addf %add3A_1915, %get3A_1934 : vector<16xf32>
      %get3A_1936 = arith.constant 88 : i32
      %get3A_1937 = arith.index_cast %get3A_1936 : i32 to index
      %get3A_1938 = arith.constant 0 : index
      %get3A_1939 = tpu.vector_load %arg6[%get3A_1937, %get3A_1938] {strides = array<i32>} : memref<100x64xf32, #tpu.memory_space<vmem>>, vector<16xf32>,
      %add3A_1940 = arith.addf %add3A_1920, %get3A_1939 : vector<16xf32>
      %get3A_1941 = arith.constant 88 : i32
      %get3A_1942 = arith.index_cast %get3A_1941 : i32 to index
      %get3A_1943 = arith.constant 16 : index
      %get3A_1944 = tpu.vector_load %arg6[%get3A_1942, %get3A_1943] {strides = array<i32>} : memref<100x64xf32, #tpu.memory_space<vmem>>, vector<16xf32>,
      %add3A_1945 = arith.addf %add3A_1925, %get3A_1944 : vector<16xf32>
      %get3A_1946 = arith.constant 88 : i32
      %get3A_1947 = arith.index_cast %get3A_1946 : i32 to index
      %get3A_1948 = arith.constant 32 : index
      %get3A_1949 = tpu.vector_load %arg6[%get3A_1947, %get3A_1948] {strides = array<i32>} : memref<100x64xf32, #tpu.memory_space<vmem>>, vector<16xf32>,
      %add3A_1950 = arith.addf %add3A_1930, %get3A_1949 : vector<16xf32>
      %get3A_1951 = arith.constant 88 : i32
      %get3A_1952 = arith.index_cast %get3A_1951 : i32 to index
      %get3A_1953 = arith.constant 48 : index
      %get3A_1954 = tpu.vector_load %arg6[%get3A_1952, %get3A_1953] {strides = array<i32>} : memref<100x64xf32, #tpu.memory_space<vmem>>, vector<16xf32>,
      %add3A_1955 = arith.addf %add3A_1935, %get3A_1954 : vector<16xf32>
      %get3A_1956 = arith.constant 89 : i32
      %get3A_1957 = arith.index_cast %get3A_1956 : i32 to index
      %get3A_1958 = arith.constant 0 : index
      %get3A_1959 = tpu.vector_load %arg6[%get3A_1957, %get3A_1958] {strides = array<i32>} : memref<100x64xf32, #tpu.memory_space<vmem>>, vector<16xf32>,
      %add3A_1960 = arith.addf %add3A_1940, %get3A_1959 : vector<16xf32>
      %get3A_1961 = arith.constant 89 : i32
      %get3A_1962 = arith.index_cast %get3A_1961 : i32 to index
      %get3A_1963 = arith.constant 16 : index
      %get3A_1964 = tpu.vector_load %arg6[%get3A_1962, %get3A_1963] {strides = array<i32>} : memref<100x64xf32, #tpu.memory_space<vmem>>, vector<16xf32>,
      %add3A_1965 = arith.addf %add3A_1945, %get3A_1964 : vector<16xf32>
      %get3A_1966 = arith.constant 89 : i32
      %get3A_1967 = arith.index_cast %get3A_1966 : i32 to index
      %get3A_1968 = arith.constant 32 : index
      %get3A_1969 = tpu.vector_load %arg6[%get3A_1967, %get3A_1968] {strides = array<i32>} : memref<100x64xf32, #tpu.memory_space<vmem>>, vector<16xf32>,
      %add3A_1970 = arith.addf %add3A_1950, %get3A_1969 : vector<16xf32>
      %get3A_1971 = arith.constant 89 : i32
      %get3A_1972 = arith.index_cast %get3A_1971 : i32 to index
      %get3A_1973 = arith.constant 48 : index
      %get3A_1974 = tpu.vector_load %arg6[%get3A_1972, %get3A_1973] {strides = array<i32>} : memref<100x64xf32, #tpu.memory_space<vmem>>, vector<16xf32>,
      %add3A_1975 = arith.addf %add3A_1955, %get3A_1974 : vector<16xf32>
      %get3A_1976 = arith.constant 90 : i32
      %get3A_1977 = arith.index_cast %get3A_1976 : i32 to index
      %get3A_1978 = arith.constant 0 : index
      %get3A_1979 = tpu.vector_load %arg6[%get3A_1977, %get3A_1978] {strides = array<i32>} : memref<100x64xf32, #tpu.memory_space<vmem>>, vector<16xf32>,
      %add3A_1980 = arith.addf %add3A_1960, %get3A_1979 : vector<16xf32>
      %get3A_1981 = arith.constant 90 : i32
      %get3A_1982 = arith.index_cast %get3A_1981 : i32 to index
      %get3A_1983 = arith.constant 16 : index
      %get3A_1984 = tpu.vector_load %arg6[%get3A_1982, %get3A_1983] {strides = array<i32>} : memref<100x64xf32, #tpu.memory_space<vmem>>, vector<16xf32>,
      %add3A_1985 = arith.addf %add3A_1965, %get3A_1984 : vector<16xf32>
      %get3A_1986 = arith.constant 90 : i32
      %get3A_1987 = arith.index_cast %get3A_1986 : i32 to index
      %get3A_1988 = arith.constant 32 : index
      %get3A_1989 = tpu.vector_load %arg6[%get3A_1987, %get3A_1988] {strides = array<i32>} : memref<100x64xf32, #tpu.memory_space<vmem>>, vector<16xf32>,
      %add3A_1990 = arith.addf %add3A_1970, %get3A_1989 : vector<16xf32>
      %get3A_1991 = arith.constant 90 : i32
      %get3A_1992 = arith.index_cast %get3A_1991 : i32 to index
      %get3A_1993 = arith.constant 48 : index
      %get3A_1994 = tpu.vector_load %arg6[%get3A_1992, %get3A_1993] {strides = array<i32>} : memref<100x64xf32, #tpu.memory_space<vmem>>, vector<16xf32>,
      %add3A_1995 = arith.addf %add3A_1975, %get3A_1994 : vector<16xf32>
      %get3A_1996 = arith.constant 91 : i32
      %get3A_1997 = arith.index_cast %get3A_1996 : i32 to index
      %get3A_1998 = arith.constant 0 : index
      %get3A_1999 = tpu.vector_load %arg6[%get3A_1997, %get3A_1998] {strides = array<i32>} : memref<100x64xf32, #tpu.memory_space<vmem>>, vector<16xf32>,
      %add3A_2000 = arith.addf %add3A_1980, %get3A_1999 : vector<16xf32>
      %get3A_2001 = arith.constant 91 : i32
      %get3A_2002 = arith.index_cast %get3A_2001 : i32 to index
      %get3A_2003 = arith.constant 16 : index
      %get3A_2004 = tpu.vector_load %arg6[%get3A_2002, %get3A_2003] {strides = array<i32>} : memref<100x64xf32, #tpu.memory_space<vmem>>, vector<16xf32>,
      %add3A_2005 = arith.addf %add3A_1985, %get3A_2004 : vector<16xf32>
      %get3A_2006 = arith.constant 91 : i32
      %get3A_2007 = arith.index_cast %get3A_2006 : i32 to index
      %get3A_2008 = arith.constant 32 : index
      %get3A_2009 = tpu.vector_load %arg6[%get3A_2007, %get3A_2008] {strides = array<i32>} : memref<100x64xf32, #tpu.memory_space<vmem>>, vector<16xf32>,
      %add3A_2010 = arith.addf %add3A_1990, %get3A_2009 : vector<16xf32>
      %get3A_2011 = arith.constant 91 : i32
      %get3A_2012 = arith.index_cast %get3A_2011 : i32 to index
      %get3A_2013 = arith.constant 48 : index
      %get3A_2014 = tpu.vector_load %arg6[%get3A_2012, %get3A_2013] {strides = array<i32>} : memref<100x64xf32, #tpu.memory_space<vmem>>, vector<16xf32>,
      %add3A_2015 = arith.addf %add3A_1995, %get3A_2014 : vector<16xf32>
      %get3A_2016 = arith.constant 92 : i32
      %get3A_2017 = arith.index_cast %get3A_2016 : i32 to index
      %get3A_2018 = arith.constant 0 : index
      %get3A_2019 = tpu.vector_load %arg6[%get3A_2017, %get3A_2018] {strides = array<i32>} : memref<100x64xf32, #tpu.memory_space<vmem>>, vector<16xf32>,
      %add3A_2020 = arith.addf %add3A_2000, %get3A_2019 : vector<16xf32>
      %get3A_2021 = arith.constant 92 : i32
      %get3A_2022 = arith.index_cast %get3A_2021 : i32 to index
      %get3A_2023 = arith.constant 16 : index
      %get3A_2024 = tpu.vector_load %arg6[%get3A_2022, %get3A_2023] {strides = array<i32>} : memref<100x64xf32, #tpu.memory_space<vmem>>, vector<16xf32>,
      %add3A_2025 = arith.addf %add3A_2005, %get3A_2024 : vector<16xf32>
      %get3A_2026 = arith.constant 92 : i32
      %get3A_2027 = arith.index_cast %get3A_2026 : i32 to index
      %get3A_2028 = arith.constant 32 : index
      %get3A_2029 = tpu.vector_load %arg6[%get3A_2027, %get3A_2028] {strides = array<i32>} : memref<100x64xf32, #tpu.memory_space<vmem>>, vector<16xf32>,
      %add3A_2030 = arith.addf %add3A_2010, %get3A_2029 : vector<16xf32>
      %get3A_2031 = arith.constant 92 : i32
      %get3A_2032 = arith.index_cast %get3A_2031 : i32 to index
      %get3A_2033 = arith.constant 48 : index
      %get3A_2034 = tpu.vector_load %arg6[%get3A_2032, %get3A_2033] {strides = array<i32>} : memref<100x64xf32, #tpu.memory_space<vmem>>, vector<16xf32>,
      %add3A_2035 = arith.addf %add3A_2015, %get3A_2034 : vector<16xf32>
      %get3A_2036 = arith.constant 93 : i32
      %get3A_2037 = arith.index_cast %get3A_2036 : i32 to index
      %get3A_2038 = arith.constant 0 : index
      %get3A_2039 = tpu.vector_load %arg6[%get3A_2037, %get3A_2038] {strides = array<i32>} : memref<100x64xf32, #tpu.memory_space<vmem>>, vector<16xf32>,
      %add3A_2040 = arith.addf %add3A_2020, %get3A_2039 : vector<16xf32>
      %get3A_2041 = arith.constant 93 : i32
      %get3A_2042 = arith.index_cast %get3A_2041 : i32 to index
      %get3A_2043 = arith.constant 16 : index
      %get3A_2044 = tpu.vector_load %arg6[%get3A_2042, %get3A_2043] {strides = array<i32>} : memref<100x64xf32, #tpu.memory_space<vmem>>, vector<16xf32>,
      %add3A_2045 = arith.addf %add3A_2025, %get3A_2044 : vector<16xf32>
      %get3A_2046 = arith.constant 93 : i32
      %get3A_2047 = arith.index_cast %get3A_2046 : i32 to index
      %get3A_2048 = arith.constant 32 : index
      %get3A_2049 = tpu.vector_load %arg6[%get3A_2047, %get3A_2048] {strides = array<i32>} : memref<100x64xf32, #tpu.memory_space<vmem>>, vector<16xf32>,
      %add3A_2050 = arith.addf %add3A_2030, %get3A_2049 : vector<16xf32>
      %get3A_2051 = arith.constant 93 : i32
      %get3A_2052 = arith.index_cast %get3A_2051 : i32 to index
      %get3A_2053 = arith.constant 48 : index
      %get3A_2054 = tpu.vector_load %arg6[%get3A_2052, %get3A_2053] {strides = array<i32>} : memref<100x64xf32, #tpu.memory_space<vmem>>, vector<16xf32>,
      %add3A_2055 = arith.addf %add3A_2035, %get3A_2054 : vector<16xf32>
      %get3A_2056 = arith.constant 94 : i32
      %get3A_2057 = arith.index_cast %get3A_2056 : i32 to index
      %get3A_2058 = arith.constant 0 : index
      %get3A_2059 = tpu.vector_load %arg6[%get3A_2057, %get3A_2058] {strides = array<i32>} : memref<100x64xf32, #tpu.memory_space<vmem>>, vector<16xf32>,
      %add3A_2060 = arith.addf %add3A_2040, %get3A_2059 : vector<16xf32>
      %get3A_2061 = arith.constant 94 : i32
      %get3A_2062 = arith.index_cast %get3A_2061 : i32 to index
      %get3A_2063 = arith.constant 16 : index
      %get3A_2064 = tpu.vector_load %arg6[%get3A_2062, %get3A_2063] {strides = array<i32>} : memref<100x64xf32, #tpu.memory_space<vmem>>, vector<16xf32>,
      %add3A_2065 = arith.addf %add3A_2045, %get3A_2064 : vector<16xf32>
      %get3A_2066 = arith.constant 94 : i32
      %get3A_2067 = arith.index_cast %get3A_2066 : i32 to index
      %get3A_2068 = arith.constant 32 : index
      %get3A_2069 = tpu.vector_load %arg6[%get3A_2067, %get3A_2068] {strides = array<i32>} : memref<100x64xf32, #tpu.memory_space<vmem>>, vector<16xf32>,
      %add3A_2070 = arith.addf %add3A_2050, %get3A_2069 : vector<16xf32>
      %get3A_2071 = arith.constant 94 : i32
      %get3A_2072 = arith.index_cast %get3A_2071 : i32 to index
      %get3A_2073 = arith.constant 48 : index
      %get3A_2074 = tpu.vector_load %arg6[%get3A_2072, %get3A_2073] {strides = array<i32>} : memref<100x64xf32, #tpu.memory_space<vmem>>, vector<16xf32>,
      %add3A_2075 = arith.addf %add3A_2055, %get3A_2074 : vector<16xf32>
      %get3A_2076 = arith.constant 95 : i32
      %get3A_2077 = arith.index_cast %get3A_2076 : i32 to index
      %get3A_2078 = arith.constant 0 : index
      %get3A_2079 = tpu.vector_load %arg6[%get3A_2077, %get3A_2078] {strides = array<i32>} : memref<100x64xf32, #tpu.memory_space<vmem>>, vector<16xf32>,
      %add3A_2080 = arith.addf %add3A_2060, %get3A_2079 : vector<16xf32>
      %get3A_2081 = arith.constant 95 : i32
      %get3A_2082 = arith.index_cast %get3A_2081 : i32 to index
      %get3A_2083 = arith.constant 16 : index
      %get3A_2084 = tpu.vector_load %arg6[%get3A_2082, %get3A_2083] {strides = array<i32>} : memref<100x64xf32, #tpu.memory_space<vmem>>, vector<16xf32>,
      %add3A_2085 = arith.addf %add3A_2065, %get3A_2084 : vector<16xf32>
      %get3A_2086 = arith.constant 95 : i32
      %get3A_2087 = arith.index_cast %get3A_2086 : i32 to index
      %get3A_2088 = arith.constant 32 : index
      %get3A_2089 = tpu.vector_load %arg6[%get3A_2087, %get3A_2088] {strides = array<i32>} : memref<100x64xf32, #tpu.memory_space<vmem>>, vector<16xf32>,
      %add3A_2090 = arith.addf %add3A_2070, %get3A_2089 : vector<16xf32>
      %get3A_2091 = arith.constant 95 : i32
      %get3A_2092 = arith.index_cast %get3A_2091 : i32 to index
      %get3A_2093 = arith.constant 48 : index
      %get3A_2094 = tpu.vector_load %arg6[%get3A_2092, %get3A_2093] {strides = array<i32>} : memref<100x64xf32, #tpu.memory_space<vmem>>, vector<16xf32>,
      %add3A_2095 = arith.addf %add3A_2075, %get3A_2094 : vector<16xf32>
      %get3A_2096 = arith.constant 96 : i32
      %get3A_2097 = arith.index_cast %get3A_2096 : i32 to index
      %get3A_2098 = arith.constant 0 : index
      %get3A_2099 = tpu.vector_load %arg6[%get3A_2097, %get3A_2098] {strides = array<i32>} : memref<100x64xf32, #tpu.memory_space<vmem>>, vector<16xf32>,
      %add3A_2100 = arith.addf %add3A_2080, %get3A_2099 : vector<16xf32>
      %get3A_2101 = arith.constant 96 : i32
      %get3A_2102 = arith.index_cast %get3A_2101 : i32 to index
      %get3A_2103 = arith.constant 16 : index
      %get3A_2104 = tpu.vector_load %arg6[%get3A_2102, %get3A_2103] {strides = array<i32>} : memref<100x64xf32, #tpu.memory_space<vmem>>, vector<16xf32>,
      %add3A_2105 = arith.addf %add3A_2085, %get3A_2104 : vector<16xf32>
      %get3A_2106 = arith.constant 96 : i32
      %get3A_2107 = arith.index_cast %get3A_2106 : i32 to index
      %get3A_2108 = arith.constant 32 : index
      %get3A_2109 = tpu.vector_load %arg6[%get3A_2107, %get3A_2108] {strides = array<i32>} : memref<100x64xf32, #tpu.memory_space<vmem>>, vector<16xf32>,
      %add3A_2110 = arith.addf %add3A_2090, %get3A_2109 : vector<16xf32>
      %get3A_2111 = arith.constant 96 : i32
      %get3A_2112 = arith.index_cast %get3A_2111 : i32 to index
      %get3A_2113 = arith.constant 48 : index
      %get3A_2114 = tpu.vector_load %arg6[%get3A_2112, %get3A_2113] {strides = array<i32>} : memref<100x64xf32, #tpu.memory_space<vmem>>, vector<16xf32>,
      %add3A_2115 = arith.addf %add3A_2095, %get3A_2114 : vector<16xf32>
      %get3A_2116 = arith.constant 97 : i32
      %get3A_2117 = arith.index_cast %get3A_2116 : i32 to index
      %get3A_2118 = arith.constant 0 : index
      %get3A_2119 = tpu.vector_load %arg6[%get3A_2117, %get3A_2118] {strides = array<i32>} : memref<100x64xf32, #tpu.memory_space<vmem>>, vector<16xf32>,
      %add3A_2120 = arith.addf %add3A_2100, %get3A_2119 : vector<16xf32>
      %get3A_2121 = arith.constant 97 : i32
      %get3A_2122 = arith.index_cast %get3A_2121 : i32 to index
      %get3A_2123 = arith.constant 16 : index
      %get3A_2124 = tpu.vector_load %arg6[%get3A_2122, %get3A_2123] {strides = array<i32>} : memref<100x64xf32, #tpu.memory_space<vmem>>, vector<16xf32>,
      %add3A_2125 = arith.addf %add3A_2105, %get3A_2124 : vector<16xf32>
      %get3A_2126 = arith.constant 97 : i32
      %get3A_2127 = arith.index_cast %get3A_2126 : i32 to index
      %get3A_2128 = arith.constant 32 : index
      %get3A_2129 = tpu.vector_load %arg6[%get3A_2127, %get3A_2128] {strides = array<i32>} : memref<100x64xf32, #tpu.memory_space<vmem>>, vector<16xf32>,
      %add3A_2130 = arith.addf %add3A_2110, %get3A_2129 : vector<16xf32>
      %get3A_2131 = arith.constant 97 : i32
      %get3A_2132 = arith.index_cast %get3A_2131 : i32 to index
      %get3A_2133 = arith.constant 48 : index
      %get3A_2134 = tpu.vector_load %arg6[%get3A_2132, %get3A_2133] {strides = array<i32>} : memref<100x64xf32, #tpu.memory_space<vmem>>, vector<16xf32>,
      %add3A_2135 = arith.addf %add3A_2115, %get3A_2134 : vector<16xf32>
      %get3A_2136 = arith.constant 98 : i32
      %get3A_2137 = arith.index_cast %get3A_2136 : i32 to index
      %get3A_2138 = arith.constant 0 : index
      %get3A_2139 = tpu.vector_load %arg6[%get3A_2137, %get3A_2138] {strides = array<i32>} : memref<100x64xf32, #tpu.memory_space<vmem>>, vector<16xf32>,
      %add3A_2140 = arith.addf %add3A_2120, %get3A_2139 : vector<16xf32>
      %get3A_2141 = arith.constant 98 : i32
      %get3A_2142 = arith.index_cast %get3A_2141 : i32 to index
      %get3A_2143 = arith.constant 16 : index
      %get3A_2144 = tpu.vector_load %arg6[%get3A_2142, %get3A_2143] {strides = array<i32>} : memref<100x64xf32, #tpu.memory_space<vmem>>, vector<16xf32>,
      %add3A_2145 = arith.addf %add3A_2125, %get3A_2144 : vector<16xf32>
      %get3A_2146 = arith.constant 98 : i32
      %get3A_2147 = arith.index_cast %get3A_2146 : i32 to index
      %get3A_2148 = arith.constant 32 : index
      %get3A_2149 = tpu.vector_load %arg6[%get3A_2147, %get3A_2148] {strides = array<i32>} : memref<100x64xf32, #tpu.memory_space<vmem>>, vector<16xf32>,
      %add3A_2150 = arith.addf %add3A_2130, %get3A_2149 : vector<16xf32>
      %get3A_2151 = arith.constant 98 : i32
      %get3A_2152 = arith.index_cast %get3A_2151 : i32 to index
      %get3A_2153 = arith.constant 48 : index
      %get3A_2154 = tpu.vector_load %arg6[%get3A_2152, %get3A_2153] {strides = array<i32>} : memref<100x64xf32, #tpu.memory_space<vmem>>, vector<16xf32>,
      %add3A_2155 = arith.addf %add3A_2135, %get3A_2154 : vector<16xf32>
      %get3A_2156 = arith.constant 99 : i32
      %get3A_2157 = arith.index_cast %get3A_2156 : i32 to index
      %get3A_2158 = arith.constant 0 : index
      %get3A_2159 = tpu.vector_load %arg6[%get3A_2157, %get3A_2158] {strides = array<i32>} : memref<100x64xf32, #tpu.memory_space<vmem>>, vector<16xf32>,
      %add3A_2160 = arith.addf %add3A_2140, %get3A_2159 : vector<16xf32>
      %get3A_2161 = arith.constant 99 : i32
      %get3A_2162 = arith.index_cast %get3A_2161 : i32 to index
      %get3A_2163 = arith.constant 16 : index
      %get3A_2164 = tpu.vector_load %arg6[%get3A_2162, %get3A_2163] {strides = array<i32>} : memref<100x64xf32, #tpu.memory_space<vmem>>, vector<16xf32>,
      %add3A_2165 = arith.addf %add3A_2145, %get3A_2164 : vector<16xf32>
      %get3A_2166 = arith.constant 99 : i32
      %get3A_2167 = arith.index_cast %get3A_2166 : i32 to index
      %get3A_2168 = arith.constant 32 : index
      %get3A_2169 = tpu.vector_load %arg6[%get3A_2167, %get3A_2168] {strides = array<i32>} : memref<100x64xf32, #tpu.memory_space<vmem>>, vector<16xf32>,
      %add3A_2170 = arith.addf %add3A_2150, %get3A_2169 : vector<16xf32>
      %get3A_2171 = arith.constant 99 : i32
      %get3A_2172 = arith.index_cast %get3A_2171 : i32 to index
      %get3A_2173 = arith.constant 48 : index
      %get3A_2174 = tpu.vector_load %arg6[%get3A_2172, %get3A_2173] {strides = array<i32>} : memref<100x64xf32, #tpu.memory_space<vmem>>, vector<16xf32>,
      %add3A_2175 = arith.addf %add3A_2155, %get3A_2174 : vector<16xf32>
      %mul3A_2176 = arith.mulf %get3A_5, %convert_element_type3A_118 : vector<16xf32>
      %sub3A_2177 = arith.subf %add3A_2160, %mul3A_2176 : vector<16xf32>
      %mul3A_2178 = vector.broadcast %scan3A : f32 to vector<16xf32>
      %mul3A_2179 = arith.mulf %sub3A_2177, %mul3A_2178 : vector<16xf32>
      %mul3A_2180 = arith.constant 2 : i32
      %mul3A_2181 = arith.muli %mul3A_31, %mul3A_2180 : i32
      %add3A_2182 = arith.constant 1 : i32
      %add3A_2183 = arith.addi %mul3A_2181, %add3A_2182 : i32
      %swap3A_2184 = arith.index_cast %add3A_2183 : i32 to index
      %swap3A_2185 = arith.constant 0 : index
      %swap3A_2186 = tpu.vector_load %arg9[%swap3A_2184, %swap3A_2185] {strides = array<i32>} : memref<128x64xf32, #tpu.memory_space<vmem>>, vector<16xf32>,
      tpu.vector_store %arg9[%swap3A_2184, %swap3A_2185], %mul3A_2179 {strides = array<i32>} : memref<128x64xf32, #tpu.memory_space<vmem>>, vector<16xf32>,
      %mul3A_2187 = arith.mulf %get3A_9, %convert_element_type3A_118 : vector<16xf32>
      %sub3A_2188 = arith.subf %add3A_2165, %mul3A_2187 : vector<16xf32>
      %mul3A_2189 = vector.broadcast %scan3A : f32 to vector<16xf32>
      %mul3A_2190 = arith.mulf %sub3A_2188, %mul3A_2189 : vector<16xf32>
      %mul3A_2191 = arith.constant 2 : i32
      %mul3A_2192 = arith.muli %mul3A_31, %mul3A_2191 : i32
      %add3A_2193 = arith.constant 1 : i32
      %add3A_2194 = arith.addi %mul3A_2192, %add3A_2193 : i32
      %swap3A_2195 = arith.index_cast %add3A_2194 : i32 to index
      %swap3A_2196 = arith.constant 16 : index
      %swap3A_2197 = tpu.vector_load %arg9[%swap3A_2195, %swap3A_2196] {strides = array<i32>} : memref<128x64xf32, #tpu.memory_space<vmem>>, vector<16xf32>,
      tpu.vector_store %arg9[%swap3A_2195, %swap3A_2196], %mul3A_2190 {strides = array<i32>} : memref<128x64xf32, #tpu.memory_space<vmem>>, vector<16xf32>,
      %mul3A_2198 = arith.mulf %get3A_13, %convert_element_type3A_118 : vector<16xf32>
      %sub3A_2199 = arith.subf %add3A_2170, %mul3A_2198 : vector<16xf32>
      %mul3A_2200 = vector.broadcast %scan3A : f32 to vector<16xf32>
      %mul3A_2201 = arith.mulf %sub3A_2199, %mul3A_2200 : vector<16xf32>
      %mul3A_2202 = arith.constant 2 : i32
      %mul3A_2203 = arith.muli %mul3A_31, %mul3A_2202 : i32
      %add3A_2204 = arith.constant 1 : i32
      %add3A_2205 = arith.addi %mul3A_2203, %add3A_2204 : i32
      %swap3A_2206 = arith.index_cast %add3A_2205 : i32 to index
      %swap3A_2207 = arith.constant 32 : index
      %swap3A_2208 = tpu.vector_load %arg9[%swap3A_2206, %swap3A_2207] {strides = array<i32>} : memref<128x64xf32, #tpu.memory_space<vmem>>, vector<16xf32>,
      tpu.vector_store %arg9[%swap3A_2206, %swap3A_2207], %mul3A_2201 {strides = array<i32>} : memref<128x64xf32, #tpu.memory_space<vmem>>, vector<16xf32>,
      %mul3A_2209 = arith.mulf %get3A_17, %convert_element_type3A_118 : vector<16xf32>
      %sub3A_2210 = arith.subf %add3A_2175, %mul3A_2209 : vector<16xf32>
      %mul3A_2211 = vector.broadcast %scan3A : f32 to vector<16xf32>
      %mul3A_2212 = arith.mulf %sub3A_2210, %mul3A_2211 : vector<16xf32>
      %mul3A_2213 = arith.constant 2 : i32
      %mul3A_2214 = arith.muli %mul3A_31, %mul3A_2213 : i32
      %add3A_2215 = arith.constant 1 : i32
      %add3A_2216 = arith.addi %mul3A_2214, %add3A_2215 : i32
      %swap3A_2217 = arith.index_cast %add3A_2216 : i32 to index
      %swap3A_2218 = arith.constant 48 : index
      %swap3A_2219 = tpu.vector_load %arg9[%swap3A_2217, %swap3A_2218] {strides = array<i32>} : memref<128x64xf32, #tpu.memory_space<vmem>>, vector<16xf32>,
      tpu.vector_store %arg9[%swap3A_2217, %swap3A_2218], %mul3A_2212 {strides = array<i32>} : memref<128x64xf32, #tpu.memory_space<vmem>>, vector<16xf32>,
      %add3A_2220 = arith.constant 2 : i32
      %add3A_2221 = arith.addi %mul3A_31, %add3A_2220 : i32
      %lt3A_2222 = arith.constant 64 : i32
      %lt3A_2223 = arith.cmpi slt, %add3A_2221, %lt3A_2222 : i32
      %convert_element_type3A_2224 = arith.extui %lt3A_2223 : i1 to i32
      %cond3A = arith.constant 0 : i32
      %cond3A_2225 = arith.cmpi ne, %convert_element_type3A_2224, %cond3A : i32
      scf.if %cond3A_2225 {
        %add3A_4417 = arith.constant 2 : i32
        %add3A_4418 = arith.addi %mul3A_31, %add3A_4417 : i32
        %mul3A_4419 = arith.constant 112 : i32
        %mul3A_4420 = arith.muli %add3A_4418, %mul3A_4419 : i32
        %multiple_of3A_4421 = tpu.assume_multiple %mul3A_4420, 8 : i32
        %dma_start3A_4422 = tpu.memref_slice %arg5[%multiple_of3A_4421] : memref<7168xi32, #tpu.memory_space<vmem>> -> memref<100xi32, #tpu.memory_space<vmem>>
        %dma_start3A_4423 = arith.constant 0 : i32
        %dma_start3A_4424 = arith.constant 0 : i32
        %dma_start3A_4425 = tpu.memref_slice %arg3[%dma_start3A_4423, %dma_start3A_4424] : memref<1000000x64xf32, #tpu.memory_space<hbm>> -> memref<1000000x64xf32, #tpu.memory_space<hbm>>
        tpu.enqueue_indirect_dma source(%dma_start3A_4425 : memref<1000000x64xf32, #tpu.memory_space<hbm>>) target(%arg6 : memref<100x64xf32, #tpu.memory_space<vmem>>) offsets(%dma_start3A_4422 : memref<100xi32, #tpu.memory_space<vmem>>) semaphore(%arg10 : memref<!tpu.dma_semaphore, #tpu.memory_space<semaphore_mem>>)
      } else {
      }
      %dma_wait3A_2226 = arith.constant 0 : i32
      %dma_wait3A_2227 = tpu.memref_slice %arg5[%dma_wait3A_2226] : memref<7168xi32, #tpu.memory_space<vmem>> -> memref<100xi32, #tpu.memory_space<vmem>>
      %dma_wait3A_2228 = arith.constant 0 : i32
      %dma_wait3A_2229 = arith.constant 0 : i32
      %dma_wait3A_2230 = tpu.memref_slice %arg3[%dma_wait3A_2228, %dma_wait3A_2229] : memref<1000000x64xf32, #tpu.memory_space<hbm>> -> memref<1000000x64xf32, #tpu.memory_space<hbm>>
      tpu.wait_indirect_dma semaphore(%arg11 : memref<!tpu.dma_semaphore, #tpu.memory_space<semaphore_mem>>) src(%dma_wait3A_2230 : memref<1000000x64xf32, #tpu.memory_space<hbm>>) dst(%arg7 : memref<100x64xf32, #tpu.memory_space<vmem>>)
      %add3A_2231 = arith.constant 1 : i32
      %add3A_2232 = arith.addi %mul3A_31, %add3A_2231 : i32
      %mul3A_2233 = arith.constant 112 : i32
      %mul3A_2234 = arith.muli %add3A_2232, %mul3A_2233 : i32
      %multiple_of3A_2235 = tpu.assume_multiple %mul3A_2234, 8 : i32
      %add3A_2236 = arith.constant 0 : i32
      %add3A_2237 = arith.addi %multiple_of3A_2235, %add3A_2236 : i32
      %get3A_2238 = arith.index_cast %add3A_2237 : i32 to index
      %get3A_2239 = tpu.vector_load %arg5[%get3A_2238] {strides = array<i32>} : memref<7168xi32, #tpu.memory_space<vmem>>, vector<16xi32>,
      %eq3A_2240 = arith.constant 0 : i32
      %eq3A_2241 = vector.broadcast %eq3A_2240 : i32 to vector<16xi32>
      %eq3A_2242 = arith.cmpi eq, %get3A_2239, %eq3A_2241 : vector<16xi32>
      %add3A_2243 = arith.constant 16 : i32
      %add3A_2244 = arith.addi %multiple_of3A_2235, %add3A_2243 : i32
      %get3A_2245 = arith.index_cast %add3A_2244 : i32 to index
      %get3A_2246 = tpu.vector_load %arg5[%get3A_2245] {strides = array<i32>} : memref<7168xi32, #tpu.memory_space<vmem>>, vector<16xi32>,
      %eq3A_2247 = arith.constant 0 : i32
      %eq3A_2248 = vector.broadcast %eq3A_2247 : i32 to vector<16xi32>
      %eq3A_2249 = arith.cmpi eq, %get3A_2246, %eq3A_2248 : vector<16xi32>
      %add3A_2250 = arith.constant 32 : i32
      %add3A_2251 = arith.addi %multiple_of3A_2235, %add3A_2250 : i32
      %get3A_2252 = arith.index_cast %add3A_2251 : i32 to index
      %get3A_2253 = tpu.vector_load %arg5[%get3A_2252] {strides = array<i32>} : memref<7168xi32, #tpu.memory_space<vmem>>, vector<16xi32>,
      %eq3A_2254 = arith.constant 0 : i32
      %eq3A_2255 = vector.broadcast %eq3A_2254 : i32 to vector<16xi32>
      %eq3A_2256 = arith.cmpi eq, %get3A_2253, %eq3A_2255 : vector<16xi32>
      %add3A_2257 = arith.constant 48 : i32
      %add3A_2258 = arith.addi %multiple_of3A_2235, %add3A_2257 : i32
      %get3A_2259 = arith.index_cast %add3A_2258 : i32 to index
      %get3A_2260 = tpu.vector_load %arg5[%get3A_2259] {strides = array<i32>} : memref<7168xi32, #tpu.memory_space<vmem>>, vector<16xi32>,
      %eq3A_2261 = arith.constant 0 : i32
      %eq3A_2262 = vector.broadcast %eq3A_2261 : i32 to vector<16xi32>
      %eq3A_2263 = arith.cmpi eq, %get3A_2260, %eq3A_2262 : vector<16xi32>
      %add3A_2264 = arith.constant 64 : i32
      %add3A_2265 = arith.addi %multiple_of3A_2235, %add3A_2264 : i32
      %get3A_2266 = arith.index_cast %add3A_2265 : i32 to index
      %get3A_2267 = tpu.vector_load %arg5[%get3A_2266] {strides = array<i32>} : memref<7168xi32, #tpu.memory_space<vmem>>, vector<16xi32>,
      %eq3A_2268 = arith.constant 0 : i32
      %eq3A_2269 = vector.broadcast %eq3A_2268 : i32 to vector<16xi32>
      %eq3A_2270 = arith.cmpi eq, %get3A_2267, %eq3A_2269 : vector<16xi32>
      %add3A_2271 = arith.constant 80 : i32
      %add3A_2272 = arith.addi %multiple_of3A_2235, %add3A_2271 : i32
      %get3A_2273 = arith.index_cast %add3A_2272 : i32 to index
      %get3A_2274 = tpu.vector_load %arg5[%get3A_2273] {strides = array<i32>} : memref<7168xi32, #tpu.memory_space<vmem>>, vector<16xi32>,
      %eq3A_2275 = arith.constant 0 : i32
      %eq3A_2276 = vector.broadcast %eq3A_2275 : i32 to vector<16xi32>
      %eq3A_2277 = arith.cmpi eq, %get3A_2274, %eq3A_2276 : vector<16xi32>
      %add3A_2278 = arith.constant 96 : i32
      %add3A_2279 = arith.addi %multiple_of3A_2235, %add3A_2278 : i32
      %get3A_2280 = arith.index_cast %add3A_2279 : i32 to index
      %get3A_2281 = tpu.vector_load %arg5[%get3A_2280] {strides = array<i32>} : memref<7168xi32, #tpu.memory_space<vmem>>, vector<16xi32>,
      %eq3A_2282 = arith.constant 0 : i32
      %eq3A_2283 = vector.broadcast %eq3A_2282 : i32 to vector<16xi32>
      %eq3A_2284 = arith.cmpi eq, %get3A_2281, %eq3A_2283 : vector<16xi32>
      %all_reduce_population_count3A_2285 = tpu.all_reduce %eq3A_2242 {dim = 0 : i64, kind = #tpu.reduction_kind<sum>} : vector<16xi1> -> vector<16xi32>
      %all_reduce_population_count3A_2286 = tpu.all_reduce %eq3A_2249 {dim = 0 : i64, kind = #tpu.reduction_kind<sum>} : vector<16xi1> -> vector<16xi32>
      %add3A_2287 = arith.addi %all_reduce_population_count3A_2285, %all_reduce_population_count3A_2286 : vector<16xi32>
      %all_reduce_population_count3A_2288 = tpu.all_reduce %eq3A_2256 {dim = 0 : i64, kind = #tpu.reduction_kind<sum>} : vector<16xi1> -> vector<16xi32>
      %add3A_2289 = arith.addi %add3A_2287, %all_reduce_population_count3A_2288 : vector<16xi32>
      %lt3A_2290 = arith.constant 2 : i32
      %lt3A_2291 = vector.broadcast %lt3A_2290 : i32 to vector<16xi32>
      %lt3A_2292 = arith.cmpi slt, %iota3A, %lt3A_2291 : vector<16xi32>
      %and3A_2293 = arith.andi %eq3A_2263, %lt3A_2292 : vector<16xi1>
      %all_reduce_population_count3A_2294 = tpu.all_reduce %and3A_2293 {dim = 0 : i64, kind = #tpu.reduction_kind<sum>} : vector<16xi1> -> vector<16xi32>
      %add3A_2295 = arith.addi %add3A_2289, %all_reduce_population_count3A_2294 : vector<16xi32>
      %convert_element_type3A_2296 = arith.sitofp %add3A_2295 : vector<16xi32> to vector<16xf32>
      %ge3A_2297 = arith.constant 2 : i32
      %ge3A_2298 = vector.broadcast %ge3A_2297 : i32 to vector<16xi32>
      %ge3A_2299 = arith.cmpi sge, %iota3A, %ge3A_2298 : vector<16xi32>
      %and3A_2300 = arith.andi %eq3A_2263, %ge3A_2299 : vector<16xi1>
      %all_reduce_population_count3A_2301 = tpu.all_reduce %and3A_2300 {dim = 0 : i64, kind = #tpu.reduction_kind<sum>} : vector<16xi1> -> vector<16xi32>
      %all_reduce_population_count3A_2302 = tpu.all_reduce %eq3A_2270 {dim = 0 : i64, kind = #tpu.reduction_kind<sum>} : vector<16xi1> -> vector<16xi32>
      %add3A_2303 = arith.addi %all_reduce_population_count3A_2301, %all_reduce_population_count3A_2302 : vector<16xi32>
      %all_reduce_population_count3A_2304 = tpu.all_reduce %eq3A_2277 {dim = 0 : i64, kind = #tpu.reduction_kind<sum>} : vector<16xi1> -> vector<16xi32>
      %add3A_2305 = arith.addi %add3A_2303, %all_reduce_population_count3A_2304 : vector<16xi32>
      %lt3A_2306 = arith.constant 4 : i32
      %lt3A_2307 = vector.broadcast %lt3A_2306 : i32 to vector<16xi32>
      %lt3A_2308 = arith.cmpi slt, %iota3A, %lt3A_2307 : vector<16xi32>
      %and3A_2309 = arith.andi %eq3A_2284, %lt3A_2308 : vector<16xi1>
      %all_reduce_population_count3A_2310 = tpu.all_reduce %and3A_2309 {dim = 0 : i64, kind = #tpu.reduction_kind<sum>} : vector<16xi1> -> vector<16xi32>
      %add3A_2311 = arith.addi %add3A_2305, %all_reduce_population_count3A_2310 : vector<16xi32>
      %convert_element_type3A_2312 = arith.sitofp %add3A_2311 : vector<16xi32> to vector<16xf32>
      %broadcast_in_dim3A_2313 = arith.constant 0.000000e+00 : f32
      %broadcast_in_dim3A_2314 = vector.broadcast %broadcast_in_dim3A_2313 : f32 to vector<16xf32>
      %broadcast_in_dim3A_2315 = arith.constant 0.000000e+00 : f32
      %broadcast_in_dim3A_2316 = vector.broadcast %broadcast_in_dim3A_2315 : f32 to vector<16xf32>
      %broadcast_in_dim3A_2317 = arith.constant 0.000000e+00 : f32
      %broadcast_in_dim3A_2318 = vector.broadcast %broadcast_in_dim3A_2317 : f32 to vector<16xf32>
      %broadcast_in_dim3A_2319 = arith.constant 0.000000e+00 : f32
      %broadcast_in_dim3A_2320 = vector.broadcast %broadcast_in_dim3A_2319 : f32 to vector<16xf32>
      %get3A_2321 = arith.constant 0 : i32
      %get3A_2322 = arith.index_cast %get3A_2321 : i32 to index
      %get3A_2323 = arith.constant 0 : index
      %get3A_2324 = tpu.vector_load %arg7[%get3A_2322, %get3A_2323] {strides = array<i32>} : memref<100x64xf32, #tpu.memory_space<vmem>>, vector<16xf32>,
      %add3A_2325 = arith.addf %broadcast_in_dim3A_2314, %get3A_2324 : vector<16xf32>
      %get3A_2326 = arith.constant 0 : i32
      %get3A_2327 = arith.index_cast %get3A_2326 : i32 to index
      %get3A_2328 = arith.constant 16 : index
      %get3A_2329 = tpu.vector_load %arg7[%get3A_2327, %get3A_2328] {strides = array<i32>} : memref<100x64xf32, #tpu.memory_space<vmem>>, vector<16xf32>,
      %add3A_2330 = arith.addf %broadcast_in_dim3A_2316, %get3A_2329 : vector<16xf32>
      %get3A_2331 = arith.constant 0 : i32
      %get3A_2332 = arith.index_cast %get3A_2331 : i32 to index
      %get3A_2333 = arith.constant 32 : index
      %get3A_2334 = tpu.vector_load %arg7[%get3A_2332, %get3A_2333] {strides = array<i32>} : memref<100x64xf32, #tpu.memory_space<vmem>>, vector<16xf32>,
      %add3A_2335 = arith.addf %broadcast_in_dim3A_2318, %get3A_2334 : vector<16xf32>
      %get3A_2336 = arith.constant 0 : i32
      %get3A_2337 = arith.index_cast %get3A_2336 : i32 to index
      %get3A_2338 = arith.constant 48 : index
      %get3A_2339 = tpu.vector_load %arg7[%get3A_2337, %get3A_2338] {strides = array<i32>} : memref<100x64xf32, #tpu.memory_space<vmem>>, vector<16xf32>,
      %add3A_2340 = arith.addf %broadcast_in_dim3A_2320, %get3A_2339 : vector<16xf32>
      %get3A_2341 = arith.constant 1 : i32
      %get3A_2342 = arith.index_cast %get3A_2341 : i32 to index
      %get3A_2343 = arith.constant 0 : index
      %get3A_2344 = tpu.vector_load %arg7[%get3A_2342, %get3A_2343] {strides = array<i32>} : memref<100x64xf32, #tpu.memory_space<vmem>>, vector<16xf32>,
      %add3A_2345 = arith.addf %add3A_2325, %get3A_2344 : vector<16xf32>
      %get3A_2346 = arith.constant 1 : i32
      %get3A_2347 = arith.index_cast %get3A_2346 : i32 to index
      %get3A_2348 = arith.constant 16 : index
      %get3A_2349 = tpu.vector_load %arg7[%get3A_2347, %get3A_2348] {strides = array<i32>} : memref<100x64xf32, #tpu.memory_space<vmem>>, vector<16xf32>,
      %add3A_2350 = arith.addf %add3A_2330, %get3A_2349 : vector<16xf32>
      %get3A_2351 = arith.constant 1 : i32
      %get3A_2352 = arith.index_cast %get3A_2351 : i32 to index
      %get3A_2353 = arith.constant 32 : index
      %get3A_2354 = tpu.vector_load %arg7[%get3A_2352, %get3A_2353] {strides = array<i32>} : memref<100x64xf32, #tpu.memory_space<vmem>>, vector<16xf32>,
      %add3A_2355 = arith.addf %add3A_2335, %get3A_2354 : vector<16xf32>
      %get3A_2356 = arith.constant 1 : i32
      %get3A_2357 = arith.index_cast %get3A_2356 : i32 to index
      %get3A_2358 = arith.constant 48 : index
      %get3A_2359 = tpu.vector_load %arg7[%get3A_2357, %get3A_2358] {strides = array<i32>} : memref<100x64xf32, #tpu.memory_space<vmem>>, vector<16xf32>,
      %add3A_2360 = arith.addf %add3A_2340, %get3A_2359 : vector<16xf32>
      %get3A_2361 = arith.constant 2 : i32
      %get3A_2362 = arith.index_cast %get3A_2361 : i32 to index
      %get3A_2363 = arith.constant 0 : index
      %get3A_2364 = tpu.vector_load %arg7[%get3A_2362, %get3A_2363] {strides = array<i32>} : memref<100x64xf32, #tpu.memory_space<vmem>>, vector<16xf32>,
      %add3A_2365 = arith.addf %add3A_2345, %get3A_2364 : vector<16xf32>
      %get3A_2366 = arith.constant 2 : i32
      %get3A_2367 = arith.index_cast %get3A_2366 : i32 to index
      %get3A_2368 = arith.constant 16 : index
      %get3A_2369 = tpu.vector_load %arg7[%get3A_2367, %get3A_2368] {strides = array<i32>} : memref<100x64xf32, #tpu.memory_space<vmem>>, vector<16xf32>,
      %add3A_2370 = arith.addf %add3A_2350, %get3A_2369 : vector<16xf32>
      %get3A_2371 = arith.constant 2 : i32
      %get3A_2372 = arith.index_cast %get3A_2371 : i32 to index
      %get3A_2373 = arith.constant 32 : index
      %get3A_2374 = tpu.vector_load %arg7[%get3A_2372, %get3A_2373] {strides = array<i32>} : memref<100x64xf32, #tpu.memory_space<vmem>>, vector<16xf32>,
      %add3A_2375 = arith.addf %add3A_2355, %get3A_2374 : vector<16xf32>
      %get3A_2376 = arith.constant 2 : i32
      %get3A_2377 = arith.index_cast %get3A_2376 : i32 to index
      %get3A_2378 = arith.constant 48 : index
      %get3A_2379 = tpu.vector_load %arg7[%get3A_2377, %get3A_2378] {strides = array<i32>} : memref<100x64xf32, #tpu.memory_space<vmem>>, vector<16xf32>,
      %add3A_2380 = arith.addf %add3A_2360, %get3A_2379 : vector<16xf32>
      %get3A_2381 = arith.constant 3 : i32
      %get3A_2382 = arith.index_cast %get3A_2381 : i32 to index
      %get3A_2383 = arith.constant 0 : index
      %get3A_2384 = tpu.vector_load %arg7[%get3A_2382, %get3A_2383] {strides = array<i32>} : memref<100x64xf32, #tpu.memory_space<vmem>>, vector<16xf32>,
      %add3A_2385 = arith.addf %add3A_2365, %get3A_2384 : vector<16xf32>
      %get3A_2386 = arith.constant 3 : i32
      %get3A_2387 = arith.index_cast %get3A_2386 : i32 to index
      %get3A_2388 = arith.constant 16 : index
      %get3A_2389 = tpu.vector_load %arg7[%get3A_2387, %get3A_2388] {strides = array<i32>} : memref<100x64xf32, #tpu.memory_space<vmem>>, vector<16xf32>,
      %add3A_2390 = arith.addf %add3A_2370, %get3A_2389 : vector<16xf32>
      %get3A_2391 = arith.constant 3 : i32
      %get3A_2392 = arith.index_cast %get3A_2391 : i32 to index
      %get3A_2393 = arith.constant 32 : index
      %get3A_2394 = tpu.vector_load %arg7[%get3A_2392, %get3A_2393] {strides = array<i32>} : memref<100x64xf32, #tpu.memory_space<vmem>>, vector<16xf32>,
      %add3A_2395 = arith.addf %add3A_2375, %get3A_2394 : vector<16xf32>
      %get3A_2396 = arith.constant 3 : i32
      %get3A_2397 = arith.index_cast %get3A_2396 : i32 to index
      %get3A_2398 = arith.constant 48 : index
      %get3A_2399 = tpu.vector_load %arg7[%get3A_2397, %get3A_2398] {strides = array<i32>} : memref<100x64xf32, #tpu.memory_space<vmem>>, vector<16xf32>,
      %add3A_2400 = arith.addf %add3A_2380, %get3A_2399 : vector<16xf32>
      %get3A_2401 = arith.constant 4 : i32
      %get3A_2402 = arith.index_cast %get3A_2401 : i32 to index
      %get3A_2403 = arith.constant 0 : index
      %get3A_2404 = tpu.vector_load %arg7[%get3A_2402, %get3A_2403] {strides = array<i32>} : memref<100x64xf32, #tpu.memory_space<vmem>>, vector<16xf32>,
      %add3A_2405 = arith.addf %add3A_2385, %get3A_2404 : vector<16xf32>
      %get3A_2406 = arith.constant 4 : i32
      %get3A_2407 = arith.index_cast %get3A_2406 : i32 to index
      %get3A_2408 = arith.constant 16 : index
      %get3A_2409 = tpu.vector_load %arg7[%get3A_2407, %get3A_2408] {strides = array<i32>} : memref<100x64xf32, #tpu.memory_space<vmem>>, vector<16xf32>,
      %add3A_2410 = arith.addf %add3A_2390, %get3A_2409 : vector<16xf32>
      %get3A_2411 = arith.constant 4 : i32
      %get3A_2412 = arith.index_cast %get3A_2411 : i32 to index
      %get3A_2413 = arith.constant 32 : index
      %get3A_2414 = tpu.vector_load %arg7[%get3A_2412, %get3A_2413] {strides = array<i32>} : memref<100x64xf32, #tpu.memory_space<vmem>>, vector<16xf32>,
      %add3A_2415 = arith.addf %add3A_2395, %get3A_2414 : vector<16xf32>
      %get3A_2416 = arith.constant 4 : i32
      %get3A_2417 = arith.index_cast %get3A_2416 : i32 to index
      %get3A_2418 = arith.constant 48 : index
      %get3A_2419 = tpu.vector_load %arg7[%get3A_2417, %get3A_2418] {strides = array<i32>} : memref<100x64xf32, #tpu.memory_space<vmem>>, vector<16xf32>,
      %add3A_2420 = arith.addf %add3A_2400, %get3A_2419 : vector<16xf32>
      %get3A_2421 = arith.constant 5 : i32
      %get3A_2422 = arith.index_cast %get3A_2421 : i32 to index
      %get3A_2423 = arith.constant 0 : index
      %get3A_2424 = tpu.vector_load %arg7[%get3A_2422, %get3A_2423] {strides = array<i32>} : memref<100x64xf32, #tpu.memory_space<vmem>>, vector<16xf32>,
      %add3A_2425 = arith.addf %add3A_2405, %get3A_2424 : vector<16xf32>
      %get3A_2426 = arith.constant 5 : i32
      %get3A_2427 = arith.index_cast %get3A_2426 : i32 to index
      %get3A_2428 = arith.constant 16 : index
      %get3A_2429 = tpu.vector_load %arg7[%get3A_2427, %get3A_2428] {strides = array<i32>} : memref<100x64xf32, #tpu.memory_space<vmem>>, vector<16xf32>,
      %add3A_2430 = arith.addf %add3A_2410, %get3A_2429 : vector<16xf32>
      %get3A_2431 = arith.constant 5 : i32
      %get3A_2432 = arith.index_cast %get3A_2431 : i32 to index
      %get3A_2433 = arith.constant 32 : index
      %get3A_2434 = tpu.vector_load %arg7[%get3A_2432, %get3A_2433] {strides = array<i32>} : memref<100x64xf32, #tpu.memory_space<vmem>>, vector<16xf32>,
      %add3A_2435 = arith.addf %add3A_2415, %get3A_2434 : vector<16xf32>
      %get3A_2436 = arith.constant 5 : i32
      %get3A_2437 = arith.index_cast %get3A_2436 : i32 to index
      %get3A_2438 = arith.constant 48 : index
      %get3A_2439 = tpu.vector_load %arg7[%get3A_2437, %get3A_2438] {strides = array<i32>} : memref<100x64xf32, #tpu.memory_space<vmem>>, vector<16xf32>,
      %add3A_2440 = arith.addf %add3A_2420, %get3A_2439 : vector<16xf32>
      %get3A_2441 = arith.constant 6 : i32
      %get3A_2442 = arith.index_cast %get3A_2441 : i32 to index
      %get3A_2443 = arith.constant 0 : index
      %get3A_2444 = tpu.vector_load %arg7[%get3A_2442, %get3A_2443] {strides = array<i32>} : memref<100x64xf32, #tpu.memory_space<vmem>>, vector<16xf32>,
      %add3A_2445 = arith.addf %add3A_2425, %get3A_2444 : vector<16xf32>
      %get3A_2446 = arith.constant 6 : i32
      %get3A_2447 = arith.index_cast %get3A_2446 : i32 to index
      %get3A_2448 = arith.constant 16 : index
      %get3A_2449 = tpu.vector_load %arg7[%get3A_2447, %get3A_2448] {strides = array<i32>} : memref<100x64xf32, #tpu.memory_space<vmem>>, vector<16xf32>,
      %add3A_2450 = arith.addf %add3A_2430, %get3A_2449 : vector<16xf32>
      %get3A_2451 = arith.constant 6 : i32
      %get3A_2452 = arith.index_cast %get3A_2451 : i32 to index
      %get3A_2453 = arith.constant 32 : index
      %get3A_2454 = tpu.vector_load %arg7[%get3A_2452, %get3A_2453] {strides = array<i32>} : memref<100x64xf32, #tpu.memory_space<vmem>>, vector<16xf32>,
      %add3A_2455 = arith.addf %add3A_2435, %get3A_2454 : vector<16xf32>
      %get3A_2456 = arith.constant 6 : i32
      %get3A_2457 = arith.index_cast %get3A_2456 : i32 to index
      %get3A_2458 = arith.constant 48 : index
      %get3A_2459 = tpu.vector_load %arg7[%get3A_2457, %get3A_2458] {strides = array<i32>} : memref<100x64xf32, #tpu.memory_space<vmem>>, vector<16xf32>,
      %add3A_2460 = arith.addf %add3A_2440, %get3A_2459 : vector<16xf32>
      %get3A_2461 = arith.constant 7 : i32
      %get3A_2462 = arith.index_cast %get3A_2461 : i32 to index
      %get3A_2463 = arith.constant 0 : index
      %get3A_2464 = tpu.vector_load %arg7[%get3A_2462, %get3A_2463] {strides = array<i32>} : memref<100x64xf32, #tpu.memory_space<vmem>>, vector<16xf32>,
      %add3A_2465 = arith.addf %add3A_2445, %get3A_2464 : vector<16xf32>
      %get3A_2466 = arith.constant 7 : i32
      %get3A_2467 = arith.index_cast %get3A_2466 : i32 to index
      %get3A_2468 = arith.constant 16 : index
      %get3A_2469 = tpu.vector_load %arg7[%get3A_2467, %get3A_2468] {strides = array<i32>} : memref<100x64xf32, #tpu.memory_space<vmem>>, vector<16xf32>,
      %add3A_2470 = arith.addf %add3A_2450, %get3A_2469 : vector<16xf32>
      %get3A_2471 = arith.constant 7 : i32
      %get3A_2472 = arith.index_cast %get3A_2471 : i32 to index
      %get3A_2473 = arith.constant 32 : index
      %get3A_2474 = tpu.vector_load %arg7[%get3A_2472, %get3A_2473] {strides = array<i32>} : memref<100x64xf32, #tpu.memory_space<vmem>>, vector<16xf32>,
      %add3A_2475 = arith.addf %add3A_2455, %get3A_2474 : vector<16xf32>
      %get3A_2476 = arith.constant 7 : i32
      %get3A_2477 = arith.index_cast %get3A_2476 : i32 to index
      %get3A_2478 = arith.constant 48 : index
      %get3A_2479 = tpu.vector_load %arg7[%get3A_2477, %get3A_2478] {strides = array<i32>} : memref<100x64xf32, #tpu.memory_space<vmem>>, vector<16xf32>,
      %add3A_2480 = arith.addf %add3A_2460, %get3A_2479 : vector<16xf32>
      %get3A_2481 = arith.constant 8 : i32
      %get3A_2482 = arith.index_cast %get3A_2481 : i32 to index
      %get3A_2483 = arith.constant 0 : index
      %get3A_2484 = tpu.vector_load %arg7[%get3A_2482, %get3A_2483] {strides = array<i32>} : memref<100x64xf32, #tpu.memory_space<vmem>>, vector<16xf32>,
      %add3A_2485 = arith.addf %add3A_2465, %get3A_2484 : vector<16xf32>
      %get3A_2486 = arith.constant 8 : i32
      %get3A_2487 = arith.index_cast %get3A_2486 : i32 to index
      %get3A_2488 = arith.constant 16 : index
      %get3A_2489 = tpu.vector_load %arg7[%get3A_2487, %get3A_2488] {strides = array<i32>} : memref<100x64xf32, #tpu.memory_space<vmem>>, vector<16xf32>,
      %add3A_2490 = arith.addf %add3A_2470, %get3A_2489 : vector<16xf32>
      %get3A_2491 = arith.constant 8 : i32
      %get3A_2492 = arith.index_cast %get3A_2491 : i32 to index
      %get3A_2493 = arith.constant 32 : index
      %get3A_2494 = tpu.vector_load %arg7[%get3A_2492, %get3A_2493] {strides = array<i32>} : memref<100x64xf32, #tpu.memory_space<vmem>>, vector<16xf32>,
      %add3A_2495 = arith.addf %add3A_2475, %get3A_2494 : vector<16xf32>
      %get3A_2496 = arith.constant 8 : i32
      %get3A_2497 = arith.index_cast %get3A_2496 : i32 to index
      %get3A_2498 = arith.constant 48 : index
      %get3A_2499 = tpu.vector_load %arg7[%get3A_2497, %get3A_2498] {strides = array<i32>} : memref<100x64xf32, #tpu.memory_space<vmem>>, vector<16xf32>,
      %add3A_2500 = arith.addf %add3A_2480, %get3A_2499 : vector<16xf32>
      %get3A_2501 = arith.constant 9 : i32
      %get3A_2502 = arith.index_cast %get3A_2501 : i32 to index
      %get3A_2503 = arith.constant 0 : index
      %get3A_2504 = tpu.vector_load %arg7[%get3A_2502, %get3A_2503] {strides = array<i32>} : memref<100x64xf32, #tpu.memory_space<vmem>>, vector<16xf32>,
      %add3A_2505 = arith.addf %add3A_2485, %get3A_2504 : vector<16xf32>
      %get3A_2506 = arith.constant 9 : i32
      %get3A_2507 = arith.index_cast %get3A_2506 : i32 to index
      %get3A_2508 = arith.constant 16 : index
      %get3A_2509 = tpu.vector_load %arg7[%get3A_2507, %get3A_2508] {strides = array<i32>} : memref<100x64xf32, #tpu.memory_space<vmem>>, vector<16xf32>,
      %add3A_2510 = arith.addf %add3A_2490, %get3A_2509 : vector<16xf32>
      %get3A_2511 = arith.constant 9 : i32
      %get3A_2512 = arith.index_cast %get3A_2511 : i32 to index
      %get3A_2513 = arith.constant 32 : index
      %get3A_2514 = tpu.vector_load %arg7[%get3A_2512, %get3A_2513] {strides = array<i32>} : memref<100x64xf32, #tpu.memory_space<vmem>>, vector<16xf32>,
      %add3A_2515 = arith.addf %add3A_2495, %get3A_2514 : vector<16xf32>
      %get3A_2516 = arith.constant 9 : i32
      %get3A_2517 = arith.index_cast %get3A_2516 : i32 to index
      %get3A_2518 = arith.constant 48 : index
      %get3A_2519 = tpu.vector_load %arg7[%get3A_2517, %get3A_2518] {strides = array<i32>} : memref<100x64xf32, #tpu.memory_space<vmem>>, vector<16xf32>,
      %add3A_2520 = arith.addf %add3A_2500, %get3A_2519 : vector<16xf32>
      %get3A_2521 = arith.constant 10 : i32
      %get3A_2522 = arith.index_cast %get3A_2521 : i32 to index
      %get3A_2523 = arith.constant 0 : index
      %get3A_2524 = tpu.vector_load %arg7[%get3A_2522, %get3A_2523] {strides = array<i32>} : memref<100x64xf32, #tpu.memory_space<vmem>>, vector<16xf32>,
      %add3A_2525 = arith.addf %add3A_2505, %get3A_2524 : vector<16xf32>
      %get3A_2526 = arith.constant 10 : i32
      %get3A_2527 = arith.index_cast %get3A_2526 : i32 to index
      %get3A_2528 = arith.constant 16 : index
      %get3A_2529 = tpu.vector_load %arg7[%get3A_2527, %get3A_2528] {strides = array<i32>} : memref<100x64xf32, #tpu.memory_space<vmem>>, vector<16xf32>,
      %add3A_2530 = arith.addf %add3A_2510, %get3A_2529 : vector<16xf32>
      %get3A_2531 = arith.constant 10 : i32
      %get3A_2532 = arith.index_cast %get3A_2531 : i32 to index
      %get3A_2533 = arith.constant 32 : index
      %get3A_2534 = tpu.vector_load %arg7[%get3A_2532, %get3A_2533] {strides = array<i32>} : memref<100x64xf32, #tpu.memory_space<vmem>>, vector<16xf32>,
      %add3A_2535 = arith.addf %add3A_2515, %get3A_2534 : vector<16xf32>
      %get3A_2536 = arith.constant 10 : i32
      %get3A_2537 = arith.index_cast %get3A_2536 : i32 to index
      %get3A_2538 = arith.constant 48 : index
      %get3A_2539 = tpu.vector_load %arg7[%get3A_2537, %get3A_2538] {strides = array<i32>} : memref<100x64xf32, #tpu.memory_space<vmem>>, vector<16xf32>,
      %add3A_2540 = arith.addf %add3A_2520, %get3A_2539 : vector<16xf32>
      %get3A_2541 = arith.constant 11 : i32
      %get3A_2542 = arith.index_cast %get3A_2541 : i32 to index
      %get3A_2543 = arith.constant 0 : index
      %get3A_2544 = tpu.vector_load %arg7[%get3A_2542, %get3A_2543] {strides = array<i32>} : memref<100x64xf32, #tpu.memory_space<vmem>>, vector<16xf32>,
      %add3A_2545 = arith.addf %add3A_2525, %get3A_2544 : vector<16xf32>
      %get3A_2546 = arith.constant 11 : i32
      %get3A_2547 = arith.index_cast %get3A_2546 : i32 to index
      %get3A_2548 = arith.constant 16 : index
      %get3A_2549 = tpu.vector_load %arg7[%get3A_2547, %get3A_2548] {strides = array<i32>} : memref<100x64xf32, #tpu.memory_space<vmem>>, vector<16xf32>,
      %add3A_2550 = arith.addf %add3A_2530, %get3A_2549 : vector<16xf32>
      %get3A_2551 = arith.constant 11 : i32
      %get3A_2552 = arith.index_cast %get3A_2551 : i32 to index
      %get3A_2553 = arith.constant 32 : index
      %get3A_2554 = tpu.vector_load %arg7[%get3A_2552, %get3A_2553] {strides = array<i32>} : memref<100x64xf32, #tpu.memory_space<vmem>>, vector<16xf32>,
      %add3A_2555 = arith.addf %add3A_2535, %get3A_2554 : vector<16xf32>
      %get3A_2556 = arith.constant 11 : i32
      %get3A_2557 = arith.index_cast %get3A_2556 : i32 to index
      %get3A_2558 = arith.constant 48 : index
      %get3A_2559 = tpu.vector_load %arg7[%get3A_2557, %get3A_2558] {strides = array<i32>} : memref<100x64xf32, #tpu.memory_space<vmem>>, vector<16xf32>,
      %add3A_2560 = arith.addf %add3A_2540, %get3A_2559 : vector<16xf32>
      %get3A_2561 = arith.constant 12 : i32
      %get3A_2562 = arith.index_cast %get3A_2561 : i32 to index
      %get3A_2563 = arith.constant 0 : index
      %get3A_2564 = tpu.vector_load %arg7[%get3A_2562, %get3A_2563] {strides = array<i32>} : memref<100x64xf32, #tpu.memory_space<vmem>>, vector<16xf32>,
      %add3A_2565 = arith.addf %add3A_2545, %get3A_2564 : vector<16xf32>
      %get3A_2566 = arith.constant 12 : i32
      %get3A_2567 = arith.index_cast %get3A_2566 : i32 to index
      %get3A_2568 = arith.constant 16 : index
      %get3A_2569 = tpu.vector_load %arg7[%get3A_2567, %get3A_2568] {strides = array<i32>} : memref<100x64xf32, #tpu.memory_space<vmem>>, vector<16xf32>,
      %add3A_2570 = arith.addf %add3A_2550, %get3A_2569 : vector<16xf32>
      %get3A_2571 = arith.constant 12 : i32
      %get3A_2572 = arith.index_cast %get3A_2571 : i32 to index
      %get3A_2573 = arith.constant 32 : index
      %get3A_2574 = tpu.vector_load %arg7[%get3A_2572, %get3A_2573] {strides = array<i32>} : memref<100x64xf32, #tpu.memory_space<vmem>>, vector<16xf32>,
      %add3A_2575 = arith.addf %add3A_2555, %get3A_2574 : vector<16xf32>
      %get3A_2576 = arith.constant 12 : i32
      %get3A_2577 = arith.index_cast %get3A_2576 : i32 to index
      %get3A_2578 = arith.constant 48 : index
      %get3A_2579 = tpu.vector_load %arg7[%get3A_2577, %get3A_2578] {strides = array<i32>} : memref<100x64xf32, #tpu.memory_space<vmem>>, vector<16xf32>,
      %add3A_2580 = arith.addf %add3A_2560, %get3A_2579 : vector<16xf32>
      %get3A_2581 = arith.constant 13 : i32
      %get3A_2582 = arith.index_cast %get3A_2581 : i32 to index
      %get3A_2583 = arith.constant 0 : index
      %get3A_2584 = tpu.vector_load %arg7[%get3A_2582, %get3A_2583] {strides = array<i32>} : memref<100x64xf32, #tpu.memory_space<vmem>>, vector<16xf32>,
      %add3A_2585 = arith.addf %add3A_2565, %get3A_2584 : vector<16xf32>
      %get3A_2586 = arith.constant 13 : i32
      %get3A_2587 = arith.index_cast %get3A_2586 : i32 to index
      %get3A_2588 = arith.constant 16 : index
      %get3A_2589 = tpu.vector_load %arg7[%get3A_2587, %get3A_2588] {strides = array<i32>} : memref<100x64xf32, #tpu.memory_space<vmem>>, vector<16xf32>,
      %add3A_2590 = arith.addf %add3A_2570, %get3A_2589 : vector<16xf32>
      %get3A_2591 = arith.constant 13 : i32
      %get3A_2592 = arith.index_cast %get3A_2591 : i32 to index
      %get3A_2593 = arith.constant 32 : index
      %get3A_2594 = tpu.vector_load %arg7[%get3A_2592, %get3A_2593] {strides = array<i32>} : memref<100x64xf32, #tpu.memory_space<vmem>>, vector<16xf32>,
      %add3A_2595 = arith.addf %add3A_2575, %get3A_2594 : vector<16xf32>
      %get3A_2596 = arith.constant 13 : i32
      %get3A_2597 = arith.index_cast %get3A_2596 : i32 to index
      %get3A_2598 = arith.constant 48 : index
      %get3A_2599 = tpu.vector_load %arg7[%get3A_2597, %get3A_2598] {strides = array<i32>} : memref<100x64xf32, #tpu.memory_space<vmem>>, vector<16xf32>,
      %add3A_2600 = arith.addf %add3A_2580, %get3A_2599 : vector<16xf32>
      %get3A_2601 = arith.constant 14 : i32
      %get3A_2602 = arith.index_cast %get3A_2601 : i32 to index
      %get3A_2603 = arith.constant 0 : index
      %get3A_2604 = tpu.vector_load %arg7[%get3A_2602, %get3A_2603] {strides = array<i32>} : memref<100x64xf32, #tpu.memory_space<vmem>>, vector<16xf32>,
      %add3A_2605 = arith.addf %add3A_2585, %get3A_2604 : vector<16xf32>
      %get3A_2606 = arith.constant 14 : i32
      %get3A_2607 = arith.index_cast %get3A_2606 : i32 to index
      %get3A_2608 = arith.constant 16 : index
      %get3A_2609 = tpu.vector_load %arg7[%get3A_2607, %get3A_2608] {strides = array<i32>} : memref<100x64xf32, #tpu.memory_space<vmem>>, vector<16xf32>,
      %add3A_2610 = arith.addf %add3A_2590, %get3A_2609 : vector<16xf32>
      %get3A_2611 = arith.constant 14 : i32
      %get3A_2612 = arith.index_cast %get3A_2611 : i32 to index
      %get3A_2613 = arith.constant 32 : index
      %get3A_2614 = tpu.vector_load %arg7[%get3A_2612, %get3A_2613] {strides = array<i32>} : memref<100x64xf32, #tpu.memory_space<vmem>>, vector<16xf32>,
      %add3A_2615 = arith.addf %add3A_2595, %get3A_2614 : vector<16xf32>
      %get3A_2616 = arith.constant 14 : i32
      %get3A_2617 = arith.index_cast %get3A_2616 : i32 to index
      %get3A_2618 = arith.constant 48 : index
      %get3A_2619 = tpu.vector_load %arg7[%get3A_2617, %get3A_2618] {strides = array<i32>} : memref<100x64xf32, #tpu.memory_space<vmem>>, vector<16xf32>,
      %add3A_2620 = arith.addf %add3A_2600, %get3A_2619 : vector<16xf32>
      %get3A_2621 = arith.constant 15 : i32
      %get3A_2622 = arith.index_cast %get3A_2621 : i32 to index
      %get3A_2623 = arith.constant 0 : index
      %get3A_2624 = tpu.vector_load %arg7[%get3A_2622, %get3A_2623] {strides = array<i32>} : memref<100x64xf32, #tpu.memory_space<vmem>>, vector<16xf32>,
      %add3A_2625 = arith.addf %add3A_2605, %get3A_2624 : vector<16xf32>
      %get3A_2626 = arith.constant 15 : i32
      %get3A_2627 = arith.index_cast %get3A_2626 : i32 to index
      %get3A_2628 = arith.constant 16 : index
      %get3A_2629 = tpu.vector_load %arg7[%get3A_2627, %get3A_2628] {strides = array<i32>} : memref<100x64xf32, #tpu.memory_space<vmem>>, vector<16xf32>,
      %add3A_2630 = arith.addf %add3A_2610, %get3A_2629 : vector<16xf32>
      %get3A_2631 = arith.constant 15 : i32
      %get3A_2632 = arith.index_cast %get3A_2631 : i32 to index
      %get3A_2633 = arith.constant 32 : index
      %get3A_2634 = tpu.vector_load %arg7[%get3A_2632, %get3A_2633] {strides = array<i32>} : memref<100x64xf32, #tpu.memory_space<vmem>>, vector<16xf32>,
      %add3A_2635 = arith.addf %add3A_2615, %get3A_2634 : vector<16xf32>
      %get3A_2636 = arith.constant 15 : i32
      %get3A_2637 = arith.index_cast %get3A_2636 : i32 to index
      %get3A_2638 = arith.constant 48 : index
      %get3A_2639 = tpu.vector_load %arg7[%get3A_2637, %get3A_2638] {strides = array<i32>} : memref<100x64xf32, #tpu.memory_space<vmem>>, vector<16xf32>,
      %add3A_2640 = arith.addf %add3A_2620, %get3A_2639 : vector<16xf32>
      %get3A_2641 = arith.constant 16 : i32
      %get3A_2642 = arith.index_cast %get3A_2641 : i32 to index
      %get3A_2643 = arith.constant 0 : index
      %get3A_2644 = tpu.vector_load %arg7[%get3A_2642, %get3A_2643] {strides = array<i32>} : memref<100x64xf32, #tpu.memory_space<vmem>>, vector<16xf32>,
      %add3A_2645 = arith.addf %add3A_2625, %get3A_2644 : vector<16xf32>
      %get3A_2646 = arith.constant 16 : i32
      %get3A_2647 = arith.index_cast %get3A_2646 : i32 to index
      %get3A_2648 = arith.constant 16 : index
      %get3A_2649 = tpu.vector_load %arg7[%get3A_2647, %get3A_2648] {strides = array<i32>} : memref<100x64xf32, #tpu.memory_space<vmem>>, vector<16xf32>,
      %add3A_2650 = arith.addf %add3A_2630, %get3A_2649 : vector<16xf32>
      %get3A_2651 = arith.constant 16 : i32
      %get3A_2652 = arith.index_cast %get3A_2651 : i32 to index
      %get3A_2653 = arith.constant 32 : index
      %get3A_2654 = tpu.vector_load %arg7[%get3A_2652, %get3A_2653] {strides = array<i32>} : memref<100x64xf32, #tpu.memory_space<vmem>>, vector<16xf32>,
      %add3A_2655 = arith.addf %add3A_2635, %get3A_2654 : vector<16xf32>
      %get3A_2656 = arith.constant 16 : i32
      %get3A_2657 = arith.index_cast %get3A_2656 : i32 to index
      %get3A_2658 = arith.constant 48 : index
      %get3A_2659 = tpu.vector_load %arg7[%get3A_2657, %get3A_2658] {strides = array<i32>} : memref<100x64xf32, #tpu.memory_space<vmem>>, vector<16xf32>,
      %add3A_2660 = arith.addf %add3A_2640, %get3A_2659 : vector<16xf32>
      %get3A_2661 = arith.constant 17 : i32
      %get3A_2662 = arith.index_cast %get3A_2661 : i32 to index
      %get3A_2663 = arith.constant 0 : index
      %get3A_2664 = tpu.vector_load %arg7[%get3A_2662, %get3A_2663] {strides = array<i32>} : memref<100x64xf32, #tpu.memory_space<vmem>>, vector<16xf32>,
      %add3A_2665 = arith.addf %add3A_2645, %get3A_2664 : vector<16xf32>
      %get3A_2666 = arith.constant 17 : i32
      %get3A_2667 = arith.index_cast %get3A_2666 : i32 to index
      %get3A_2668 = arith.constant 16 : index
      %get3A_2669 = tpu.vector_load %arg7[%get3A_2667, %get3A_2668] {strides = array<i32>} : memref<100x64xf32, #tpu.memory_space<vmem>>, vector<16xf32>,
      %add3A_2670 = arith.addf %add3A_2650, %get3A_2669 : vector<16xf32>
      %get3A_2671 = arith.constant 17 : i32
      %get3A_2672 = arith.index_cast %get3A_2671 : i32 to index
      %get3A_2673 = arith.constant 32 : index
      %get3A_2674 = tpu.vector_load %arg7[%get3A_2672, %get3A_2673] {strides = array<i32>} : memref<100x64xf32, #tpu.memory_space<vmem>>, vector<16xf32>,
      %add3A_2675 = arith.addf %add3A_2655, %get3A_2674 : vector<16xf32>
      %get3A_2676 = arith.constant 17 : i32
      %get3A_2677 = arith.index_cast %get3A_2676 : i32 to index
      %get3A_2678 = arith.constant 48 : index
      %get3A_2679 = tpu.vector_load %arg7[%get3A_2677, %get3A_2678] {strides = array<i32>} : memref<100x64xf32, #tpu.memory_space<vmem>>, vector<16xf32>,
      %add3A_2680 = arith.addf %add3A_2660, %get3A_2679 : vector<16xf32>
      %get3A_2681 = arith.constant 18 : i32
      %get3A_2682 = arith.index_cast %get3A_2681 : i32 to index
      %get3A_2683 = arith.constant 0 : index
      %get3A_2684 = tpu.vector_load %arg7[%get3A_2682, %get3A_2683] {strides = array<i32>} : memref<100x64xf32, #tpu.memory_space<vmem>>, vector<16xf32>,
      %add3A_2685 = arith.addf %add3A_2665, %get3A_2684 : vector<16xf32>
      %get3A_2686 = arith.constant 18 : i32
      %get3A_2687 = arith.index_cast %get3A_2686 : i32 to index
      %get3A_2688 = arith.constant 16 : index
      %get3A_2689 = tpu.vector_load %arg7[%get3A_2687, %get3A_2688] {strides = array<i32>} : memref<100x64xf32, #tpu.memory_space<vmem>>, vector<16xf32>,
      %add3A_2690 = arith.addf %add3A_2670, %get3A_2689 : vector<16xf32>
      %get3A_2691 = arith.constant 18 : i32
      %get3A_2692 = arith.index_cast %get3A_2691 : i32 to index
      %get3A_2693 = arith.constant 32 : index
      %get3A_2694 = tpu.vector_load %arg7[%get3A_2692, %get3A_2693] {strides = array<i32>} : memref<100x64xf32, #tpu.memory_space<vmem>>, vector<16xf32>,
      %add3A_2695 = arith.addf %add3A_2675, %get3A_2694 : vector<16xf32>
      %get3A_2696 = arith.constant 18 : i32
      %get3A_2697 = arith.index_cast %get3A_2696 : i32 to index
      %get3A_2698 = arith.constant 48 : index
      %get3A_2699 = tpu.vector_load %arg7[%get3A_2697, %get3A_2698] {strides = array<i32>} : memref<100x64xf32, #tpu.memory_space<vmem>>, vector<16xf32>,
      %add3A_2700 = arith.addf %add3A_2680, %get3A_2699 : vector<16xf32>
      %get3A_2701 = arith.constant 19 : i32
      %get3A_2702 = arith.index_cast %get3A_2701 : i32 to index
      %get3A_2703 = arith.constant 0 : index
      %get3A_2704 = tpu.vector_load %arg7[%get3A_2702, %get3A_2703] {strides = array<i32>} : memref<100x64xf32, #tpu.memory_space<vmem>>, vector<16xf32>,
      %add3A_2705 = arith.addf %add3A_2685, %get3A_2704 : vector<16xf32>
      %get3A_2706 = arith.constant 19 : i32
      %get3A_2707 = arith.index_cast %get3A_2706 : i32 to index
      %get3A_2708 = arith.constant 16 : index
      %get3A_2709 = tpu.vector_load %arg7[%get3A_2707, %get3A_2708] {strides = array<i32>} : memref<100x64xf32, #tpu.memory_space<vmem>>, vector<16xf32>,
      %add3A_2710 = arith.addf %add3A_2690, %get3A_2709 : vector<16xf32>
      %get3A_2711 = arith.constant 19 : i32
      %get3A_2712 = arith.index_cast %get3A_2711 : i32 to index
      %get3A_2713 = arith.constant 32 : index
      %get3A_2714 = tpu.vector_load %arg7[%get3A_2712, %get3A_2713] {strides = array<i32>} : memref<100x64xf32, #tpu.memory_space<vmem>>, vector<16xf32>,
      %add3A_2715 = arith.addf %add3A_2695, %get3A_2714 : vector<16xf32>
      %get3A_2716 = arith.constant 19 : i32
      %get3A_2717 = arith.index_cast %get3A_2716 : i32 to index
      %get3A_2718 = arith.constant 48 : index
      %get3A_2719 = tpu.vector_load %arg7[%get3A_2717, %get3A_2718] {strides = array<i32>} : memref<100x64xf32, #tpu.memory_space<vmem>>, vector<16xf32>,
      %add3A_2720 = arith.addf %add3A_2700, %get3A_2719 : vector<16xf32>
      %get3A_2721 = arith.constant 20 : i32
      %get3A_2722 = arith.index_cast %get3A_2721 : i32 to index
      %get3A_2723 = arith.constant 0 : index
      %get3A_2724 = tpu.vector_load %arg7[%get3A_2722, %get3A_2723] {strides = array<i32>} : memref<100x64xf32, #tpu.memory_space<vmem>>, vector<16xf32>,
      %add3A_2725 = arith.addf %add3A_2705, %get3A_2724 : vector<16xf32>
      %get3A_2726 = arith.constant 20 : i32
      %get3A_2727 = arith.index_cast %get3A_2726 : i32 to index
      %get3A_2728 = arith.constant 16 : index
      %get3A_2729 = tpu.vector_load %arg7[%get3A_2727, %get3A_2728] {strides = array<i32>} : memref<100x64xf32, #tpu.memory_space<vmem>>, vector<16xf32>,
      %add3A_2730 = arith.addf %add3A_2710, %get3A_2729 : vector<16xf32>
      %get3A_2731 = arith.constant 20 : i32
      %get3A_2732 = arith.index_cast %get3A_2731 : i32 to index
      %get3A_2733 = arith.constant 32 : index
      %get3A_2734 = tpu.vector_load %arg7[%get3A_2732, %get3A_2733] {strides = array<i32>} : memref<100x64xf32, #tpu.memory_space<vmem>>, vector<16xf32>,
      %add3A_2735 = arith.addf %add3A_2715, %get3A_2734 : vector<16xf32>
      %get3A_2736 = arith.constant 20 : i32
      %get3A_2737 = arith.index_cast %get3A_2736 : i32 to index
      %get3A_2738 = arith.constant 48 : index
      %get3A_2739 = tpu.vector_load %arg7[%get3A_2737, %get3A_2738] {strides = array<i32>} : memref<100x64xf32, #tpu.memory_space<vmem>>, vector<16xf32>,
      %add3A_2740 = arith.addf %add3A_2720, %get3A_2739 : vector<16xf32>
      %get3A_2741 = arith.constant 21 : i32
      %get3A_2742 = arith.index_cast %get3A_2741 : i32 to index
      %get3A_2743 = arith.constant 0 : index
      %get3A_2744 = tpu.vector_load %arg7[%get3A_2742, %get3A_2743] {strides = array<i32>} : memref<100x64xf32, #tpu.memory_space<vmem>>, vector<16xf32>,
      %add3A_2745 = arith.addf %add3A_2725, %get3A_2744 : vector<16xf32>
      %get3A_2746 = arith.constant 21 : i32
      %get3A_2747 = arith.index_cast %get3A_2746 : i32 to index
      %get3A_2748 = arith.constant 16 : index
      %get3A_2749 = tpu.vector_load %arg7[%get3A_2747, %get3A_2748] {strides = array<i32>} : memref<100x64xf32, #tpu.memory_space<vmem>>, vector<16xf32>,
      %add3A_2750 = arith.addf %add3A_2730, %get3A_2749 : vector<16xf32>
      %get3A_2751 = arith.constant 21 : i32
      %get3A_2752 = arith.index_cast %get3A_2751 : i32 to index
      %get3A_2753 = arith.constant 32 : index
      %get3A_2754 = tpu.vector_load %arg7[%get3A_2752, %get3A_2753] {strides = array<i32>} : memref<100x64xf32, #tpu.memory_space<vmem>>, vector<16xf32>,
      %add3A_2755 = arith.addf %add3A_2735, %get3A_2754 : vector<16xf32>
      %get3A_2756 = arith.constant 21 : i32
      %get3A_2757 = arith.index_cast %get3A_2756 : i32 to index
      %get3A_2758 = arith.constant 48 : index
      %get3A_2759 = tpu.vector_load %arg7[%get3A_2757, %get3A_2758] {strides = array<i32>} : memref<100x64xf32, #tpu.memory_space<vmem>>, vector<16xf32>,
      %add3A_2760 = arith.addf %add3A_2740, %get3A_2759 : vector<16xf32>
      %get3A_2761 = arith.constant 22 : i32
      %get3A_2762 = arith.index_cast %get3A_2761 : i32 to index
      %get3A_2763 = arith.constant 0 : index
      %get3A_2764 = tpu.vector_load %arg7[%get3A_2762, %get3A_2763] {strides = array<i32>} : memref<100x64xf32, #tpu.memory_space<vmem>>, vector<16xf32>,
      %add3A_2765 = arith.addf %add3A_2745, %get3A_2764 : vector<16xf32>
      %get3A_2766 = arith.constant 22 : i32
      %get3A_2767 = arith.index_cast %get3A_2766 : i32 to index
      %get3A_2768 = arith.constant 16 : index
      %get3A_2769 = tpu.vector_load %arg7[%get3A_2767, %get3A_2768] {strides = array<i32>} : memref<100x64xf32, #tpu.memory_space<vmem>>, vector<16xf32>,
      %add3A_2770 = arith.addf %add3A_2750, %get3A_2769 : vector<16xf32>
      %get3A_2771 = arith.constant 22 : i32
      %get3A_2772 = arith.index_cast %get3A_2771 : i32 to index
      %get3A_2773 = arith.constant 32 : index
      %get3A_2774 = tpu.vector_load %arg7[%get3A_2772, %get3A_2773] {strides = array<i32>} : memref<100x64xf32, #tpu.memory_space<vmem>>, vector<16xf32>,
      %add3A_2775 = arith.addf %add3A_2755, %get3A_2774 : vector<16xf32>
      %get3A_2776 = arith.constant 22 : i32
      %get3A_2777 = arith.index_cast %get3A_2776 : i32 to index
      %get3A_2778 = arith.constant 48 : index
      %get3A_2779 = tpu.vector_load %arg7[%get3A_2777, %get3A_2778] {strides = array<i32>} : memref<100x64xf32, #tpu.memory_space<vmem>>, vector<16xf32>,
      %add3A_2780 = arith.addf %add3A_2760, %get3A_2779 : vector<16xf32>
      %get3A_2781 = arith.constant 23 : i32
      %get3A_2782 = arith.index_cast %get3A_2781 : i32 to index
      %get3A_2783 = arith.constant 0 : index
      %get3A_2784 = tpu.vector_load %arg7[%get3A_2782, %get3A_2783] {strides = array<i32>} : memref<100x64xf32, #tpu.memory_space<vmem>>, vector<16xf32>,
      %add3A_2785 = arith.addf %add3A_2765, %get3A_2784 : vector<16xf32>
      %get3A_2786 = arith.constant 23 : i32
      %get3A_2787 = arith.index_cast %get3A_2786 : i32 to index
      %get3A_2788 = arith.constant 16 : index
      %get3A_2789 = tpu.vector_load %arg7[%get3A_2787, %get3A_2788] {strides = array<i32>} : memref<100x64xf32, #tpu.memory_space<vmem>>, vector<16xf32>,
      %add3A_2790 = arith.addf %add3A_2770, %get3A_2789 : vector<16xf32>
      %get3A_2791 = arith.constant 23 : i32
      %get3A_2792 = arith.index_cast %get3A_2791 : i32 to index
      %get3A_2793 = arith.constant 32 : index
      %get3A_2794 = tpu.vector_load %arg7[%get3A_2792, %get3A_2793] {strides = array<i32>} : memref<100x64xf32, #tpu.memory_space<vmem>>, vector<16xf32>,
      %add3A_2795 = arith.addf %add3A_2775, %get3A_2794 : vector<16xf32>
      %get3A_2796 = arith.constant 23 : i32
      %get3A_2797 = arith.index_cast %get3A_2796 : i32 to index
      %get3A_2798 = arith.constant 48 : index
      %get3A_2799 = tpu.vector_load %arg7[%get3A_2797, %get3A_2798] {strides = array<i32>} : memref<100x64xf32, #tpu.memory_space<vmem>>, vector<16xf32>,
      %add3A_2800 = arith.addf %add3A_2780, %get3A_2799 : vector<16xf32>
      %get3A_2801 = arith.constant 24 : i32
      %get3A_2802 = arith.index_cast %get3A_2801 : i32 to index
      %get3A_2803 = arith.constant 0 : index
      %get3A_2804 = tpu.vector_load %arg7[%get3A_2802, %get3A_2803] {strides = array<i32>} : memref<100x64xf32, #tpu.memory_space<vmem>>, vector<16xf32>,
      %add3A_2805 = arith.addf %add3A_2785, %get3A_2804 : vector<16xf32>
      %get3A_2806 = arith.constant 24 : i32
      %get3A_2807 = arith.index_cast %get3A_2806 : i32 to index
      %get3A_2808 = arith.constant 16 : index
      %get3A_2809 = tpu.vector_load %arg7[%get3A_2807, %get3A_2808] {strides = array<i32>} : memref<100x64xf32, #tpu.memory_space<vmem>>, vector<16xf32>,
      %add3A_2810 = arith.addf %add3A_2790, %get3A_2809 : vector<16xf32>
      %get3A_2811 = arith.constant 24 : i32
      %get3A_2812 = arith.index_cast %get3A_2811 : i32 to index
      %get3A_2813 = arith.constant 32 : index
      %get3A_2814 = tpu.vector_load %arg7[%get3A_2812, %get3A_2813] {strides = array<i32>} : memref<100x64xf32, #tpu.memory_space<vmem>>, vector<16xf32>,
      %add3A_2815 = arith.addf %add3A_2795, %get3A_2814 : vector<16xf32>
      %get3A_2816 = arith.constant 24 : i32
      %get3A_2817 = arith.index_cast %get3A_2816 : i32 to index
      %get3A_2818 = arith.constant 48 : index
      %get3A_2819 = tpu.vector_load %arg7[%get3A_2817, %get3A_2818] {strides = array<i32>} : memref<100x64xf32, #tpu.memory_space<vmem>>, vector<16xf32>,
      %add3A_2820 = arith.addf %add3A_2800, %get3A_2819 : vector<16xf32>
      %get3A_2821 = arith.constant 25 : i32
      %get3A_2822 = arith.index_cast %get3A_2821 : i32 to index
      %get3A_2823 = arith.constant 0 : index
      %get3A_2824 = tpu.vector_load %arg7[%get3A_2822, %get3A_2823] {strides = array<i32>} : memref<100x64xf32, #tpu.memory_space<vmem>>, vector<16xf32>,
      %add3A_2825 = arith.addf %add3A_2805, %get3A_2824 : vector<16xf32>
      %get3A_2826 = arith.constant 25 : i32
      %get3A_2827 = arith.index_cast %get3A_2826 : i32 to index
      %get3A_2828 = arith.constant 16 : index
      %get3A_2829 = tpu.vector_load %arg7[%get3A_2827, %get3A_2828] {strides = array<i32>} : memref<100x64xf32, #tpu.memory_space<vmem>>, vector<16xf32>,
      %add3A_2830 = arith.addf %add3A_2810, %get3A_2829 : vector<16xf32>
      %get3A_2831 = arith.constant 25 : i32
      %get3A_2832 = arith.index_cast %get3A_2831 : i32 to index
      %get3A_2833 = arith.constant 32 : index
      %get3A_2834 = tpu.vector_load %arg7[%get3A_2832, %get3A_2833] {strides = array<i32>} : memref<100x64xf32, #tpu.memory_space<vmem>>, vector<16xf32>,
      %add3A_2835 = arith.addf %add3A_2815, %get3A_2834 : vector<16xf32>
      %get3A_2836 = arith.constant 25 : i32
      %get3A_2837 = arith.index_cast %get3A_2836 : i32 to index
      %get3A_2838 = arith.constant 48 : index
      %get3A_2839 = tpu.vector_load %arg7[%get3A_2837, %get3A_2838] {strides = array<i32>} : memref<100x64xf32, #tpu.memory_space<vmem>>, vector<16xf32>,
      %add3A_2840 = arith.addf %add3A_2820, %get3A_2839 : vector<16xf32>
      %get3A_2841 = arith.constant 26 : i32
      %get3A_2842 = arith.index_cast %get3A_2841 : i32 to index
      %get3A_2843 = arith.constant 0 : index
      %get3A_2844 = tpu.vector_load %arg7[%get3A_2842, %get3A_2843] {strides = array<i32>} : memref<100x64xf32, #tpu.memory_space<vmem>>, vector<16xf32>,
      %add3A_2845 = arith.addf %add3A_2825, %get3A_2844 : vector<16xf32>
      %get3A_2846 = arith.constant 26 : i32
      %get3A_2847 = arith.index_cast %get3A_2846 : i32 to index
      %get3A_2848 = arith.constant 16 : index
      %get3A_2849 = tpu.vector_load %arg7[%get3A_2847, %get3A_2848] {strides = array<i32>} : memref<100x64xf32, #tpu.memory_space<vmem>>, vector<16xf32>,
      %add3A_2850 = arith.addf %add3A_2830, %get3A_2849 : vector<16xf32>
      %get3A_2851 = arith.constant 26 : i32
      %get3A_2852 = arith.index_cast %get3A_2851 : i32 to index
      %get3A_2853 = arith.constant 32 : index
      %get3A_2854 = tpu.vector_load %arg7[%get3A_2852, %get3A_2853] {strides = array<i32>} : memref<100x64xf32, #tpu.memory_space<vmem>>, vector<16xf32>,
      %add3A_2855 = arith.addf %add3A_2835, %get3A_2854 : vector<16xf32>
      %get3A_2856 = arith.constant 26 : i32
      %get3A_2857 = arith.index_cast %get3A_2856 : i32 to index
      %get3A_2858 = arith.constant 48 : index
      %get3A_2859 = tpu.vector_load %arg7[%get3A_2857, %get3A_2858] {strides = array<i32>} : memref<100x64xf32, #tpu.memory_space<vmem>>, vector<16xf32>,
      %add3A_2860 = arith.addf %add3A_2840, %get3A_2859 : vector<16xf32>
      %get3A_2861 = arith.constant 27 : i32
      %get3A_2862 = arith.index_cast %get3A_2861 : i32 to index
      %get3A_2863 = arith.constant 0 : index
      %get3A_2864 = tpu.vector_load %arg7[%get3A_2862, %get3A_2863] {strides = array<i32>} : memref<100x64xf32, #tpu.memory_space<vmem>>, vector<16xf32>,
      %add3A_2865 = arith.addf %add3A_2845, %get3A_2864 : vector<16xf32>
      %get3A_2866 = arith.constant 27 : i32
      %get3A_2867 = arith.index_cast %get3A_2866 : i32 to index
      %get3A_2868 = arith.constant 16 : index
      %get3A_2869 = tpu.vector_load %arg7[%get3A_2867, %get3A_2868] {strides = array<i32>} : memref<100x64xf32, #tpu.memory_space<vmem>>, vector<16xf32>,
      %add3A_2870 = arith.addf %add3A_2850, %get3A_2869 : vector<16xf32>
      %get3A_2871 = arith.constant 27 : i32
      %get3A_2872 = arith.index_cast %get3A_2871 : i32 to index
      %get3A_2873 = arith.constant 32 : index
      %get3A_2874 = tpu.vector_load %arg7[%get3A_2872, %get3A_2873] {strides = array<i32>} : memref<100x64xf32, #tpu.memory_space<vmem>>, vector<16xf32>,
      %add3A_2875 = arith.addf %add3A_2855, %get3A_2874 : vector<16xf32>
      %get3A_2876 = arith.constant 27 : i32
      %get3A_2877 = arith.index_cast %get3A_2876 : i32 to index
      %get3A_2878 = arith.constant 48 : index
      %get3A_2879 = tpu.vector_load %arg7[%get3A_2877, %get3A_2878] {strides = array<i32>} : memref<100x64xf32, #tpu.memory_space<vmem>>, vector<16xf32>,
      %add3A_2880 = arith.addf %add3A_2860, %get3A_2879 : vector<16xf32>
      %get3A_2881 = arith.constant 28 : i32
      %get3A_2882 = arith.index_cast %get3A_2881 : i32 to index
      %get3A_2883 = arith.constant 0 : index
      %get3A_2884 = tpu.vector_load %arg7[%get3A_2882, %get3A_2883] {strides = array<i32>} : memref<100x64xf32, #tpu.memory_space<vmem>>, vector<16xf32>,
      %add3A_2885 = arith.addf %add3A_2865, %get3A_2884 : vector<16xf32>
      %get3A_2886 = arith.constant 28 : i32
      %get3A_2887 = arith.index_cast %get3A_2886 : i32 to index
      %get3A_2888 = arith.constant 16 : index
      %get3A_2889 = tpu.vector_load %arg7[%get3A_2887, %get3A_2888] {strides = array<i32>} : memref<100x64xf32, #tpu.memory_space<vmem>>, vector<16xf32>,
      %add3A_2890 = arith.addf %add3A_2870, %get3A_2889 : vector<16xf32>
      %get3A_2891 = arith.constant 28 : i32
      %get3A_2892 = arith.index_cast %get3A_2891 : i32 to index
      %get3A_2893 = arith.constant 32 : index
      %get3A_2894 = tpu.vector_load %arg7[%get3A_2892, %get3A_2893] {strides = array<i32>} : memref<100x64xf32, #tpu.memory_space<vmem>>, vector<16xf32>,
      %add3A_2895 = arith.addf %add3A_2875, %get3A_2894 : vector<16xf32>
      %get3A_2896 = arith.constant 28 : i32
      %get3A_2897 = arith.index_cast %get3A_2896 : i32 to index
      %get3A_2898 = arith.constant 48 : index
      %get3A_2899 = tpu.vector_load %arg7[%get3A_2897, %get3A_2898] {strides = array<i32>} : memref<100x64xf32, #tpu.memory_space<vmem>>, vector<16xf32>,
      %add3A_2900 = arith.addf %add3A_2880, %get3A_2899 : vector<16xf32>
      %get3A_2901 = arith.constant 29 : i32
      %get3A_2902 = arith.index_cast %get3A_2901 : i32 to index
      %get3A_2903 = arith.constant 0 : index
      %get3A_2904 = tpu.vector_load %arg7[%get3A_2902, %get3A_2903] {strides = array<i32>} : memref<100x64xf32, #tpu.memory_space<vmem>>, vector<16xf32>,
      %add3A_2905 = arith.addf %add3A_2885, %get3A_2904 : vector<16xf32>
      %get3A_2906 = arith.constant 29 : i32
      %get3A_2907 = arith.index_cast %get3A_2906 : i32 to index
      %get3A_2908 = arith.constant 16 : index
      %get3A_2909 = tpu.vector_load %arg7[%get3A_2907, %get3A_2908] {strides = array<i32>} : memref<100x64xf32, #tpu.memory_space<vmem>>, vector<16xf32>,
      %add3A_2910 = arith.addf %add3A_2890, %get3A_2909 : vector<16xf32>
      %get3A_2911 = arith.constant 29 : i32
      %get3A_2912 = arith.index_cast %get3A_2911 : i32 to index
      %get3A_2913 = arith.constant 32 : index
      %get3A_2914 = tpu.vector_load %arg7[%get3A_2912, %get3A_2913] {strides = array<i32>} : memref<100x64xf32, #tpu.memory_space<vmem>>, vector<16xf32>,
      %add3A_2915 = arith.addf %add3A_2895, %get3A_2914 : vector<16xf32>
      %get3A_2916 = arith.constant 29 : i32
      %get3A_2917 = arith.index_cast %get3A_2916 : i32 to index
      %get3A_2918 = arith.constant 48 : index
      %get3A_2919 = tpu.vector_load %arg7[%get3A_2917, %get3A_2918] {strides = array<i32>} : memref<100x64xf32, #tpu.memory_space<vmem>>, vector<16xf32>,
      %add3A_2920 = arith.addf %add3A_2900, %get3A_2919 : vector<16xf32>
      %get3A_2921 = arith.constant 30 : i32
      %get3A_2922 = arith.index_cast %get3A_2921 : i32 to index
      %get3A_2923 = arith.constant 0 : index
      %get3A_2924 = tpu.vector_load %arg7[%get3A_2922, %get3A_2923] {strides = array<i32>} : memref<100x64xf32, #tpu.memory_space<vmem>>, vector<16xf32>,
      %add3A_2925 = arith.addf %add3A_2905, %get3A_2924 : vector<16xf32>
      %get3A_2926 = arith.constant 30 : i32
      %get3A_2927 = arith.index_cast %get3A_2926 : i32 to index
      %get3A_2928 = arith.constant 16 : index
      %get3A_2929 = tpu.vector_load %arg7[%get3A_2927, %get3A_2928] {strides = array<i32>} : memref<100x64xf32, #tpu.memory_space<vmem>>, vector<16xf32>,
      %add3A_2930 = arith.addf %add3A_2910, %get3A_2929 : vector<16xf32>
      %get3A_2931 = arith.constant 30 : i32
      %get3A_2932 = arith.index_cast %get3A_2931 : i32 to index
      %get3A_2933 = arith.constant 32 : index
      %get3A_2934 = tpu.vector_load %arg7[%get3A_2932, %get3A_2933] {strides = array<i32>} : memref<100x64xf32, #tpu.memory_space<vmem>>, vector<16xf32>,
      %add3A_2935 = arith.addf %add3A_2915, %get3A_2934 : vector<16xf32>
      %get3A_2936 = arith.constant 30 : i32
      %get3A_2937 = arith.index_cast %get3A_2936 : i32 to index
      %get3A_2938 = arith.constant 48 : index
      %get3A_2939 = tpu.vector_load %arg7[%get3A_2937, %get3A_2938] {strides = array<i32>} : memref<100x64xf32, #tpu.memory_space<vmem>>, vector<16xf32>,
      %add3A_2940 = arith.addf %add3A_2920, %get3A_2939 : vector<16xf32>
      %get3A_2941 = arith.constant 31 : i32
      %get3A_2942 = arith.index_cast %get3A_2941 : i32 to index
      %get3A_2943 = arith.constant 0 : index
      %get3A_2944 = tpu.vector_load %arg7[%get3A_2942, %get3A_2943] {strides = array<i32>} : memref<100x64xf32, #tpu.memory_space<vmem>>, vector<16xf32>,
      %add3A_2945 = arith.addf %add3A_2925, %get3A_2944 : vector<16xf32>
      %get3A_2946 = arith.constant 31 : i32
      %get3A_2947 = arith.index_cast %get3A_2946 : i32 to index
      %get3A_2948 = arith.constant 16 : index
      %get3A_2949 = tpu.vector_load %arg7[%get3A_2947, %get3A_2948] {strides = array<i32>} : memref<100x64xf32, #tpu.memory_space<vmem>>, vector<16xf32>,
      %add3A_2950 = arith.addf %add3A_2930, %get3A_2949 : vector<16xf32>
      %get3A_2951 = arith.constant 31 : i32
      %get3A_2952 = arith.index_cast %get3A_2951 : i32 to index
      %get3A_2953 = arith.constant 32 : index
      %get3A_2954 = tpu.vector_load %arg7[%get3A_2952, %get3A_2953] {strides = array<i32>} : memref<100x64xf32, #tpu.memory_space<vmem>>, vector<16xf32>,
      %add3A_2955 = arith.addf %add3A_2935, %get3A_2954 : vector<16xf32>
      %get3A_2956 = arith.constant 31 : i32
      %get3A_2957 = arith.index_cast %get3A_2956 : i32 to index
      %get3A_2958 = arith.constant 48 : index
      %get3A_2959 = tpu.vector_load %arg7[%get3A_2957, %get3A_2958] {strides = array<i32>} : memref<100x64xf32, #tpu.memory_space<vmem>>, vector<16xf32>,
      %add3A_2960 = arith.addf %add3A_2940, %get3A_2959 : vector<16xf32>
      %get3A_2961 = arith.constant 32 : i32
      %get3A_2962 = arith.index_cast %get3A_2961 : i32 to index
      %get3A_2963 = arith.constant 0 : index
      %get3A_2964 = tpu.vector_load %arg7[%get3A_2962, %get3A_2963] {strides = array<i32>} : memref<100x64xf32, #tpu.memory_space<vmem>>, vector<16xf32>,
      %add3A_2965 = arith.addf %add3A_2945, %get3A_2964 : vector<16xf32>
      %get3A_2966 = arith.constant 32 : i32
      %get3A_2967 = arith.index_cast %get3A_2966 : i32 to index
      %get3A_2968 = arith.constant 16 : index
      %get3A_2969 = tpu.vector_load %arg7[%get3A_2967, %get3A_2968] {strides = array<i32>} : memref<100x64xf32, #tpu.memory_space<vmem>>, vector<16xf32>,
      %add3A_2970 = arith.addf %add3A_2950, %get3A_2969 : vector<16xf32>
      %get3A_2971 = arith.constant 32 : i32
      %get3A_2972 = arith.index_cast %get3A_2971 : i32 to index
      %get3A_2973 = arith.constant 32 : index
      %get3A_2974 = tpu.vector_load %arg7[%get3A_2972, %get3A_2973] {strides = array<i32>} : memref<100x64xf32, #tpu.memory_space<vmem>>, vector<16xf32>,
      %add3A_2975 = arith.addf %add3A_2955, %get3A_2974 : vector<16xf32>
      %get3A_2976 = arith.constant 32 : i32
      %get3A_2977 = arith.index_cast %get3A_2976 : i32 to index
      %get3A_2978 = arith.constant 48 : index
      %get3A_2979 = tpu.vector_load %arg7[%get3A_2977, %get3A_2978] {strides = array<i32>} : memref<100x64xf32, #tpu.memory_space<vmem>>, vector<16xf32>,
      %add3A_2980 = arith.addf %add3A_2960, %get3A_2979 : vector<16xf32>
      %get3A_2981 = arith.constant 33 : i32
      %get3A_2982 = arith.index_cast %get3A_2981 : i32 to index
      %get3A_2983 = arith.constant 0 : index
      %get3A_2984 = tpu.vector_load %arg7[%get3A_2982, %get3A_2983] {strides = array<i32>} : memref<100x64xf32, #tpu.memory_space<vmem>>, vector<16xf32>,
      %add3A_2985 = arith.addf %add3A_2965, %get3A_2984 : vector<16xf32>
      %get3A_2986 = arith.constant 33 : i32
      %get3A_2987 = arith.index_cast %get3A_2986 : i32 to index
      %get3A_2988 = arith.constant 16 : index
      %get3A_2989 = tpu.vector_load %arg7[%get3A_2987, %get3A_2988] {strides = array<i32>} : memref<100x64xf32, #tpu.memory_space<vmem>>, vector<16xf32>,
      %add3A_2990 = arith.addf %add3A_2970, %get3A_2989 : vector<16xf32>
      %get3A_2991 = arith.constant 33 : i32
      %get3A_2992 = arith.index_cast %get3A_2991 : i32 to index
      %get3A_2993 = arith.constant 32 : index
      %get3A_2994 = tpu.vector_load %arg7[%get3A_2992, %get3A_2993] {strides = array<i32>} : memref<100x64xf32, #tpu.memory_space<vmem>>, vector<16xf32>,
      %add3A_2995 = arith.addf %add3A_2975, %get3A_2994 : vector<16xf32>
      %get3A_2996 = arith.constant 33 : i32
      %get3A_2997 = arith.index_cast %get3A_2996 : i32 to index
      %get3A_2998 = arith.constant 48 : index
      %get3A_2999 = tpu.vector_load %arg7[%get3A_2997, %get3A_2998] {strides = array<i32>} : memref<100x64xf32, #tpu.memory_space<vmem>>, vector<16xf32>,
      %add3A_3000 = arith.addf %add3A_2980, %get3A_2999 : vector<16xf32>
      %get3A_3001 = arith.constant 34 : i32
      %get3A_3002 = arith.index_cast %get3A_3001 : i32 to index
      %get3A_3003 = arith.constant 0 : index
      %get3A_3004 = tpu.vector_load %arg7[%get3A_3002, %get3A_3003] {strides = array<i32>} : memref<100x64xf32, #tpu.memory_space<vmem>>, vector<16xf32>,
      %add3A_3005 = arith.addf %add3A_2985, %get3A_3004 : vector<16xf32>
      %get3A_3006 = arith.constant 34 : i32
      %get3A_3007 = arith.index_cast %get3A_3006 : i32 to index
      %get3A_3008 = arith.constant 16 : index
      %get3A_3009 = tpu.vector_load %arg7[%get3A_3007, %get3A_3008] {strides = array<i32>} : memref<100x64xf32, #tpu.memory_space<vmem>>, vector<16xf32>,
      %add3A_3010 = arith.addf %add3A_2990, %get3A_3009 : vector<16xf32>
      %get3A_3011 = arith.constant 34 : i32
      %get3A_3012 = arith.index_cast %get3A_3011 : i32 to index
      %get3A_3013 = arith.constant 32 : index
      %get3A_3014 = tpu.vector_load %arg7[%get3A_3012, %get3A_3013] {strides = array<i32>} : memref<100x64xf32, #tpu.memory_space<vmem>>, vector<16xf32>,
      %add3A_3015 = arith.addf %add3A_2995, %get3A_3014 : vector<16xf32>
      %get3A_3016 = arith.constant 34 : i32
      %get3A_3017 = arith.index_cast %get3A_3016 : i32 to index
      %get3A_3018 = arith.constant 48 : index
      %get3A_3019 = tpu.vector_load %arg7[%get3A_3017, %get3A_3018] {strides = array<i32>} : memref<100x64xf32, #tpu.memory_space<vmem>>, vector<16xf32>,
      %add3A_3020 = arith.addf %add3A_3000, %get3A_3019 : vector<16xf32>
      %get3A_3021 = arith.constant 35 : i32
      %get3A_3022 = arith.index_cast %get3A_3021 : i32 to index
      %get3A_3023 = arith.constant 0 : index
      %get3A_3024 = tpu.vector_load %arg7[%get3A_3022, %get3A_3023] {strides = array<i32>} : memref<100x64xf32, #tpu.memory_space<vmem>>, vector<16xf32>,
      %add3A_3025 = arith.addf %add3A_3005, %get3A_3024 : vector<16xf32>
      %get3A_3026 = arith.constant 35 : i32
      %get3A_3027 = arith.index_cast %get3A_3026 : i32 to index
      %get3A_3028 = arith.constant 16 : index
      %get3A_3029 = tpu.vector_load %arg7[%get3A_3027, %get3A_3028] {strides = array<i32>} : memref<100x64xf32, #tpu.memory_space<vmem>>, vector<16xf32>,
      %add3A_3030 = arith.addf %add3A_3010, %get3A_3029 : vector<16xf32>
      %get3A_3031 = arith.constant 35 : i32
      %get3A_3032 = arith.index_cast %get3A_3031 : i32 to index
      %get3A_3033 = arith.constant 32 : index
      %get3A_3034 = tpu.vector_load %arg7[%get3A_3032, %get3A_3033] {strides = array<i32>} : memref<100x64xf32, #tpu.memory_space<vmem>>, vector<16xf32>,
      %add3A_3035 = arith.addf %add3A_3015, %get3A_3034 : vector<16xf32>
      %get3A_3036 = arith.constant 35 : i32
      %get3A_3037 = arith.index_cast %get3A_3036 : i32 to index
      %get3A_3038 = arith.constant 48 : index
      %get3A_3039 = tpu.vector_load %arg7[%get3A_3037, %get3A_3038] {strides = array<i32>} : memref<100x64xf32, #tpu.memory_space<vmem>>, vector<16xf32>,
      %add3A_3040 = arith.addf %add3A_3020, %get3A_3039 : vector<16xf32>
      %get3A_3041 = arith.constant 36 : i32
      %get3A_3042 = arith.index_cast %get3A_3041 : i32 to index
      %get3A_3043 = arith.constant 0 : index
      %get3A_3044 = tpu.vector_load %arg7[%get3A_3042, %get3A_3043] {strides = array<i32>} : memref<100x64xf32, #tpu.memory_space<vmem>>, vector<16xf32>,
      %add3A_3045 = arith.addf %add3A_3025, %get3A_3044 : vector<16xf32>
      %get3A_3046 = arith.constant 36 : i32
      %get3A_3047 = arith.index_cast %get3A_3046 : i32 to index
      %get3A_3048 = arith.constant 16 : index
      %get3A_3049 = tpu.vector_load %arg7[%get3A_3047, %get3A_3048] {strides = array<i32>} : memref<100x64xf32, #tpu.memory_space<vmem>>, vector<16xf32>,
      %add3A_3050 = arith.addf %add3A_3030, %get3A_3049 : vector<16xf32>
      %get3A_3051 = arith.constant 36 : i32
      %get3A_3052 = arith.index_cast %get3A_3051 : i32 to index
      %get3A_3053 = arith.constant 32 : index
      %get3A_3054 = tpu.vector_load %arg7[%get3A_3052, %get3A_3053] {strides = array<i32>} : memref<100x64xf32, #tpu.memory_space<vmem>>, vector<16xf32>,
      %add3A_3055 = arith.addf %add3A_3035, %get3A_3054 : vector<16xf32>
      %get3A_3056 = arith.constant 36 : i32
      %get3A_3057 = arith.index_cast %get3A_3056 : i32 to index
      %get3A_3058 = arith.constant 48 : index
      %get3A_3059 = tpu.vector_load %arg7[%get3A_3057, %get3A_3058] {strides = array<i32>} : memref<100x64xf32, #tpu.memory_space<vmem>>, vector<16xf32>,
      %add3A_3060 = arith.addf %add3A_3040, %get3A_3059 : vector<16xf32>
      %get3A_3061 = arith.constant 37 : i32
      %get3A_3062 = arith.index_cast %get3A_3061 : i32 to index
      %get3A_3063 = arith.constant 0 : index
      %get3A_3064 = tpu.vector_load %arg7[%get3A_3062, %get3A_3063] {strides = array<i32>} : memref<100x64xf32, #tpu.memory_space<vmem>>, vector<16xf32>,
      %add3A_3065 = arith.addf %add3A_3045, %get3A_3064 : vector<16xf32>
      %get3A_3066 = arith.constant 37 : i32
      %get3A_3067 = arith.index_cast %get3A_3066 : i32 to index
      %get3A_3068 = arith.constant 16 : index
      %get3A_3069 = tpu.vector_load %arg7[%get3A_3067, %get3A_3068] {strides = array<i32>} : memref<100x64xf32, #tpu.memory_space<vmem>>, vector<16xf32>,
      %add3A_3070 = arith.addf %add3A_3050, %get3A_3069 : vector<16xf32>
      %get3A_3071 = arith.constant 37 : i32
      %get3A_3072 = arith.index_cast %get3A_3071 : i32 to index
      %get3A_3073 = arith.constant 32 : index
      %get3A_3074 = tpu.vector_load %arg7[%get3A_3072, %get3A_3073] {strides = array<i32>} : memref<100x64xf32, #tpu.memory_space<vmem>>, vector<16xf32>,
      %add3A_3075 = arith.addf %add3A_3055, %get3A_3074 : vector<16xf32>
      %get3A_3076 = arith.constant 37 : i32
      %get3A_3077 = arith.index_cast %get3A_3076 : i32 to index
      %get3A_3078 = arith.constant 48 : index
      %get3A_3079 = tpu.vector_load %arg7[%get3A_3077, %get3A_3078] {strides = array<i32>} : memref<100x64xf32, #tpu.memory_space<vmem>>, vector<16xf32>,
      %add3A_3080 = arith.addf %add3A_3060, %get3A_3079 : vector<16xf32>
      %get3A_3081 = arith.constant 38 : i32
      %get3A_3082 = arith.index_cast %get3A_3081 : i32 to index
      %get3A_3083 = arith.constant 0 : index
      %get3A_3084 = tpu.vector_load %arg7[%get3A_3082, %get3A_3083] {strides = array<i32>} : memref<100x64xf32, #tpu.memory_space<vmem>>, vector<16xf32>,
      %add3A_3085 = arith.addf %add3A_3065, %get3A_3084 : vector<16xf32>
      %get3A_3086 = arith.constant 38 : i32
      %get3A_3087 = arith.index_cast %get3A_3086 : i32 to index
      %get3A_3088 = arith.constant 16 : index
      %get3A_3089 = tpu.vector_load %arg7[%get3A_3087, %get3A_3088] {strides = array<i32>} : memref<100x64xf32, #tpu.memory_space<vmem>>, vector<16xf32>,
      %add3A_3090 = arith.addf %add3A_3070, %get3A_3089 : vector<16xf32>
      %get3A_3091 = arith.constant 38 : i32
      %get3A_3092 = arith.index_cast %get3A_3091 : i32 to index
      %get3A_3093 = arith.constant 32 : index
      %get3A_3094 = tpu.vector_load %arg7[%get3A_3092, %get3A_3093] {strides = array<i32>} : memref<100x64xf32, #tpu.memory_space<vmem>>, vector<16xf32>,
      %add3A_3095 = arith.addf %add3A_3075, %get3A_3094 : vector<16xf32>
      %get3A_3096 = arith.constant 38 : i32
      %get3A_3097 = arith.index_cast %get3A_3096 : i32 to index
      %get3A_3098 = arith.constant 48 : index
      %get3A_3099 = tpu.vector_load %arg7[%get3A_3097, %get3A_3098] {strides = array<i32>} : memref<100x64xf32, #tpu.memory_space<vmem>>, vector<16xf32>,
      %add3A_3100 = arith.addf %add3A_3080, %get3A_3099 : vector<16xf32>
      %get3A_3101 = arith.constant 39 : i32
      %get3A_3102 = arith.index_cast %get3A_3101 : i32 to index
      %get3A_3103 = arith.constant 0 : index
      %get3A_3104 = tpu.vector_load %arg7[%get3A_3102, %get3A_3103] {strides = array<i32>} : memref<100x64xf32, #tpu.memory_space<vmem>>, vector<16xf32>,
      %add3A_3105 = arith.addf %add3A_3085, %get3A_3104 : vector<16xf32>
      %get3A_3106 = arith.constant 39 : i32
      %get3A_3107 = arith.index_cast %get3A_3106 : i32 to index
      %get3A_3108 = arith.constant 16 : index
      %get3A_3109 = tpu.vector_load %arg7[%get3A_3107, %get3A_3108] {strides = array<i32>} : memref<100x64xf32, #tpu.memory_space<vmem>>, vector<16xf32>,
      %add3A_3110 = arith.addf %add3A_3090, %get3A_3109 : vector<16xf32>
      %get3A_3111 = arith.constant 39 : i32
      %get3A_3112 = arith.index_cast %get3A_3111 : i32 to index
      %get3A_3113 = arith.constant 32 : index
      %get3A_3114 = tpu.vector_load %arg7[%get3A_3112, %get3A_3113] {strides = array<i32>} : memref<100x64xf32, #tpu.memory_space<vmem>>, vector<16xf32>,
      %add3A_3115 = arith.addf %add3A_3095, %get3A_3114 : vector<16xf32>
      %get3A_3116 = arith.constant 39 : i32
      %get3A_3117 = arith.index_cast %get3A_3116 : i32 to index
      %get3A_3118 = arith.constant 48 : index
      %get3A_3119 = tpu.vector_load %arg7[%get3A_3117, %get3A_3118] {strides = array<i32>} : memref<100x64xf32, #tpu.memory_space<vmem>>, vector<16xf32>,
      %add3A_3120 = arith.addf %add3A_3100, %get3A_3119 : vector<16xf32>
      %get3A_3121 = arith.constant 40 : i32
      %get3A_3122 = arith.index_cast %get3A_3121 : i32 to index
      %get3A_3123 = arith.constant 0 : index
      %get3A_3124 = tpu.vector_load %arg7[%get3A_3122, %get3A_3123] {strides = array<i32>} : memref<100x64xf32, #tpu.memory_space<vmem>>, vector<16xf32>,
      %add3A_3125 = arith.addf %add3A_3105, %get3A_3124 : vector<16xf32>
      %get3A_3126 = arith.constant 40 : i32
      %get3A_3127 = arith.index_cast %get3A_3126 : i32 to index
      %get3A_3128 = arith.constant 16 : index
      %get3A_3129 = tpu.vector_load %arg7[%get3A_3127, %get3A_3128] {strides = array<i32>} : memref<100x64xf32, #tpu.memory_space<vmem>>, vector<16xf32>,
      %add3A_3130 = arith.addf %add3A_3110, %get3A_3129 : vector<16xf32>
      %get3A_3131 = arith.constant 40 : i32
      %get3A_3132 = arith.index_cast %get3A_3131 : i32 to index
      %get3A_3133 = arith.constant 32 : index
      %get3A_3134 = tpu.vector_load %arg7[%get3A_3132, %get3A_3133] {strides = array<i32>} : memref<100x64xf32, #tpu.memory_space<vmem>>, vector<16xf32>,
      %add3A_3135 = arith.addf %add3A_3115, %get3A_3134 : vector<16xf32>
      %get3A_3136 = arith.constant 40 : i32
      %get3A_3137 = arith.index_cast %get3A_3136 : i32 to index
      %get3A_3138 = arith.constant 48 : index
      %get3A_3139 = tpu.vector_load %arg7[%get3A_3137, %get3A_3138] {strides = array<i32>} : memref<100x64xf32, #tpu.memory_space<vmem>>, vector<16xf32>,
      %add3A_3140 = arith.addf %add3A_3120, %get3A_3139 : vector<16xf32>
      %get3A_3141 = arith.constant 41 : i32
      %get3A_3142 = arith.index_cast %get3A_3141 : i32 to index
      %get3A_3143 = arith.constant 0 : index
      %get3A_3144 = tpu.vector_load %arg7[%get3A_3142, %get3A_3143] {strides = array<i32>} : memref<100x64xf32, #tpu.memory_space<vmem>>, vector<16xf32>,
      %add3A_3145 = arith.addf %add3A_3125, %get3A_3144 : vector<16xf32>
      %get3A_3146 = arith.constant 41 : i32
      %get3A_3147 = arith.index_cast %get3A_3146 : i32 to index
      %get3A_3148 = arith.constant 16 : index
      %get3A_3149 = tpu.vector_load %arg7[%get3A_3147, %get3A_3148] {strides = array<i32>} : memref<100x64xf32, #tpu.memory_space<vmem>>, vector<16xf32>,
      %add3A_3150 = arith.addf %add3A_3130, %get3A_3149 : vector<16xf32>
      %get3A_3151 = arith.constant 41 : i32
      %get3A_3152 = arith.index_cast %get3A_3151 : i32 to index
      %get3A_3153 = arith.constant 32 : index
      %get3A_3154 = tpu.vector_load %arg7[%get3A_3152, %get3A_3153] {strides = array<i32>} : memref<100x64xf32, #tpu.memory_space<vmem>>, vector<16xf32>,
      %add3A_3155 = arith.addf %add3A_3135, %get3A_3154 : vector<16xf32>
      %get3A_3156 = arith.constant 41 : i32
      %get3A_3157 = arith.index_cast %get3A_3156 : i32 to index
      %get3A_3158 = arith.constant 48 : index
      %get3A_3159 = tpu.vector_load %arg7[%get3A_3157, %get3A_3158] {strides = array<i32>} : memref<100x64xf32, #tpu.memory_space<vmem>>, vector<16xf32>,
      %add3A_3160 = arith.addf %add3A_3140, %get3A_3159 : vector<16xf32>
      %get3A_3161 = arith.constant 42 : i32
      %get3A_3162 = arith.index_cast %get3A_3161 : i32 to index
      %get3A_3163 = arith.constant 0 : index
      %get3A_3164 = tpu.vector_load %arg7[%get3A_3162, %get3A_3163] {strides = array<i32>} : memref<100x64xf32, #tpu.memory_space<vmem>>, vector<16xf32>,
      %add3A_3165 = arith.addf %add3A_3145, %get3A_3164 : vector<16xf32>
      %get3A_3166 = arith.constant 42 : i32
      %get3A_3167 = arith.index_cast %get3A_3166 : i32 to index
      %get3A_3168 = arith.constant 16 : index
      %get3A_3169 = tpu.vector_load %arg7[%get3A_3167, %get3A_3168] {strides = array<i32>} : memref<100x64xf32, #tpu.memory_space<vmem>>, vector<16xf32>,
      %add3A_3170 = arith.addf %add3A_3150, %get3A_3169 : vector<16xf32>
      %get3A_3171 = arith.constant 42 : i32
      %get3A_3172 = arith.index_cast %get3A_3171 : i32 to index
      %get3A_3173 = arith.constant 32 : index
      %get3A_3174 = tpu.vector_load %arg7[%get3A_3172, %get3A_3173] {strides = array<i32>} : memref<100x64xf32, #tpu.memory_space<vmem>>, vector<16xf32>,
      %add3A_3175 = arith.addf %add3A_3155, %get3A_3174 : vector<16xf32>
      %get3A_3176 = arith.constant 42 : i32
      %get3A_3177 = arith.index_cast %get3A_3176 : i32 to index
      %get3A_3178 = arith.constant 48 : index
      %get3A_3179 = tpu.vector_load %arg7[%get3A_3177, %get3A_3178] {strides = array<i32>} : memref<100x64xf32, #tpu.memory_space<vmem>>, vector<16xf32>,
      %add3A_3180 = arith.addf %add3A_3160, %get3A_3179 : vector<16xf32>
      %get3A_3181 = arith.constant 43 : i32
      %get3A_3182 = arith.index_cast %get3A_3181 : i32 to index
      %get3A_3183 = arith.constant 0 : index
      %get3A_3184 = tpu.vector_load %arg7[%get3A_3182, %get3A_3183] {strides = array<i32>} : memref<100x64xf32, #tpu.memory_space<vmem>>, vector<16xf32>,
      %add3A_3185 = arith.addf %add3A_3165, %get3A_3184 : vector<16xf32>
      %get3A_3186 = arith.constant 43 : i32
      %get3A_3187 = arith.index_cast %get3A_3186 : i32 to index
      %get3A_3188 = arith.constant 16 : index
      %get3A_3189 = tpu.vector_load %arg7[%get3A_3187, %get3A_3188] {strides = array<i32>} : memref<100x64xf32, #tpu.memory_space<vmem>>, vector<16xf32>,
      %add3A_3190 = arith.addf %add3A_3170, %get3A_3189 : vector<16xf32>
      %get3A_3191 = arith.constant 43 : i32
      %get3A_3192 = arith.index_cast %get3A_3191 : i32 to index
      %get3A_3193 = arith.constant 32 : index
      %get3A_3194 = tpu.vector_load %arg7[%get3A_3192, %get3A_3193] {strides = array<i32>} : memref<100x64xf32, #tpu.memory_space<vmem>>, vector<16xf32>,
      %add3A_3195 = arith.addf %add3A_3175, %get3A_3194 : vector<16xf32>
      %get3A_3196 = arith.constant 43 : i32
      %get3A_3197 = arith.index_cast %get3A_3196 : i32 to index
      %get3A_3198 = arith.constant 48 : index
      %get3A_3199 = tpu.vector_load %arg7[%get3A_3197, %get3A_3198] {strides = array<i32>} : memref<100x64xf32, #tpu.memory_space<vmem>>, vector<16xf32>,
      %add3A_3200 = arith.addf %add3A_3180, %get3A_3199 : vector<16xf32>
      %get3A_3201 = arith.constant 44 : i32
      %get3A_3202 = arith.index_cast %get3A_3201 : i32 to index
      %get3A_3203 = arith.constant 0 : index
      %get3A_3204 = tpu.vector_load %arg7[%get3A_3202, %get3A_3203] {strides = array<i32>} : memref<100x64xf32, #tpu.memory_space<vmem>>, vector<16xf32>,
      %add3A_3205 = arith.addf %add3A_3185, %get3A_3204 : vector<16xf32>
      %get3A_3206 = arith.constant 44 : i32
      %get3A_3207 = arith.index_cast %get3A_3206 : i32 to index
      %get3A_3208 = arith.constant 16 : index
      %get3A_3209 = tpu.vector_load %arg7[%get3A_3207, %get3A_3208] {strides = array<i32>} : memref<100x64xf32, #tpu.memory_space<vmem>>, vector<16xf32>,
      %add3A_3210 = arith.addf %add3A_3190, %get3A_3209 : vector<16xf32>
      %get3A_3211 = arith.constant 44 : i32
      %get3A_3212 = arith.index_cast %get3A_3211 : i32 to index
      %get3A_3213 = arith.constant 32 : index
      %get3A_3214 = tpu.vector_load %arg7[%get3A_3212, %get3A_3213] {strides = array<i32>} : memref<100x64xf32, #tpu.memory_space<vmem>>, vector<16xf32>,
      %add3A_3215 = arith.addf %add3A_3195, %get3A_3214 : vector<16xf32>
      %get3A_3216 = arith.constant 44 : i32
      %get3A_3217 = arith.index_cast %get3A_3216 : i32 to index
      %get3A_3218 = arith.constant 48 : index
      %get3A_3219 = tpu.vector_load %arg7[%get3A_3217, %get3A_3218] {strides = array<i32>} : memref<100x64xf32, #tpu.memory_space<vmem>>, vector<16xf32>,
      %add3A_3220 = arith.addf %add3A_3200, %get3A_3219 : vector<16xf32>
      %get3A_3221 = arith.constant 45 : i32
      %get3A_3222 = arith.index_cast %get3A_3221 : i32 to index
      %get3A_3223 = arith.constant 0 : index
      %get3A_3224 = tpu.vector_load %arg7[%get3A_3222, %get3A_3223] {strides = array<i32>} : memref<100x64xf32, #tpu.memory_space<vmem>>, vector<16xf32>,
      %add3A_3225 = arith.addf %add3A_3205, %get3A_3224 : vector<16xf32>
      %get3A_3226 = arith.constant 45 : i32
      %get3A_3227 = arith.index_cast %get3A_3226 : i32 to index
      %get3A_3228 = arith.constant 16 : index
      %get3A_3229 = tpu.vector_load %arg7[%get3A_3227, %get3A_3228] {strides = array<i32>} : memref<100x64xf32, #tpu.memory_space<vmem>>, vector<16xf32>,
      %add3A_3230 = arith.addf %add3A_3210, %get3A_3229 : vector<16xf32>
      %get3A_3231 = arith.constant 45 : i32
      %get3A_3232 = arith.index_cast %get3A_3231 : i32 to index
      %get3A_3233 = arith.constant 32 : index
      %get3A_3234 = tpu.vector_load %arg7[%get3A_3232, %get3A_3233] {strides = array<i32>} : memref<100x64xf32, #tpu.memory_space<vmem>>, vector<16xf32>,
      %add3A_3235 = arith.addf %add3A_3215, %get3A_3234 : vector<16xf32>
      %get3A_3236 = arith.constant 45 : i32
      %get3A_3237 = arith.index_cast %get3A_3236 : i32 to index
      %get3A_3238 = arith.constant 48 : index
      %get3A_3239 = tpu.vector_load %arg7[%get3A_3237, %get3A_3238] {strides = array<i32>} : memref<100x64xf32, #tpu.memory_space<vmem>>, vector<16xf32>,
      %add3A_3240 = arith.addf %add3A_3220, %get3A_3239 : vector<16xf32>
      %get3A_3241 = arith.constant 46 : i32
      %get3A_3242 = arith.index_cast %get3A_3241 : i32 to index
      %get3A_3243 = arith.constant 0 : index
      %get3A_3244 = tpu.vector_load %arg7[%get3A_3242, %get3A_3243] {strides = array<i32>} : memref<100x64xf32, #tpu.memory_space<vmem>>, vector<16xf32>,
      %add3A_3245 = arith.addf %add3A_3225, %get3A_3244 : vector<16xf32>
      %get3A_3246 = arith.constant 46 : i32
      %get3A_3247 = arith.index_cast %get3A_3246 : i32 to index
      %get3A_3248 = arith.constant 16 : index
      %get3A_3249 = tpu.vector_load %arg7[%get3A_3247, %get3A_3248] {strides = array<i32>} : memref<100x64xf32, #tpu.memory_space<vmem>>, vector<16xf32>,
      %add3A_3250 = arith.addf %add3A_3230, %get3A_3249 : vector<16xf32>
      %get3A_3251 = arith.constant 46 : i32
      %get3A_3252 = arith.index_cast %get3A_3251 : i32 to index
      %get3A_3253 = arith.constant 32 : index
      %get3A_3254 = tpu.vector_load %arg7[%get3A_3252, %get3A_3253] {strides = array<i32>} : memref<100x64xf32, #tpu.memory_space<vmem>>, vector<16xf32>,
      %add3A_3255 = arith.addf %add3A_3235, %get3A_3254 : vector<16xf32>
      %get3A_3256 = arith.constant 46 : i32
      %get3A_3257 = arith.index_cast %get3A_3256 : i32 to index
      %get3A_3258 = arith.constant 48 : index
      %get3A_3259 = tpu.vector_load %arg7[%get3A_3257, %get3A_3258] {strides = array<i32>} : memref<100x64xf32, #tpu.memory_space<vmem>>, vector<16xf32>,
      %add3A_3260 = arith.addf %add3A_3240, %get3A_3259 : vector<16xf32>
      %get3A_3261 = arith.constant 47 : i32
      %get3A_3262 = arith.index_cast %get3A_3261 : i32 to index
      %get3A_3263 = arith.constant 0 : index
      %get3A_3264 = tpu.vector_load %arg7[%get3A_3262, %get3A_3263] {strides = array<i32>} : memref<100x64xf32, #tpu.memory_space<vmem>>, vector<16xf32>,
      %add3A_3265 = arith.addf %add3A_3245, %get3A_3264 : vector<16xf32>
      %get3A_3266 = arith.constant 47 : i32
      %get3A_3267 = arith.index_cast %get3A_3266 : i32 to index
      %get3A_3268 = arith.constant 16 : index
      %get3A_3269 = tpu.vector_load %arg7[%get3A_3267, %get3A_3268] {strides = array<i32>} : memref<100x64xf32, #tpu.memory_space<vmem>>, vector<16xf32>,
      %add3A_3270 = arith.addf %add3A_3250, %get3A_3269 : vector<16xf32>
      %get3A_3271 = arith.constant 47 : i32
      %get3A_3272 = arith.index_cast %get3A_3271 : i32 to index
      %get3A_3273 = arith.constant 32 : index
      %get3A_3274 = tpu.vector_load %arg7[%get3A_3272, %get3A_3273] {strides = array<i32>} : memref<100x64xf32, #tpu.memory_space<vmem>>, vector<16xf32>,
      %add3A_3275 = arith.addf %add3A_3255, %get3A_3274 : vector<16xf32>
      %get3A_3276 = arith.constant 47 : i32
      %get3A_3277 = arith.index_cast %get3A_3276 : i32 to index
      %get3A_3278 = arith.constant 48 : index
      %get3A_3279 = tpu.vector_load %arg7[%get3A_3277, %get3A_3278] {strides = array<i32>} : memref<100x64xf32, #tpu.memory_space<vmem>>, vector<16xf32>,
      %add3A_3280 = arith.addf %add3A_3260, %get3A_3279 : vector<16xf32>
      %get3A_3281 = arith.constant 48 : i32
      %get3A_3282 = arith.index_cast %get3A_3281 : i32 to index
      %get3A_3283 = arith.constant 0 : index
      %get3A_3284 = tpu.vector_load %arg7[%get3A_3282, %get3A_3283] {strides = array<i32>} : memref<100x64xf32, #tpu.memory_space<vmem>>, vector<16xf32>,
      %add3A_3285 = arith.addf %add3A_3265, %get3A_3284 : vector<16xf32>
      %get3A_3286 = arith.constant 48 : i32
      %get3A_3287 = arith.index_cast %get3A_3286 : i32 to index
      %get3A_3288 = arith.constant 16 : index
      %get3A_3289 = tpu.vector_load %arg7[%get3A_3287, %get3A_3288] {strides = array<i32>} : memref<100x64xf32, #tpu.memory_space<vmem>>, vector<16xf32>,
      %add3A_3290 = arith.addf %add3A_3270, %get3A_3289 : vector<16xf32>
      %get3A_3291 = arith.constant 48 : i32
      %get3A_3292 = arith.index_cast %get3A_3291 : i32 to index
      %get3A_3293 = arith.constant 32 : index
      %get3A_3294 = tpu.vector_load %arg7[%get3A_3292, %get3A_3293] {strides = array<i32>} : memref<100x64xf32, #tpu.memory_space<vmem>>, vector<16xf32>,
      %add3A_3295 = arith.addf %add3A_3275, %get3A_3294 : vector<16xf32>
      %get3A_3296 = arith.constant 48 : i32
      %get3A_3297 = arith.index_cast %get3A_3296 : i32 to index
      %get3A_3298 = arith.constant 48 : index
      %get3A_3299 = tpu.vector_load %arg7[%get3A_3297, %get3A_3298] {strides = array<i32>} : memref<100x64xf32, #tpu.memory_space<vmem>>, vector<16xf32>,
      %add3A_3300 = arith.addf %add3A_3280, %get3A_3299 : vector<16xf32>
      %get3A_3301 = arith.constant 49 : i32
      %get3A_3302 = arith.index_cast %get3A_3301 : i32 to index
      %get3A_3303 = arith.constant 0 : index
      %get3A_3304 = tpu.vector_load %arg7[%get3A_3302, %get3A_3303] {strides = array<i32>} : memref<100x64xf32, #tpu.memory_space<vmem>>, vector<16xf32>,
      %add3A_3305 = arith.addf %add3A_3285, %get3A_3304 : vector<16xf32>
      %get3A_3306 = arith.constant 49 : i32
      %get3A_3307 = arith.index_cast %get3A_3306 : i32 to index
      %get3A_3308 = arith.constant 16 : index
      %get3A_3309 = tpu.vector_load %arg7[%get3A_3307, %get3A_3308] {strides = array<i32>} : memref<100x64xf32, #tpu.memory_space<vmem>>, vector<16xf32>,
      %add3A_3310 = arith.addf %add3A_3290, %get3A_3309 : vector<16xf32>
      %get3A_3311 = arith.constant 49 : i32
      %get3A_3312 = arith.index_cast %get3A_3311 : i32 to index
      %get3A_3313 = arith.constant 32 : index
      %get3A_3314 = tpu.vector_load %arg7[%get3A_3312, %get3A_3313] {strides = array<i32>} : memref<100x64xf32, #tpu.memory_space<vmem>>, vector<16xf32>,
      %add3A_3315 = arith.addf %add3A_3295, %get3A_3314 : vector<16xf32>
      %get3A_3316 = arith.constant 49 : i32
      %get3A_3317 = arith.index_cast %get3A_3316 : i32 to index
      %get3A_3318 = arith.constant 48 : index
      %get3A_3319 = tpu.vector_load %arg7[%get3A_3317, %get3A_3318] {strides = array<i32>} : memref<100x64xf32, #tpu.memory_space<vmem>>, vector<16xf32>,
      %add3A_3320 = arith.addf %add3A_3300, %get3A_3319 : vector<16xf32>
      %mul3A_3321 = arith.mulf %get3A_5, %convert_element_type3A_2296 : vector<16xf32>
      %sub3A_3322 = arith.subf %add3A_3305, %mul3A_3321 : vector<16xf32>
      %mul3A_3323 = vector.broadcast %scan3A : f32 to vector<16xf32>
      %mul3A_3324 = arith.mulf %sub3A_3322, %mul3A_3323 : vector<16xf32>
      %mul3A_3325 = arith.constant 2 : i32
      %mul3A_3326 = arith.muli %add3A_2232, %mul3A_3325 : i32
      %add3A_3327 = arith.constant 0 : i32
      %add3A_3328 = arith.addi %mul3A_3326, %add3A_3327 : i32
      %swap3A_3329 = arith.index_cast %add3A_3328 : i32 to index
      %swap3A_3330 = arith.constant 0 : index
      %swap3A_3331 = tpu.vector_load %arg9[%swap3A_3329, %swap3A_3330] {strides = array<i32>} : memref<128x64xf32, #tpu.memory_space<vmem>>, vector<16xf32>,
      tpu.vector_store %arg9[%swap3A_3329, %swap3A_3330], %mul3A_3324 {strides = array<i32>} : memref<128x64xf32, #tpu.memory_space<vmem>>, vector<16xf32>,
      %mul3A_3332 = arith.mulf %get3A_9, %convert_element_type3A_2296 : vector<16xf32>
      %sub3A_3333 = arith.subf %add3A_3310, %mul3A_3332 : vector<16xf32>
      %mul3A_3334 = vector.broadcast %scan3A : f32 to vector<16xf32>
      %mul3A_3335 = arith.mulf %sub3A_3333, %mul3A_3334 : vector<16xf32>
      %mul3A_3336 = arith.constant 2 : i32
      %mul3A_3337 = arith.muli %add3A_2232, %mul3A_3336 : i32
      %add3A_3338 = arith.constant 0 : i32
      %add3A_3339 = arith.addi %mul3A_3337, %add3A_3338 : i32
      %swap3A_3340 = arith.index_cast %add3A_3339 : i32 to index
      %swap3A_3341 = arith.constant 16 : index
      %swap3A_3342 = tpu.vector_load %arg9[%swap3A_3340, %swap3A_3341] {strides = array<i32>} : memref<128x64xf32, #tpu.memory_space<vmem>>, vector<16xf32>,
      tpu.vector_store %arg9[%swap3A_3340, %swap3A_3341], %mul3A_3335 {strides = array<i32>} : memref<128x64xf32, #tpu.memory_space<vmem>>, vector<16xf32>,
      %mul3A_3343 = arith.mulf %get3A_13, %convert_element_type3A_2296 : vector<16xf32>
      %sub3A_3344 = arith.subf %add3A_3315, %mul3A_3343 : vector<16xf32>
      %mul3A_3345 = vector.broadcast %scan3A : f32 to vector<16xf32>
      %mul3A_3346 = arith.mulf %sub3A_3344, %mul3A_3345 : vector<16xf32>
      %mul3A_3347 = arith.constant 2 : i32
      %mul3A_3348 = arith.muli %add3A_2232, %mul3A_3347 : i32
      %add3A_3349 = arith.constant 0 : i32
      %add3A_3350 = arith.addi %mul3A_3348, %add3A_3349 : i32
      %swap3A_3351 = arith.index_cast %add3A_3350 : i32 to index
      %swap3A_3352 = arith.constant 32 : index
      %swap3A_3353 = tpu.vector_load %arg9[%swap3A_3351, %swap3A_3352] {strides = array<i32>} : memref<128x64xf32, #tpu.memory_space<vmem>>, vector<16xf32>,
      tpu.vector_store %arg9[%swap3A_3351, %swap3A_3352], %mul3A_3346 {strides = array<i32>} : memref<128x64xf32, #tpu.memory_space<vmem>>, vector<16xf32>,
      %mul3A_3354 = arith.mulf %get3A_17, %convert_element_type3A_2296 : vector<16xf32>
      %sub3A_3355 = arith.subf %add3A_3320, %mul3A_3354 : vector<16xf32>
      %mul3A_3356 = vector.broadcast %scan3A : f32 to vector<16xf32>
      %mul3A_3357 = arith.mulf %sub3A_3355, %mul3A_3356 : vector<16xf32>
      %mul3A_3358 = arith.constant 2 : i32
      %mul3A_3359 = arith.muli %add3A_2232, %mul3A_3358 : i32
      %add3A_3360 = arith.constant 0 : i32
      %add3A_3361 = arith.addi %mul3A_3359, %add3A_3360 : i32
      %swap3A_3362 = arith.index_cast %add3A_3361 : i32 to index
      %swap3A_3363 = arith.constant 48 : index
      %swap3A_3364 = tpu.vector_load %arg9[%swap3A_3362, %swap3A_3363] {strides = array<i32>} : memref<128x64xf32, #tpu.memory_space<vmem>>, vector<16xf32>,
      tpu.vector_store %arg9[%swap3A_3362, %swap3A_3363], %mul3A_3357 {strides = array<i32>} : memref<128x64xf32, #tpu.memory_space<vmem>>, vector<16xf32>,
      %broadcast_in_dim3A_3365 = arith.constant 0.000000e+00 : f32
      %broadcast_in_dim3A_3366 = vector.broadcast %broadcast_in_dim3A_3365 : f32 to vector<16xf32>
      %broadcast_in_dim3A_3367 = arith.constant 0.000000e+00 : f32
      %broadcast_in_dim3A_3368 = vector.broadcast %broadcast_in_dim3A_3367 : f32 to vector<16xf32>
      %broadcast_in_dim3A_3369 = arith.constant 0.000000e+00 : f32
      %broadcast_in_dim3A_3370 = vector.broadcast %broadcast_in_dim3A_3369 : f32 to vector<16xf32>
      %broadcast_in_dim3A_3371 = arith.constant 0.000000e+00 : f32
      %broadcast_in_dim3A_3372 = vector.broadcast %broadcast_in_dim3A_3371 : f32 to vector<16xf32>
      %get3A_3373 = arith.constant 50 : i32
      %get3A_3374 = arith.index_cast %get3A_3373 : i32 to index
      %get3A_3375 = arith.constant 0 : index
      %get3A_3376 = tpu.vector_load %arg7[%get3A_3374, %get3A_3375] {strides = array<i32>} : memref<100x64xf32, #tpu.memory_space<vmem>>, vector<16xf32>,
      %add3A_3377 = arith.addf %broadcast_in_dim3A_3366, %get3A_3376 : vector<16xf32>
      %get3A_3378 = arith.constant 50 : i32
      %get3A_3379 = arith.index_cast %get3A_3378 : i32 to index
      %get3A_3380 = arith.constant 16 : index
      %get3A_3381 = tpu.vector_load %arg7[%get3A_3379, %get3A_3380] {strides = array<i32>} : memref<100x64xf32, #tpu.memory_space<vmem>>, vector<16xf32>,
      %add3A_3382 = arith.addf %broadcast_in_dim3A_3368, %get3A_3381 : vector<16xf32>
      %get3A_3383 = arith.constant 50 : i32
      %get3A_3384 = arith.index_cast %get3A_3383 : i32 to index
      %get3A_3385 = arith.constant 32 : index
      %get3A_3386 = tpu.vector_load %arg7[%get3A_3384, %get3A_3385] {strides = array<i32>} : memref<100x64xf32, #tpu.memory_space<vmem>>, vector<16xf32>,
      %add3A_3387 = arith.addf %broadcast_in_dim3A_3370, %get3A_3386 : vector<16xf32>
      %get3A_3388 = arith.constant 50 : i32
      %get3A_3389 = arith.index_cast %get3A_3388 : i32 to index
      %get3A_3390 = arith.constant 48 : index
      %get3A_3391 = tpu.vector_load %arg7[%get3A_3389, %get3A_3390] {strides = array<i32>} : memref<100x64xf32, #tpu.memory_space<vmem>>, vector<16xf32>,
      %add3A_3392 = arith.addf %broadcast_in_dim3A_3372, %get3A_3391 : vector<16xf32>
      %get3A_3393 = arith.constant 51 : i32
      %get3A_3394 = arith.index_cast %get3A_3393 : i32 to index
      %get3A_3395 = arith.constant 0 : index
      %get3A_3396 = tpu.vector_load %arg7[%get3A_3394, %get3A_3395] {strides = array<i32>} : memref<100x64xf32, #tpu.memory_space<vmem>>, vector<16xf32>,
      %add3A_3397 = arith.addf %add3A_3377, %get3A_3396 : vector<16xf32>
      %get3A_3398 = arith.constant 51 : i32
      %get3A_3399 = arith.index_cast %get3A_3398 : i32 to index
      %get3A_3400 = arith.constant 16 : index
      %get3A_3401 = tpu.vector_load %arg7[%get3A_3399, %get3A_3400] {strides = array<i32>} : memref<100x64xf32, #tpu.memory_space<vmem>>, vector<16xf32>,
      %add3A_3402 = arith.addf %add3A_3382, %get3A_3401 : vector<16xf32>
      %get3A_3403 = arith.constant 51 : i32
      %get3A_3404 = arith.index_cast %get3A_3403 : i32 to index
      %get3A_3405 = arith.constant 32 : index
      %get3A_3406 = tpu.vector_load %arg7[%get3A_3404, %get3A_3405] {strides = array<i32>} : memref<100x64xf32, #tpu.memory_space<vmem>>, vector<16xf32>,
      %add3A_3407 = arith.addf %add3A_3387, %get3A_3406 : vector<16xf32>
      %get3A_3408 = arith.constant 51 : i32
      %get3A_3409 = arith.index_cast %get3A_3408 : i32 to index
      %get3A_3410 = arith.constant 48 : index
      %get3A_3411 = tpu.vector_load %arg7[%get3A_3409, %get3A_3410] {strides = array<i32>} : memref<100x64xf32, #tpu.memory_space<vmem>>, vector<16xf32>,
      %add3A_3412 = arith.addf %add3A_3392, %get3A_3411 : vector<16xf32>
      %get3A_3413 = arith.constant 52 : i32
      %get3A_3414 = arith.index_cast %get3A_3413 : i32 to index
      %get3A_3415 = arith.constant 0 : index
      %get3A_3416 = tpu.vector_load %arg7[%get3A_3414, %get3A_3415] {strides = array<i32>} : memref<100x64xf32, #tpu.memory_space<vmem>>, vector<16xf32>,
      %add3A_3417 = arith.addf %add3A_3397, %get3A_3416 : vector<16xf32>
      %get3A_3418 = arith.constant 52 : i32
      %get3A_3419 = arith.index_cast %get3A_3418 : i32 to index
      %get3A_3420 = arith.constant 16 : index
      %get3A_3421 = tpu.vector_load %arg7[%get3A_3419, %get3A_3420] {strides = array<i32>} : memref<100x64xf32, #tpu.memory_space<vmem>>, vector<16xf32>,
      %add3A_3422 = arith.addf %add3A_3402, %get3A_3421 : vector<16xf32>
      %get3A_3423 = arith.constant 52 : i32
      %get3A_3424 = arith.index_cast %get3A_3423 : i32 to index
      %get3A_3425 = arith.constant 32 : index
      %get3A_3426 = tpu.vector_load %arg7[%get3A_3424, %get3A_3425] {strides = array<i32>} : memref<100x64xf32, #tpu.memory_space<vmem>>, vector<16xf32>,
      %add3A_3427 = arith.addf %add3A_3407, %get3A_3426 : vector<16xf32>
      %get3A_3428 = arith.constant 52 : i32
      %get3A_3429 = arith.index_cast %get3A_3428 : i32 to index
      %get3A_3430 = arith.constant 48 : index
      %get3A_3431 = tpu.vector_load %arg7[%get3A_3429, %get3A_3430] {strides = array<i32>} : memref<100x64xf32, #tpu.memory_space<vmem>>, vector<16xf32>,
      %add3A_3432 = arith.addf %add3A_3412, %get3A_3431 : vector<16xf32>
      %get3A_3433 = arith.constant 53 : i32
      %get3A_3434 = arith.index_cast %get3A_3433 : i32 to index
      %get3A_3435 = arith.constant 0 : index
      %get3A_3436 = tpu.vector_load %arg7[%get3A_3434, %get3A_3435] {strides = array<i32>} : memref<100x64xf32, #tpu.memory_space<vmem>>, vector<16xf32>,
      %add3A_3437 = arith.addf %add3A_3417, %get3A_3436 : vector<16xf32>
      %get3A_3438 = arith.constant 53 : i32
      %get3A_3439 = arith.index_cast %get3A_3438 : i32 to index
      %get3A_3440 = arith.constant 16 : index
      %get3A_3441 = tpu.vector_load %arg7[%get3A_3439, %get3A_3440] {strides = array<i32>} : memref<100x64xf32, #tpu.memory_space<vmem>>, vector<16xf32>,
      %add3A_3442 = arith.addf %add3A_3422, %get3A_3441 : vector<16xf32>
      %get3A_3443 = arith.constant 53 : i32
      %get3A_3444 = arith.index_cast %get3A_3443 : i32 to index
      %get3A_3445 = arith.constant 32 : index
      %get3A_3446 = tpu.vector_load %arg7[%get3A_3444, %get3A_3445] {strides = array<i32>} : memref<100x64xf32, #tpu.memory_space<vmem>>, vector<16xf32>,
      %add3A_3447 = arith.addf %add3A_3427, %get3A_3446 : vector<16xf32>
      %get3A_3448 = arith.constant 53 : i32
      %get3A_3449 = arith.index_cast %get3A_3448 : i32 to index
      %get3A_3450 = arith.constant 48 : index
      %get3A_3451 = tpu.vector_load %arg7[%get3A_3449, %get3A_3450] {strides = array<i32>} : memref<100x64xf32, #tpu.memory_space<vmem>>, vector<16xf32>,
      %add3A_3452 = arith.addf %add3A_3432, %get3A_3451 : vector<16xf32>
      %get3A_3453 = arith.constant 54 : i32
      %get3A_3454 = arith.index_cast %get3A_3453 : i32 to index
      %get3A_3455 = arith.constant 0 : index
      %get3A_3456 = tpu.vector_load %arg7[%get3A_3454, %get3A_3455] {strides = array<i32>} : memref<100x64xf32, #tpu.memory_space<vmem>>, vector<16xf32>,
      %add3A_3457 = arith.addf %add3A_3437, %get3A_3456 : vector<16xf32>
      %get3A_3458 = arith.constant 54 : i32
      %get3A_3459 = arith.index_cast %get3A_3458 : i32 to index
      %get3A_3460 = arith.constant 16 : index
      %get3A_3461 = tpu.vector_load %arg7[%get3A_3459, %get3A_3460] {strides = array<i32>} : memref<100x64xf32, #tpu.memory_space<vmem>>, vector<16xf32>,
      %add3A_3462 = arith.addf %add3A_3442, %get3A_3461 : vector<16xf32>
      %get3A_3463 = arith.constant 54 : i32
      %get3A_3464 = arith.index_cast %get3A_3463 : i32 to index
      %get3A_3465 = arith.constant 32 : index
      %get3A_3466 = tpu.vector_load %arg7[%get3A_3464, %get3A_3465] {strides = array<i32>} : memref<100x64xf32, #tpu.memory_space<vmem>>, vector<16xf32>,
      %add3A_3467 = arith.addf %add3A_3447, %get3A_3466 : vector<16xf32>
      %get3A_3468 = arith.constant 54 : i32
      %get3A_3469 = arith.index_cast %get3A_3468 : i32 to index
      %get3A_3470 = arith.constant 48 : index
      %get3A_3471 = tpu.vector_load %arg7[%get3A_3469, %get3A_3470] {strides = array<i32>} : memref<100x64xf32, #tpu.memory_space<vmem>>, vector<16xf32>,
      %add3A_3472 = arith.addf %add3A_3452, %get3A_3471 : vector<16xf32>
      %get3A_3473 = arith.constant 55 : i32
      %get3A_3474 = arith.index_cast %get3A_3473 : i32 to index
      %get3A_3475 = arith.constant 0 : index
      %get3A_3476 = tpu.vector_load %arg7[%get3A_3474, %get3A_3475] {strides = array<i32>} : memref<100x64xf32, #tpu.memory_space<vmem>>, vector<16xf32>,
      %add3A_3477 = arith.addf %add3A_3457, %get3A_3476 : vector<16xf32>
      %get3A_3478 = arith.constant 55 : i32
      %get3A_3479 = arith.index_cast %get3A_3478 : i32 to index
      %get3A_3480 = arith.constant 16 : index
      %get3A_3481 = tpu.vector_load %arg7[%get3A_3479, %get3A_3480] {strides = array<i32>} : memref<100x64xf32, #tpu.memory_space<vmem>>, vector<16xf32>,
      %add3A_3482 = arith.addf %add3A_3462, %get3A_3481 : vector<16xf32>
      %get3A_3483 = arith.constant 55 : i32
      %get3A_3484 = arith.index_cast %get3A_3483 : i32 to index
      %get3A_3485 = arith.constant 32 : index
      %get3A_3486 = tpu.vector_load %arg7[%get3A_3484, %get3A_3485] {strides = array<i32>} : memref<100x64xf32, #tpu.memory_space<vmem>>, vector<16xf32>,
      %add3A_3487 = arith.addf %add3A_3467, %get3A_3486 : vector<16xf32>
      %get3A_3488 = arith.constant 55 : i32
      %get3A_3489 = arith.index_cast %get3A_3488 : i32 to index
      %get3A_3490 = arith.constant 48 : index
      %get3A_3491 = tpu.vector_load %arg7[%get3A_3489, %get3A_3490] {strides = array<i32>} : memref<100x64xf32, #tpu.memory_space<vmem>>, vector<16xf32>,
      %add3A_3492 = arith.addf %add3A_3472, %get3A_3491 : vector<16xf32>
      %get3A_3493 = arith.constant 56 : i32
      %get3A_3494 = arith.index_cast %get3A_3493 : i32 to index
      %get3A_3495 = arith.constant 0 : index
      %get3A_3496 = tpu.vector_load %arg7[%get3A_3494, %get3A_3495] {strides = array<i32>} : memref<100x64xf32, #tpu.memory_space<vmem>>, vector<16xf32>,
      %add3A_3497 = arith.addf %add3A_3477, %get3A_3496 : vector<16xf32>
      %get3A_3498 = arith.constant 56 : i32
      %get3A_3499 = arith.index_cast %get3A_3498 : i32 to index
      %get3A_3500 = arith.constant 16 : index
      %get3A_3501 = tpu.vector_load %arg7[%get3A_3499, %get3A_3500] {strides = array<i32>} : memref<100x64xf32, #tpu.memory_space<vmem>>, vector<16xf32>,
      %add3A_3502 = arith.addf %add3A_3482, %get3A_3501 : vector<16xf32>
      %get3A_3503 = arith.constant 56 : i32
      %get3A_3504 = arith.index_cast %get3A_3503 : i32 to index
      %get3A_3505 = arith.constant 32 : index
      %get3A_3506 = tpu.vector_load %arg7[%get3A_3504, %get3A_3505] {strides = array<i32>} : memref<100x64xf32, #tpu.memory_space<vmem>>, vector<16xf32>,
      %add3A_3507 = arith.addf %add3A_3487, %get3A_3506 : vector<16xf32>
      %get3A_3508 = arith.constant 56 : i32
      %get3A_3509 = arith.index_cast %get3A_3508 : i32 to index
      %get3A_3510 = arith.constant 48 : index
      %get3A_3511 = tpu.vector_load %arg7[%get3A_3509, %get3A_3510] {strides = array<i32>} : memref<100x64xf32, #tpu.memory_space<vmem>>, vector<16xf32>,
      %add3A_3512 = arith.addf %add3A_3492, %get3A_3511 : vector<16xf32>
      %get3A_3513 = arith.constant 57 : i32
      %get3A_3514 = arith.index_cast %get3A_3513 : i32 to index
      %get3A_3515 = arith.constant 0 : index
      %get3A_3516 = tpu.vector_load %arg7[%get3A_3514, %get3A_3515] {strides = array<i32>} : memref<100x64xf32, #tpu.memory_space<vmem>>, vector<16xf32>,
      %add3A_3517 = arith.addf %add3A_3497, %get3A_3516 : vector<16xf32>
      %get3A_3518 = arith.constant 57 : i32
      %get3A_3519 = arith.index_cast %get3A_3518 : i32 to index
      %get3A_3520 = arith.constant 16 : index
      %get3A_3521 = tpu.vector_load %arg7[%get3A_3519, %get3A_3520] {strides = array<i32>} : memref<100x64xf32, #tpu.memory_space<vmem>>, vector<16xf32>,
      %add3A_3522 = arith.addf %add3A_3502, %get3A_3521 : vector<16xf32>
      %get3A_3523 = arith.constant 57 : i32
      %get3A_3524 = arith.index_cast %get3A_3523 : i32 to index
      %get3A_3525 = arith.constant 32 : index
      %get3A_3526 = tpu.vector_load %arg7[%get3A_3524, %get3A_3525] {strides = array<i32>} : memref<100x64xf32, #tpu.memory_space<vmem>>, vector<16xf32>,
      %add3A_3527 = arith.addf %add3A_3507, %get3A_3526 : vector<16xf32>
      %get3A_3528 = arith.constant 57 : i32
      %get3A_3529 = arith.index_cast %get3A_3528 : i32 to index
      %get3A_3530 = arith.constant 48 : index
      %get3A_3531 = tpu.vector_load %arg7[%get3A_3529, %get3A_3530] {strides = array<i32>} : memref<100x64xf32, #tpu.memory_space<vmem>>, vector<16xf32>,
      %add3A_3532 = arith.addf %add3A_3512, %get3A_3531 : vector<16xf32>
      %get3A_3533 = arith.constant 58 : i32
      %get3A_3534 = arith.index_cast %get3A_3533 : i32 to index
      %get3A_3535 = arith.constant 0 : index
      %get3A_3536 = tpu.vector_load %arg7[%get3A_3534, %get3A_3535] {strides = array<i32>} : memref<100x64xf32, #tpu.memory_space<vmem>>, vector<16xf32>,
      %add3A_3537 = arith.addf %add3A_3517, %get3A_3536 : vector<16xf32>
      %get3A_3538 = arith.constant 58 : i32
      %get3A_3539 = arith.index_cast %get3A_3538 : i32 to index
      %get3A_3540 = arith.constant 16 : index
      %get3A_3541 = tpu.vector_load %arg7[%get3A_3539, %get3A_3540] {strides = array<i32>} : memref<100x64xf32, #tpu.memory_space<vmem>>, vector<16xf32>,
      %add3A_3542 = arith.addf %add3A_3522, %get3A_3541 : vector<16xf32>
      %get3A_3543 = arith.constant 58 : i32
      %get3A_3544 = arith.index_cast %get3A_3543 : i32 to index
      %get3A_3545 = arith.constant 32 : index
      %get3A_3546 = tpu.vector_load %arg7[%get3A_3544, %get3A_3545] {strides = array<i32>} : memref<100x64xf32, #tpu.memory_space<vmem>>, vector<16xf32>,
      %add3A_3547 = arith.addf %add3A_3527, %get3A_3546 : vector<16xf32>
      %get3A_3548 = arith.constant 58 : i32
      %get3A_3549 = arith.index_cast %get3A_3548 : i32 to index
      %get3A_3550 = arith.constant 48 : index
      %get3A_3551 = tpu.vector_load %arg7[%get3A_3549, %get3A_3550] {strides = array<i32>} : memref<100x64xf32, #tpu.memory_space<vmem>>, vector<16xf32>,
      %add3A_3552 = arith.addf %add3A_3532, %get3A_3551 : vector<16xf32>
      %get3A_3553 = arith.constant 59 : i32
      %get3A_3554 = arith.index_cast %get3A_3553 : i32 to index
      %get3A_3555 = arith.constant 0 : index
      %get3A_3556 = tpu.vector_load %arg7[%get3A_3554, %get3A_3555] {strides = array<i32>} : memref<100x64xf32, #tpu.memory_space<vmem>>, vector<16xf32>,
      %add3A_3557 = arith.addf %add3A_3537, %get3A_3556 : vector<16xf32>
      %get3A_3558 = arith.constant 59 : i32
      %get3A_3559 = arith.index_cast %get3A_3558 : i32 to index
      %get3A_3560 = arith.constant 16 : index
      %get3A_3561 = tpu.vector_load %arg7[%get3A_3559, %get3A_3560] {strides = array<i32>} : memref<100x64xf32, #tpu.memory_space<vmem>>, vector<16xf32>,
      %add3A_3562 = arith.addf %add3A_3542, %get3A_3561 : vector<16xf32>
      %get3A_3563 = arith.constant 59 : i32
      %get3A_3564 = arith.index_cast %get3A_3563 : i32 to index
      %get3A_3565 = arith.constant 32 : index
      %get3A_3566 = tpu.vector_load %arg7[%get3A_3564, %get3A_3565] {strides = array<i32>} : memref<100x64xf32, #tpu.memory_space<vmem>>, vector<16xf32>,
      %add3A_3567 = arith.addf %add3A_3547, %get3A_3566 : vector<16xf32>
      %get3A_3568 = arith.constant 59 : i32
      %get3A_3569 = arith.index_cast %get3A_3568 : i32 to index
      %get3A_3570 = arith.constant 48 : index
      %get3A_3571 = tpu.vector_load %arg7[%get3A_3569, %get3A_3570] {strides = array<i32>} : memref<100x64xf32, #tpu.memory_space<vmem>>, vector<16xf32>,
      %add3A_3572 = arith.addf %add3A_3552, %get3A_3571 : vector<16xf32>
      %get3A_3573 = arith.constant 60 : i32
      %get3A_3574 = arith.index_cast %get3A_3573 : i32 to index
      %get3A_3575 = arith.constant 0 : index
      %get3A_3576 = tpu.vector_load %arg7[%get3A_3574, %get3A_3575] {strides = array<i32>} : memref<100x64xf32, #tpu.memory_space<vmem>>, vector<16xf32>,
      %add3A_3577 = arith.addf %add3A_3557, %get3A_3576 : vector<16xf32>
      %get3A_3578 = arith.constant 60 : i32
      %get3A_3579 = arith.index_cast %get3A_3578 : i32 to index
      %get3A_3580 = arith.constant 16 : index
      %get3A_3581 = tpu.vector_load %arg7[%get3A_3579, %get3A_3580] {strides = array<i32>} : memref<100x64xf32, #tpu.memory_space<vmem>>, vector<16xf32>,
      %add3A_3582 = arith.addf %add3A_3562, %get3A_3581 : vector<16xf32>
      %get3A_3583 = arith.constant 60 : i32
      %get3A_3584 = arith.index_cast %get3A_3583 : i32 to index
      %get3A_3585 = arith.constant 32 : index
      %get3A_3586 = tpu.vector_load %arg7[%get3A_3584, %get3A_3585] {strides = array<i32>} : memref<100x64xf32, #tpu.memory_space<vmem>>, vector<16xf32>,
      %add3A_3587 = arith.addf %add3A_3567, %get3A_3586 : vector<16xf32>
      %get3A_3588 = arith.constant 60 : i32
      %get3A_3589 = arith.index_cast %get3A_3588 : i32 to index
      %get3A_3590 = arith.constant 48 : index
      %get3A_3591 = tpu.vector_load %arg7[%get3A_3589, %get3A_3590] {strides = array<i32>} : memref<100x64xf32, #tpu.memory_space<vmem>>, vector<16xf32>,
      %add3A_3592 = arith.addf %add3A_3572, %get3A_3591 : vector<16xf32>
      %get3A_3593 = arith.constant 61 : i32
      %get3A_3594 = arith.index_cast %get3A_3593 : i32 to index
      %get3A_3595 = arith.constant 0 : index
      %get3A_3596 = tpu.vector_load %arg7[%get3A_3594, %get3A_3595] {strides = array<i32>} : memref<100x64xf32, #tpu.memory_space<vmem>>, vector<16xf32>,
      %add3A_3597 = arith.addf %add3A_3577, %get3A_3596 : vector<16xf32>
      %get3A_3598 = arith.constant 61 : i32
      %get3A_3599 = arith.index_cast %get3A_3598 : i32 to index
      %get3A_3600 = arith.constant 16 : index
      %get3A_3601 = tpu.vector_load %arg7[%get3A_3599, %get3A_3600] {strides = array<i32>} : memref<100x64xf32, #tpu.memory_space<vmem>>, vector<16xf32>,
      %add3A_3602 = arith.addf %add3A_3582, %get3A_3601 : vector<16xf32>
      %get3A_3603 = arith.constant 61 : i32
      %get3A_3604 = arith.index_cast %get3A_3603 : i32 to index
      %get3A_3605 = arith.constant 32 : index
      %get3A_3606 = tpu.vector_load %arg7[%get3A_3604, %get3A_3605] {strides = array<i32>} : memref<100x64xf32, #tpu.memory_space<vmem>>, vector<16xf32>,
      %add3A_3607 = arith.addf %add3A_3587, %get3A_3606 : vector<16xf32>
      %get3A_3608 = arith.constant 61 : i32
      %get3A_3609 = arith.index_cast %get3A_3608 : i32 to index
      %get3A_3610 = arith.constant 48 : index
      %get3A_3611 = tpu.vector_load %arg7[%get3A_3609, %get3A_3610] {strides = array<i32>} : memref<100x64xf32, #tpu.memory_space<vmem>>, vector<16xf32>,
      %add3A_3612 = arith.addf %add3A_3592, %get3A_3611 : vector<16xf32>
      %get3A_3613 = arith.constant 62 : i32
      %get3A_3614 = arith.index_cast %get3A_3613 : i32 to index
      %get3A_3615 = arith.constant 0 : index
      %get3A_3616 = tpu.vector_load %arg7[%get3A_3614, %get3A_3615] {strides = array<i32>} : memref<100x64xf32, #tpu.memory_space<vmem>>, vector<16xf32>,
      %add3A_3617 = arith.addf %add3A_3597, %get3A_3616 : vector<16xf32>
      %get3A_3618 = arith.constant 62 : i32
      %get3A_3619 = arith.index_cast %get3A_3618 : i32 to index
      %get3A_3620 = arith.constant 16 : index
      %get3A_3621 = tpu.vector_load %arg7[%get3A_3619, %get3A_3620] {strides = array<i32>} : memref<100x64xf32, #tpu.memory_space<vmem>>, vector<16xf32>,
      %add3A_3622 = arith.addf %add3A_3602, %get3A_3621 : vector<16xf32>
      %get3A_3623 = arith.constant 62 : i32
      %get3A_3624 = arith.index_cast %get3A_3623 : i32 to index
      %get3A_3625 = arith.constant 32 : index
      %get3A_3626 = tpu.vector_load %arg7[%get3A_3624, %get3A_3625] {strides = array<i32>} : memref<100x64xf32, #tpu.memory_space<vmem>>, vector<16xf32>,
      %add3A_3627 = arith.addf %add3A_3607, %get3A_3626 : vector<16xf32>
      %get3A_3628 = arith.constant 62 : i32
      %get3A_3629 = arith.index_cast %get3A_3628 : i32 to index
      %get3A_3630 = arith.constant 48 : index
      %get3A_3631 = tpu.vector_load %arg7[%get3A_3629, %get3A_3630] {strides = array<i32>} : memref<100x64xf32, #tpu.memory_space<vmem>>, vector<16xf32>,
      %add3A_3632 = arith.addf %add3A_3612, %get3A_3631 : vector<16xf32>
      %get3A_3633 = arith.constant 63 : i32
      %get3A_3634 = arith.index_cast %get3A_3633 : i32 to index
      %get3A_3635 = arith.constant 0 : index
      %get3A_3636 = tpu.vector_load %arg7[%get3A_3634, %get3A_3635] {strides = array<i32>} : memref<100x64xf32, #tpu.memory_space<vmem>>, vector<16xf32>,
      %add3A_3637 = arith.addf %add3A_3617, %get3A_3636 : vector<16xf32>
      %get3A_3638 = arith.constant 63 : i32
      %get3A_3639 = arith.index_cast %get3A_3638 : i32 to index
      %get3A_3640 = arith.constant 16 : index
      %get3A_3641 = tpu.vector_load %arg7[%get3A_3639, %get3A_3640] {strides = array<i32>} : memref<100x64xf32, #tpu.memory_space<vmem>>, vector<16xf32>,
      %add3A_3642 = arith.addf %add3A_3622, %get3A_3641 : vector<16xf32>
      %get3A_3643 = arith.constant 63 : i32
      %get3A_3644 = arith.index_cast %get3A_3643 : i32 to index
      %get3A_3645 = arith.constant 32 : index
      %get3A_3646 = tpu.vector_load %arg7[%get3A_3644, %get3A_3645] {strides = array<i32>} : memref<100x64xf32, #tpu.memory_space<vmem>>, vector<16xf32>,
      %add3A_3647 = arith.addf %add3A_3627, %get3A_3646 : vector<16xf32>
      %get3A_3648 = arith.constant 63 : i32
      %get3A_3649 = arith.index_cast %get3A_3648 : i32 to index
      %get3A_3650 = arith.constant 48 : index
      %get3A_3651 = tpu.vector_load %arg7[%get3A_3649, %get3A_3650] {strides = array<i32>} : memref<100x64xf32, #tpu.memory_space<vmem>>, vector<16xf32>,
      %add3A_3652 = arith.addf %add3A_3632, %get3A_3651 : vector<16xf32>
      %get3A_3653 = arith.constant 64 : i32
      %get3A_3654 = arith.index_cast %get3A_3653 : i32 to index
      %get3A_3655 = arith.constant 0 : index
      %get3A_3656 = tpu.vector_load %arg7[%get3A_3654, %get3A_3655] {strides = array<i32>} : memref<100x64xf32, #tpu.memory_space<vmem>>, vector<16xf32>,
      %add3A_3657 = arith.addf %add3A_3637, %get3A_3656 : vector<16xf32>
      %get3A_3658 = arith.constant 64 : i32
      %get3A_3659 = arith.index_cast %get3A_3658 : i32 to index
      %get3A_3660 = arith.constant 16 : index
      %get3A_3661 = tpu.vector_load %arg7[%get3A_3659, %get3A_3660] {strides = array<i32>} : memref<100x64xf32, #tpu.memory_space<vmem>>, vector<16xf32>,
      %add3A_3662 = arith.addf %add3A_3642, %get3A_3661 : vector<16xf32>
      %get3A_3663 = arith.constant 64 : i32
      %get3A_3664 = arith.index_cast %get3A_3663 : i32 to index
      %get3A_3665 = arith.constant 32 : index
      %get3A_3666 = tpu.vector_load %arg7[%get3A_3664, %get3A_3665] {strides = array<i32>} : memref<100x64xf32, #tpu.memory_space<vmem>>, vector<16xf32>,
      %add3A_3667 = arith.addf %add3A_3647, %get3A_3666 : vector<16xf32>
      %get3A_3668 = arith.constant 64 : i32
      %get3A_3669 = arith.index_cast %get3A_3668 : i32 to index
      %get3A_3670 = arith.constant 48 : index
      %get3A_3671 = tpu.vector_load %arg7[%get3A_3669, %get3A_3670] {strides = array<i32>} : memref<100x64xf32, #tpu.memory_space<vmem>>, vector<16xf32>,
      %add3A_3672 = arith.addf %add3A_3652, %get3A_3671 : vector<16xf32>
      %get3A_3673 = arith.constant 65 : i32
      %get3A_3674 = arith.index_cast %get3A_3673 : i32 to index
      %get3A_3675 = arith.constant 0 : index
      %get3A_3676 = tpu.vector_load %arg7[%get3A_3674, %get3A_3675] {strides = array<i32>} : memref<100x64xf32, #tpu.memory_space<vmem>>, vector<16xf32>,
      %add3A_3677 = arith.addf %add3A_3657, %get3A_3676 : vector<16xf32>
      %get3A_3678 = arith.constant 65 : i32
      %get3A_3679 = arith.index_cast %get3A_3678 : i32 to index
      %get3A_3680 = arith.constant 16 : index
      %get3A_3681 = tpu.vector_load %arg7[%get3A_3679, %get3A_3680] {strides = array<i32>} : memref<100x64xf32, #tpu.memory_space<vmem>>, vector<16xf32>,
      %add3A_3682 = arith.addf %add3A_3662, %get3A_3681 : vector<16xf32>
      %get3A_3683 = arith.constant 65 : i32
      %get3A_3684 = arith.index_cast %get3A_3683 : i32 to index
      %get3A_3685 = arith.constant 32 : index
      %get3A_3686 = tpu.vector_load %arg7[%get3A_3684, %get3A_3685] {strides = array<i32>} : memref<100x64xf32, #tpu.memory_space<vmem>>, vector<16xf32>,
      %add3A_3687 = arith.addf %add3A_3667, %get3A_3686 : vector<16xf32>
      %get3A_3688 = arith.constant 65 : i32
      %get3A_3689 = arith.index_cast %get3A_3688 : i32 to index
      %get3A_3690 = arith.constant 48 : index
      %get3A_3691 = tpu.vector_load %arg7[%get3A_3689, %get3A_3690] {strides = array<i32>} : memref<100x64xf32, #tpu.memory_space<vmem>>, vector<16xf32>,
      %add3A_3692 = arith.addf %add3A_3672, %get3A_3691 : vector<16xf32>
      %get3A_3693 = arith.constant 66 : i32
      %get3A_3694 = arith.index_cast %get3A_3693 : i32 to index
      %get3A_3695 = arith.constant 0 : index
      %get3A_3696 = tpu.vector_load %arg7[%get3A_3694, %get3A_3695] {strides = array<i32>} : memref<100x64xf32, #tpu.memory_space<vmem>>, vector<16xf32>,
      %add3A_3697 = arith.addf %add3A_3677, %get3A_3696 : vector<16xf32>
      %get3A_3698 = arith.constant 66 : i32
      %get3A_3699 = arith.index_cast %get3A_3698 : i32 to index
      %get3A_3700 = arith.constant 16 : index
      %get3A_3701 = tpu.vector_load %arg7[%get3A_3699, %get3A_3700] {strides = array<i32>} : memref<100x64xf32, #tpu.memory_space<vmem>>, vector<16xf32>,
      %add3A_3702 = arith.addf %add3A_3682, %get3A_3701 : vector<16xf32>
      %get3A_3703 = arith.constant 66 : i32
      %get3A_3704 = arith.index_cast %get3A_3703 : i32 to index
      %get3A_3705 = arith.constant 32 : index
      %get3A_3706 = tpu.vector_load %arg7[%get3A_3704, %get3A_3705] {strides = array<i32>} : memref<100x64xf32, #tpu.memory_space<vmem>>, vector<16xf32>,
      %add3A_3707 = arith.addf %add3A_3687, %get3A_3706 : vector<16xf32>
      %get3A_3708 = arith.constant 66 : i32
      %get3A_3709 = arith.index_cast %get3A_3708 : i32 to index
      %get3A_3710 = arith.constant 48 : index
      %get3A_3711 = tpu.vector_load %arg7[%get3A_3709, %get3A_3710] {strides = array<i32>} : memref<100x64xf32, #tpu.memory_space<vmem>>, vector<16xf32>,
      %add3A_3712 = arith.addf %add3A_3692, %get3A_3711 : vector<16xf32>
      %get3A_3713 = arith.constant 67 : i32
      %get3A_3714 = arith.index_cast %get3A_3713 : i32 to index
      %get3A_3715 = arith.constant 0 : index
      %get3A_3716 = tpu.vector_load %arg7[%get3A_3714, %get3A_3715] {strides = array<i32>} : memref<100x64xf32, #tpu.memory_space<vmem>>, vector<16xf32>,
      %add3A_3717 = arith.addf %add3A_3697, %get3A_3716 : vector<16xf32>
      %get3A_3718 = arith.constant 67 : i32
      %get3A_3719 = arith.index_cast %get3A_3718 : i32 to index
      %get3A_3720 = arith.constant 16 : index
      %get3A_3721 = tpu.vector_load %arg7[%get3A_3719, %get3A_3720] {strides = array<i32>} : memref<100x64xf32, #tpu.memory_space<vmem>>, vector<16xf32>,
      %add3A_3722 = arith.addf %add3A_3702, %get3A_3721 : vector<16xf32>
      %get3A_3723 = arith.constant 67 : i32
      %get3A_3724 = arith.index_cast %get3A_3723 : i32 to index
      %get3A_3725 = arith.constant 32 : index
      %get3A_3726 = tpu.vector_load %arg7[%get3A_3724, %get3A_3725] {strides = array<i32>} : memref<100x64xf32, #tpu.memory_space<vmem>>, vector<16xf32>,
      %add3A_3727 = arith.addf %add3A_3707, %get3A_3726 : vector<16xf32>
      %get3A_3728 = arith.constant 67 : i32
      %get3A_3729 = arith.index_cast %get3A_3728 : i32 to index
      %get3A_3730 = arith.constant 48 : index
      %get3A_3731 = tpu.vector_load %arg7[%get3A_3729, %get3A_3730] {strides = array<i32>} : memref<100x64xf32, #tpu.memory_space<vmem>>, vector<16xf32>,
      %add3A_3732 = arith.addf %add3A_3712, %get3A_3731 : vector<16xf32>
      %get3A_3733 = arith.constant 68 : i32
      %get3A_3734 = arith.index_cast %get3A_3733 : i32 to index
      %get3A_3735 = arith.constant 0 : index
      %get3A_3736 = tpu.vector_load %arg7[%get3A_3734, %get3A_3735] {strides = array<i32>} : memref<100x64xf32, #tpu.memory_space<vmem>>, vector<16xf32>,
      %add3A_3737 = arith.addf %add3A_3717, %get3A_3736 : vector<16xf32>
      %get3A_3738 = arith.constant 68 : i32
      %get3A_3739 = arith.index_cast %get3A_3738 : i32 to index
      %get3A_3740 = arith.constant 16 : index
      %get3A_3741 = tpu.vector_load %arg7[%get3A_3739, %get3A_3740] {strides = array<i32>} : memref<100x64xf32, #tpu.memory_space<vmem>>, vector<16xf32>,
      %add3A_3742 = arith.addf %add3A_3722, %get3A_3741 : vector<16xf32>
      %get3A_3743 = arith.constant 68 : i32
      %get3A_3744 = arith.index_cast %get3A_3743 : i32 to index
      %get3A_3745 = arith.constant 32 : index
      %get3A_3746 = tpu.vector_load %arg7[%get3A_3744, %get3A_3745] {strides = array<i32>} : memref<100x64xf32, #tpu.memory_space<vmem>>, vector<16xf32>,
      %add3A_3747 = arith.addf %add3A_3727, %get3A_3746 : vector<16xf32>
      %get3A_3748 = arith.constant 68 : i32
      %get3A_3749 = arith.index_cast %get3A_3748 : i32 to index
      %get3A_3750 = arith.constant 48 : index
      %get3A_3751 = tpu.vector_load %arg7[%get3A_3749, %get3A_3750] {strides = array<i32>} : memref<100x64xf32, #tpu.memory_space<vmem>>, vector<16xf32>,
      %add3A_3752 = arith.addf %add3A_3732, %get3A_3751 : vector<16xf32>
      %get3A_3753 = arith.constant 69 : i32
      %get3A_3754 = arith.index_cast %get3A_3753 : i32 to index
      %get3A_3755 = arith.constant 0 : index
      %get3A_3756 = tpu.vector_load %arg7[%get3A_3754, %get3A_3755] {strides = array<i32>} : memref<100x64xf32, #tpu.memory_space<vmem>>, vector<16xf32>,
      %add3A_3757 = arith.addf %add3A_3737, %get3A_3756 : vector<16xf32>
      %get3A_3758 = arith.constant 69 : i32
      %get3A_3759 = arith.index_cast %get3A_3758 : i32 to index
      %get3A_3760 = arith.constant 16 : index
      %get3A_3761 = tpu.vector_load %arg7[%get3A_3759, %get3A_3760] {strides = array<i32>} : memref<100x64xf32, #tpu.memory_space<vmem>>, vector<16xf32>,
      %add3A_3762 = arith.addf %add3A_3742, %get3A_3761 : vector<16xf32>
      %get3A_3763 = arith.constant 69 : i32
      %get3A_3764 = arith.index_cast %get3A_3763 : i32 to index
      %get3A_3765 = arith.constant 32 : index
      %get3A_3766 = tpu.vector_load %arg7[%get3A_3764, %get3A_3765] {strides = array<i32>} : memref<100x64xf32, #tpu.memory_space<vmem>>, vector<16xf32>,
      %add3A_3767 = arith.addf %add3A_3747, %get3A_3766 : vector<16xf32>
      %get3A_3768 = arith.constant 69 : i32
      %get3A_3769 = arith.index_cast %get3A_3768 : i32 to index
      %get3A_3770 = arith.constant 48 : index
      %get3A_3771 = tpu.vector_load %arg7[%get3A_3769, %get3A_3770] {strides = array<i32>} : memref<100x64xf32, #tpu.memory_space<vmem>>, vector<16xf32>,
      %add3A_3772 = arith.addf %add3A_3752, %get3A_3771 : vector<16xf32>
      %get3A_3773 = arith.constant 70 : i32
      %get3A_3774 = arith.index_cast %get3A_3773 : i32 to index
      %get3A_3775 = arith.constant 0 : index
      %get3A_3776 = tpu.vector_load %arg7[%get3A_3774, %get3A_3775] {strides = array<i32>} : memref<100x64xf32, #tpu.memory_space<vmem>>, vector<16xf32>,
      %add3A_3777 = arith.addf %add3A_3757, %get3A_3776 : vector<16xf32>
      %get3A_3778 = arith.constant 70 : i32
      %get3A_3779 = arith.index_cast %get3A_3778 : i32 to index
      %get3A_3780 = arith.constant 16 : index
      %get3A_3781 = tpu.vector_load %arg7[%get3A_3779, %get3A_3780] {strides = array<i32>} : memref<100x64xf32, #tpu.memory_space<vmem>>, vector<16xf32>,
      %add3A_3782 = arith.addf %add3A_3762, %get3A_3781 : vector<16xf32>
      %get3A_3783 = arith.constant 70 : i32
      %get3A_3784 = arith.index_cast %get3A_3783 : i32 to index
      %get3A_3785 = arith.constant 32 : index
      %get3A_3786 = tpu.vector_load %arg7[%get3A_3784, %get3A_3785] {strides = array<i32>} : memref<100x64xf32, #tpu.memory_space<vmem>>, vector<16xf32>,
      %add3A_3787 = arith.addf %add3A_3767, %get3A_3786 : vector<16xf32>
      %get3A_3788 = arith.constant 70 : i32
      %get3A_3789 = arith.index_cast %get3A_3788 : i32 to index
      %get3A_3790 = arith.constant 48 : index
      %get3A_3791 = tpu.vector_load %arg7[%get3A_3789, %get3A_3790] {strides = array<i32>} : memref<100x64xf32, #tpu.memory_space<vmem>>, vector<16xf32>,
      %add3A_3792 = arith.addf %add3A_3772, %get3A_3791 : vector<16xf32>
      %get3A_3793 = arith.constant 71 : i32
      %get3A_3794 = arith.index_cast %get3A_3793 : i32 to index
      %get3A_3795 = arith.constant 0 : index
      %get3A_3796 = tpu.vector_load %arg7[%get3A_3794, %get3A_3795] {strides = array<i32>} : memref<100x64xf32, #tpu.memory_space<vmem>>, vector<16xf32>,
      %add3A_3797 = arith.addf %add3A_3777, %get3A_3796 : vector<16xf32>
      %get3A_3798 = arith.constant 71 : i32
      %get3A_3799 = arith.index_cast %get3A_3798 : i32 to index
      %get3A_3800 = arith.constant 16 : index
      %get3A_3801 = tpu.vector_load %arg7[%get3A_3799, %get3A_3800] {strides = array<i32>} : memref<100x64xf32, #tpu.memory_space<vmem>>, vector<16xf32>,
      %add3A_3802 = arith.addf %add3A_3782, %get3A_3801 : vector<16xf32>
      %get3A_3803 = arith.constant 71 : i32
      %get3A_3804 = arith.index_cast %get3A_3803 : i32 to index
      %get3A_3805 = arith.constant 32 : index
      %get3A_3806 = tpu.vector_load %arg7[%get3A_3804, %get3A_3805] {strides = array<i32>} : memref<100x64xf32, #tpu.memory_space<vmem>>, vector<16xf32>,
      %add3A_3807 = arith.addf %add3A_3787, %get3A_3806 : vector<16xf32>
      %get3A_3808 = arith.constant 71 : i32
      %get3A_3809 = arith.index_cast %get3A_3808 : i32 to index
      %get3A_3810 = arith.constant 48 : index
      %get3A_3811 = tpu.vector_load %arg7[%get3A_3809, %get3A_3810] {strides = array<i32>} : memref<100x64xf32, #tpu.memory_space<vmem>>, vector<16xf32>,
      %add3A_3812 = arith.addf %add3A_3792, %get3A_3811 : vector<16xf32>
      %get3A_3813 = arith.constant 72 : i32
      %get3A_3814 = arith.index_cast %get3A_3813 : i32 to index
      %get3A_3815 = arith.constant 0 : index
      %get3A_3816 = tpu.vector_load %arg7[%get3A_3814, %get3A_3815] {strides = array<i32>} : memref<100x64xf32, #tpu.memory_space<vmem>>, vector<16xf32>,
      %add3A_3817 = arith.addf %add3A_3797, %get3A_3816 : vector<16xf32>
      %get3A_3818 = arith.constant 72 : i32
      %get3A_3819 = arith.index_cast %get3A_3818 : i32 to index
      %get3A_3820 = arith.constant 16 : index
      %get3A_3821 = tpu.vector_load %arg7[%get3A_3819, %get3A_3820] {strides = array<i32>} : memref<100x64xf32, #tpu.memory_space<vmem>>, vector<16xf32>,
      %add3A_3822 = arith.addf %add3A_3802, %get3A_3821 : vector<16xf32>
      %get3A_3823 = arith.constant 72 : i32
      %get3A_3824 = arith.index_cast %get3A_3823 : i32 to index
      %get3A_3825 = arith.constant 32 : index
      %get3A_3826 = tpu.vector_load %arg7[%get3A_3824, %get3A_3825] {strides = array<i32>} : memref<100x64xf32, #tpu.memory_space<vmem>>, vector<16xf32>,
      %add3A_3827 = arith.addf %add3A_3807, %get3A_3826 : vector<16xf32>
      %get3A_3828 = arith.constant 72 : i32
      %get3A_3829 = arith.index_cast %get3A_3828 : i32 to index
      %get3A_3830 = arith.constant 48 : index
      %get3A_3831 = tpu.vector_load %arg7[%get3A_3829, %get3A_3830] {strides = array<i32>} : memref<100x64xf32, #tpu.memory_space<vmem>>, vector<16xf32>,
      %add3A_3832 = arith.addf %add3A_3812, %get3A_3831 : vector<16xf32>
      %get3A_3833 = arith.constant 73 : i32
      %get3A_3834 = arith.index_cast %get3A_3833 : i32 to index
      %get3A_3835 = arith.constant 0 : index
      %get3A_3836 = tpu.vector_load %arg7[%get3A_3834, %get3A_3835] {strides = array<i32>} : memref<100x64xf32, #tpu.memory_space<vmem>>, vector<16xf32>,
      %add3A_3837 = arith.addf %add3A_3817, %get3A_3836 : vector<16xf32>
      %get3A_3838 = arith.constant 73 : i32
      %get3A_3839 = arith.index_cast %get3A_3838 : i32 to index
      %get3A_3840 = arith.constant 16 : index
      %get3A_3841 = tpu.vector_load %arg7[%get3A_3839, %get3A_3840] {strides = array<i32>} : memref<100x64xf32, #tpu.memory_space<vmem>>, vector<16xf32>,
      %add3A_3842 = arith.addf %add3A_3822, %get3A_3841 : vector<16xf32>
      %get3A_3843 = arith.constant 73 : i32
      %get3A_3844 = arith.index_cast %get3A_3843 : i32 to index
      %get3A_3845 = arith.constant 32 : index
      %get3A_3846 = tpu.vector_load %arg7[%get3A_3844, %get3A_3845] {strides = array<i32>} : memref<100x64xf32, #tpu.memory_space<vmem>>, vector<16xf32>,
      %add3A_3847 = arith.addf %add3A_3827, %get3A_3846 : vector<16xf32>
      %get3A_3848 = arith.constant 73 : i32
      %get3A_3849 = arith.index_cast %get3A_3848 : i32 to index
      %get3A_3850 = arith.constant 48 : index
      %get3A_3851 = tpu.vector_load %arg7[%get3A_3849, %get3A_3850] {strides = array<i32>} : memref<100x64xf32, #tpu.memory_space<vmem>>, vector<16xf32>,
      %add3A_3852 = arith.addf %add3A_3832, %get3A_3851 : vector<16xf32>
      %get3A_3853 = arith.constant 74 : i32
      %get3A_3854 = arith.index_cast %get3A_3853 : i32 to index
      %get3A_3855 = arith.constant 0 : index
      %get3A_3856 = tpu.vector_load %arg7[%get3A_3854, %get3A_3855] {strides = array<i32>} : memref<100x64xf32, #tpu.memory_space<vmem>>, vector<16xf32>,
      %add3A_3857 = arith.addf %add3A_3837, %get3A_3856 : vector<16xf32>
      %get3A_3858 = arith.constant 74 : i32
      %get3A_3859 = arith.index_cast %get3A_3858 : i32 to index
      %get3A_3860 = arith.constant 16 : index
      %get3A_3861 = tpu.vector_load %arg7[%get3A_3859, %get3A_3860] {strides = array<i32>} : memref<100x64xf32, #tpu.memory_space<vmem>>, vector<16xf32>,
      %add3A_3862 = arith.addf %add3A_3842, %get3A_3861 : vector<16xf32>
      %get3A_3863 = arith.constant 74 : i32
      %get3A_3864 = arith.index_cast %get3A_3863 : i32 to index
      %get3A_3865 = arith.constant 32 : index
      %get3A_3866 = tpu.vector_load %arg7[%get3A_3864, %get3A_3865] {strides = array<i32>} : memref<100x64xf32, #tpu.memory_space<vmem>>, vector<16xf32>,
      %add3A_3867 = arith.addf %add3A_3847, %get3A_3866 : vector<16xf32>
      %get3A_3868 = arith.constant 74 : i32
      %get3A_3869 = arith.index_cast %get3A_3868 : i32 to index
      %get3A_3870 = arith.constant 48 : index
      %get3A_3871 = tpu.vector_load %arg7[%get3A_3869, %get3A_3870] {strides = array<i32>} : memref<100x64xf32, #tpu.memory_space<vmem>>, vector<16xf32>,
      %add3A_3872 = arith.addf %add3A_3852, %get3A_3871 : vector<16xf32>
      %get3A_3873 = arith.constant 75 : i32
      %get3A_3874 = arith.index_cast %get3A_3873 : i32 to index
      %get3A_3875 = arith.constant 0 : index
      %get3A_3876 = tpu.vector_load %arg7[%get3A_3874, %get3A_3875] {strides = array<i32>} : memref<100x64xf32, #tpu.memory_space<vmem>>, vector<16xf32>,
      %add3A_3877 = arith.addf %add3A_3857, %get3A_3876 : vector<16xf32>
      %get3A_3878 = arith.constant 75 : i32
      %get3A_3879 = arith.index_cast %get3A_3878 : i32 to index
      %get3A_3880 = arith.constant 16 : index
      %get3A_3881 = tpu.vector_load %arg7[%get3A_3879, %get3A_3880] {strides = array<i32>} : memref<100x64xf32, #tpu.memory_space<vmem>>, vector<16xf32>,
      %add3A_3882 = arith.addf %add3A_3862, %get3A_3881 : vector<16xf32>
      %get3A_3883 = arith.constant 75 : i32
      %get3A_3884 = arith.index_cast %get3A_3883 : i32 to index
      %get3A_3885 = arith.constant 32 : index
      %get3A_3886 = tpu.vector_load %arg7[%get3A_3884, %get3A_3885] {strides = array<i32>} : memref<100x64xf32, #tpu.memory_space<vmem>>, vector<16xf32>,
      %add3A_3887 = arith.addf %add3A_3867, %get3A_3886 : vector<16xf32>
      %get3A_3888 = arith.constant 75 : i32
      %get3A_3889 = arith.index_cast %get3A_3888 : i32 to index
      %get3A_3890 = arith.constant 48 : index
      %get3A_3891 = tpu.vector_load %arg7[%get3A_3889, %get3A_3890] {strides = array<i32>} : memref<100x64xf32, #tpu.memory_space<vmem>>, vector<16xf32>,
      %add3A_3892 = arith.addf %add3A_3872, %get3A_3891 : vector<16xf32>
      %get3A_3893 = arith.constant 76 : i32
      %get3A_3894 = arith.index_cast %get3A_3893 : i32 to index
      %get3A_3895 = arith.constant 0 : index
      %get3A_3896 = tpu.vector_load %arg7[%get3A_3894, %get3A_3895] {strides = array<i32>} : memref<100x64xf32, #tpu.memory_space<vmem>>, vector<16xf32>,
      %add3A_3897 = arith.addf %add3A_3877, %get3A_3896 : vector<16xf32>
      %get3A_3898 = arith.constant 76 : i32
      %get3A_3899 = arith.index_cast %get3A_3898 : i32 to index
      %get3A_3900 = arith.constant 16 : index
      %get3A_3901 = tpu.vector_load %arg7[%get3A_3899, %get3A_3900] {strides = array<i32>} : memref<100x64xf32, #tpu.memory_space<vmem>>, vector<16xf32>,
      %add3A_3902 = arith.addf %add3A_3882, %get3A_3901 : vector<16xf32>
      %get3A_3903 = arith.constant 76 : i32
      %get3A_3904 = arith.index_cast %get3A_3903 : i32 to index
      %get3A_3905 = arith.constant 32 : index
      %get3A_3906 = tpu.vector_load %arg7[%get3A_3904, %get3A_3905] {strides = array<i32>} : memref<100x64xf32, #tpu.memory_space<vmem>>, vector<16xf32>,
      %add3A_3907 = arith.addf %add3A_3887, %get3A_3906 : vector<16xf32>
      %get3A_3908 = arith.constant 76 : i32
      %get3A_3909 = arith.index_cast %get3A_3908 : i32 to index
      %get3A_3910 = arith.constant 48 : index
      %get3A_3911 = tpu.vector_load %arg7[%get3A_3909, %get3A_3910] {strides = array<i32>} : memref<100x64xf32, #tpu.memory_space<vmem>>, vector<16xf32>,
      %add3A_3912 = arith.addf %add3A_3892, %get3A_3911 : vector<16xf32>
      %get3A_3913 = arith.constant 77 : i32
      %get3A_3914 = arith.index_cast %get3A_3913 : i32 to index
      %get3A_3915 = arith.constant 0 : index
      %get3A_3916 = tpu.vector_load %arg7[%get3A_3914, %get3A_3915] {strides = array<i32>} : memref<100x64xf32, #tpu.memory_space<vmem>>, vector<16xf32>,
      %add3A_3917 = arith.addf %add3A_3897, %get3A_3916 : vector<16xf32>
      %get3A_3918 = arith.constant 77 : i32
      %get3A_3919 = arith.index_cast %get3A_3918 : i32 to index
      %get3A_3920 = arith.constant 16 : index
      %get3A_3921 = tpu.vector_load %arg7[%get3A_3919, %get3A_3920] {strides = array<i32>} : memref<100x64xf32, #tpu.memory_space<vmem>>, vector<16xf32>,
      %add3A_3922 = arith.addf %add3A_3902, %get3A_3921 : vector<16xf32>
      %get3A_3923 = arith.constant 77 : i32
      %get3A_3924 = arith.index_cast %get3A_3923 : i32 to index
      %get3A_3925 = arith.constant 32 : index
      %get3A_3926 = tpu.vector_load %arg7[%get3A_3924, %get3A_3925] {strides = array<i32>} : memref<100x64xf32, #tpu.memory_space<vmem>>, vector<16xf32>,
      %add3A_3927 = arith.addf %add3A_3907, %get3A_3926 : vector<16xf32>
      %get3A_3928 = arith.constant 77 : i32
      %get3A_3929 = arith.index_cast %get3A_3928 : i32 to index
      %get3A_3930 = arith.constant 48 : index
      %get3A_3931 = tpu.vector_load %arg7[%get3A_3929, %get3A_3930] {strides = array<i32>} : memref<100x64xf32, #tpu.memory_space<vmem>>, vector<16xf32>,
      %add3A_3932 = arith.addf %add3A_3912, %get3A_3931 : vector<16xf32>
      %get3A_3933 = arith.constant 78 : i32
      %get3A_3934 = arith.index_cast %get3A_3933 : i32 to index
      %get3A_3935 = arith.constant 0 : index
      %get3A_3936 = tpu.vector_load %arg7[%get3A_3934, %get3A_3935] {strides = array<i32>} : memref<100x64xf32, #tpu.memory_space<vmem>>, vector<16xf32>,
      %add3A_3937 = arith.addf %add3A_3917, %get3A_3936 : vector<16xf32>
      %get3A_3938 = arith.constant 78 : i32
      %get3A_3939 = arith.index_cast %get3A_3938 : i32 to index
      %get3A_3940 = arith.constant 16 : index
      %get3A_3941 = tpu.vector_load %arg7[%get3A_3939, %get3A_3940] {strides = array<i32>} : memref<100x64xf32, #tpu.memory_space<vmem>>, vector<16xf32>,
      %add3A_3942 = arith.addf %add3A_3922, %get3A_3941 : vector<16xf32>
      %get3A_3943 = arith.constant 78 : i32
      %get3A_3944 = arith.index_cast %get3A_3943 : i32 to index
      %get3A_3945 = arith.constant 32 : index
      %get3A_3946 = tpu.vector_load %arg7[%get3A_3944, %get3A_3945] {strides = array<i32>} : memref<100x64xf32, #tpu.memory_space<vmem>>, vector<16xf32>,
      %add3A_3947 = arith.addf %add3A_3927, %get3A_3946 : vector<16xf32>
      %get3A_3948 = arith.constant 78 : i32
      %get3A_3949 = arith.index_cast %get3A_3948 : i32 to index
      %get3A_3950 = arith.constant 48 : index
      %get3A_3951 = tpu.vector_load %arg7[%get3A_3949, %get3A_3950] {strides = array<i32>} : memref<100x64xf32, #tpu.memory_space<vmem>>, vector<16xf32>,
      %add3A_3952 = arith.addf %add3A_3932, %get3A_3951 : vector<16xf32>
      %get3A_3953 = arith.constant 79 : i32
      %get3A_3954 = arith.index_cast %get3A_3953 : i32 to index
      %get3A_3955 = arith.constant 0 : index
      %get3A_3956 = tpu.vector_load %arg7[%get3A_3954, %get3A_3955] {strides = array<i32>} : memref<100x64xf32, #tpu.memory_space<vmem>>, vector<16xf32>,
      %add3A_3957 = arith.addf %add3A_3937, %get3A_3956 : vector<16xf32>
      %get3A_3958 = arith.constant 79 : i32
      %get3A_3959 = arith.index_cast %get3A_3958 : i32 to index
      %get3A_3960 = arith.constant 16 : index
      %get3A_3961 = tpu.vector_load %arg7[%get3A_3959, %get3A_3960] {strides = array<i32>} : memref<100x64xf32, #tpu.memory_space<vmem>>, vector<16xf32>,
      %add3A_3962 = arith.addf %add3A_3942, %get3A_3961 : vector<16xf32>
      %get3A_3963 = arith.constant 79 : i32
      %get3A_3964 = arith.index_cast %get3A_3963 : i32 to index
      %get3A_3965 = arith.constant 32 : index
      %get3A_3966 = tpu.vector_load %arg7[%get3A_3964, %get3A_3965] {strides = array<i32>} : memref<100x64xf32, #tpu.memory_space<vmem>>, vector<16xf32>,
      %add3A_3967 = arith.addf %add3A_3947, %get3A_3966 : vector<16xf32>
      %get3A_3968 = arith.constant 79 : i32
      %get3A_3969 = arith.index_cast %get3A_3968 : i32 to index
      %get3A_3970 = arith.constant 48 : index
      %get3A_3971 = tpu.vector_load %arg7[%get3A_3969, %get3A_3970] {strides = array<i32>} : memref<100x64xf32, #tpu.memory_space<vmem>>, vector<16xf32>,
      %add3A_3972 = arith.addf %add3A_3952, %get3A_3971 : vector<16xf32>
      %get3A_3973 = arith.constant 80 : i32
      %get3A_3974 = arith.index_cast %get3A_3973 : i32 to index
      %get3A_3975 = arith.constant 0 : index
      %get3A_3976 = tpu.vector_load %arg7[%get3A_3974, %get3A_3975] {strides = array<i32>} : memref<100x64xf32, #tpu.memory_space<vmem>>, vector<16xf32>,
      %add3A_3977 = arith.addf %add3A_3957, %get3A_3976 : vector<16xf32>
      %get3A_3978 = arith.constant 80 : i32
      %get3A_3979 = arith.index_cast %get3A_3978 : i32 to index
      %get3A_3980 = arith.constant 16 : index
      %get3A_3981 = tpu.vector_load %arg7[%get3A_3979, %get3A_3980] {strides = array<i32>} : memref<100x64xf32, #tpu.memory_space<vmem>>, vector<16xf32>,
      %add3A_3982 = arith.addf %add3A_3962, %get3A_3981 : vector<16xf32>
      %get3A_3983 = arith.constant 80 : i32
      %get3A_3984 = arith.index_cast %get3A_3983 : i32 to index
      %get3A_3985 = arith.constant 32 : index
      %get3A_3986 = tpu.vector_load %arg7[%get3A_3984, %get3A_3985] {strides = array<i32>} : memref<100x64xf32, #tpu.memory_space<vmem>>, vector<16xf32>,
      %add3A_3987 = arith.addf %add3A_3967, %get3A_3986 : vector<16xf32>
      %get3A_3988 = arith.constant 80 : i32
      %get3A_3989 = arith.index_cast %get3A_3988 : i32 to index
      %get3A_3990 = arith.constant 48 : index
      %get3A_3991 = tpu.vector_load %arg7[%get3A_3989, %get3A_3990] {strides = array<i32>} : memref<100x64xf32, #tpu.memory_space<vmem>>, vector<16xf32>,
      %add3A_3992 = arith.addf %add3A_3972, %get3A_3991 : vector<16xf32>
      %get3A_3993 = arith.constant 81 : i32
      %get3A_3994 = arith.index_cast %get3A_3993 : i32 to index
      %get3A_3995 = arith.constant 0 : index
      %get3A_3996 = tpu.vector_load %arg7[%get3A_3994, %get3A_3995] {strides = array<i32>} : memref<100x64xf32, #tpu.memory_space<vmem>>, vector<16xf32>,
      %add3A_3997 = arith.addf %add3A_3977, %get3A_3996 : vector<16xf32>
      %get3A_3998 = arith.constant 81 : i32
      %get3A_3999 = arith.index_cast %get3A_3998 : i32 to index
      %get3A_4000 = arith.constant 16 : index
      %get3A_4001 = tpu.vector_load %arg7[%get3A_3999, %get3A_4000] {strides = array<i32>} : memref<100x64xf32, #tpu.memory_space<vmem>>, vector<16xf32>,
      %add3A_4002 = arith.addf %add3A_3982, %get3A_4001 : vector<16xf32>
      %get3A_4003 = arith.constant 81 : i32
      %get3A_4004 = arith.index_cast %get3A_4003 : i32 to index
      %get3A_4005 = arith.constant 32 : index
      %get3A_4006 = tpu.vector_load %arg7[%get3A_4004, %get3A_4005] {strides = array<i32>} : memref<100x64xf32, #tpu.memory_space<vmem>>, vector<16xf32>,
      %add3A_4007 = arith.addf %add3A_3987, %get3A_4006 : vector<16xf32>
      %get3A_4008 = arith.constant 81 : i32
      %get3A_4009 = arith.index_cast %get3A_4008 : i32 to index
      %get3A_4010 = arith.constant 48 : index
      %get3A_4011 = tpu.vector_load %arg7[%get3A_4009, %get3A_4010] {strides = array<i32>} : memref<100x64xf32, #tpu.memory_space<vmem>>, vector<16xf32>,
      %add3A_4012 = arith.addf %add3A_3992, %get3A_4011 : vector<16xf32>
      %get3A_4013 = arith.constant 82 : i32
      %get3A_4014 = arith.index_cast %get3A_4013 : i32 to index
      %get3A_4015 = arith.constant 0 : index
      %get3A_4016 = tpu.vector_load %arg7[%get3A_4014, %get3A_4015] {strides = array<i32>} : memref<100x64xf32, #tpu.memory_space<vmem>>, vector<16xf32>,
      %add3A_4017 = arith.addf %add3A_3997, %get3A_4016 : vector<16xf32>
      %get3A_4018 = arith.constant 82 : i32
      %get3A_4019 = arith.index_cast %get3A_4018 : i32 to index
      %get3A_4020 = arith.constant 16 : index
      %get3A_4021 = tpu.vector_load %arg7[%get3A_4019, %get3A_4020] {strides = array<i32>} : memref<100x64xf32, #tpu.memory_space<vmem>>, vector<16xf32>,
      %add3A_4022 = arith.addf %add3A_4002, %get3A_4021 : vector<16xf32>
      %get3A_4023 = arith.constant 82 : i32
      %get3A_4024 = arith.index_cast %get3A_4023 : i32 to index
      %get3A_4025 = arith.constant 32 : index
      %get3A_4026 = tpu.vector_load %arg7[%get3A_4024, %get3A_4025] {strides = array<i32>} : memref<100x64xf32, #tpu.memory_space<vmem>>, vector<16xf32>,
      %add3A_4027 = arith.addf %add3A_4007, %get3A_4026 : vector<16xf32>
      %get3A_4028 = arith.constant 82 : i32
      %get3A_4029 = arith.index_cast %get3A_4028 : i32 to index
      %get3A_4030 = arith.constant 48 : index
      %get3A_4031 = tpu.vector_load %arg7[%get3A_4029, %get3A_4030] {strides = array<i32>} : memref<100x64xf32, #tpu.memory_space<vmem>>, vector<16xf32>,
      %add3A_4032 = arith.addf %add3A_4012, %get3A_4031 : vector<16xf32>
      %get3A_4033 = arith.constant 83 : i32
      %get3A_4034 = arith.index_cast %get3A_4033 : i32 to index
      %get3A_4035 = arith.constant 0 : index
      %get3A_4036 = tpu.vector_load %arg7[%get3A_4034, %get3A_4035] {strides = array<i32>} : memref<100x64xf32, #tpu.memory_space<vmem>>, vector<16xf32>,
      %add3A_4037 = arith.addf %add3A_4017, %get3A_4036 : vector<16xf32>
      %get3A_4038 = arith.constant 83 : i32
      %get3A_4039 = arith.index_cast %get3A_4038 : i32 to index
      %get3A_4040 = arith.constant 16 : index
      %get3A_4041 = tpu.vector_load %arg7[%get3A_4039, %get3A_4040] {strides = array<i32>} : memref<100x64xf32, #tpu.memory_space<vmem>>, vector<16xf32>,
      %add3A_4042 = arith.addf %add3A_4022, %get3A_4041 : vector<16xf32>
      %get3A_4043 = arith.constant 83 : i32
      %get3A_4044 = arith.index_cast %get3A_4043 : i32 to index
      %get3A_4045 = arith.constant 32 : index
      %get3A_4046 = tpu.vector_load %arg7[%get3A_4044, %get3A_4045] {strides = array<i32>} : memref<100x64xf32, #tpu.memory_space<vmem>>, vector<16xf32>,
      %add3A_4047 = arith.addf %add3A_4027, %get3A_4046 : vector<16xf32>
      %get3A_4048 = arith.constant 83 : i32
      %get3A_4049 = arith.index_cast %get3A_4048 : i32 to index
      %get3A_4050 = arith.constant 48 : index
      %get3A_4051 = tpu.vector_load %arg7[%get3A_4049, %get3A_4050] {strides = array<i32>} : memref<100x64xf32, #tpu.memory_space<vmem>>, vector<16xf32>,
      %add3A_4052 = arith.addf %add3A_4032, %get3A_4051 : vector<16xf32>
      %get3A_4053 = arith.constant 84 : i32
      %get3A_4054 = arith.index_cast %get3A_4053 : i32 to index
      %get3A_4055 = arith.constant 0 : index
      %get3A_4056 = tpu.vector_load %arg7[%get3A_4054, %get3A_4055] {strides = array<i32>} : memref<100x64xf32, #tpu.memory_space<vmem>>, vector<16xf32>,
      %add3A_4057 = arith.addf %add3A_4037, %get3A_4056 : vector<16xf32>
      %get3A_4058 = arith.constant 84 : i32
      %get3A_4059 = arith.index_cast %get3A_4058 : i32 to index
      %get3A_4060 = arith.constant 16 : index
      %get3A_4061 = tpu.vector_load %arg7[%get3A_4059, %get3A_4060] {strides = array<i32>} : memref<100x64xf32, #tpu.memory_space<vmem>>, vector<16xf32>,
      %add3A_4062 = arith.addf %add3A_4042, %get3A_4061 : vector<16xf32>
      %get3A_4063 = arith.constant 84 : i32
      %get3A_4064 = arith.index_cast %get3A_4063 : i32 to index
      %get3A_4065 = arith.constant 32 : index
      %get3A_4066 = tpu.vector_load %arg7[%get3A_4064, %get3A_4065] {strides = array<i32>} : memref<100x64xf32, #tpu.memory_space<vmem>>, vector<16xf32>,
      %add3A_4067 = arith.addf %add3A_4047, %get3A_4066 : vector<16xf32>
      %get3A_4068 = arith.constant 84 : i32
      %get3A_4069 = arith.index_cast %get3A_4068 : i32 to index
      %get3A_4070 = arith.constant 48 : index
      %get3A_4071 = tpu.vector_load %arg7[%get3A_4069, %get3A_4070] {strides = array<i32>} : memref<100x64xf32, #tpu.memory_space<vmem>>, vector<16xf32>,
      %add3A_4072 = arith.addf %add3A_4052, %get3A_4071 : vector<16xf32>
      %get3A_4073 = arith.constant 85 : i32
      %get3A_4074 = arith.index_cast %get3A_4073 : i32 to index
      %get3A_4075 = arith.constant 0 : index
      %get3A_4076 = tpu.vector_load %arg7[%get3A_4074, %get3A_4075] {strides = array<i32>} : memref<100x64xf32, #tpu.memory_space<vmem>>, vector<16xf32>,
      %add3A_4077 = arith.addf %add3A_4057, %get3A_4076 : vector<16xf32>
      %get3A_4078 = arith.constant 85 : i32
      %get3A_4079 = arith.index_cast %get3A_4078 : i32 to index
      %get3A_4080 = arith.constant 16 : index
      %get3A_4081 = tpu.vector_load %arg7[%get3A_4079, %get3A_4080] {strides = array<i32>} : memref<100x64xf32, #tpu.memory_space<vmem>>, vector<16xf32>,
      %add3A_4082 = arith.addf %add3A_4062, %get3A_4081 : vector<16xf32>
      %get3A_4083 = arith.constant 85 : i32
      %get3A_4084 = arith.index_cast %get3A_4083 : i32 to index
      %get3A_4085 = arith.constant 32 : index
      %get3A_4086 = tpu.vector_load %arg7[%get3A_4084, %get3A_4085] {strides = array<i32>} : memref<100x64xf32, #tpu.memory_space<vmem>>, vector<16xf32>,
      %add3A_4087 = arith.addf %add3A_4067, %get3A_4086 : vector<16xf32>
      %get3A_4088 = arith.constant 85 : i32
      %get3A_4089 = arith.index_cast %get3A_4088 : i32 to index
      %get3A_4090 = arith.constant 48 : index
      %get3A_4091 = tpu.vector_load %arg7[%get3A_4089, %get3A_4090] {strides = array<i32>} : memref<100x64xf32, #tpu.memory_space<vmem>>, vector<16xf32>,
      %add3A_4092 = arith.addf %add3A_4072, %get3A_4091 : vector<16xf32>
      %get3A_4093 = arith.constant 86 : i32
      %get3A_4094 = arith.index_cast %get3A_4093 : i32 to index
      %get3A_4095 = arith.constant 0 : index
      %get3A_4096 = tpu.vector_load %arg7[%get3A_4094, %get3A_4095] {strides = array<i32>} : memref<100x64xf32, #tpu.memory_space<vmem>>, vector<16xf32>,
      %add3A_4097 = arith.addf %add3A_4077, %get3A_4096 : vector<16xf32>
      %get3A_4098 = arith.constant 86 : i32
      %get3A_4099 = arith.index_cast %get3A_4098 : i32 to index
      %get3A_4100 = arith.constant 16 : index
      %get3A_4101 = tpu.vector_load %arg7[%get3A_4099, %get3A_4100] {strides = array<i32>} : memref<100x64xf32, #tpu.memory_space<vmem>>, vector<16xf32>,
      %add3A_4102 = arith.addf %add3A_4082, %get3A_4101 : vector<16xf32>
      %get3A_4103 = arith.constant 86 : i32
      %get3A_4104 = arith.index_cast %get3A_4103 : i32 to index
      %get3A_4105 = arith.constant 32 : index
      %get3A_4106 = tpu.vector_load %arg7[%get3A_4104, %get3A_4105] {strides = array<i32>} : memref<100x64xf32, #tpu.memory_space<vmem>>, vector<16xf32>,
      %add3A_4107 = arith.addf %add3A_4087, %get3A_4106 : vector<16xf32>
      %get3A_4108 = arith.constant 86 : i32
      %get3A_4109 = arith.index_cast %get3A_4108 : i32 to index
      %get3A_4110 = arith.constant 48 : index
      %get3A_4111 = tpu.vector_load %arg7[%get3A_4109, %get3A_4110] {strides = array<i32>} : memref<100x64xf32, #tpu.memory_space<vmem>>, vector<16xf32>,
      %add3A_4112 = arith.addf %add3A_4092, %get3A_4111 : vector<16xf32>
      %get3A_4113 = arith.constant 87 : i32
      %get3A_4114 = arith.index_cast %get3A_4113 : i32 to index
      %get3A_4115 = arith.constant 0 : index
      %get3A_4116 = tpu.vector_load %arg7[%get3A_4114, %get3A_4115] {strides = array<i32>} : memref<100x64xf32, #tpu.memory_space<vmem>>, vector<16xf32>,
      %add3A_4117 = arith.addf %add3A_4097, %get3A_4116 : vector<16xf32>
      %get3A_4118 = arith.constant 87 : i32
      %get3A_4119 = arith.index_cast %get3A_4118 : i32 to index
      %get3A_4120 = arith.constant 16 : index
      %get3A_4121 = tpu.vector_load %arg7[%get3A_4119, %get3A_4120] {strides = array<i32>} : memref<100x64xf32, #tpu.memory_space<vmem>>, vector<16xf32>,
      %add3A_4122 = arith.addf %add3A_4102, %get3A_4121 : vector<16xf32>
      %get3A_4123 = arith.constant 87 : i32
      %get3A_4124 = arith.index_cast %get3A_4123 : i32 to index
      %get3A_4125 = arith.constant 32 : index
      %get3A_4126 = tpu.vector_load %arg7[%get3A_4124, %get3A_4125] {strides = array<i32>} : memref<100x64xf32, #tpu.memory_space<vmem>>, vector<16xf32>,
      %add3A_4127 = arith.addf %add3A_4107, %get3A_4126 : vector<16xf32>
      %get3A_4128 = arith.constant 87 : i32
      %get3A_4129 = arith.index_cast %get3A_4128 : i32 to index
      %get3A_4130 = arith.constant 48 : index
      %get3A_4131 = tpu.vector_load %arg7[%get3A_4129, %get3A_4130] {strides = array<i32>} : memref<100x64xf32, #tpu.memory_space<vmem>>, vector<16xf32>,
      %add3A_4132 = arith.addf %add3A_4112, %get3A_4131 : vector<16xf32>
      %get3A_4133 = arith.constant 88 : i32
      %get3A_4134 = arith.index_cast %get3A_4133 : i32 to index
      %get3A_4135 = arith.constant 0 : index
      %get3A_4136 = tpu.vector_load %arg7[%get3A_4134, %get3A_4135] {strides = array<i32>} : memref<100x64xf32, #tpu.memory_space<vmem>>, vector<16xf32>,
      %add3A_4137 = arith.addf %add3A_4117, %get3A_4136 : vector<16xf32>
      %get3A_4138 = arith.constant 88 : i32
      %get3A_4139 = arith.index_cast %get3A_4138 : i32 to index
      %get3A_4140 = arith.constant 16 : index
      %get3A_4141 = tpu.vector_load %arg7[%get3A_4139, %get3A_4140] {strides = array<i32>} : memref<100x64xf32, #tpu.memory_space<vmem>>, vector<16xf32>,
      %add3A_4142 = arith.addf %add3A_4122, %get3A_4141 : vector<16xf32>
      %get3A_4143 = arith.constant 88 : i32
      %get3A_4144 = arith.index_cast %get3A_4143 : i32 to index
      %get3A_4145 = arith.constant 32 : index
      %get3A_4146 = tpu.vector_load %arg7[%get3A_4144, %get3A_4145] {strides = array<i32>} : memref<100x64xf32, #tpu.memory_space<vmem>>, vector<16xf32>,
      %add3A_4147 = arith.addf %add3A_4127, %get3A_4146 : vector<16xf32>
      %get3A_4148 = arith.constant 88 : i32
      %get3A_4149 = arith.index_cast %get3A_4148 : i32 to index
      %get3A_4150 = arith.constant 48 : index
      %get3A_4151 = tpu.vector_load %arg7[%get3A_4149, %get3A_4150] {strides = array<i32>} : memref<100x64xf32, #tpu.memory_space<vmem>>, vector<16xf32>,
      %add3A_4152 = arith.addf %add3A_4132, %get3A_4151 : vector<16xf32>
      %get3A_4153 = arith.constant 89 : i32
      %get3A_4154 = arith.index_cast %get3A_4153 : i32 to index
      %get3A_4155 = arith.constant 0 : index
      %get3A_4156 = tpu.vector_load %arg7[%get3A_4154, %get3A_4155] {strides = array<i32>} : memref<100x64xf32, #tpu.memory_space<vmem>>, vector<16xf32>,
      %add3A_4157 = arith.addf %add3A_4137, %get3A_4156 : vector<16xf32>
      %get3A_4158 = arith.constant 89 : i32
      %get3A_4159 = arith.index_cast %get3A_4158 : i32 to index
      %get3A_4160 = arith.constant 16 : index
      %get3A_4161 = tpu.vector_load %arg7[%get3A_4159, %get3A_4160] {strides = array<i32>} : memref<100x64xf32, #tpu.memory_space<vmem>>, vector<16xf32>,
      %add3A_4162 = arith.addf %add3A_4142, %get3A_4161 : vector<16xf32>
      %get3A_4163 = arith.constant 89 : i32
      %get3A_4164 = arith.index_cast %get3A_4163 : i32 to index
      %get3A_4165 = arith.constant 32 : index
      %get3A_4166 = tpu.vector_load %arg7[%get3A_4164, %get3A_4165] {strides = array<i32>} : memref<100x64xf32, #tpu.memory_space<vmem>>, vector<16xf32>,
      %add3A_4167 = arith.addf %add3A_4147, %get3A_4166 : vector<16xf32>
      %get3A_4168 = arith.constant 89 : i32
      %get3A_4169 = arith.index_cast %get3A_4168 : i32 to index
      %get3A_4170 = arith.constant 48 : index
      %get3A_4171 = tpu.vector_load %arg7[%get3A_4169, %get3A_4170] {strides = array<i32>} : memref<100x64xf32, #tpu.memory_space<vmem>>, vector<16xf32>,
      %add3A_4172 = arith.addf %add3A_4152, %get3A_4171 : vector<16xf32>
      %get3A_4173 = arith.constant 90 : i32
      %get3A_4174 = arith.index_cast %get3A_4173 : i32 to index
      %get3A_4175 = arith.constant 0 : index
      %get3A_4176 = tpu.vector_load %arg7[%get3A_4174, %get3A_4175] {strides = array<i32>} : memref<100x64xf32, #tpu.memory_space<vmem>>, vector<16xf32>,
      %add3A_4177 = arith.addf %add3A_4157, %get3A_4176 : vector<16xf32>
      %get3A_4178 = arith.constant 90 : i32
      %get3A_4179 = arith.index_cast %get3A_4178 : i32 to index
      %get3A_4180 = arith.constant 16 : index
      %get3A_4181 = tpu.vector_load %arg7[%get3A_4179, %get3A_4180] {strides = array<i32>} : memref<100x64xf32, #tpu.memory_space<vmem>>, vector<16xf32>,
      %add3A_4182 = arith.addf %add3A_4162, %get3A_4181 : vector<16xf32>
      %get3A_4183 = arith.constant 90 : i32
      %get3A_4184 = arith.index_cast %get3A_4183 : i32 to index
      %get3A_4185 = arith.constant 32 : index
      %get3A_4186 = tpu.vector_load %arg7[%get3A_4184, %get3A_4185] {strides = array<i32>} : memref<100x64xf32, #tpu.memory_space<vmem>>, vector<16xf32>,
      %add3A_4187 = arith.addf %add3A_4167, %get3A_4186 : vector<16xf32>
      %get3A_4188 = arith.constant 90 : i32
      %get3A_4189 = arith.index_cast %get3A_4188 : i32 to index
      %get3A_4190 = arith.constant 48 : index
      %get3A_4191 = tpu.vector_load %arg7[%get3A_4189, %get3A_4190] {strides = array<i32>} : memref<100x64xf32, #tpu.memory_space<vmem>>, vector<16xf32>,
      %add3A_4192 = arith.addf %add3A_4172, %get3A_4191 : vector<16xf32>
      %get3A_4193 = arith.constant 91 : i32
      %get3A_4194 = arith.index_cast %get3A_4193 : i32 to index
      %get3A_4195 = arith.constant 0 : index
      %get3A_4196 = tpu.vector_load %arg7[%get3A_4194, %get3A_4195] {strides = array<i32>} : memref<100x64xf32, #tpu.memory_space<vmem>>, vector<16xf32>,
      %add3A_4197 = arith.addf %add3A_4177, %get3A_4196 : vector<16xf32>
      %get3A_4198 = arith.constant 91 : i32
      %get3A_4199 = arith.index_cast %get3A_4198 : i32 to index
      %get3A_4200 = arith.constant 16 : index
      %get3A_4201 = tpu.vector_load %arg7[%get3A_4199, %get3A_4200] {strides = array<i32>} : memref<100x64xf32, #tpu.memory_space<vmem>>, vector<16xf32>,
      %add3A_4202 = arith.addf %add3A_4182, %get3A_4201 : vector<16xf32>
      %get3A_4203 = arith.constant 91 : i32
      %get3A_4204 = arith.index_cast %get3A_4203 : i32 to index
      %get3A_4205 = arith.constant 32 : index
      %get3A_4206 = tpu.vector_load %arg7[%get3A_4204, %get3A_4205] {strides = array<i32>} : memref<100x64xf32, #tpu.memory_space<vmem>>, vector<16xf32>,
      %add3A_4207 = arith.addf %add3A_4187, %get3A_4206 : vector<16xf32>
      %get3A_4208 = arith.constant 91 : i32
      %get3A_4209 = arith.index_cast %get3A_4208 : i32 to index
      %get3A_4210 = arith.constant 48 : index
      %get3A_4211 = tpu.vector_load %arg7[%get3A_4209, %get3A_4210] {strides = array<i32>} : memref<100x64xf32, #tpu.memory_space<vmem>>, vector<16xf32>,
      %add3A_4212 = arith.addf %add3A_4192, %get3A_4211 : vector<16xf32>
      %get3A_4213 = arith.constant 92 : i32
      %get3A_4214 = arith.index_cast %get3A_4213 : i32 to index
      %get3A_4215 = arith.constant 0 : index
      %get3A_4216 = tpu.vector_load %arg7[%get3A_4214, %get3A_4215] {strides = array<i32>} : memref<100x64xf32, #tpu.memory_space<vmem>>, vector<16xf32>,
      %add3A_4217 = arith.addf %add3A_4197, %get3A_4216 : vector<16xf32>
      %get3A_4218 = arith.constant 92 : i32
      %get3A_4219 = arith.index_cast %get3A_4218 : i32 to index
      %get3A_4220 = arith.constant 16 : index
      %get3A_4221 = tpu.vector_load %arg7[%get3A_4219, %get3A_4220] {strides = array<i32>} : memref<100x64xf32, #tpu.memory_space<vmem>>, vector<16xf32>,
      %add3A_4222 = arith.addf %add3A_4202, %get3A_4221 : vector<16xf32>
      %get3A_4223 = arith.constant 92 : i32
      %get3A_4224 = arith.index_cast %get3A_4223 : i32 to index
      %get3A_4225 = arith.constant 32 : index
      %get3A_4226 = tpu.vector_load %arg7[%get3A_4224, %get3A_4225] {strides = array<i32>} : memref<100x64xf32, #tpu.memory_space<vmem>>, vector<16xf32>,
      %add3A_4227 = arith.addf %add3A_4207, %get3A_4226 : vector<16xf32>
      %get3A_4228 = arith.constant 92 : i32
      %get3A_4229 = arith.index_cast %get3A_4228 : i32 to index
      %get3A_4230 = arith.constant 48 : index
      %get3A_4231 = tpu.vector_load %arg7[%get3A_4229, %get3A_4230] {strides = array<i32>} : memref<100x64xf32, #tpu.memory_space<vmem>>, vector<16xf32>,
      %add3A_4232 = arith.addf %add3A_4212, %get3A_4231 : vector<16xf32>
      %get3A_4233 = arith.constant 93 : i32
      %get3A_4234 = arith.index_cast %get3A_4233 : i32 to index
      %get3A_4235 = arith.constant 0 : index
      %get3A_4236 = tpu.vector_load %arg7[%get3A_4234, %get3A_4235] {strides = array<i32>} : memref<100x64xf32, #tpu.memory_space<vmem>>, vector<16xf32>,
      %add3A_4237 = arith.addf %add3A_4217, %get3A_4236 : vector<16xf32>
      %get3A_4238 = arith.constant 93 : i32
      %get3A_4239 = arith.index_cast %get3A_4238 : i32 to index
      %get3A_4240 = arith.constant 16 : index
      %get3A_4241 = tpu.vector_load %arg7[%get3A_4239, %get3A_4240] {strides = array<i32>} : memref<100x64xf32, #tpu.memory_space<vmem>>, vector<16xf32>,
      %add3A_4242 = arith.addf %add3A_4222, %get3A_4241 : vector<16xf32>
      %get3A_4243 = arith.constant 93 : i32
      %get3A_4244 = arith.index_cast %get3A_4243 : i32 to index
      %get3A_4245 = arith.constant 32 : index
      %get3A_4246 = tpu.vector_load %arg7[%get3A_4244, %get3A_4245] {strides = array<i32>} : memref<100x64xf32, #tpu.memory_space<vmem>>, vector<16xf32>,
      %add3A_4247 = arith.addf %add3A_4227, %get3A_4246 : vector<16xf32>
      %get3A_4248 = arith.constant 93 : i32
      %get3A_4249 = arith.index_cast %get3A_4248 : i32 to index
      %get3A_4250 = arith.constant 48 : index
      %get3A_4251 = tpu.vector_load %arg7[%get3A_4249, %get3A_4250] {strides = array<i32>} : memref<100x64xf32, #tpu.memory_space<vmem>>, vector<16xf32>,
      %add3A_4252 = arith.addf %add3A_4232, %get3A_4251 : vector<16xf32>
      %get3A_4253 = arith.constant 94 : i32
      %get3A_4254 = arith.index_cast %get3A_4253 : i32 to index
      %get3A_4255 = arith.constant 0 : index
      %get3A_4256 = tpu.vector_load %arg7[%get3A_4254, %get3A_4255] {strides = array<i32>} : memref<100x64xf32, #tpu.memory_space<vmem>>, vector<16xf32>,
      %add3A_4257 = arith.addf %add3A_4237, %get3A_4256 : vector<16xf32>
      %get3A_4258 = arith.constant 94 : i32
      %get3A_4259 = arith.index_cast %get3A_4258 : i32 to index
      %get3A_4260 = arith.constant 16 : index
      %get3A_4261 = tpu.vector_load %arg7[%get3A_4259, %get3A_4260] {strides = array<i32>} : memref<100x64xf32, #tpu.memory_space<vmem>>, vector<16xf32>,
      %add3A_4262 = arith.addf %add3A_4242, %get3A_4261 : vector<16xf32>
      %get3A_4263 = arith.constant 94 : i32
      %get3A_4264 = arith.index_cast %get3A_4263 : i32 to index
      %get3A_4265 = arith.constant 32 : index
      %get3A_4266 = tpu.vector_load %arg7[%get3A_4264, %get3A_4265] {strides = array<i32>} : memref<100x64xf32, #tpu.memory_space<vmem>>, vector<16xf32>,
      %add3A_4267 = arith.addf %add3A_4247, %get3A_4266 : vector<16xf32>
      %get3A_4268 = arith.constant 94 : i32
      %get3A_4269 = arith.index_cast %get3A_4268 : i32 to index
      %get3A_4270 = arith.constant 48 : index
      %get3A_4271 = tpu.vector_load %arg7[%get3A_4269, %get3A_4270] {strides = array<i32>} : memref<100x64xf32, #tpu.memory_space<vmem>>, vector<16xf32>,
      %add3A_4272 = arith.addf %add3A_4252, %get3A_4271 : vector<16xf32>
      %get3A_4273 = arith.constant 95 : i32
      %get3A_4274 = arith.index_cast %get3A_4273 : i32 to index
      %get3A_4275 = arith.constant 0 : index
      %get3A_4276 = tpu.vector_load %arg7[%get3A_4274, %get3A_4275] {strides = array<i32>} : memref<100x64xf32, #tpu.memory_space<vmem>>, vector<16xf32>,
      %add3A_4277 = arith.addf %add3A_4257, %get3A_4276 : vector<16xf32>
      %get3A_4278 = arith.constant 95 : i32
      %get3A_4279 = arith.index_cast %get3A_4278 : i32 to index
      %get3A_4280 = arith.constant 16 : index
      %get3A_4281 = tpu.vector_load %arg7[%get3A_4279, %get3A_4280] {strides = array<i32>} : memref<100x64xf32, #tpu.memory_space<vmem>>, vector<16xf32>,
      %add3A_4282 = arith.addf %add3A_4262, %get3A_4281 : vector<16xf32>
      %get3A_4283 = arith.constant 95 : i32
      %get3A_4284 = arith.index_cast %get3A_4283 : i32 to index
      %get3A_4285 = arith.constant 32 : index
      %get3A_4286 = tpu.vector_load %arg7[%get3A_4284, %get3A_4285] {strides = array<i32>} : memref<100x64xf32, #tpu.memory_space<vmem>>, vector<16xf32>,
      %add3A_4287 = arith.addf %add3A_4267, %get3A_4286 : vector<16xf32>
      %get3A_4288 = arith.constant 95 : i32
      %get3A_4289 = arith.index_cast %get3A_4288 : i32 to index
      %get3A_4290 = arith.constant 48 : index
      %get3A_4291 = tpu.vector_load %arg7[%get3A_4289, %get3A_4290] {strides = array<i32>} : memref<100x64xf32, #tpu.memory_space<vmem>>, vector<16xf32>,
      %add3A_4292 = arith.addf %add3A_4272, %get3A_4291 : vector<16xf32>
      %get3A_4293 = arith.constant 96 : i32
      %get3A_4294 = arith.index_cast %get3A_4293 : i32 to index
      %get3A_4295 = arith.constant 0 : index
      %get3A_4296 = tpu.vector_load %arg7[%get3A_4294, %get3A_4295] {strides = array<i32>} : memref<100x64xf32, #tpu.memory_space<vmem>>, vector<16xf32>,
      %add3A_4297 = arith.addf %add3A_4277, %get3A_4296 : vector<16xf32>
      %get3A_4298 = arith.constant 96 : i32
      %get3A_4299 = arith.index_cast %get3A_4298 : i32 to index
      %get3A_4300 = arith.constant 16 : index
      %get3A_4301 = tpu.vector_load %arg7[%get3A_4299, %get3A_4300] {strides = array<i32>} : memref<100x64xf32, #tpu.memory_space<vmem>>, vector<16xf32>,
      %add3A_4302 = arith.addf %add3A_4282, %get3A_4301 : vector<16xf32>
      %get3A_4303 = arith.constant 96 : i32
      %get3A_4304 = arith.index_cast %get3A_4303 : i32 to index
      %get3A_4305 = arith.constant 32 : index
      %get3A_4306 = tpu.vector_load %arg7[%get3A_4304, %get3A_4305] {strides = array<i32>} : memref<100x64xf32, #tpu.memory_space<vmem>>, vector<16xf32>,
      %add3A_4307 = arith.addf %add3A_4287, %get3A_4306 : vector<16xf32>
      %get3A_4308 = arith.constant 96 : i32
      %get3A_4309 = arith.index_cast %get3A_4308 : i32 to index
      %get3A_4310 = arith.constant 48 : index
      %get3A_4311 = tpu.vector_load %arg7[%get3A_4309, %get3A_4310] {strides = array<i32>} : memref<100x64xf32, #tpu.memory_space<vmem>>, vector<16xf32>,
      %add3A_4312 = arith.addf %add3A_4292, %get3A_4311 : vector<16xf32>
      %get3A_4313 = arith.constant 97 : i32
      %get3A_4314 = arith.index_cast %get3A_4313 : i32 to index
      %get3A_4315 = arith.constant 0 : index
      %get3A_4316 = tpu.vector_load %arg7[%get3A_4314, %get3A_4315] {strides = array<i32>} : memref<100x64xf32, #tpu.memory_space<vmem>>, vector<16xf32>,
      %add3A_4317 = arith.addf %add3A_4297, %get3A_4316 : vector<16xf32>
      %get3A_4318 = arith.constant 97 : i32
      %get3A_4319 = arith.index_cast %get3A_4318 : i32 to index
      %get3A_4320 = arith.constant 16 : index
      %get3A_4321 = tpu.vector_load %arg7[%get3A_4319, %get3A_4320] {strides = array<i32>} : memref<100x64xf32, #tpu.memory_space<vmem>>, vector<16xf32>,
      %add3A_4322 = arith.addf %add3A_4302, %get3A_4321 : vector<16xf32>
      %get3A_4323 = arith.constant 97 : i32
      %get3A_4324 = arith.index_cast %get3A_4323 : i32 to index
      %get3A_4325 = arith.constant 32 : index
      %get3A_4326 = tpu.vector_load %arg7[%get3A_4324, %get3A_4325] {strides = array<i32>} : memref<100x64xf32, #tpu.memory_space<vmem>>, vector<16xf32>,
      %add3A_4327 = arith.addf %add3A_4307, %get3A_4326 : vector<16xf32>
      %get3A_4328 = arith.constant 97 : i32
      %get3A_4329 = arith.index_cast %get3A_4328 : i32 to index
      %get3A_4330 = arith.constant 48 : index
      %get3A_4331 = tpu.vector_load %arg7[%get3A_4329, %get3A_4330] {strides = array<i32>} : memref<100x64xf32, #tpu.memory_space<vmem>>, vector<16xf32>,
      %add3A_4332 = arith.addf %add3A_4312, %get3A_4331 : vector<16xf32>
      %get3A_4333 = arith.constant 98 : i32
      %get3A_4334 = arith.index_cast %get3A_4333 : i32 to index
      %get3A_4335 = arith.constant 0 : index
      %get3A_4336 = tpu.vector_load %arg7[%get3A_4334, %get3A_4335] {strides = array<i32>} : memref<100x64xf32, #tpu.memory_space<vmem>>, vector<16xf32>,
      %add3A_4337 = arith.addf %add3A_4317, %get3A_4336 : vector<16xf32>
      %get3A_4338 = arith.constant 98 : i32
      %get3A_4339 = arith.index_cast %get3A_4338 : i32 to index
      %get3A_4340 = arith.constant 16 : index
      %get3A_4341 = tpu.vector_load %arg7[%get3A_4339, %get3A_4340] {strides = array<i32>} : memref<100x64xf32, #tpu.memory_space<vmem>>, vector<16xf32>,
      %add3A_4342 = arith.addf %add3A_4322, %get3A_4341 : vector<16xf32>
      %get3A_4343 = arith.constant 98 : i32
      %get3A_4344 = arith.index_cast %get3A_4343 : i32 to index
      %get3A_4345 = arith.constant 32 : index
      %get3A_4346 = tpu.vector_load %arg7[%get3A_4344, %get3A_4345] {strides = array<i32>} : memref<100x64xf32, #tpu.memory_space<vmem>>, vector<16xf32>,
      %add3A_4347 = arith.addf %add3A_4327, %get3A_4346 : vector<16xf32>
      %get3A_4348 = arith.constant 98 : i32
      %get3A_4349 = arith.index_cast %get3A_4348 : i32 to index
      %get3A_4350 = arith.constant 48 : index
      %get3A_4351 = tpu.vector_load %arg7[%get3A_4349, %get3A_4350] {strides = array<i32>} : memref<100x64xf32, #tpu.memory_space<vmem>>, vector<16xf32>,
      %add3A_4352 = arith.addf %add3A_4332, %get3A_4351 : vector<16xf32>
      %get3A_4353 = arith.constant 99 : i32
      %get3A_4354 = arith.index_cast %get3A_4353 : i32 to index
      %get3A_4355 = arith.constant 0 : index
      %get3A_4356 = tpu.vector_load %arg7[%get3A_4354, %get3A_4355] {strides = array<i32>} : memref<100x64xf32, #tpu.memory_space<vmem>>, vector<16xf32>,
      %add3A_4357 = arith.addf %add3A_4337, %get3A_4356 : vector<16xf32>
      %get3A_4358 = arith.constant 99 : i32
      %get3A_4359 = arith.index_cast %get3A_4358 : i32 to index
      %get3A_4360 = arith.constant 16 : index
      %get3A_4361 = tpu.vector_load %arg7[%get3A_4359, %get3A_4360] {strides = array<i32>} : memref<100x64xf32, #tpu.memory_space<vmem>>, vector<16xf32>,
      %add3A_4362 = arith.addf %add3A_4342, %get3A_4361 : vector<16xf32>
      %get3A_4363 = arith.constant 99 : i32
      %get3A_4364 = arith.index_cast %get3A_4363 : i32 to index
      %get3A_4365 = arith.constant 32 : index
      %get3A_4366 = tpu.vector_load %arg7[%get3A_4364, %get3A_4365] {strides = array<i32>} : memref<100x64xf32, #tpu.memory_space<vmem>>, vector<16xf32>,
      %add3A_4367 = arith.addf %add3A_4347, %get3A_4366 : vector<16xf32>
      %get3A_4368 = arith.constant 99 : i32
      %get3A_4369 = arith.index_cast %get3A_4368 : i32 to index
      %get3A_4370 = arith.constant 48 : index
      %get3A_4371 = tpu.vector_load %arg7[%get3A_4369, %get3A_4370] {strides = array<i32>} : memref<100x64xf32, #tpu.memory_space<vmem>>, vector<16xf32>,
      %add3A_4372 = arith.addf %add3A_4352, %get3A_4371 : vector<16xf32>
      %mul3A_4373 = arith.mulf %get3A_5, %convert_element_type3A_2312 : vector<16xf32>
      %sub3A_4374 = arith.subf %add3A_4357, %mul3A_4373 : vector<16xf32>
      %mul3A_4375 = vector.broadcast %scan3A : f32 to vector<16xf32>
      %mul3A_4376 = arith.mulf %sub3A_4374, %mul3A_4375 : vector<16xf32>
      %mul3A_4377 = arith.constant 2 : i32
      %mul3A_4378 = arith.muli %add3A_2232, %mul3A_4377 : i32
      %add3A_4379 = arith.constant 1 : i32
      %add3A_4380 = arith.addi %mul3A_4378, %add3A_4379 : i32
      %swap3A_4381 = arith.index_cast %add3A_4380 : i32 to index
      %swap3A_4382 = arith.constant 0 : index
      %swap3A_4383 = tpu.vector_load %arg9[%swap3A_4381, %swap3A_4382] {strides = array<i32>} : memref<128x64xf32, #tpu.memory_space<vmem>>, vector<16xf32>,
      tpu.vector_store %arg9[%swap3A_4381, %swap3A_4382], %mul3A_4376 {strides = array<i32>} : memref<128x64xf32, #tpu.memory_space<vmem>>, vector<16xf32>,
      %mul3A_4384 = arith.mulf %get3A_9, %convert_element_type3A_2312 : vector<16xf32>
      %sub3A_4385 = arith.subf %add3A_4362, %mul3A_4384 : vector<16xf32>
      %mul3A_4386 = vector.broadcast %scan3A : f32 to vector<16xf32>
      %mul3A_4387 = arith.mulf %sub3A_4385, %mul3A_4386 : vector<16xf32>
      %mul3A_4388 = arith.constant 2 : i32
      %mul3A_4389 = arith.muli %add3A_2232, %mul3A_4388 : i32
      %add3A_4390 = arith.constant 1 : i32
      %add3A_4391 = arith.addi %mul3A_4389, %add3A_4390 : i32
      %swap3A_4392 = arith.index_cast %add3A_4391 : i32 to index
      %swap3A_4393 = arith.constant 16 : index
      %swap3A_4394 = tpu.vector_load %arg9[%swap3A_4392, %swap3A_4393] {strides = array<i32>} : memref<128x64xf32, #tpu.memory_space<vmem>>, vector<16xf32>,
      tpu.vector_store %arg9[%swap3A_4392, %swap3A_4393], %mul3A_4387 {strides = array<i32>} : memref<128x64xf32, #tpu.memory_space<vmem>>, vector<16xf32>,
      %mul3A_4395 = arith.mulf %get3A_13, %convert_element_type3A_2312 : vector<16xf32>
      %sub3A_4396 = arith.subf %add3A_4367, %mul3A_4395 : vector<16xf32>
      %mul3A_4397 = vector.broadcast %scan3A : f32 to vector<16xf32>
      %mul3A_4398 = arith.mulf %sub3A_4396, %mul3A_4397 : vector<16xf32>
      %mul3A_4399 = arith.constant 2 : i32
      %mul3A_4400 = arith.muli %add3A_2232, %mul3A_4399 : i32
      %add3A_4401 = arith.constant 1 : i32
      %add3A_4402 = arith.addi %mul3A_4400, %add3A_4401 : i32
      %swap3A_4403 = arith.index_cast %add3A_4402 : i32 to index
      %swap3A_4404 = arith.constant 32 : index
      %swap3A_4405 = tpu.vector_load %arg9[%swap3A_4403, %swap3A_4404] {strides = array<i32>} : memref<128x64xf32, #tpu.memory_space<vmem>>, vector<16xf32>,
      tpu.vector_store %arg9[%swap3A_4403, %swap3A_4404], %mul3A_4398 {strides = array<i32>} : memref<128x64xf32, #tpu.memory_space<vmem>>, vector<16xf32>,
      %mul3A_4406 = arith.mulf %get3A_17, %convert_element_type3A_2312 : vector<16xf32>
      %sub3A_4407 = arith.subf %add3A_4372, %mul3A_4406 : vector<16xf32>
      %mul3A_4408 = vector.broadcast %scan3A : f32 to vector<16xf32>
      %mul3A_4409 = arith.mulf %sub3A_4407, %mul3A_4408 : vector<16xf32>
      %mul3A_4410 = arith.constant 2 : i32
      %mul3A_4411 = arith.muli %add3A_2232, %mul3A_4410 : i32
      %add3A_4412 = arith.constant 1 : i32
      %add3A_4413 = arith.addi %mul3A_4411, %add3A_4412 : i32
      %swap3A_4414 = arith.index_cast %add3A_4413 : i32 to index
      %swap3A_4415 = arith.constant 48 : index
      %swap3A_4416 = tpu.vector_load %arg9[%swap3A_4414, %swap3A_4415] {strides = array<i32>} : memref<128x64xf32, #tpu.memory_space<vmem>>, vector<16xf32>,
      tpu.vector_store %arg9[%swap3A_4414, %swap3A_4415], %mul3A_4409 {strides = array<i32>} : memref<128x64xf32, #tpu.memory_space<vmem>>, vector<16xf32>,
    }
    %scan3A_26 = arith.constant 32 : i32
    %mul3A_27 = arith.constant 128 : i32
    %mul3A_28 = arith.muli %add3A, %mul3A_27 : i32
    "tpu.region"() ({
      %run_scoped3A = tpu.sem_alloc : memref<!tpu.dma_semaphore, #tpu.memory_space<semaphore_mem>>
      %dma_start3A_29 = arith.constant 0 : i32
      %dma_start3A_30 = tpu.memref_slice %arg4[%mul3A_28, %dma_start3A_29] : memref<4096x64xf32, #tpu.memory_space<hbm>> -> memref<128x64xf32, #tpu.memory_space<hbm>>
      %dma_start3A_31 = arith.constant 0 : i32
      %dma_start3A_32 = tpu.memref_slice %arg4[%mul3A_28, %dma_start3A_31] : memref<4096x64xf32, #tpu.memory_space<hbm>> -> memref<128x64xf32, #tpu.memory_space<hbm>>
      tpu.enqueue_dma source(%arg9 : memref<128x64xf32, #tpu.memory_space<vmem>>) target(%dma_start3A_32 : memref<128x64xf32, #tpu.memory_space<hbm>>) target_semaphore(%run_scoped3A : memref<!tpu.dma_semaphore, #tpu.memory_space<semaphore_mem>>)
      %dma_wait3A = arith.constant 0 : i32
      %dma_wait3A_33 = tpu.memref_slice %arg4[%mul3A_28, %dma_wait3A] : memref<4096x64xf32, #tpu.memory_space<hbm>> -> memref<128x64xf32, #tpu.memory_space<hbm>>
      %dma_wait3A_34 = arith.constant 0 : i32
      %dma_wait3A_35 = tpu.memref_slice %arg4[%mul3A_28, %dma_wait3A_34] : memref<4096x64xf32, #tpu.memory_space<hbm>> -> memref<128x64xf32, #tpu.memory_space<hbm>>
      tpu.wait_dma2 semaphore(%run_scoped3A : memref<!tpu.dma_semaphore, #tpu.memory_space<semaphore_mem>>) src(%arg9 : memref<128x64xf32, #tpu.memory_space<vmem>>) dst(%dma_wait3A_35 : memref<128x64xf32, #tpu.memory_space<hbm>>)
      tpu.yield
    }) : () -> ()
    return
  }
}

</mosaic_0001>

<sc_bundles>
// kernel: kernel.3.cloned.1.call-start
scs
__scs_entry_jumppad:
0x0: {  	(pc) =	sbr.rel $0x88, $3  }
0x1: {  	(tag) =	ssettag $0x0;
	lr =	simm.s32 $0x1  }
0x2: {  	[smem:$0x3F9F] =	sst lr;
	_ =	strace $0xD0000000  }
0x3: {  	_ = 	snop  }
0x4: {  	_ = 	snop  }
0x5: {  	_ = 	snop  }
0x6: {  	_ = 	snop  }
0x7: {  	_ = 	snop  }
__scs_overlays_trampoline_lowered:
0x8: {  	[smem:$0x3FAE] =	sst s0  }
0x9: {  	[smem:$0x3FAF] =	sst s1  }
0xa: {  	[smem:$0x3FB0] =	sst s2  }
0xb: {  	[smem:$0x3FB1] =	sst s3  }
0xc: {  	[smem:$0x3FB2] =	sst s4  }
0xd: {  	[smem:$0x3FB3] =	sst s5  }
0xe: {  	[smem:$0x3FB4] =	sst s6  }
0xf: {  	[smem:$0x3FB5] =	sst s7  }
0x10: {  	[smem:$0x3FB6] =	sst s8  }
0x11: {  	[smem:$0x3FB7] =	sst s9;
	s0 =	simm.s32 @!p0 $0x0  }
0x12: {  	s1 =	sld [smem:$0x3F9D];
	s0 =	simm.s32 @p0 $0x1  }
0x13: {  	[smem:$0x3FB8] =	sst s0;
	s0 =	simm.s32 @!p1 $0x0  }
0x14: {  	s2 =	sld [smem:$0x3F9C];
	s0 =	simm.s32 @p1 $0x1  }
0x15: {  	[smem:$0x3FB9] =	sst s0;
	s0 =	simm.s32 @!p2 $0x0  }
0x16: {  	s3 =	sld [smem:$0x3FDB];
	s0 =	simm.s32 @p2 $0x1  }
0x17: {  	s4 =	simm.s32 $0x1BF5;
	[smem:$0x3FBB] =	sst s0  }
0x18: {  	s0 =	sld [smem:$0x3F9E];
	_ =	swait.ge [sflag:s4], $0x0  }
0x19: {  	s7 =	sld [smem:$0x3F9F]  }
0x1a: {  	s8 =	sadd.s32 $0xFFFFE003, lr  }
0x1b: {  	s9 =	sadd.s32 $0xFFFFFEF7, lr;
	s5 =	simm.s32 $0xFFFFFFFF;
	p2 =	slt.u32 s8, $0xFFFFF086  }
0x1c: {  	p1 =	slt.u32 s9, $0xF7A;
	s5 =	simm.s32 @!p2 $0x0  }
0x1d: {  	s5 =	simm.s32 @p1 $0x1;
	p0 =	seq.s32 s7, s2  }
0x1e: {  	s7 =	smul.u32 @!p0 $0xF7A, s2;
	p2 =	seq.s32 @!p0 s5, $0x0  }
0x1f: {  	s9 =	smul.u32 $0xF7A, s1;
	s8 =	simm.s32 @!p0 $0x1BF5;
	p2 =	por !p2, p0  }
0x20: {  	[sflag:s8] =	ssyncset.s32 @!p0 $0xFFFFF086;
	s6 =	sadd.s32 @!p0 s3, s7;
	s7 =	simm.s32 @!p0 $0x108  }
0x21: {  	s3 =	sadd.s32 s3, s9;
	s6 =	sadd.s32 @!p0 $0x88, s6;
	s7 =	simm.s32 @p2 $0x1082  }
0x22: {  	[simem:s7], [sflag:s8] =	dma.local @!p0 [hbm:s6], $0xF7A  }
0x23: {  	s9 =	sor.u32 $0xD0000000, s2;
	s6 =	simm.s32 $0x108;
	_ =	swait.ge @!p0 [sflag:s8], $0x0  }
0x24: {  	s3 =	sadd.s32 $0x88, s3;
	s6 =	simm.s32 @!p1 $0x1082;
	[sflag:s4] =	ssyncset.s32 $0xFFFFF086  }
0x25: {  	[simem:s6], [sflag:s4] =	dma.local [hbm:s3], $0xF7A  }
0x26: {  	[smem:$0x3F9F] =	sst s1;
	(tag) =	ssettag s2;
	_ =	strace s9  }
0x27: {  	s1 =	sld [smem:$0x3FAF]  }
0x28: {  	s2 =	sld [smem:$0x3FB0]  }
0x29: {  	s4 =	sld [smem:$0x3FB2]  }
0x2a: {  	p0 =	seq.s32 s5, $0x0;
	s5 =	sld [smem:$0x3FB3]  }
0x2b: {  	s6 =	sld [smem:$0x3FB4]  }
0x2c: {  	s7 =	sld [smem:$0x3FB5]  }
0x2d: {  	s3 =	simm.s32 $0x108;
	s8 =	sld [smem:$0x3FB6]  }
0x2e: {  	s3 =	simm.s32 @!p0 $0x1082;
	s9 =	sld [smem:$0x3FB7]  }
0x2f: {  	lr =	sadd.s32 s0, s3;
	s0 =	sld [smem:$0x3FAE]  }
0x30: {  	s3 =	sld [smem:$0x3FB1]  }
0x31: {  	[smem:$0x3FBA] =	sst s10  }
0x32: {  	s10 =	sld [smem:$0x3FB8];
	_ =	sdelay $0x3  }
0x33: {  	p0 =	seq.s32 s10, $0x1;
	s10 =	sld [smem:$0x3FBA];
	_ =	sdelay $0x3  }
0x34: {  	[smem:$0x3FBA] =	sst s10  }
0x35: {  	s10 =	sld [smem:$0x3FB9];
	_ =	sdelay $0x3  }
0x36: {  	p1 =	seq.s32 s10, $0x1;
	s10 =	sld [smem:$0x3FBA];
	_ =	sdelay $0x3  }
0x37: {  	[smem:$0x3FBA] =	sst s10  }
0x38: {  	s10 =	sld [smem:$0x3FBB]  }
0x39: {  	_ = 	snop;
	(pc) =	sbr.ind lr, $3  }
0x3a: {  	_ = 	snop  }
0x3b: {  	_ = 	snop  }
0x3c: {  	p2 =	seq.s32 s10, $0x1;
	s10 =	sld [smem:$0x3FBA]  }
0x3d: {  	_ =	shalt  }
0x3e: {  	_ =	shalt  }
0x3f: {  	_ =	shalt  }
0x40: {  	_ =	shalt  }
0x41: {  	_ =	shalt  }
0x42: {  	_ =	shalt  }
0x43: {  	_ =	shalt  }
0x44: {  	_ =	shalt  }
0x45: {  	_ =	shalt  }
0x46: {  	_ =	shalt  }
0x47: {  	_ =	shalt  }
0x48: {  	_ =	shalt  }
0x49: {  	_ =	shalt  }
0x4a: {  	_ =	shalt  }
0x4b: {  	_ =	shalt  }
0x4c: {  	_ =	shalt  }
0x4d: {  	_ =	shalt  }
0x4e: {  	_ =	shalt  }
0x4f: {  	_ =	shalt  }
0x50: {  	_ =	shalt  }
0x51: {  	_ =	shalt  }
0x52: {  	_ =	shalt  }
0x53: {  	_ =	shalt  }
0x54: {  	_ =	shalt  }
0x55: {  	_ =	shalt  }
0x56: {  	_ =	shalt  }
0x57: {  	_ =	shalt  }
0x58: {  	_ =	shalt  }
0x59: {  	_ =	shalt  }
0x5a: {  	_ =	shalt  }
0x5b: {  	_ =	shalt  }
0x5c: {  	_ =	shalt  }
0x5d: {  	_ =	shalt  }
0x5e: {  	_ =	shalt  }
0x5f: {  	_ =	shalt  }
0x60: {  	_ =	shalt  }
0x61: {  	_ =	shalt  }
0x62: {  	_ =	shalt  }
0x63: {  	_ =	shalt  }
0x64: {  	_ =	shalt  }
0x65: {  	_ =	shalt  }
0x66: {  	_ =	shalt  }
0x67: {  	_ =	shalt  }
0x68: {  	_ =	shalt  }
0x69: {  	_ =	shalt  }
0x6a: {  	_ =	shalt  }
0x6b: {  	_ =	shalt  }
0x6c: {  	_ =	shalt  }
0x6d: {  	_ =	shalt  }
0x6e: {  	_ =	shalt  }
0x6f: {  	_ =	shalt  }
0x70: {  	_ =	shalt  }
0x71: {  	_ =	shalt  }
0x72: {  	_ =	shalt  }
0x73: {  	_ =	shalt  }
0x74: {  	_ =	shalt  }
0x75: {  	_ =	shalt  }
0x76: {  	_ =	shalt  }
0x77: {  	_ =	shalt  }
0x78: {  	_ =	shalt  }
0x79: {  	_ =	shalt  }
0x7a: {  	_ =	shalt  }
0x7b: {  	_ =	shalt  }
0x7c: {  	_ =	shalt  }
0x7d: {  	_ =	shalt  }
0x7e: {  	_ =	shalt  }
0x7f: {  	_ =	shalt  }
0x80: {  	_ =	shalt  }
0x81: {  	_ =	shalt  }
0x82: {  	_ =	shalt  }
0x83: {  	_ =	shalt  }
0x84: {  	_ =	shalt  }
0x85: {  	_ =	shalt  }
0x86: {  	_ =	shalt  }
0x87: {  	_ =	shalt  }
.Lfunc_end0:
.L_simem_size_0:
called_computation_lowered:
.L_overlay_start_0:
0x88: {  	s2 =	sld [smem:$0x3FD9]  }
0x89: {  	s3 =	sld [smem:$0x3FFE];
	_ =	sdelay $0x1  }
0x8a: {  	s1 =	srdreg.scid  }
0x8b: {  	s0 =	sand.u32 $0x1, s1  }
0x8c: {  	s17 =	sshll.u32 s0, $0xA;
	s2 =	sadd.s32 s3, s2  }
0x8d: {  	s2 =	sadd.s32 s2, s17  }
0x8e: {  	[smem:$0x3FC6] =	sst s2  }
0x8f: {  	_ = 	snop  }
0x90: {  	s2 =	sld [smem:$0x3FD0];
	(tm) =	ssettm $0x1  }
0x91: {  	s18 =	sld [smem:$0x3FFB];
	_ =	sdelay $0x3  }
0x92: {  	_ =	strace s18  }
0x93: {  	s3 =	sld [smem:$0x3FFC];
	_ =	sdelay $0x3  }
0x94: {  	_ =	strace s3  }
0x95: {  	s3 =	sld [smem:$0x3FFD];
	_ =	sdelay $0x3  }
0x96: {  	_ =	strace s3  }
0x97: {  	_ =	strace $0x8FFFFFFF  }
0x98: {  	s19 =	sld [smem:$0x3FDB];
	_ =	sdelay $0x1  }
0x99: {  	s4 =	simm.s32 $_scs_section_size  }
0x9a: {  	s5 =	simm.s32 $_size__tile_overlayer_lowered;
	s6 =	simm.s32 $_tile_overlayer_lowered  }
0x9b: {  	s22 =	simm.s32 $0x1BFF;
	s21 =	sshll.u32 s6, $0x1;
	s3 =	sadd.s32 s4, s19  }
0x9c: {  	s7 =	simm.s32 $0x0;
	s20 =	sshll.u32 s5, $0x1;
	s5 =	sadd.s32 s21, s3  }
0x9d: {  	[timem:s7], [sflag:s22] =	dma.local [hbm:s5], s20  }
0x9e: {  	_ =	swait.ge [sflag:s22], s20  }
0x9f: {  	s4 =	ssub.s32 $0x0, s20;
	[sflag:s22] =	ssyncset.done $0x0  }
0xa0: {  	[sflag:s22] =	ssyncadd.s32 s4;
	_ =	sdelay $0x1  }
0xa1: {  	s23 =	simm.s32 $0x1B8B  }
0xa2: {  	_ =	swait.ge [sflag:s23], $0x1  }
0xa3: {  	[sflag:s23] =	ssyncset.done $0x0  }
0xa4: {  	s25 =	simm.s32 $0x1B8E;
	s24 =	sld [smem:$0x3FFE];
	[sflag:s23] =	ssyncadd.s32 $0xFFFFFFFF  }
0xa5: {  	s26 =	simm.s32 $execute0_lowered;
	[smem:$0x3FD2] =	sst s25  }
0xa6: {  	s5 =	sshll.u32 s26, $0x1;
	_ =	strace $0x80000046;
	[dreg:$0x1] =	wrdreg $0xFFFFFFFF  }
0xa7: {  	s28 =	simm.s32 $_size_execute0_lowered;
	s3 =	sadd.s32 s3, s5;
	[dreg:$0x0] =	wrdreg $0x0  }
0xa8: {  	s5 =	sshll.u32 s28, $0x1;
	[dreg:$0x2] =	wrdreg s3  }
0xa9: {  	[dreg:$0x3] =	wrdreg s5  }
0xaa: {  	[dreg:$0x4] =	wrdreg $0xC0  }
0xab: {  	_ =	task [dreg:s7], $0x5FFFF  }
0xac: {  	[dreg:$0x1] =	wrdreg $0xFFFFFFFF  }
0xad: {  	[dreg:$0x0] =	wrdreg $0x60  }
0xae: {  	[dreg:$0x2] =	wrdreg s24  }
0xaf: {  	[dreg:$0x3] =	wrdreg s2  }
0xb0: {  	[dreg:$0x4] =	wrdreg $0x9  }
0xb1: {  	_ =	task.clear_ibuf [dreg:s7], $0x5FFFF;
	_ =	strace $0x90000046  }
0xb2: {  	s29 =	simm.s32 $0x9;
	_ =	strace $0x80000048  }
0xb3: {  	_ =	swait.ge [sflag:s29], $0x1  }
0xb4: {  	[sflag:s29] =	ssyncadd.s32 $0xFFFFFFFF  }
0xb5: {  	_ =	strace $0x90000048  }
0xb6: {  	_ =	sfence  }
0xb7: {  	s30 =	sld [smem:$0x0];
	_ =	sdelay $0x2  }
0xb8: {  	s31 =	sshll.u32 s1, $0xD;
	s1 =	sshrl.u32 s1, $0x2  }
0xb9: {  	s3 =	sand.u32 $0x4000, s31;
	s1 =	sadd.s32 s1, s30  }
0xba: {  	s0 =	sor.u32 s3, s0;
	s1 =	sshll.u32 s1, $0x11  }
0xbb: {  	s0 =	sor.u32 s1, s0  }
0xbc: {  	s0 =	sadd.s32 $0x8F2B, s0  }
0xbd: {  	[sflag:s0] =	ssyncadd.remote.s32 $0x1  }
0xbe: {  	_ =	sfence.sel $0xFFFF  }
0xbf: {  	[dreg:$0x0] =	wrdreg $0xFFFFFFFF;
	(pc) =	sbr.abs _section_cstart, $3  }
0xc0: {  	[dreg:$0x1] =	wrdreg $0xFFFFFFFF  }
0xc1: {  	_ =	task.clear_ibuf [dreg:s7], $0x2FFFF;
	_ =	strace $0x9FFFFFFF  }
0xc2: {  	(tm) =	ssettm $0x7FFFFFFF  }
0xc3: {  	_ =	shalt  }
tec
execute0_lowered:
.L_overlay_start_1:
0x0: {  	(tag) =	ssettag $0x1  }
0x1: {  	s1 =	srdreg.scid  }
0x2: {  	s0 =	stileid.u32;
	s3 =	rddreg [dreg:$0x0]  }
0x3: {  	s5 =	rddreg [dreg:$0x1];
	s2 =	simm.s32 $0x0;
	s9 =	simm.s32 $0x64  }
0x4: {  	s10 =	simm.s32 $0x1C00;
	s11 =	simm.s32 $0x3500;
	s12 =	simm.s32 $0x1  }
0x5: {  	s13 =	simm.s32 $0x2;
	s14 =	simm.s32 $0x4E40;
	s15 =	simm.s32 $0x0  }
0x6: {  	s4 =	sand.u32 $0x1, s1;
	s31 =	sshll.u32 s0, $0x1;
	s1 =	rddreg [dreg:$0x2]  }
0x7: {  	[smem:$0x7FF] =	sst s2;
	s6 =	sor.u32 s4, s31;
	s4 =	ssub.s32 $0x2, s4  }
0x8: {  	s7 =	smul.u32 $0x380, s6;
	s8 =	sshrl.u32 s4, $0x1;
	s6 =	sshll.u32 s6, $0xA  }
0x9: {  	_ =	strace $0x80000047;
	s8 =	ssub.s32 s4, s8;
	s5 =	sadd.s32 s5, s6  }
0xa: {  	s7 =	sadd.s32 s7, s3;
	s3 =	sadd.s32 $0xF42A00, s3;
	s6 =	smax.u32 s8, $0x1  }
0xb: {  	vm0 =	vmmov $0x3;
	vm1 =	vcmask $0x3F08;
	vm2 =	vmmov $0xf;
	s8 =	simm.s32 $0x4E00;
	s4 =	sadd.s32 $0x600, s7;
	s7 =	simm.s32 $0x3  }
.LBB2_1:
0xc: {  	[tilespmem:s2], [sflag:$0x3] =	stream.linear.gather [hbm4b:s4+s2], $0x1C00, $0x38;
	[tilespmem:$0x6E40] =	vst v63  }
0xd: {  	_ =	swait.ge [sflag:s7], $0x1C00  }
0xe: {  	[sflag:s7] =	ssyncset.done $0x0  }
0xf: {  	[sflag:s7] =	ssyncadd.s32 $0xFFFFE400  }
0x10: {  	[tilespmem:s8], [sflag:$0x3] =	stream.linear.gather [hbm4b:s3+s2], $0x40, $0x38;
	[tilespmem:$0x6E40] =	vst v63  }
0x11: {  	_ =	swait.ge [sflag:s7], $0x40  }
0x12: {  	[sflag:s7] =	ssyncset.done $0x0  }
0x13: {  	[sflag:s7] =	ssyncadd.s32 $0xFFFFFFC0  }
0x14: {  	v0 =	vld [tilespmem:$0x4E00]  }
0x15: {  	v61 =	vld [tilespmem:$0x4E10]  }
0x16: {  	v62 =	vld [tilespmem:$0x4E20]  }
0x17: {  	v63 =	vld [tilespmem:$0x4E30]  }
0x18: {  	[tilespmem:s10], [sflag:$0x1] =	stream.indirect.gather [hbm4b:s3+s9], $0x40, s2, s9, $0xb8;
	[tilespmem:$0x6E40] =	vst v63  }
0x19: {  	[tilespmem:$0x1FFC0] =	vst v0  }
0x1a: {  	[tilespmem:$0x1FFD0] =	vst v61  }
0x1b: {  	[tilespmem:$0x1FFE0] =	vst v62  }
0x1c: {  	s16 =	simm.s32 $0x4EC0;
	s17 =	simm.s32 $0x0;
	[tilespmem:$0x1FFF0] =	vst v63  }
.LBB2_2:
0x1d: {  	s18 =	sshra.s32 s17, $0x2  }
0x1e: {  	s19 =	sadd.s32 $0x70, s18  }
0x1f: {  	[tilespmem:s11], [sflag:$0x2] =	stream.indirect.gather [hbm4b:s3+s9], $0x40, s19, s9, $0xb8;
	[tilespmem:$0x6E40] =	vst v63  }
0x20: {  	_ =	swait.ge [sflag:s12], $0x1900  }
0x21: {  	[sflag:s12] =	ssyncset.done $0x0  }
0x22: {  	[sflag:s12] =	ssyncadd.s32 $0xFFFFE700  }
0x23: {  	v60 =	vld [tilespmem:$0x1FF0];
	_ =	sdelay $0x4  }
0x24: {  	[tilespmem:$0x1F4B0] =	vst v60;
	v60 =	vld [tilespmem:$0x2010];
	_ =	sdelay $0x4  }
0x25: {  	[tilespmem:$0x1F4C0] =	vst v60;
	v60 =	vld [tilespmem:$0x2020];
	_ =	sdelay $0x4  }
0x26: {  	[tilespmem:$0x1F4D0] =	vst v60;
	v60 =	vld [tilespmem:$0x2030];
	_ =	sdelay $0x4  }
0x27: {  	[tilespmem:$0x1F4F0] =	vst v60;
	v60 =	vld [tilespmem:$0x2040];
	_ =	sdelay $0x4  }
0x28: {  	[tilespmem:$0x1F4E0] =	vst v60;
	v60 =	vld [tilespmem:$0x2050];
	_ =	sdelay $0x4  }
0x29: {  	[tilespmem:$0x1F500] =	vst v60;
	v60 =	vld [tilespmem:$0x2060];
	_ =	sdelay $0x4  }
0x2a: {  	[tilespmem:$0x1F510] =	vst v60;
	v60 =	vld [tilespmem:$0x2070];
	_ =	sdelay $0x4  }
0x2b: {  	[tilespmem:$0x1F530] =	vst v60;
	v60 =	vld [tilespmem:$0x2080];
	_ =	sdelay $0x4  }
0x2c: {  	[tilespmem:$0x1F520] =	vst v60;
	v60 =	vld [tilespmem:$0x2090];
	_ =	sdelay $0x4  }
0x2d: {  	[tilespmem:$0x1F540] =	vst v60;
	v60 =	vld [tilespmem:$0x20A0];
	_ =	sdelay $0x1  }
0x2e: {  	v0 =	vld [tilespmem:s18+$0x0]  }
0x2f: {  	v10 =	vld [tilespmem:s18+$0x10]  }
0x30: {  	v11 =	vld [tilespmem:s18+$0x20]  }
0x31: {  	[tilespmem:$0x1F550] =	vst v60;
	v60 =	vld [tilespmem:$0x20B0]  }
0x32: {  	v12 =	vld [tilespmem:s18+$0x30]  }
0x33: {  	v8 =	vld [tilespmem:$0x1C00]  }
0x34: {  	v9 =	vld [tilespmem:$0x1C10]  }
0x35: {  	v13 =	vld [tilespmem:$0x1C30]  }
0x36: {  	[tilespmem:$0x1F570] =	vst v60;
	v60 =	vld [tilespmem:$0x20C0]  }
0x37: {  	v17 =	vld [tilespmem:$0x1C40]  }
0x38: {  	v20 =	vld [tilespmem:$0x1C50]  }
0x39: {  	v21 =	vld [tilespmem:$0x1C60]  }
0x3a: {  	v32 =	vld [tilespmem:$0x1C70]  }
0x3b: {  	[tilespmem:$0x1F560] =	vst v60;
	v60 =	vld [tilespmem:$0x20D0]  }
0x3c: {  	v33 =	vld [tilespmem:$0x1C80]  }
0x3d: {  	v36 =	vld [tilespmem:$0x1C90]  }
0x3e: {  	v37 =	vld [tilespmem:$0x1CA0]  }
0x3f: {  	v48 =	vld [tilespmem:$0x1CB0]  }
0x40: {  	[tilespmem:$0x1F580] =	vst v60;
	v60 =	vld [tilespmem:$0x20E0]  }
0x41: {  	v49 =	vld [tilespmem:$0x1CC0]  }
0x42: {  	v52 =	vld [tilespmem:$0x1CD0]  }
0x43: {  	v53 =	vld [tilespmem:$0x1CE0]  }
0x44: {  	v4 =	vld [tilespmem:$0x1CF0]  }
0x45: {  	[tilespmem:$0x1F590] =	vst v60;
	v60 =	vld [tilespmem:$0x20F0]  }
0x46: {  	v1 =	vld [tilespmem:$0x1D10]  }
0x47: {  	v3 =	vld [tilespmem:$0x1D20]  }
0x48: {  	v2 =	vld [tilespmem:$0x1D40]  }
0x49: {  	v5 =	vld [tilespmem:$0x1D50]  }
0x4a: {  	[tilespmem:$0x1F5B0] =	vst v60;
	v60 =	vld [tilespmem:$0x2100]  }
0x4b: {  	v7 =	vld [tilespmem:$0x1D60]  }
0x4c: {  	v16 =	vld [tilespmem:$0x1D70]  }
0x4d: {  	v6 =	vld [tilespmem:$0x1D80]  }
0x4e: {  	v15 =	vld [tilespmem:$0x1DA0]  }
0x4f: {  	[tilespmem:$0x1F5A0] =	vst v60;
	v60 =	vld [tilespmem:$0x2110]  }
0x50: {  	v23 =	vld [tilespmem:$0x1DB0]  }
0x51: {  	v14 =	vld [tilespmem:$0x1DC0]  }
0x52: {  	v18 =	vld [tilespmem:$0x1DD0]  }
0x53: {  	v22 =	vld [tilespmem:$0x1DE0]  }
0x54: {  	[tilespmem:$0x1F5C0] =	vst v60;
	v60 =	vld [tilespmem:$0x2120]  }
0x55: {  	v27 =	vld [tilespmem:$0x1DF0]  }
0x56: {  	v19 =	vld [tilespmem:$0x1E00]  }
0x57: {  	v24 =	vld [tilespmem:$0x1E10]  }
0x58: {  	v26 =	vld [tilespmem:$0x1E20]  }
0x59: {  	[tilespmem:$0x1F5D0] =	vst v60;
	v60 =	vld [tilespmem:$0x2130]  }
0x5a: {  	v31 =	vld [tilespmem:$0x1E30]  }
0x5b: {  	v25 =	vld [tilespmem:$0x1E40]  }
0x5c: {  	v28 =	vld [tilespmem:$0x1E50]  }
0x5d: {  	v30 =	vld [tilespmem:$0x1E60]  }
0x5e: {  	[tilespmem:$0x1F5F0] =	vst v60;
	v60 =	vld [tilespmem:$0x2140]  }
0x5f: {  	v39 =	vld [tilespmem:$0x1E70]  }
0x60: {  	v29 =	vld [tilespmem:$0x1E80]  }
0x61: {  	v34 =	vld [tilespmem:$0x1E90]  }
0x62: {  	v38 =	vld [tilespmem:$0x1EA0]  }
0x63: {  	[tilespmem:$0x1F5E0] =	vst v60;
	v60 =	vld [tilespmem:$0x2150]  }
0x64: {  	v43 =	vld [tilespmem:$0x1EB0]  }
0x65: {  	v35 =	vld [tilespmem:$0x1EC0]  }
0x66: {  	v40 =	vld [tilespmem:$0x1ED0]  }
0x67: {  	v42 =	vld [tilespmem:$0x1EE0]  }
0x68: {  	[tilespmem:$0x1F600] =	vst v60;
	v60 =	vld [tilespmem:$0x2160]  }
0x69: {  	v47 =	vld [tilespmem:$0x1EF0]  }
0x6a: {  	v41 =	vld [tilespmem:$0x1F00]  }
0x6b: {  	v44 =	vld [tilespmem:$0x1F10]  }
0x6c: {  	v46 =	vld [tilespmem:$0x1F20]  }
0x6d: {  	[tilespmem:$0x1F610] =	vst v60;
	v60 =	vld [tilespmem:$0x2170]  }
0x6e: {  	v55 =	vld [tilespmem:$0x1F30]  }
0x6f: {  	v45 =	vld [tilespmem:$0x1F40]  }
0x70: {  	v51 =	vld [tilespmem:$0x1F50]  }
0x71: {  	v54 =	vld [tilespmem:$0x1F60]  }
0x72: {  	[tilespmem:$0x1F630] =	vst v60;
	v60 =	vld [tilespmem:$0x2180]  }
0x73: {  	v59 =	vld [tilespmem:$0x1F70]  }
0x74: {  	v50 =	vld [tilespmem:$0x1F80]  }
0x75: {  	v57 =	vld [tilespmem:$0x1F90]  }
0x76: {  	v58 =	vld [tilespmem:$0x1FA0]  }
0x77: {  	[tilespmem:$0x1F620] =	vst v60;
	v60 =	vld [tilespmem:$0x2190]  }
0x78: {  	v56 =	vld [tilespmem:$0x1FB0]  }
0x79: {  	v62 =	vld [tilespmem:$0x1FD0]  }
0x7a: {  	v61 =	vld [tilespmem:$0x1FE0]  }
0x7b: {  	v63 =	vld [tilespmem:$0x2000]  }
0x7c: {  	[tilespmem:$0x1F640] =	vst v60;
	v60 =	vld [tilespmem:$0x21A0]  }
0x7d: {  	[tilespmem:$0x1F760] =	vst v12;
	v12 =	vld [tilespmem:$0x1C20]  }
0x7e: {  	[tilespmem:$0x1F730] =	vst v0;
	v0 =	vld [tilespmem:$0x1D00]  }
0x7f: {  	[tilespmem:$0x1F740] =	vst v10;
	v10 =	vld [tilespmem:$0x1D30]  }
0x80: {  	[tilespmem:$0x1F750] =	vst v11;
	v11 =	vld [tilespmem:$0x1D90]  }
0x81: {  	v8 =	vadd.f32 $0.0e+00, v8;
	[tilespmem:$0x1F650] =	vst v60;
	v60 =	vld [tilespmem:$0x21B0]  }
0x82: {  	[tilespmem:$0x1F4A0] =	vst v56;
	v56 =	vld [tilespmem:$0x1FC0];
	v9 =	vadd.f32 $0.0e+00, v9  }
0x83: {  	v13 =	vadd.f32 $0.0e+00, v13;
	v8 =	vadd.f32 v17, v8;
	v17 =	vld [tilespmem:$0x2290]  }
0x84: {  	v9 =	vadd.f32 v20, v9;
	v20 =	vld [tilespmem:$0x22A0]  }
0x85: {  	v13 =	vadd.f32 v32, v13;
	v32 =	vld [tilespmem:$0x22C0]  }
0x86: {  	[tilespmem:$0x1F670] =	vst v60;
	v60 =	vld [tilespmem:$0x21C0]  }
0x87: {  	v8 =	vadd.f32 v33, v8;
	v33 =	vld [tilespmem:$0x22D0]  }
0x88: {  	v9 =	vadd.f32 v36, v9;
	v36 =	vld [tilespmem:$0x22E0]  }
0x89: {  	v13 =	vadd.f32 v48, v13;
	v48 =	vld [tilespmem:$0x2300]  }
0x8a: {  	v8 =	vadd.f32 v49, v8;
	v49 =	vld [tilespmem:$0x2310]  }
0x8b: {  	v12 =	vadd.f32 $0.0e+00, v12;
	[tilespmem:$0x1F660] =	vst v60;
	v60 =	vld [tilespmem:$0x21D0]  }
0x8c: {  	v9 =	vadd.f32 v52, v9;
	v52 =	vld [tilespmem:$0x2320]  }
0x8d: {  	v12 =	vadd.f32 v21, v12;
	v21 =	vld [tilespmem:$0x22B0]  }
0x8e: {  	v0 =	vadd.f32 v0, v8;
	v8 =	vld [tilespmem:$0x2360]  }
0x8f: {  	v4 =	vadd.f32 v4, v13;
	v1 =	vadd.f32 v1, v9;
	v9 =	vld [tilespmem:$0x2370]  }
0x90: {  	[tilespmem:$0x1F680] =	vst v60;
	v60 =	vld [tilespmem:$0x21E0]  }
0x91: {  	v13 =	vadd.f32 v10, v4;
	v4 =	vld [tilespmem:$0x2380]  }
0x92: {  	v10 =	vld [tilespmem:$0x23C0]  }
0x93: {  	v12 =	vadd.f32 v37, v12;
	v37 =	vld [tilespmem:$0x22F0]  }
0x94: {  	v0 =	vadd.f32 v2, v0;
	v2 =	vadd.f32 v16, v13;
	v13 =	vld [tilespmem:$0x2350]  }
0x95: {  	[tilespmem:$0x1F690] =	vst v60;
	v60 =	vld [tilespmem:$0x21F0]  }
0x96: {  	v1 =	vadd.f32 v5, v1;
	v5 =	vld [tilespmem:$0x2390]  }
0x97: {  	v16 =	vld [tilespmem:$0x2400]  }
0x98: {  	v12 =	vadd.f32 v53, v12;
	v53 =	vld [tilespmem:$0x2330]  }
0x99: {  	v0 =	vadd.f32 v6, v0;
	v6 =	vld [tilespmem:$0x23A0]  }
0x9a: {  	[tilespmem:$0x1F6B0] =	vst v60;
	v60 =	vld [tilespmem:$0x2200]  }
0x9b: {  	v1 =	vadd.f32 v11, v1;
	v11 =	vld [tilespmem:$0x23D0]  }
0x9c: {  	v2 =	vadd.f32 v23, v2;
	v23 =	vld [tilespmem:$0x2440]  }
0x9d: {  	v3 =	vadd.f32 v3, v12;
	v12 =	vld [tilespmem:$0x2340]  }
0x9e: {  	v0 =	vadd.f32 v14, v0;
	v14 =	vld [tilespmem:$0x23E0]  }
0x9f: {  	[tilespmem:$0x1F6A0] =	vst v60;
	v60 =	vld [tilespmem:$0x2210]  }
0xa0: {  	v1 =	vadd.f32 v18, v1;
	v18 =	vld [tilespmem:$0x2410]  }
0xa1: {  	v2 =	vadd.f32 v27, v2;
	v27 =	vld [tilespmem:$0x2480]  }
0xa2: {  	v3 =	vadd.f32 v7, v3;
	v7 =	vld [tilespmem:$0x23B0]  }
0xa3: {  	v0 =	vadd.f32 v19, v0;
	v19 =	vld [tilespmem:$0x2420]  }
0xa4: {  	[tilespmem:$0x1F6C0] =	vst v60;
	v60 =	vld [tilespmem:$0x2220]  }
0xa5: {  	v1 =	vadd.f32 v24, v1;
	v24 =	vld [tilespmem:$0x2450]  }
0xa6: {  	v2 =	vadd.f32 v31, v2;
	v31 =	vld [tilespmem:$0x24C0]  }
0xa7: {  	v3 =	vadd.f32 v15, v3;
	v15 =	vld [tilespmem:$0x23F0]  }
0xa8: {  	v0 =	vadd.f32 v25, v0;
	v25 =	vld [tilespmem:$0x2460]  }
0xa9: {  	[tilespmem:$0x1F6D0] =	vst v60;
	v60 =	vld [tilespmem:$0x2230]  }
0xaa: {  	v2 =	vadd.f32 v39, v2;
	v39 =	vld [tilespmem:$0x1F4B0]  }
0xab: {  	v1 =	vadd.f32 v28, v1;
	v28 =	vld [tilespmem:$0x2490]  }
0xac: {  	v3 =	vadd.f32 v22, v3;
	v22 =	vld [tilespmem:$0x2430]  }
0xad: {  	v2 =	vadd.f32 v43, v2;
	v43 =	vld [tilespmem:$0x1F4F0]  }
0xae: {  	[tilespmem:$0x1F6F0] =	vst v60;
	v60 =	vld [tilespmem:$0x2240]  }
0xaf: {  	v0 =	vadd.f32 v29, v0;
	v29 =	vld [tilespmem:$0x24A0]  }
0xb0: {  	v1 =	vadd.f32 v34, v1;
	v34 =	vld [tilespmem:$0x24D0]  }
0xb1: {  	v3 =	vadd.f32 v26, v3;
	v26 =	vld [tilespmem:$0x2470]  }
0xb2: {  	v1 =	vadd.f32 v40, v1;
	v40 =	vld [tilespmem:$0x1F4C0]  }
0xb3: {  	v0 =	vadd.f32 v35, v0;
	[tilespmem:$0x1F6E0] =	vst v60;
	v60 =	vld [tilespmem:$0x2250]  }
0xb4: {  	v3 =	vadd.f32 v30, v3;
	v30 =	vld [tilespmem:$0x24B0]  }
0xb5: {  	v0 =	vadd.f32 v41, v0;
	v41 =	vld [tilespmem:$0x1F4D0]  }
0xb6: {  	v3 =	vadd.f32 v38, v3;
	v38 =	vld [tilespmem:$0x1F4A0]  }
0xb7: {  	v1 =	vadd.f32 v44, v1;
	v44 =	vld [tilespmem:$0x1F500]  }
0xb8: {  	[tilespmem:$0x1F700] =	vst v60;
	v60 =	vld [tilespmem:$0x2260]  }
0xb9: {  	v3 =	vadd.f32 v42, v3;
	v42 =	vld [tilespmem:$0x1F4E0]  }
0xba: {  	v0 =	vadd.f32 v45, v0;
	v45 =	vld [tilespmem:$0x1F510]  }
0xbb: {  	v2 =	vadd.f32 v47, v2;
	v47 =	vld [tilespmem:$0x1F530]  }
0xbc: {  	v3 =	vadd.f32 v46, v3;
	v46 =	vld [tilespmem:$0x1F520]  }
0xbd: {  	[tilespmem:$0x1F710] =	vst v60;
	v60 =	vld [tilespmem:$0x2270]  }
0xbe: {  	v0 =	vadd.f32 v50, v0;
	v50 =	vld [tilespmem:$0x1F540]  }
0xbf: {  	v1 =	vadd.f32 v51, v1;
	v51 =	vld [tilespmem:$0x1F550]  }
0xc0: {  	v2 =	vadd.f32 v55, v2;
	v55 =	vld [tilespmem:$0x1F570]  }
0xc1: {  	v3 =	vadd.f32 v54, v3;
	v54 =	vld [tilespmem:$0x1F560]  }
0xc2: {  	[tilespmem:$0x1F720] =	vst v60;
	v60 =	vld [tilespmem:$0x2280]  }
0xc3: {  	v0 =	vadd.f32 v56, v0;
	v56 =	vld [tilespmem:$0x1F580]  }
0xc4: {  	v35 =	vld [tilespmem:$0x24E0]  }
0xc5: {  	v2 =	vadd.f32 v59, v2;
	v1 =	vadd.f32 v57, v1;
	v57 =	vld [tilespmem:$0x1F590]  }
0xc6: {  	v3 =	vadd.f32 v58, v3;
	v58 =	vld [tilespmem:$0x1F5A0]  }
0xc7: {  	v2 =	vadd.f32 v38, v2;
	v38 =	vld [tilespmem:$0x24F0]  }
0xc8: {  	v59 =	vld [tilespmem:$0x1F5B0]  }
0xc9: {  	v3 =	vadd.f32 v61, v3;
	v61 =	vld [tilespmem:$0x1F5C0]  }
0xca: {  	v1 =	vadd.f32 v62, v1;
	v2 =	vadd.f32 v39, v2;
	v39 =	vld [tilespmem:$0x2500]  }
0xcb: {  	v62 =	vld [tilespmem:$0x1F5D0]  }
0xcc: {  	v0 =	vadd.f32 v63, v0;
	v1 =	vadd.f32 v40, v1;
	v63 =	vld [tilespmem:$0x1F5E0]  }
0xcd: {  	v3 =	vadd.f32 v41, v3;
	v40 =	vld [tilespmem:$0x2510]  }
0xce: {  	v1 =	vadd.f32 v44, v1;
	v44 =	vld [tilespmem:$0x1F5F0]  }
0xcf: {  	v0 =	vadd.f32 v42, v0;
	v3 =	vadd.f32 v45, v3;
	v45 =	vld [tilespmem:$0x1F600]  }
0xd0: {  	v2 =	vadd.f32 v43, v2;
	v41 =	vld [tilespmem:$0x2520]  }
0xd1: {  	v0 =	vadd.f32 v46, v0;
	v46 =	vld [tilespmem:$0x1F610]  }
0xd2: {  	v2 =	vadd.f32 v47, v2;
	v47 =	vld [tilespmem:$0x1F620]  }
0xd3: {  	v42 =	vld [tilespmem:$0x2530]  }
0xd4: {  	v1 =	vadd.f32 v50, v1;
	v50 =	vld [tilespmem:$0x1F630]  }
0xd5: {  	v3 =	vadd.f32 v51, v3;
	v51 =	vld [tilespmem:$0x1F640]  }
0xd6: {  	v43 =	vld [tilespmem:$0x2540]  }
0xd7: {  	v0 =	vadd.f32 v54, v0;
	v54 =	vld [tilespmem:$0x1F650]  }
0xd8: {  	v2 =	vadd.f32 v55, v2;
	v55 =	vld [tilespmem:$0x1F660]  }
0xd9: {  	v1 =	vadd.f32 v56, v1;
	v56 =	vld [tilespmem:$0x1F670]  }
0xda: {  	v3 =	vadd.f32 v57, v3;
	v57 =	vld [tilespmem:$0x1F680]  }
0xdb: {  	v0 =	vadd.f32 v58, v0;
	v2 =	vadd.f32 v59, v2;
	v58 =	vld [tilespmem:$0x1F690]  }
0xdc: {  	v59 =	vld [tilespmem:$0x1F6A0]  }
0xdd: {  	v2 =	vadd.f32 v44, v2;
	v44 =	vld [tilespmem:$0x2550]  }
0xde: {  	v1 =	vadd.f32 v61, v1;
	v61 =	vld [tilespmem:$0x1F6B0]  }
0xdf: {  	v3 =	vadd.f32 v62, v3;
	v62 =	vld [tilespmem:$0x1F6C0]  }
0xe0: {  	v0 =	vadd.f32 v63, v0;
	v63 =	vld [tilespmem:$0x1F6D0]  }
0xe1: {  	v1 =	vadd.f32 v45, v1;
	v45 =	vld [tilespmem:$0x2560]  }
0xe2: {  	v3 =	vadd.f32 v46, v3;
	v46 =	vld [tilespmem:$0x2570]  }
0xe3: {  	v0 =	vadd.f32 v47, v0;
	v47 =	vld [tilespmem:$0x2580]  }
0xe4: {  	v2 =	vadd.f32 v50, v2;
	v50 =	vld [tilespmem:$0x2590]  }
0xe5: {  	v3 =	vadd.f32 v54, v3;
	v54 =	vld [tilespmem:$0x1F6E0]  }
0xe6: {  	v0 =	vadd.f32 v55, v0;
	v55 =	vld [tilespmem:$0x1F6F0]  }
0xe7: {  	v1 =	vadd.f32 v51, v1;
	v2 =	vadd.f32 v56, v2;
	v56 =	vld [tilespmem:$0x1F700]  }
0xe8: {  	v51 =	vld [tilespmem:$0x25A0]  }
0xe9: {  	v1 =	vadd.f32 v57, v1;
	v57 =	vld [tilespmem:$0x1F710]  }
0xea: {  	v3 =	vadd.f32 v58, v3;
	v58 =	vld [tilespmem:$0x1F720]  }
0xeb: {  	v0 =	vadd.f32 v59, v0;
	v59 =	vld [tilespmem:$0x25C0]  }
0xec: {  	v2 =	vadd.f32 v61, v2;
	v61 =	vld [tilespmem:$0x2600]  }
0xed: {  	v1 =	vadd.f32 v62, v1;
	v62 =	vld [tilespmem:$0x2610]  }
0xee: {  	v3 =	vadd.f32 v63, v3;
	v63 =	vld [tilespmem:$0x2640]  }
0xef: {  	v0 =	vadd.f32 v54, v0;
	v54 =	vld [tilespmem:$0x25B0]  }
0xf0: {  	v2 =	vadd.f32 v55, v2;
	v55 =	vld [tilespmem:$0x2710]  }
0xf1: {  	v1 =	vadd.f32 v56, v1;
	v56 =	vld [tilespmem:$0x2720]  }
0xf2: {  	v3 =	vadd.f32 v57, v3;
	v0 =	vadd.f32 v60, v0;
	v60 =	vld [tilespmem:$0x25D0]  }
0xf3: {  	v2 =	vadd.f32 v58, v2;
	v57 =	vld [tilespmem:$0x2730]  }
0xf4: {  	v58 =	vld [tilespmem:$0x2740];
	v1 =	vadd.f32 v17, v1;
	v3 =	vadd.f32 v20, v3  }
0xf5: {  	v0 =	vadd.f32 v32, v0;
	v2 =	vadd.f32 v21, v2;
	v21 =	vld [tilespmem:$0x25E0]  }
0xf6: {  	v32 =	vld [tilespmem:$0x25F0];
	v1 =	vadd.f32 v33, v1  }
0xf7: {  	v33 =	vld [tilespmem:$0x27D0];
	v3 =	vadd.f32 v36, v3;
	v0 =	vadd.f32 v48, v0  }
0xf8: {  	v2 =	vadd.f32 v37, v2;
	v36 =	vld [tilespmem:$0x26B0];
	v1 =	vadd.f32 v49, v1  }
0xf9: {  	v37 =	vld [tilespmem:$0x26C0];
	v3 =	vadd.f32 v52, v3;
	v0 =	vadd.f32 v12, v0  }
0xfa: {  	v48 =	vld [tilespmem:$0x26D0];
	v2 =	vadd.f32 v53, v2;
	v1 =	vadd.f32 v13, v1  }
0xfb: {  	v49 =	vld [tilespmem:$0x26E0];
	v3 =	vadd.f32 v8, v3;
	v0 =	vadd.f32 v4, v0  }
0xfc: {  	v52 =	vld [tilespmem:$0x26F0];
	v2 =	vadd.f32 v9, v2;
	v1 =	vadd.f32 v5, v1  }
0xfd: {  	v53 =	vld [tilespmem:$0x2700];
	v3 =	vadd.f32 v6, v3;
	v0 =	vadd.f32 v10, v0  }
0xfe: {  	v13 =	vld [tilespmem:$0x2620];
	v2 =	vadd.f32 v7, v2;
	v1 =	vadd.f32 v11, v1  }
0xff: {  	v4 =	vld [tilespmem:$0x2630];
	v3 =	vadd.f32 v14, v3;
	v0 =	vadd.f32 v16, v0  }
0x100: {  	v8 =	vld [tilespmem:$0x2670];
	v2 =	vadd.f32 v15, v2;
	v1 =	vadd.f32 v18, v1  }
0x101: {  	v9 =	vld [tilespmem:$0x2680];
	v3 =	vadd.f32 v19, v3;
	v0 =	vadd.f32 v23, v0  }
0x102: {  	v6 =	vld [tilespmem:$0x2650];
	v2 =	vadd.f32 v22, v2;
	v1 =	vadd.f32 v24, v1  }
0x103: {  	v7 =	vld [tilespmem:$0x2660];
	v3 =	vadd.f32 v25, v3;
	v0 =	vadd.f32 v27, v0  }
0x104: {  	v10 =	vld [tilespmem:$0x2690];
	v2 =	vadd.f32 v26, v2;
	v1 =	vadd.f32 v28, v1  }
0x105: {  	v11 =	vld [tilespmem:$0x26A0];
	v3 =	vadd.f32 v29, v3;
	v0 =	vadd.f32 v31, v0  }
0x106: {  	v27 =	vld [tilespmem:$0x27A0];
	v2 =	vadd.f32 v30, v2;
	v1 =	vadd.f32 v34, v1  }
0x107: {  	v28 =	vld [tilespmem:$0x1F730];
	v3 =	vadd.f32 v35, v3;
	v0 =	vadd.f32 v39, v0  }
0x108: {  	v29 =	vld [tilespmem:$0x27B0];
	v2 =	vadd.f32 v38, v2;
	v1 =	vadd.f32 v40, v1  }
0x109: {  	v30 =	vld [tilespmem:$0x1F740];
	v3 =	vadd.f32 v41, v3;
	v0 =	vadd.f32 v43, v0  }
0x10a: {  	v31 =	vld [tilespmem:$0x27C0];
	v2 =	vadd.f32 v42, v2;
	v1 =	vadd.f32 v44, v1  }
0x10b: {  	v35 =	vld [tilespmem:$0x27E0];
	v3 =	vadd.f32 v45, v3;
	v0 =	vadd.f32 v47, v0  }
0x10c: {  	v38 =	vld [tilespmem:$0x1F760];
	v2 =	vadd.f32 v46, v2;
	v1 =	vadd.f32 v50, v1  }
0x10d: {  	v39 =	vld [tilespmem:$0x2800];
	v3 =	vadd.f32 v51, v3;
	v0 =	vadd.f32 v59, v0  }
0x10e: {  	v40 =	vld [tilespmem:$0x2810];
	v2 =	vadd.f32 v54, v2;
	v1 =	vadd.f32 v60, v1  }
0x10f: {  	v42 =	vld [tilespmem:$0x2820];
	v3 =	vadd.f32 v21, v3;
	v0 =	vadd.f32 v61, v0  }
0x110: {  	v43 =	vld [tilespmem:$0x2830];
	v2 =	vadd.f32 v32, v2;
	v1 =	vadd.f32 v62, v1  }
0x111: {  	v45 =	vld [tilespmem:$0x2840];
	v3 =	vadd.f32 v13, v3;
	v0 =	vadd.f32 v63, v0  }
0x112: {  	v59 =	vld [tilespmem:$0x2750];
	v2 =	vadd.f32 v4, v2;
	v1 =	vadd.f32 v6, v1  }
0x113: {  	vm3 =	veq.s32 v28, $0x0;
	v60 =	vld [tilespmem:$0x2760];
	v3 =	vadd.f32 v7, v3;
	v0 =	vadd.f32 v9, v0  }
0x114: {  	vm4 =	veq.s32 v30, $0x0;
	v32 =	vld [tilespmem:$0x1F750];
	v2 =	vadd.f32 v8, v2;
	v1 =	vadd.f32 v10, v1  }
0x115: {  	v34 =	vmpcnt.ones.xlane vm3;
	v61 =	vld [tilespmem:$0x2770];
	v3 =	vadd.f32 v11, v3;
	v0 =	vadd.f32 v37, v0  }
0x116: {  	vm3 =	veq.s32 v38, $0x0;
	v62 =	vld [tilespmem:$0x2780];
	v2 =	vadd.f32 v36, v2;
	v1 =	vadd.f32 v48, v1  }
0x117: {  	vm8 =	vmand vm3, vm0;
	v63 =	vld [tilespmem:$0x2790];
	v3 =	vadd.f32 v49, v3;
	v0 =	vadd.f32 v53, v0  }
0x118: {  	v46 =	vld [tilespmem:$0x2850];
	v44 =	vmpcnt.ones.xlane vm8;
	v2 =	vadd.f32 v52, v2;
	v1 =	vadd.f32 v55, v1  }
0x119: {  	v50 =	vld [tilespmem:$0x1FFC0];
	vm5 =	veq.s32 v32, $0x0;
	v3 =	vadd.f32 v56, v3;
	v0 =	vadd.f32 v58, v0  }
0x11a: {  	v51 =	vld [tilespmem:$0x1FFD0];
	v36 =	vmpcnt.ones.xlane vm4;
	v2 =	vadd.f32 v57, v2;
	v1 =	vadd.f32 v59, v1  }
0x11b: {  	v37 =	vld [tilespmem:$0x27F0];
	v41 =	vmpcnt.ones.xlane vm5;
	v3 =	vadd.f32 v60, v3;
	v0 =	vadd.f32 v62, v0  }
0x11c: {  	v54 =	vld [tilespmem:$0x1FFF0];
	v9 =	vadd.s32 v34, v36;
	v2 =	vadd.f32 v61, v2;
	v1 =	vadd.f32 v63, v1  }
0x11d: {  	v48 =	vld [tilespmem:$0x2860];
	v9 =	vadd.s32 v41, v9;
	v3 =	vadd.f32 v27, v3;
	v0 =	vadd.f32 v31, v0  }
0x11e: {  	v52 =	vld [tilespmem:$0x1FFE0];
	v47 =	vadd.s32 v44, v9;
	v2 =	vadd.f32 v29, v2;
	v1 =	vadd.f32 v33, v1  }
0x11f: {  	v49 =	vld [tilespmem:$0x2870];
	v7 =	vcvt.s32.f32 v47;
	v3 =	vadd.f32 v35, v3;
	v0 =	vadd.f32 v39, v0  }
0x120: {  	v2 =	vadd.f32 v37, v2;
	v1 =	vadd.f32 v40, v1  }
0x121: {  	v5 =	vmul.f32 v7, v50;
	v3 =	vadd.f32 v42, v3;
	v0 =	vadd.f32 v45, v0  }
0x122: {  	v4 =	vmul.f32 v7, v51;
	v2 =	vadd.f32 v43, v2;
	v1 =	vadd.f32 v46, v1  }
0x123: {  	v3 =	vadd.f32 v48, v3;
	v0 =	vsub.f32 v0, v5;
	v5 =	vmul.f32 v7, v52  }
0x124: {  	v2 =	vadd.f32 v49, v2;
	v1 =	vsub.f32 v1, v4;
	v4 =	vmul.f32 v7, v54  }
0x125: {  	v53 =	vld [tilespmem:s18+$0x40];
	v0 =	vmul.f32 $1.999999960e-02, v0;
	v3 =	vsub.f32 v3, v5  }
0x126: {  	v55 =	vld [tilespmem:s18+$0x50];
	v1 =	vmul.f32 $1.999999960e-02, v1;
	v2 =	vsub.f32 v2, v4  }
0x127: {  	v56 =	vld [tilespmem:s18+$0x60];
	[tilespmem:s16+$0xFFFFFF80] =	vst v0;
	v57 =	vmul.f32 $1.999999960e-02, v3  }
0x128: {  	[tilespmem:s16+$0xFFFFFF90] =	vst v1;
	v58 =	vmul.f32 $1.999999960e-02, v2  }
0x129: {  	[tilespmem:s16+$0xFFFFFFA0] =	vst v57  }
0x12a: {  	[tilespmem:s16+$0xFFFFFFB0] =	vst v58  }
0x12b: {  	v0 =	vld [tilespmem:$0x2C30];
	_ =	sdelay $0x4  }
0x12c: {  	[tilespmem:$0x1F770] =	vst v0;
	v0 =	vld [tilespmem:$0x2C90];
	_ =	sdelay $0x4  }
0x12d: {  	[tilespmem:$0x1F790] =	vst v0;
	v0 =	vld [tilespmem:$0x2CA0];
	_ =	sdelay $0x4  }
0x12e: {  	[tilespmem:$0x1F7A0] =	vst v0;
	v0 =	vld [tilespmem:$0x2CB0];
	_ =	sdelay $0x4  }
0x12f: {  	[tilespmem:$0x1F7C0] =	vst v0;
	v0 =	vld [tilespmem:$0x2CC0];
	_ =	sdelay $0x4  }
0x130: {  	[tilespmem:$0x1F7B0] =	vst v0;
	v0 =	vld [tilespmem:$0x2CD0];
	_ =	sdelay $0x4  }
0x131: {  	[tilespmem:$0x1F7D0] =	vst v0;
	v0 =	vld [tilespmem:$0x2CE0];
	_ =	sdelay $0x4  }
0x132: {  	[tilespmem:$0x1F7E0] =	vst v0;
	v0 =	vld [tilespmem:$0x2CF0];
	_ =	sdelay $0x4  }
0x133: {  	[tilespmem:$0x1F800] =	vst v0;
	v0 =	vld [tilespmem:$0x2D00];
	_ =	sdelay $0x4  }
0x134: {  	[tilespmem:$0x1F7F0] =	vst v0;
	v0 =	vld [tilespmem:$0x2D10];
	_ =	sdelay $0x4  }
0x135: {  	[tilespmem:$0x1F810] =	vst v0;
	v0 =	vld [tilespmem:$0x2D20];
	_ =	sdelay $0x4  }
0x136: {  	[tilespmem:$0x1F820] =	vst v0;
	v0 =	vld [tilespmem:$0x2D30];
	_ =	sdelay $0x4  }
0x137: {  	[tilespmem:$0x1F840] =	vst v0;
	v0 =	vld [tilespmem:$0x2D40];
	_ =	sdelay $0x4  }
0x138: {  	[tilespmem:$0x1F830] =	vst v0;
	v0 =	vld [tilespmem:$0x2D50];
	_ =	sdelay $0x4  }
0x139: {  	[tilespmem:$0x1F850] =	vst v0;
	v0 =	vld [tilespmem:$0x2D60];
	_ =	sdelay $0x4  }
0x13a: {  	[tilespmem:$0x1F860] =	vst v0;
	v0 =	vld [tilespmem:$0x2D70];
	_ =	sdelay $0x4  }
0x13b: {  	[tilespmem:$0x1F880] =	vst v0;
	v0 =	vld [tilespmem:$0x2D80];
	_ =	sdelay $0x4  }
0x13c: {  	[tilespmem:$0x1F870] =	vst v0;
	v0 =	vld [tilespmem:$0x2D90];
	_ =	sdelay $0x4  }
0x13d: {  	[tilespmem:$0x1F890] =	vst v0;
	v0 =	vld [tilespmem:$0x2DA0];
	_ =	sdelay $0x4  }
0x13e: {  	[tilespmem:$0x1F8A0] =	vst v0;
	v0 =	vld [tilespmem:$0x2DB0];
	_ =	sdelay $0x4  }
0x13f: {  	[tilespmem:$0x1F8C0] =	vst v0;
	v0 =	vld [tilespmem:$0x2DC0];
	_ =	sdelay $0x3  }
0x140: {  	v10 =	vld [tilespmem:$0x2880]  }
0x141: {  	[tilespmem:$0x1F8B0] =	vst v0;
	v0 =	vld [tilespmem:$0x2DD0]  }
0x142: {  	v15 =	vld [tilespmem:$0x2890]  }
0x143: {  	v16 =	vld [tilespmem:$0x28A0]  }
0x144: {  	v19 =	vld [tilespmem:$0x28B0]  }
0x145: {  	v20 =	vld [tilespmem:$0x28C0]  }
0x146: {  	[tilespmem:$0x1F8D0] =	vst v0;
	v0 =	vld [tilespmem:$0x2DE0]  }
0x147: {  	v31 =	vld [tilespmem:$0x28D0]  }
0x148: {  	v32 =	vld [tilespmem:$0x28E0]  }
0x149: {  	v35 =	vld [tilespmem:$0x28F0]  }
0x14a: {  	v36 =	vld [tilespmem:$0x2900]  }
0x14b: {  	[tilespmem:$0x1F8E0] =	vst v0;
	v0 =	vld [tilespmem:$0x2DF0]  }
0x14c: {  	v47 =	vld [tilespmem:$0x2910]  }
0x14d: {  	v48 =	vld [tilespmem:$0x2920]  }
0x14e: {  	v51 =	vld [tilespmem:$0x2930]  }
0x14f: {  	v52 =	vld [tilespmem:$0x2940]  }
0x150: {  	[tilespmem:$0x1F900] =	vst v0;
	v0 =	vld [tilespmem:$0x2E00]  }
0x151: {  	v61 =	vld [tilespmem:$0x2950]  }
0x152: {  	v62 =	vld [tilespmem:$0x2960]  }
0x153: {  	v63 =	vld [tilespmem:$0x2970]  }
0x154: {  	v1 =	vld [tilespmem:$0x2980]  }
0x155: {  	[tilespmem:$0x1F8F0] =	vst v0;
	v0 =	vld [tilespmem:$0x2E10]  }
0x156: {  	v3 =	vld [tilespmem:$0x2990]  }
0x157: {  	v4 =	vld [tilespmem:$0x29A0]  }
0x158: {  	v7 =	vld [tilespmem:$0x29B0]  }
0x159: {  	v2 =	vld [tilespmem:$0x29C0]  }
0x15a: {  	[tilespmem:$0x1F910] =	vst v0;
	v0 =	vld [tilespmem:$0x2E20]  }
0x15b: {  	v6 =	vld [tilespmem:$0x29D0]  }
0x15c: {  	v8 =	vld [tilespmem:$0x29E0]  }
0x15d: {  	v12 =	vld [tilespmem:$0x29F0]  }
0x15e: {  	v5 =	vld [tilespmem:$0x2A00]  }
0x15f: {  	[tilespmem:$0x1F920] =	vst v0;
	v0 =	vld [tilespmem:$0x2E30]  }
0x160: {  	v11 =	vld [tilespmem:$0x2A10]  }
0x161: {  	v13 =	vld [tilespmem:$0x2A20]  }
0x162: {  	v18 =	vld [tilespmem:$0x2A30]  }
0x163: {  	v9 =	vld [tilespmem:$0x2A40]  }
0x164: {  	[tilespmem:$0x1F940] =	vst v0;
	v0 =	vld [tilespmem:$0x2E40]  }
0x165: {  	v17 =	vld [tilespmem:$0x2A50]  }
0x166: {  	v21 =	vld [tilespmem:$0x2A60]  }
0x167: {  	v24 =	vld [tilespmem:$0x2A70]  }
0x168: {  	v14 =	vld [tilespmem:$0x2A80]  }
0x169: {  	[tilespmem:$0x1F930] =	vst v0;
	v0 =	vld [tilespmem:$0x2E50]  }
0x16a: {  	v23 =	vld [tilespmem:$0x2A90]  }
0x16b: {  	v25 =	vld [tilespmem:$0x2AA0]  }
0x16c: {  	v28 =	vld [tilespmem:$0x2AB0]  }
0x16d: {  	v22 =	vld [tilespmem:$0x2AC0]  }
0x16e: {  	[tilespmem:$0x1F950] =	vst v0;
	v0 =	vld [tilespmem:$0x2E60]  }
0x16f: {  	v27 =	vld [tilespmem:$0x2AD0]  }
0x170: {  	v29 =	vld [tilespmem:$0x2AE0]  }
0x171: {  	v34 =	vld [tilespmem:$0x2AF0]  }
0x172: {  	v26 =	vld [tilespmem:$0x2B00]  }
0x173: {  	[tilespmem:$0x1F960] =	vst v0;
	v0 =	vld [tilespmem:$0x2E70]  }
0x174: {  	v33 =	vld [tilespmem:$0x2B10]  }
0x175: {  	v37 =	vld [tilespmem:$0x2B20]  }
0x176: {  	v40 =	vld [tilespmem:$0x2B30]  }
0x177: {  	v30 =	vld [tilespmem:$0x2B40]  }
0x178: {  	[tilespmem:$0x1F980] =	vst v0;
	v0 =	vld [tilespmem:$0x2E80]  }
0x179: {  	v39 =	vld [tilespmem:$0x2B50]  }
0x17a: {  	v41 =	vld [tilespmem:$0x2B60]  }
0x17b: {  	v45 =	vld [tilespmem:$0x2B70]  }
0x17c: {  	v38 =	vld [tilespmem:$0x2B80]  }
0x17d: {  	[tilespmem:$0x1F970] =	vst v0;
	v0 =	vld [tilespmem:$0x2E90]  }
0x17e: {  	v43 =	vld [tilespmem:$0x2B90];
	v10 =	vadd.f32 $0.0e+00, v10  }
0x17f: {  	v44 =	vld [tilespmem:$0x2BA0]  }
0x180: {  	[tilespmem:$0x1FA00] =	vst v53;
	v53 =	vld [tilespmem:$0x2BB0];
	v10 =	vadd.f32 v20, v10  }
0x181: {  	v42 =	vld [tilespmem:$0x2BC0]  }
0x182: {  	v10 =	vadd.f32 v36, v10;
	[tilespmem:$0x1F990] =	vst v0;
	v0 =	vld [tilespmem:$0x2EA0]  }
0x183: {  	v49 =	vld [tilespmem:$0x2BD0]  }
0x184: {  	v50 =	vld [tilespmem:$0x2BE0];
	v10 =	vadd.f32 v52, v10  }
0x185: {  	v57 =	vld [tilespmem:$0x2BF0]  }
0x186: {  	v46 =	vld [tilespmem:$0x2C00];
	v1 =	vadd.f32 v1, v10  }
0x187: {  	[tilespmem:$0x1F9A0] =	vst v0;
	v0 =	vld [tilespmem:$0x2EB0]  }
0x188: {  	[tilespmem:$0x1FA10] =	vst v55;
	v55 =	vld [tilespmem:$0x2C10];
	v1 =	vadd.f32 v2, v1  }
0x189: {  	[tilespmem:$0x1FA20] =	vst v56;
	v56 =	vld [tilespmem:$0x2C20]  }
0x18a: {  	v59 =	vld [tilespmem:$0x2C70];
	v1 =	vadd.f32 v5, v1  }
0x18b: {  	v54 =	vld [tilespmem:$0x2C40]  }
0x18c: {  	v1 =	vadd.f32 v9, v1;
	[tilespmem:$0x1F9C0] =	vst v0;
	v0 =	vld [tilespmem:$0x2EC0]  }
0x18d: {  	v58 =	vld [tilespmem:$0x2C50]  }
0x18e: {  	v60 =	vld [tilespmem:$0x2C60];
	v1 =	vadd.f32 v14, v1  }
0x18f: {  	[tilespmem:$0x1F780] =	vst v59;
	v59 =	vld [tilespmem:$0x2C80]  }
0x190: {  	v20 =	vadd.f32 $0.0e+00, v16;
	v16 =	vld [tilespmem:$0x2F10];
	v1 =	vadd.f32 v22, v1  }
0x191: {  	[tilespmem:$0x1F9B0] =	vst v0;
	v0 =	vld [tilespmem:$0x2ED0]  }
0x192: {  	v32 =	vadd.f32 v32, v20;
	v20 =	vld [tilespmem:$0x2F30];
	v1 =	vadd.f32 v26, v1  }
0x193: {  	v36 =	vld [tilespmem:$0x2F70]  }
0x194: {  	v48 =	vadd.f32 v48, v32;
	v32 =	vld [tilespmem:$0x2F50];
	v1 =	vadd.f32 v30, v1  }
0x195: {  	v5 =	vld [tilespmem:$0x3010]  }
0x196: {  	v1 =	vadd.f32 v38, v1;
	[tilespmem:$0x1F9D0] =	vst v0;
	v0 =	vld [tilespmem:$0x2EE0]  }
0x197: {  	v9 =	vld [tilespmem:$0x3050]  }
0x198: {  	v14 =	vld [tilespmem:$0x3090];
	v1 =	vadd.f32 v42, v1  }
0x199: {  	v22 =	vld [tilespmem:$0x30D0]  }
0x19a: {  	v26 =	vld [tilespmem:$0x3110];
	v1 =	vadd.f32 v46, v1  }
0x19b: {  	[tilespmem:$0x1F9E0] =	vst v0;
	v0 =	vld [tilespmem:$0x2EF0]  }
0x19c: {  	v30 =	vld [tilespmem:$0x3150];
	v1 =	vadd.f32 v54, v1  }
0x19d: {  	v54 =	vld [tilespmem:$0x1F7A0]  }
0x19e: {  	v1 =	vadd.f32 v59, v1;
	v59 =	vld [tilespmem:$0x1F7F0]  }
0x19f: {  	v38 =	vld [tilespmem:$0x1F840]  }
0x1a0: {  	v42 =	vld [tilespmem:$0x1F880];
	[tilespmem:$0x1F9F0] =	vst v0;
	v0 =	vadd.f32 $0.0e+00, v15  }
0x1a1: {  	v46 =	vld [tilespmem:$0x1F8C0]  }
0x1a2: {  	v15 =	vld [tilespmem:$0x2F00];
	v0 =	vadd.f32 v31, v0;
	v31 =	vadd.f32 $0.0e+00, v19  }
0x1a3: {  	v19 =	vld [tilespmem:$0x2F20]  }
0x1a4: {  	v35 =	vadd.f32 v35, v31;
	v31 =	vld [tilespmem:$0x2F40]  }
0x1a5: {  	v0 =	vadd.f32 v47, v0;
	v47 =	vld [tilespmem:$0x2F80]  }
0x1a6: {  	v52 =	vadd.f32 v51, v35;
	v35 =	vld [tilespmem:$0x2F60]  }
0x1a7: {  	v48 =	vadd.f32 v62, v48;
	v51 =	vld [tilespmem:$0x2FA0]  }
0x1a8: {  	v0 =	vadd.f32 v61, v0;
	v61 =	vld [tilespmem:$0x2FC0]  }
0x1a9: {  	v62 =	vadd.f32 v63, v52;
	v63 =	vadd.f32 v4, v48;
	v48 =	vld [tilespmem:$0x2F90]  }
0x1aa: {  	v52 =	vld [tilespmem:$0x2FB0]  }
0x1ab: {  	v4 =	vld [tilespmem:$0x3000]  }
0x1ac: {  	v0 =	vadd.f32 v3, v0;
	v10 =	vadd.f32 v7, v62;
	v62 =	vld [tilespmem:$0x2FD0]  }
0x1ad: {  	v3 =	vadd.f32 v8, v63;
	v63 =	vld [tilespmem:$0x2FE0]  }
0x1ae: {  	v0 =	vadd.f32 v6, v0;
	v6 =	vld [tilespmem:$0x3020]  }
0x1af: {  	v7 =	vld [tilespmem:$0x3030]  }
0x1b0: {  	v8 =	vld [tilespmem:$0x3040]  }
0x1b1: {  	v2 =	vadd.f32 v12, v10;
	v10 =	vld [tilespmem:$0x2FF0]  }
0x1b2: {  	v0 =	vadd.f32 v11, v0;
	v11 =	vld [tilespmem:$0x3060]  }
0x1b3: {  	v12 =	vld [tilespmem:$0x3070]  }
0x1b4: {  	v3 =	vadd.f32 v13, v3;
	v13 =	vld [tilespmem:$0x3080]  }
0x1b5: {  	v0 =	vadd.f32 v17, v0;
	v17 =	vld [tilespmem:$0x30A0]  }
0x1b6: {  	v2 =	vadd.f32 v18, v2;
	v18 =	vld [tilespmem:$0x30B0]  }
0x1b7: {  	v3 =	vadd.f32 v21, v3;
	v21 =	vld [tilespmem:$0x30C0]  }
0x1b8: {  	v0 =	vadd.f32 v23, v0;
	v23 =	vld [tilespmem:$0x30E0]  }
0x1b9: {  	v2 =	vadd.f32 v24, v2;
	v24 =	vld [tilespmem:$0x30F0]  }
0x1ba: {  	v3 =	vadd.f32 v25, v3;
	v25 =	vld [tilespmem:$0x3100]  }
0x1bb: {  	v0 =	vadd.f32 v27, v0;
	v27 =	vld [tilespmem:$0x3120]  }
0x1bc: {  	v2 =	vadd.f32 v28, v2;
	v28 =	vld [tilespmem:$0x3130]  }
0x1bd: {  	v3 =	vadd.f32 v29, v3;
	v29 =	vld [tilespmem:$0x3140]  }
0x1be: {  	v0 =	vadd.f32 v33, v0;
	v33 =	vld [tilespmem:$0x1F810]  }
0x1bf: {  	v2 =	vadd.f32 v34, v2;
	v34 =	vld [tilespmem:$0x1F820]  }
0x1c0: {  	v3 =	vadd.f32 v37, v3;
	v37 =	vld [tilespmem:$0x1F830]  }
0x1c1: {  	v0 =	vadd.f32 v39, v0;
	v39 =	vld [tilespmem:$0x1F850]  }
0x1c2: {  	v2 =	vadd.f32 v40, v2;
	v40 =	vld [tilespmem:$0x1F860]  }
0x1c3: {  	v3 =	vadd.f32 v41, v3;
	v41 =	vld [tilespmem:$0x1F870]  }
0x1c4: {  	v0 =	vadd.f32 v43, v0;
	v43 =	vld [tilespmem:$0x1F890]  }
0x1c5: {  	v3 =	vadd.f32 v44, v3;
	v44 =	vld [tilespmem:$0x1F8A0]  }
0x1c6: {  	v2 =	vadd.f32 v45, v2;
	v45 =	vld [tilespmem:$0x1F8B0]  }
0x1c7: {  	v0 =	vadd.f32 v49, v0;
	v49 =	vld [tilespmem:$0x1F770]  }
0x1c8: {  	v3 =	vadd.f32 v50, v3;
	v50 =	vld [tilespmem:$0x1F780]  }
0x1c9: {  	v2 =	vadd.f32 v53, v2;
	v53 =	vld [tilespmem:$0x1F790]  }
0x1ca: {  	v0 =	vadd.f32 v55, v0;
	v55 =	vld [tilespmem:$0x1F7B0]  }
0x1cb: {  	v3 =	vadd.f32 v56, v3;
	v56 =	vld [tilespmem:$0x1F7C0]  }
0x1cc: {  	v2 =	vadd.f32 v57, v2;
	v57 =	vld [tilespmem:$0x1F7D0]  }
0x1cd: {  	v0 =	vadd.f32 v58, v0;
	v58 =	vld [tilespmem:$0x1F7E0]  }
0x1ce: {  	v3 =	vadd.f32 v60, v3;
	v60 =	vld [tilespmem:$0x1F800]  }
0x1cf: {  	v2 =	vadd.f32 v49, v2;
	v49 =	vld [tilespmem:$0x1F8D0]  }
0x1d0: {  	v0 =	vadd.f32 v53, v0;
	v53 =	vld [tilespmem:$0x1F8F0]  }
0x1d1: {  	v3 =	vadd.f32 v54, v3;
	v54 =	vld [tilespmem:$0x1F900]  }
0x1d2: {  	v2 =	vadd.f32 v50, v2;
	v50 =	vld [tilespmem:$0x1F8E0]  }
0x1d3: {  	v1 =	vadd.f32 v55, v1;
	v55 =	vld [tilespmem:$0x1F910]  }
0x1d4: {  	v0 =	vadd.f32 v57, v0;
	v57 =	vld [tilespmem:$0x1F930]  }
0x1d5: {  	v2 =	vadd.f32 v56, v2;
	v56 =	vld [tilespmem:$0x1F920]  }
0x1d6: {  	v3 =	vadd.f32 v58, v3;
	v58 =	vld [tilespmem:$0x1F940]  }
0x1d7: {  	v1 =	vadd.f32 v59, v1;
	v59 =	vld [tilespmem:$0x1F950]  }
0x1d8: {  	v0 =	vadd.f32 v33, v0;
	v33 =	vld [tilespmem:$0x3160]  }
0x1d9: {  	v3 =	vadd.f32 v34, v3;
	v34 =	vld [tilespmem:$0x3170]  }
0x1da: {  	v1 =	vadd.f32 v37, v1;
	v37 =	vld [tilespmem:$0x3180]  }
0x1db: {  	v2 =	vadd.f32 v60, v2;
	v60 =	vld [tilespmem:$0x1F960]  }
0x1dc: {  	v0 =	vadd.f32 v39, v0;
	v39 =	vld [tilespmem:$0x31A0]  }
0x1dd: {  	v2 =	vadd.f32 v38, v2;
	v38 =	vld [tilespmem:$0x3190]  }
0x1de: {  	v3 =	vadd.f32 v40, v3;
	v40 =	vld [tilespmem:$0x31B0]  }
0x1df: {  	v1 =	vadd.f32 v41, v1;
	v41 =	vld [tilespmem:$0x31C0]  }
0x1e0: {  	v0 =	vadd.f32 v43, v0;
	v43 =	vld [tilespmem:$0x31E0]  }
0x1e1: {  	v2 =	vadd.f32 v42, v2;
	v42 =	vld [tilespmem:$0x31D0]  }
0x1e2: {  	v3 =	vadd.f32 v44, v3;
	v44 =	vld [tilespmem:$0x31F0]  }
0x1e3: {  	v1 =	vadd.f32 v45, v1;
	v45 =	vld [tilespmem:$0x3200]  }
0x1e4: {  	v0 =	vadd.f32 v49, v0;
	v49 =	vld [tilespmem:$0x1F970]  }
0x1e5: {  	v3 =	vadd.f32 v50, v3;
	v50 =	vld [tilespmem:$0x1F980]  }
0x1e6: {  	v1 =	vadd.f32 v53, v1;
	v53 =	vld [tilespmem:$0x1F990]  }
0x1e7: {  	v2 =	vadd.f32 v46, v2;
	v46 =	vld [tilespmem:$0x3210]  }
0x1e8: {  	v0 =	vadd.f32 v55, v0;
	v55 =	vld [tilespmem:$0x1F9B0]  }
0x1e9: {  	v2 =	vadd.f32 v54, v2;
	v54 =	vld [tilespmem:$0x1F9A0]  }
0x1ea: {  	v3 =	vadd.f32 v56, v3;
	v56 =	vld [tilespmem:$0x1F9C0]  }
0x1eb: {  	v1 =	vadd.f32 v57, v1;
	v57 =	vld [tilespmem:$0x1F9D0]  }
0x1ec: {  	v0 =	vadd.f32 v59, v0;
	v59 =	vld [tilespmem:$0x1F9F0]  }
0x1ed: {  	v1 =	vadd.f32 v49, v1;
	v49 =	vld [tilespmem:$0x3220]  }
0x1ee: {  	v2 =	vadd.f32 v58, v2;
	v58 =	vld [tilespmem:$0x1F9E0]  }
0x1ef: {  	v3 =	vadd.f32 v60, v3;
	v60 =	vld [tilespmem:$0x3240]  }
0x1f0: {  	v0 =	vadd.f32 v53, v0;
	v53 =	vld [tilespmem:$0x3360]  }
0x1f1: {  	v2 =	vadd.f32 v50, v2;
	v50 =	vld [tilespmem:$0x3330]  }
0x1f2: {  	v1 =	vadd.f32 v55, v1;
	v55 =	vld [tilespmem:$0x3380]  }
0x1f3: {  	v3 =	vadd.f32 v54, v3;
	v54 =	vld [tilespmem:$0x3370]  }
0x1f4: {  	v0 =	vadd.f32 v57, v0;
	v57 =	vld [tilespmem:$0x33A0]  }
0x1f5: {  	v2 =	vadd.f32 v56, v2;
	v1 =	vadd.f32 v15, v1;
	v15 =	vld [tilespmem:$0x3230]  }
0x1f6: {  	v56 =	vld [tilespmem:$0x3390];
	v3 =	vadd.f32 v58, v3  }
0x1f7: {  	v0 =	vadd.f32 v16, v0;
	v58 =	vld [tilespmem:$0x33B0];
	v2 =	vadd.f32 v59, v2  }
0x1f8: {  	v1 =	vadd.f32 v31, v1;
	v31 =	vld [tilespmem:$0x3270];
	v3 =	vadd.f32 v19, v3  }
0x1f9: {  	v59 =	vld [tilespmem:$0x33C0];
	v0 =	vadd.f32 v32, v0;
	v2 =	vadd.f32 v20, v2  }
0x1fa: {  	v19 =	vld [tilespmem:$0x3250];
	v1 =	vadd.f32 v47, v1;
	v3 =	vadd.f32 v35, v3  }
0x1fb: {  	v32 =	vld [tilespmem:$0x3280];
	v0 =	vadd.f32 v48, v0;
	v2 =	vadd.f32 v36, v2  }
0x1fc: {  	v20 =	vld [tilespmem:$0x3260];
	v1 =	vadd.f32 v61, v1;
	v3 =	vadd.f32 v51, v3  }
0x1fd: {  	v47 =	vld [tilespmem:$0x3310];
	v0 =	vadd.f32 v62, v0;
	v2 =	vadd.f32 v52, v2  }
0x1fe: {  	v35 =	vld [tilespmem:$0x3290];
	v1 =	vadd.f32 v4, v1;
	v3 =	vadd.f32 v63, v3  }
0x1ff: {  	v48 =	vld [tilespmem:$0x3320];
	v0 =	vadd.f32 v5, v0;
	v2 =	vadd.f32 v10, v2  }
0x200: {  	v36 =	vld [tilespmem:$0x32A0];
	v1 =	vadd.f32 v8, v1;
	v3 =	vadd.f32 v6, v3  }
0x201: {  	v61 =	vld [tilespmem:$0x33E0];
	v0 =	vadd.f32 v9, v0;
	v2 =	vadd.f32 v7, v2  }
0x202: {  	v51 =	vld [tilespmem:$0x3340];
	v1 =	vadd.f32 v13, v1;
	v3 =	vadd.f32 v11, v3  }
0x203: {  	v62 =	vld [tilespmem:$0x33F0];
	v0 =	vadd.f32 v14, v0;
	v2 =	vadd.f32 v12, v2  }
0x204: {  	v4 =	vld [tilespmem:$0x32B0];
	v1 =	vadd.f32 v21, v1;
	v3 =	vadd.f32 v17, v3  }
0x205: {  	v52 =	vld [tilespmem:$0x3350];
	v0 =	vadd.f32 v22, v0;
	v2 =	vadd.f32 v18, v2  }
0x206: {  	v5 =	vld [tilespmem:$0x32C0];
	v1 =	vadd.f32 v25, v1;
	v3 =	vadd.f32 v23, v3  }
0x207: {  	v63 =	vld [tilespmem:$0x3400];
	v0 =	vadd.f32 v26, v0;
	v2 =	vadd.f32 v24, v2  }
0x208: {  	v8 =	vld [tilespmem:$0x32F0];
	v1 =	vadd.f32 v29, v1;
	v3 =	vadd.f32 v27, v3  }
0x209: {  	v6 =	vld [tilespmem:$0x32D0];
	v0 =	vadd.f32 v30, v0;
	v2 =	vadd.f32 v28, v2  }
0x20a: {  	v9 =	vld [tilespmem:$0x3300];
	v1 =	vadd.f32 v37, v1;
	v3 =	vadd.f32 v33, v3  }
0x20b: {  	v7 =	vld [tilespmem:$0x32E0];
	v0 =	vadd.f32 v38, v0;
	v2 =	vadd.f32 v34, v2  }
0x20c: {  	v26 =	vld [tilespmem:$0x3410];
	v1 =	vadd.f32 v41, v1;
	v3 =	vadd.f32 v39, v3  }
0x20d: {  	v29 =	vld [tilespmem:$0x3430];
	v0 =	vadd.f32 v42, v0;
	v2 =	vadd.f32 v40, v2  }
0x20e: {  	v27 =	vld [tilespmem:$0x3420];
	v1 =	vadd.f32 v45, v1;
	v3 =	vadd.f32 v43, v3  }
0x20f: {  	v30 =	vld [tilespmem:$0x1FA10];
	v0 =	vadd.f32 v46, v0;
	v2 =	vadd.f32 v44, v2  }
0x210: {  	v28 =	vld [tilespmem:$0x1FA00];
	v1 =	vadd.f32 v60, v1;
	v3 =	vadd.f32 v49, v3  }
0x211: {  	v37 =	vld [tilespmem:$0x1FA20];
	v0 =	vadd.f32 v19, v0;
	v2 =	vadd.f32 v15, v2  }
0x212: {  	v38 =	vld [tilespmem:$0x3480];
	v1 =	vadd.f32 v32, v1;
	v3 =	vadd.f32 v20, v3  }
0x213: {  	v34 =	vld [tilespmem:$0x3460];
	v0 =	vadd.f32 v35, v0;
	v2 =	vadd.f32 v31, v2  }
0x214: {  	v41 =	vld [tilespmem:$0x34A0];
	v1 =	vadd.f32 v5, v1;
	v3 =	vadd.f32 v36, v3  }
0x215: {  	v39 =	vld [tilespmem:$0x3490];
	v0 =	vadd.f32 v6, v0;
	v2 =	vadd.f32 v4, v2  }
0x216: {  	vm3 =	vmand vm3, vm1;
	v42 =	vld [tilespmem:$0x34B0];
	v1 =	vadd.f32 v9, v1;
	v3 =	vadd.f32 v7, v3  }
0x217: {  	v33 =	vmpcnt.ones.xlane vm3;
	v45 =	vld [tilespmem:$0x34D0];
	v0 =	vadd.f32 v47, v0;
	v2 =	vadd.f32 v8, v2  }
0x218: {  	vm10 =	veq.s32 v30, $0x0;
	v60 =	vld [tilespmem:$0x33D0];
	v1 =	vadd.f32 v51, v1;
	v3 =	vadd.f32 v48, v3  }
0x219: {  	vm9 =	veq.s32 v28, $0x0;
	v44 =	vld [tilespmem:$0x34C0];
	v0 =	vadd.f32 v52, v0;
	v2 =	vadd.f32 v50, v2  }
0x21a: {  	vm3 =	veq.s32 v37, $0x0;
	v49 =	vld [tilespmem:$0x1FFC0];
	v1 =	vadd.f32 v55, v1;
	v3 =	vadd.f32 v53, v3  }
0x21b: {  	v40 =	vmpcnt.ones.xlane vm10;
	v31 =	vld [tilespmem:$0x3440];
	v0 =	vadd.f32 v56, v0;
	v2 =	vadd.f32 v54, v2  }
0x21c: {  	vm3 =	vmand vm3, vm2;
	v32 =	vld [tilespmem:$0x3450];
	v1 =	vadd.f32 v59, v1;
	v3 =	vadd.f32 v57, v3  }
0x21d: {  	v35 =	vmpcnt.ones.xlane vm9;
	v36 =	vld [tilespmem:$0x3470];
	v0 =	vadd.f32 v60, v0;
	v2 =	vadd.f32 v58, v2  }
0x21e: {  	v43 =	vmpcnt.ones.xlane vm3;
	v47 =	vld [tilespmem:$0x34E0];
	v1 =	vadd.f32 v63, v1;
	v3 =	vadd.f32 v61, v3  }
0x21f: {  	v9 =	vadd.s32 v33, v35;
	v51 =	vld [tilespmem:$0x1FFE0];
	v0 =	vadd.f32 v26, v0;
	v2 =	vadd.f32 v62, v2  }
0x220: {  	v9 =	vadd.s32 v40, v9;
	v50 =	vld [tilespmem:$0x1FFD0];
	v1 =	vadd.f32 v31, v1;
	v3 =	vadd.f32 v27, v3  }
0x221: {  	v46 =	vadd.s32 v43, v9;
	v48 =	vld [tilespmem:$0x34F0];
	v0 =	vadd.f32 v32, v0;
	v2 =	vadd.f32 v29, v2  }
0x222: {  	v7 =	vcvt.s32.f32 v46;
	v52 =	vld [tilespmem:$0x1FFF0];
	v1 =	vadd.f32 v38, v1;
	v3 =	vadd.f32 v34, v3  }
0x223: {  	v0 =	vadd.f32 v39, v0;
	v2 =	vadd.f32 v36, v2  }
0x224: {  	v5 =	vmul.f32 v7, v49;
	v1 =	vadd.f32 v44, v1;
	v3 =	vadd.f32 v41, v3  }
0x225: {  	v4 =	vmul.f32 v7, v50;
	v0 =	vadd.f32 v45, v0;
	v2 =	vadd.f32 v42, v2  }
0x226: {  	v1 =	vsub.f32 v1, v5;
	v5 =	vmul.f32 v7, v51;
	v3 =	vadd.f32 v47, v3  }
0x227: {  	v0 =	vsub.f32 v0, v4;
	v4 =	vmul.f32 v7, v52;
	v2 =	vadd.f32 v48, v2  }
0x228: {  	v1 =	vmul.f32 $1.999999960e-02, v1;
	v3 =	vsub.f32 v3, v5  }
0x229: {  	v0 =	vmul.f32 $1.999999960e-02, v0;
	v2 =	vsub.f32 v2, v4  }
0x22a: {  	[tilespmem:s16+$0xFFFFFFC0] =	vst v1;
	v53 =	vmul.f32 $1.999999960e-02, v3  }
0x22b: {  	p0 =	seq.s32 s17, $0x6C80;
	[tilespmem:s16+$0xFFFFFFD0] =	vst v0;
	v54 =	vmul.f32 $1.999999960e-02, v2  }
0x22c: {  	s19 =	sshra.s32 @!p0 s17, $0x2;
	[tilespmem:s16+$0xFFFFFFE0] =	vst v53  }
0x22d: {  	s20 =	simm.s32 @!p0 $0x64;
	s21 =	simm.s32 @!p0 $0x1C00;
	s19 =	sadd.s32 @!p0 $0xE0, s19;
	[tilespmem:s16+$0xFFFFFFF0] =	vst v54  }
0x22e: {  	[tilespmem:s21], [sflag:$0x1] =	stream.indirect.gather @!p0 [hbm4b:s3+s20], $0x40, s19, s20, $0xb8;
	[tilespmem:$0x6E40] =	vst v63  }
0x22f: {  	_ =	swait.ge [sflag:s13], $0x1900  }
0x230: {  	[sflag:s13] =	ssyncset.done $0x0  }
0x231: {  	[sflag:s13] =	ssyncadd.s32 $0xFFFFE700  }
0x232: {  	v55 =	vld [tilespmem:s18+$0x70]  }
0x233: {  	v56 =	vld [tilespmem:s18+$0x80]  }
0x234: {  	v57 =	vld [tilespmem:s18+$0x90]  }
0x235: {  	v58 =	vld [tilespmem:s18+$0xA0]  }
0x236: {  	v8 =	vld [tilespmem:$0x3500]  }
0x237: {  	v9 =	vld [tilespmem:$0x3510]  }
0x238: {  	v17 =	vld [tilespmem:$0x3520]  }
0x239: {  	v20 =	vld [tilespmem:$0x3530]  }
0x23a: {  	v21 =	vld [tilespmem:$0x3540]  }
0x23b: {  	v32 =	vld [tilespmem:$0x3550]  }
0x23c: {  	v33 =	vld [tilespmem:$0x3560]  }
0x23d: {  	v60 =	vld [tilespmem:$0x38F0]  }
0x23e: {  	v36 =	vld [tilespmem:$0x3570]  }
0x23f: {  	v37 =	vld [tilespmem:$0x3580]  }
0x240: {  	v48 =	vld [tilespmem:$0x3590]  }
0x241: {  	v49 =	vld [tilespmem:$0x35A0]  }
0x242: {  	[tilespmem:$0x1FA40] =	vst v60;
	v60 =	vld [tilespmem:$0x3910]  }
0x243: {  	v52 =	vld [tilespmem:$0x35B0]  }
0x244: {  	v53 =	vld [tilespmem:$0x35C0]  }
0x245: {  	v62 =	vld [tilespmem:$0x35D0]  }
0x246: {  	v63 =	vld [tilespmem:$0x35E0]  }
0x247: {  	[tilespmem:$0x1FA50] =	vst v60;
	v60 =	vld [tilespmem:$0x3920]  }
0x248: {  	v4 =	vld [tilespmem:$0x35F0]  }
0x249: {  	v0 =	vld [tilespmem:$0x3600]  }
0x24a: {  	v1 =	vld [tilespmem:$0x3610]  }
0x24b: {  	v3 =	vld [tilespmem:$0x3620]  }
0x24c: {  	[tilespmem:$0x1FA60] =	vst v60;
	v60 =	vld [tilespmem:$0x3930]  }
0x24d: {  	v10 =	vld [tilespmem:$0x3630]  }
0x24e: {  	v2 =	vld [tilespmem:$0x3640]  }
0x24f: {  	v5 =	vld [tilespmem:$0x3650]  }
0x250: {  	v7 =	vld [tilespmem:$0x3660]  }
0x251: {  	[tilespmem:$0x1FA80] =	vst v60;
	v60 =	vld [tilespmem:$0x3940]  }
0x252: {  	v14 =	vld [tilespmem:$0x3670]  }
0x253: {  	v6 =	vld [tilespmem:$0x3680]  }
0x254: {  	v11 =	vld [tilespmem:$0x3690]  }
0x255: {  	v13 =	vld [tilespmem:$0x36A0]  }
0x256: {  	[tilespmem:$0x1FA70] =	vst v60;
	v60 =	vld [tilespmem:$0x3950]  }
0x257: {  	v19 =	vld [tilespmem:$0x36B0]  }
0x258: {  	v12 =	vld [tilespmem:$0x36C0]  }
0x259: {  	v15 =	vld [tilespmem:$0x36D0]  }
0x25a: {  	v18 =	vld [tilespmem:$0x36E0]  }
0x25b: {  	[tilespmem:$0x1FA90] =	vst v60;
	v60 =	vld [tilespmem:$0x3960]  }
0x25c: {  	v25 =	vld [tilespmem:$0x36F0]  }
0x25d: {  	v16 =	vld [tilespmem:$0x3700]  }
0x25e: {  	v22 =	vld [tilespmem:$0x3710]  }
0x25f: {  	v24 =	vld [tilespmem:$0x3720]  }
0x260: {  	[tilespmem:$0x1FAA0] =	vst v60;
	v60 =	vld [tilespmem:$0x3970]  }
0x261: {  	v29 =	vld [tilespmem:$0x3730]  }
0x262: {  	v23 =	vld [tilespmem:$0x3740]  }
0x263: {  	v26 =	vld [tilespmem:$0x3750]  }
0x264: {  	v28 =	vld [tilespmem:$0x3760]  }
0x265: {  	[tilespmem:$0x1FAC0] =	vst v60;
	v60 =	vld [tilespmem:$0x3980]  }
0x266: {  	v35 =	vld [tilespmem:$0x3770]  }
0x267: {  	v27 =	vld [tilespmem:$0x3780]  }
0x268: {  	v30 =	vld [tilespmem:$0x3790]  }
0x269: {  	v34 =	vld [tilespmem:$0x37A0]  }
0x26a: {  	[tilespmem:$0x1FAB0] =	vst v60;
	v60 =	vld [tilespmem:$0x3990]  }
0x26b: {  	v41 =	vld [tilespmem:$0x37B0]  }
0x26c: {  	v31 =	vld [tilespmem:$0x37C0]  }
0x26d: {  	v38 =	vld [tilespmem:$0x37D0]  }
0x26e: {  	v40 =	vld [tilespmem:$0x37E0]  }
0x26f: {  	[tilespmem:$0x1FAD0] =	vst v60;
	v60 =	vld [tilespmem:$0x39A0]  }
0x270: {  	v45 =	vld [tilespmem:$0x37F0]  }
0x271: {  	v39 =	vld [tilespmem:$0x3800]  }
0x272: {  	v42 =	vld [tilespmem:$0x3810]  }
0x273: {  	v44 =	vld [tilespmem:$0x3820]  }
0x274: {  	[tilespmem:$0x1FAE0] =	vst v60;
	v60 =	vld [tilespmem:$0x39B0]  }
0x275: {  	v51 =	vld [tilespmem:$0x3830]  }
0x276: {  	v43 =	vld [tilespmem:$0x3840]  }
0x277: {  	v47 =	vld [tilespmem:$0x3850]  }
0x278: {  	v50 =	vld [tilespmem:$0x3860]  }
0x279: {  	[tilespmem:$0x1FB00] =	vst v60;
	v60 =	vld [tilespmem:$0x39C0]  }
0x27a: {  	v46 =	vld [tilespmem:$0x3880]  }
0x27b: {  	v59 =	vld [tilespmem:$0x38B0]  }
0x27c: {  	v54 =	vld [tilespmem:$0x38C0]  }
0x27d: {  	v61 =	vld [tilespmem:$0x38E0];
	[tilespmem:$0x1FCC0] =	vst v55  }
0x27e: {  	[tilespmem:$0x1FAF0] =	vst v60;
	v60 =	vld [tilespmem:$0x39D0]  }
0x27f: {  	[tilespmem:$0x1FCE0] =	vst v57;
	v57 =	vld [tilespmem:$0x3870]  }
0x280: {  	[tilespmem:$0x1FCD0] =	vst v56;
	v55 =	vld [tilespmem:$0x3890]  }
0x281: {  	[tilespmem:$0x1FCF0] =	vst v58;
	v56 =	vld [tilespmem:$0x38A0]  }
0x282: {  	[tilespmem:$0x1FA30] =	vst v59;
	v59 =	vld [tilespmem:$0x38D0]  }
0x283: {  	v58 =	vld [tilespmem:$0x3900];
	[tilespmem:$0x1FB10] =	vst v60  }
0x284: {  	v60 =	vld [tilespmem:$0x39E0];
	_ =	sdelay $0x4  }
0x285: {  	[tilespmem:$0x1FB20] =	vst v60;
	v60 =	vld [tilespmem:$0x39F0];
	_ =	sdelay $0x4  }
0x286: {  	v8 =	vadd.f32 $0.0e+00, v8;
	[tilespmem:$0x1FB40] =	vst v60;
	v60 =	vld [tilespmem:$0x3A00]  }
0x287: {  	v9 =	vadd.f32 $0.0e+00, v9  }
0x288: {  	v8 =	vadd.f32 v21, v8;
	v21 =	vadd.f32 $0.0e+00, v17;
	v17 =	vld [tilespmem:$0x3B90]  }
0x289: {  	v9 =	vadd.f32 v32, v9;
	v32 =	vadd.f32 $0.0e+00, v20;
	v20 =	vld [tilespmem:$0x3BA0]  }
0x28a: {  	v33 =	vadd.f32 v33, v21;
	v21 =	vld [tilespmem:$0x3BB0]  }
0x28b: {  	[tilespmem:$0x1FB30] =	vst v60;
	v60 =	vld [tilespmem:$0x3A10]  }
0x28c: {  	v8 =	vadd.f32 v37, v8;
	v36 =	vadd.f32 v36, v32;
	v32 =	vld [tilespmem:$0x3BC0]  }
0x28d: {  	v37 =	vadd.f32 v49, v33;
	v33 =	vld [tilespmem:$0x3BD0]  }
0x28e: {  	v8 =	vadd.f32 v53, v8;
	v53 =	vadd.f32 v52, v36;
	v36 =	vld [tilespmem:$0x3BE0]  }
0x28f: {  	v49 =	vadd.f32 v63, v37;
	v37 =	vld [tilespmem:$0x3BF0]  }
0x290: {  	[tilespmem:$0x1FB50] =	vst v60;
	v60 =	vld [tilespmem:$0x3A20]  }
0x291: {  	v9 =	vadd.f32 v48, v9;
	v48 =	vld [tilespmem:$0x3C00]  }
0x292: {  	v3 =	vadd.f32 v3, v49;
	v49 =	vld [tilespmem:$0x3C10]  }
0x293: {  	v52 =	vld [tilespmem:$0x3C20]  }
0x294: {  	v4 =	vadd.f32 v4, v53;
	v53 =	vld [tilespmem:$0x3C30]  }
0x295: {  	[tilespmem:$0x1FB60] =	vst v60;
	v60 =	vld [tilespmem:$0x3A30]  }
0x296: {  	v9 =	vadd.f32 v62, v9;
	v62 =	vld [tilespmem:$0x3C40]  }
0x297: {  	v63 =	vld [tilespmem:$0x3C50]  }
0x298: {  	v0 =	vadd.f32 v0, v8;
	v8 =	vld [tilespmem:$0x3C60]  }
0x299: {  	v1 =	vadd.f32 v1, v9;
	v9 =	vld [tilespmem:$0x3C70]  }
0x29a: {  	v0 =	vadd.f32 v2, v0;
	[tilespmem:$0x1FB80] =	vst v60;
	v60 =	vld [tilespmem:$0x3A40]  }
0x29b: {  	v10 =	vadd.f32 v10, v4;
	v4 =	vld [tilespmem:$0x3C80]  }
0x29c: {  	v1 =	vadd.f32 v5, v1;
	v0 =	vadd.f32 v6, v0;
	v5 =	vld [tilespmem:$0x3C90]  }
0x29d: {  	v6 =	vld [tilespmem:$0x3CA0]  }
0x29e: {  	v3 =	vadd.f32 v7, v3;
	v0 =	vadd.f32 v12, v0;
	v7 =	vld [tilespmem:$0x3CB0]  }
0x29f: {  	[tilespmem:$0x1FB70] =	vst v60;
	v60 =	vld [tilespmem:$0x3A50]  }
0x2a0: {  	v2 =	vadd.f32 v14, v10;
	v0 =	vadd.f32 v16, v0;
	v10 =	vld [tilespmem:$0x3CC0]  }
0x2a1: {  	v1 =	vadd.f32 v11, v1;
	v11 =	vld [tilespmem:$0x3CD0]  }
0x2a2: {  	v0 =	vadd.f32 v23, v0;
	v12 =	vld [tilespmem:$0x3CE0]  }
0x2a3: {  	v3 =	vadd.f32 v13, v3;
	v13 =	vld [tilespmem:$0x3CF0]  }
0x2a4: {  	v1 =	vadd.f32 v15, v1;
	v0 =	vadd.f32 v27, v0;
	[tilespmem:$0x1FB90] =	vst v60;
	v60 =	vld [tilespmem:$0x3A60]  }
0x2a5: {  	v3 =	vadd.f32 v18, v3;
	v14 =	vld [tilespmem:$0x3D00]  }
0x2a6: {  	v1 =	vadd.f32 v22, v1;
	v0 =	vadd.f32 v31, v0;
	v15 =	vld [tilespmem:$0x3D10]  }
0x2a7: {  	v2 =	vadd.f32 v19, v2;
	v3 =	vadd.f32 v24, v3;
	v16 =	vld [tilespmem:$0x3D20]  }
0x2a8: {  	v1 =	vadd.f32 v26, v1;
	v0 =	vadd.f32 v39, v0;
	v18 =	vld [tilespmem:$0x3D30]  }
0x2a9: {  	v2 =	vadd.f32 v25, v2;
	v3 =	vadd.f32 v28, v3;
	[tilespmem:$0x1FBA0] =	vst v60;
	v60 =	vld [tilespmem:$0x3A70]  }
0x2aa: {  	v1 =	vadd.f32 v30, v1;
	v0 =	vadd.f32 v43, v0;
	v19 =	vld [tilespmem:$0x3D40]  }
0x2ab: {  	v2 =	vadd.f32 v29, v2;
	v3 =	vadd.f32 v34, v3;
	v22 =	vld [tilespmem:$0x3D50]  }
0x2ac: {  	v1 =	vadd.f32 v38, v1;
	v0 =	vadd.f32 v46, v0;
	v46 =	vld [tilespmem:$0x1FA30]  }
0x2ad: {  	v3 =	vadd.f32 v40, v3;
	v23 =	vld [tilespmem:$0x3D60]  }
0x2ae: {  	v2 =	vadd.f32 v35, v2;
	v1 =	vadd.f32 v42, v1;
	[tilespmem:$0x1FBC0] =	vst v60;
	v60 =	vld [tilespmem:$0x3A80]  }
0x2af: {  	v3 =	vadd.f32 v44, v3;
	v24 =	vld [tilespmem:$0x3D70]  }
0x2b0: {  	v2 =	vadd.f32 v41, v2;
	v1 =	vadd.f32 v47, v1;
	v47 =	vld [tilespmem:$0x1FA40]  }
0x2b1: {  	v3 =	vadd.f32 v50, v3;
	v50 =	vld [tilespmem:$0x1FA50]  }
0x2b2: {  	v2 =	vadd.f32 v45, v2;
	v25 =	vld [tilespmem:$0x3D80]  }
0x2b3: {  	[tilespmem:$0x1FBB0] =	vst v60;
	v60 =	vld [tilespmem:$0x3A90]  }
0x2b4: {  	v2 =	vadd.f32 v51, v2;
	v51 =	vld [tilespmem:$0x1FA60]  }
0x2b5: {  	v0 =	vadd.f32 v54, v0;
	v54 =	vld [tilespmem:$0x1FA70]  }
0x2b6: {  	v26 =	vld [tilespmem:$0x3D90]  }
0x2b7: {  	v1 =	vadd.f32 v55, v1;
	v55 =	vld [tilespmem:$0x1FA80]  }
0x2b8: {  	[tilespmem:$0x1FBD0] =	vst v60;
	v60 =	vld [tilespmem:$0x3AA0]  }
0x2b9: {  	v3 =	vadd.f32 v56, v3;
	v56 =	vld [tilespmem:$0x1FA90]  }
0x2ba: {  	v27 =	vld [tilespmem:$0x3DA0]  }
0x2bb: {  	v2 =	vadd.f32 v57, v2;
	v57 =	vld [tilespmem:$0x1FAA0]  }
0x2bc: {  	v0 =	vadd.f32 v58, v0;
	v58 =	vld [tilespmem:$0x1FAB0]  }
0x2bd: {  	[tilespmem:$0x1FBE0] =	vst v60;
	v60 =	vld [tilespmem:$0x3AB0]  }
0x2be: {  	v28 =	vld [tilespmem:$0x3DB0]  }
0x2bf: {  	v1 =	vadd.f32 v59, v1;
	v59 =	vld [tilespmem:$0x1FAC0]  }
0x2c0: {  	v3 =	vadd.f32 v61, v3;
	v61 =	vld [tilespmem:$0x1FAD0]  }
0x2c1: {  	v29 =	vld [tilespmem:$0x3DC0]  }
0x2c2: {  	[tilespmem:$0x1FC00] =	vst v60;
	v60 =	vld [tilespmem:$0x3AC0]  }
0x2c3: {  	v34 =	vld [tilespmem:$0x1FAE0]  }
0x2c4: {  	v35 =	vld [tilespmem:$0x1FAF0]  }
0x2c5: {  	v30 =	vld [tilespmem:$0x3DD0]  }
0x2c6: {  	v38 =	vld [tilespmem:$0x1FB00]  }
0x2c7: {  	v3 =	vadd.f32 v51, v3;
	[tilespmem:$0x1FBF0] =	vst v60;
	v60 =	vld [tilespmem:$0x3AD0]  }
0x2c8: {  	v39 =	vld [tilespmem:$0x1FB10];
	v1 =	vadd.f32 v50, v1  }
0x2c9: {  	v31 =	vld [tilespmem:$0x3DE0];
	v0 =	vadd.f32 v54, v0;
	v3 =	vadd.f32 v57, v3  }
0x2ca: {  	v2 =	vadd.f32 v46, v2;
	v40 =	vld [tilespmem:$0x1FB20];
	v1 =	vadd.f32 v56, v1  }
0x2cb: {  	v0 =	vadd.f32 v58, v0;
	v3 =	vadd.f32 v34, v3;
	v34 =	vld [tilespmem:$0x3DF0]  }
0x2cc: {  	v2 =	vadd.f32 v47, v2;
	[tilespmem:$0x1FC10] =	vst v60;
	v60 =	vld [tilespmem:$0x3AE0]  }
0x2cd: {  	v1 =	vadd.f32 v61, v1;
	v0 =	vadd.f32 v35, v0;
	v35 =	vld [tilespmem:$0x3E00]  }
0x2ce: {  	v42 =	vld [tilespmem:$0x1FB40]  }
0x2cf: {  	v2 =	vadd.f32 v55, v2;
	v1 =	vadd.f32 v39, v1;
	v39 =	vld [tilespmem:$0x3E20]  }
0x2d0: {  	v3 =	vadd.f32 v40, v3;
	v40 =	vld [tilespmem:$0x3E30]  }
0x2d1: {  	v2 =	vadd.f32 v59, v2;
	[tilespmem:$0x1FC20] =	vst v60;
	v60 =	vld [tilespmem:$0x3AF0]  }
0x2d2: {  	v41 =	vld [tilespmem:$0x1FB30]  }
0x2d3: {  	v2 =	vadd.f32 v38, v2;
	v38 =	vld [tilespmem:$0x3E10]  }
0x2d4: {  	v43 =	vld [tilespmem:$0x1FB50]  }
0x2d5: {  	v2 =	vadd.f32 v42, v2;
	v42 =	vld [tilespmem:$0x3E50]  }
0x2d6: {  	[tilespmem:$0x1FC40] =	vst v60;
	v60 =	vld [tilespmem:$0x3B00]  }
0x2d7: {  	v0 =	vadd.f32 v41, v0;
	v41 =	vld [tilespmem:$0x3E40]  }
0x2d8: {  	v44 =	vld [tilespmem:$0x1FB60]  }
0x2d9: {  	v1 =	vadd.f32 v43, v1;
	v43 =	vld [tilespmem:$0x3E60]  }
0x2da: {  	v46 =	vld [tilespmem:$0x1FB80]  }
0x2db: {  	[tilespmem:$0x1FC30] =	vst v60;
	v60 =	vld [tilespmem:$0x3B10]  }
0x2dc: {  	v45 =	vld [tilespmem:$0x1FB70]  }
0x2dd: {  	v3 =	vadd.f32 v44, v3;
	v44 =	vld [tilespmem:$0x3E70]  }
0x2de: {  	v47 =	vld [tilespmem:$0x1FB90]  }
0x2df: {  	v2 =	vadd.f32 v46, v2;
	v46 =	vld [tilespmem:$0x3E90]  }
0x2e0: {  	[tilespmem:$0x1FC50] =	vst v60;
	v60 =	vld [tilespmem:$0x3B20]  }
0x2e1: {  	v0 =	vadd.f32 v45, v0;
	v45 =	vld [tilespmem:$0x3E80]  }
0x2e2: {  	v50 =	vld [tilespmem:$0x1FBA0]  }
0x2e3: {  	v1 =	vadd.f32 v47, v1;
	v47 =	vld [tilespmem:$0x3EA0]  }
0x2e4: {  	v54 =	vld [tilespmem:$0x1FBC0]  }
0x2e5: {  	[tilespmem:$0x1FC60] =	vst v60;
	v60 =	vld [tilespmem:$0x3B30]  }
0x2e6: {  	v51 =	vld [tilespmem:$0x1FBB0]  }
0x2e7: {  	v55 =	vld [tilespmem:$0x1FBD0]  }
0x2e8: {  	v56 =	vld [tilespmem:$0x1FBE0]  }
0x2e9: {  	v58 =	vld [tilespmem:$0x1FC00]  }
0x2ea: {  	[tilespmem:$0x1FC80] =	vst v60;
	v60 =	vld [tilespmem:$0x3B40]  }
0x2eb: {  	v57 =	vld [tilespmem:$0x1FBF0]  }
0x2ec: {  	v0 =	vadd.f32 v51, v0;
	v51 =	vld [tilespmem:$0x1FC40]  }
0x2ed: {  	v2 =	vadd.f32 v54, v2;
	v59 =	vld [tilespmem:$0x1FC10]  }
0x2ee: {  	v61 =	vld [tilespmem:$0x1FC20]  }
0x2ef: {  	v2 =	vadd.f32 v58, v2;
	[tilespmem:$0x1FC70] =	vst v60;
	v60 =	vld [tilespmem:$0x3B50]  }
0x2f0: {  	v3 =	vadd.f32 v50, v3;
	v50 =	vld [tilespmem:$0x1FC30]  }
0x2f1: {  	v2 =	vadd.f32 v51, v2;
	v51 =	vld [tilespmem:$0x3F00]  }
0x2f2: {  	v54 =	vld [tilespmem:$0x1FC50]  }
0x2f3: {  	v1 =	vadd.f32 v55, v1;
	v55 =	vld [tilespmem:$0x1FC60]  }
0x2f4: {  	v0 =	vadd.f32 v57, v0;
	[tilespmem:$0x1FC90] =	vst v60;
	v60 =	vld [tilespmem:$0x3B60]  }
0x2f5: {  	v1 =	vadd.f32 v59, v1;
	v58 =	vld [tilespmem:$0x1FC90]  }
0x2f6: {  	v3 =	vadd.f32 v56, v3;
	v0 =	vadd.f32 v50, v0;
	v50 =	vld [tilespmem:$0x3EB0]  }
0x2f7: {  	v1 =	vadd.f32 v54, v1;
	v54 =	vld [tilespmem:$0x3F30]  }
0x2f8: {  	v3 =	vadd.f32 v61, v3;
	v57 =	vld [tilespmem:$0x1FC80]  }
0x2f9: {  	[tilespmem:$0x1FCA0] =	vst v60;
	v60 =	vld [tilespmem:$0x3B70]  }
0x2fa: {  	v3 =	vadd.f32 v55, v3;
	v55 =	vld [tilespmem:$0x3F40];
	v1 =	vadd.f32 v58, v1  }
0x2fb: {  	v56 =	vld [tilespmem:$0x1FC70]  }
0x2fc: {  	v59 =	vld [tilespmem:$0x1FCA0];
	v1 =	vadd.f32 v17, v1  }
0x2fd: {  	v2 =	vadd.f32 v57, v2;
	v57 =	vld [tilespmem:$0x3F60]  }
0x2fe: {  	[tilespmem:$0x1FCB0] =	vst v60;
	v60 =	vld [tilespmem:$0x3B80];
	v1 =	vadd.f32 v33, v1  }
0x2ff: {  	v61 =	vld [tilespmem:$0x1FCB0]  }
0x300: {  	v0 =	vadd.f32 v56, v0;
	v56 =	vld [tilespmem:$0x3F50];
	v1 =	vadd.f32 v49, v1  }
0x301: {  	v58 =	vld [tilespmem:$0x3F70];
	v3 =	vadd.f32 v59, v3  }
0x302: {  	v17 =	vld [tilespmem:$0x3EC0];
	v1 =	vadd.f32 v63, v1  }
0x303: {  	v59 =	vld [tilespmem:$0x3F80];
	v3 =	vadd.f32 v20, v3;
	v0 =	vadd.f32 v60, v0  }
0x304: {  	v49 =	vld [tilespmem:$0x1FCC0];
	v2 =	vadd.f32 v61, v2;
	v1 =	vadd.f32 v5, v1  }
0x305: {  	v20 =	vld [tilespmem:$0x3ED0];
	v3 =	vadd.f32 v36, v3;
	v0 =	vadd.f32 v32, v0  }
0x306: {  	v63 =	vld [tilespmem:$0x3FC0];
	v2 =	vadd.f32 v21, v2;
	v1 =	vadd.f32 v11, v1  }
0x307: {  	v60 =	vld [tilespmem:$0x3F90];
	v3 =	vadd.f32 v52, v3;
	v0 =	vadd.f32 v48, v0  }
0x308: {  	v61 =	vld [tilespmem:$0x3FA0];
	v2 =	vadd.f32 v37, v2;
	v1 =	vadd.f32 v15, v1  }
0x309: {  	v52 =	vld [tilespmem:$0x3F10];
	v3 =	vadd.f32 v8, v3;
	v0 =	vadd.f32 v62, v0  }
0x30a: {  	v32 =	vld [tilespmem:$0x1FFF0];
	v2 =	vadd.f32 v53, v2;
	v1 =	vadd.f32 v22, v1  }
0x30b: {  	v21 =	vld [tilespmem:$0x3EE0];
	v3 =	vadd.f32 v6, v3;
	v0 =	vadd.f32 v4, v0  }
0x30c: {  	v48 =	vld [tilespmem:$0x3EF0];
	v2 =	vadd.f32 v9, v2;
	v1 =	vadd.f32 v26, v1  }
0x30d: {  	v62 =	vld [tilespmem:$0x3FB0];
	v3 =	vadd.f32 v12, v3;
	v0 =	vadd.f32 v10, v0  }
0x30e: {  	v53 =	vld [tilespmem:$0x3F20];
	v2 =	vadd.f32 v7, v2;
	v1 =	vadd.f32 v30, v1  }
0x30f: {  	v26 =	vld [tilespmem:$0x4160];
	v3 =	vadd.f32 v16, v3;
	v0 =	vadd.f32 v14, v0  }
0x310: {  	v30 =	vld [tilespmem:$0x3FE0];
	v2 =	vadd.f32 v13, v2;
	v1 =	vadd.f32 v38, v1  }
0x311: {  	v3 =	vadd.f32 v23, v3;
	v23 =	vld [tilespmem:$0x4140];
	v0 =	vadd.f32 v19, v0  }
0x312: {  	v38 =	vld [tilespmem:$0x4000];
	v2 =	vadd.f32 v18, v2;
	v1 =	vadd.f32 v42, v1  }
0x313: {  	v3 =	vadd.f32 v27, v3;
	v42 =	vld [tilespmem:$0x4040];
	v0 =	vadd.f32 v25, v0  }
0x314: {  	v2 =	vadd.f32 v24, v2;
	v1 =	vadd.f32 v46, v1;
	v46 =	vld [tilespmem:$0x4080]  }
0x315: {  	v3 =	vadd.f32 v31, v3;
	v24 =	vld [tilespmem:$0x4150];
	v0 =	vadd.f32 v29, v0  }
0x316: {  	v29 =	vld [tilespmem:$0x3FD0];
	v2 =	vadd.f32 v28, v2  }
0x317: {  	v3 =	vadd.f32 v39, v3;
	v39 =	vld [tilespmem:$0x4010];
	v0 =	vadd.f32 v35, v0  }
0x318: {  	v28 =	vld [tilespmem:$0x1FFC0];
	v2 =	vadd.f32 v34, v2  }
0x319: {  	v1 =	vadd.f32 v20, v1;
	v35 =	vld [tilespmem:$0x3FF0];
	v0 =	vadd.f32 v41, v0  }
0x31a: {  	v3 =	vadd.f32 v43, v3;
	v43 =	vld [tilespmem:$0x4050];
	v2 =	vadd.f32 v40, v2  }
0x31b: {  	v1 =	vadd.f32 v52, v1;
	v52 =	vld [tilespmem:$0x40C0];
	v0 =	vadd.f32 v45, v0  }
0x31c: {  	v41 =	vld [tilespmem:$0x4030];
	v3 =	vadd.f32 v47, v3;
	v2 =	vadd.f32 v44, v2  }
0x31d: {  	v47 =	vld [tilespmem:$0x4090];
	v1 =	vadd.f32 v56, v1;
	v0 =	vadd.f32 v17, v0  }
0x31e: {  	v40 =	vld [tilespmem:$0x4020];
	v3 =	vadd.f32 v21, v3;
	v2 =	vadd.f32 v50, v2  }
0x31f: {  	v56 =	vld [tilespmem:$0x40E0];
	v1 =	vadd.f32 v60, v1;
	v0 =	vadd.f32 v51, v0  }
0x320: {  	v45 =	vld [tilespmem:$0x4070];
	v3 =	vadd.f32 v53, v3;
	v2 =	vadd.f32 v48, v2  }
0x321: {  	v1 =	vadd.f32 v29, v1;
	v51 =	vld [tilespmem:$0x1FCD0];
	v0 =	vadd.f32 v55, v0  }
0x322: {  	v44 =	vld [tilespmem:$0x4060];
	v3 =	vadd.f32 v57, v3;
	v2 =	vadd.f32 v54, v2  }
0x323: {  	v53 =	vld [tilespmem:$0x1FCE0];
	v1 =	vadd.f32 v39, v1;
	v0 =	vadd.f32 v59, v0  }
0x324: {  	vm3 =	veq.s32 v49, $0x0;
	v60 =	vld [tilespmem:$0x4100];
	v3 =	vadd.f32 v61, v3;
	v2 =	vadd.f32 v58, v2  }
0x325: {  	v55 =	vmpcnt.ones.xlane vm3;
	v1 =	vadd.f32 v43, v1;
	v59 =	vld [tilespmem:$0x1FCF0];
	v0 =	vadd.f32 v63, v0  }
0x326: {  	v54 =	vld [tilespmem:$0x40D0];
	v3 =	vadd.f32 v30, v3;
	vm11 =	veq.s32 v51, $0x0;
	v2 =	vadd.f32 v62, v2  }
0x327: {  	v48 =	vld [tilespmem:$0x40A0];
	v1 =	vadd.f32 v47, v1;
	v57 =	vmpcnt.ones.xlane vm11;
	v0 =	vadd.f32 v38, v0  }
0x328: {  	v61 =	vld [tilespmem:$0x4110];
	vm12 =	veq.s32 v53, $0x0;
	v3 =	vadd.f32 v40, v3;
	v2 =	vadd.f32 v35, v2  }
0x329: {  	v50 =	vld [tilespmem:$0x40B0];
	v62 =	vmpcnt.ones.xlane vm12;
	v9 =	vadd.s32 v55, v57;
	v0 =	vadd.f32 v42, v0  }
0x32a: {  	v58 =	vld [tilespmem:$0x40F0];
	v3 =	vadd.f32 v44, v3;
	vm3 =	veq.s32 v59, $0x0;
	v2 =	vadd.f32 v41, v2  }
0x32b: {  	v63 =	vld [tilespmem:$0x4120];
	v1 =	vadd.f32 v54, v1;
	vm13 =	vmand vm3, vm0;
	v0 =	vadd.f32 v46, v0  }
0x32c: {  	v29 =	vld [tilespmem:$0x1FFD0];
	v3 =	vadd.f32 v48, v3;
	v22 =	vmpcnt.ones.xlane vm13;
	v2 =	vadd.f32 v45, v2  }
0x32d: {  	v20 =	vld [tilespmem:$0x4130];
	v9 =	vadd.s32 v62, v9;
	v1 =	vadd.f32 v61, v1;
	v0 =	vadd.f32 v52, v0  }
0x32e: {  	v30 =	vld [tilespmem:$0x1FFE0];
	v3 =	vadd.f32 v56, v3;
	v25 =	vadd.s32 v22, v9;
	v2 =	vadd.f32 v50, v2  }
0x32f: {  	v27 =	vld [tilespmem:$0x4170];
	v1 =	vadd.f32 v24, v1;
	v7 =	vcvt.s32.f32 v25;
	v0 =	vadd.f32 v60, v0  }
0x330: {  	v3 =	vadd.f32 v63, v3;
	v2 =	vadd.f32 v58, v2  }
0x331: {  	v5 =	vmul.f32 v7, v28;
	v4 =	vmul.f32 v7, v29;
	v0 =	vadd.f32 v23, v0  }
0x332: {  	v3 =	vadd.f32 v26, v3;
	v2 =	vadd.f32 v20, v2  }
0x333: {  	v1 =	vsub.f32 v1, v4;
	v0 =	vsub.f32 v0, v5;
	v5 =	vmul.f32 v7, v30  }
0x334: {  	v4 =	vmul.f32 v7, v32;
	v2 =	vadd.f32 v27, v2  }
0x335: {  	v33 =	vld [tilespmem:s18+$0xC0];
	v1 =	vmul.f32 $1.999999960e-02, v1;
	v3 =	vsub.f32 v3, v5  }
0x336: {  	v31 =	vld [tilespmem:s18+$0xB0];
	v0 =	vmul.f32 $1.999999960e-02, v0;
	v2 =	vsub.f32 v2, v4  }
0x337: {  	v34 =	vld [tilespmem:s18+$0xD0];
	[tilespmem:s16+$0x10] =	vst v1;
	v35 =	vmul.f32 $1.999999960e-02, v3  }
0x338: {  	[tilespmem:s16+$0x0] =	vst v0;
	v36 =	vmul.f32 $1.999999960e-02, v2  }
0x339: {  	[tilespmem:s16+$0x20] =	vst v35  }
0x33a: {  	[tilespmem:s16+$0x30] =	vst v36  }
0x33b: {  	v0 =	vld [tilespmem:$0x4560];
	_ =	sdelay $0x4  }
0x33c: {  	[tilespmem:$0x1FD00] =	vst v0;
	v0 =	vld [tilespmem:$0x4570];
	_ =	sdelay $0x4  }
0x33d: {  	[tilespmem:$0x1FD10] =	vst v0;
	v0 =	vld [tilespmem:$0x4580];
	_ =	sdelay $0x4  }
0x33e: {  	[tilespmem:$0x1FD20] =	vst v0;
	v0 =	vld [tilespmem:$0x4590];
	_ =	sdelay $0x4  }
0x33f: {  	[tilespmem:$0x1FD30] =	vst v0;
	v0 =	vld [tilespmem:$0x45A0];
	_ =	sdelay $0x4  }
0x340: {  	[tilespmem:$0x1FD40] =	vst v0;
	v0 =	vld [tilespmem:$0x45B0];
	_ =	sdelay $0x4  }
0x341: {  	[tilespmem:$0x1FD50] =	vst v0;
	v0 =	vld [tilespmem:$0x45C0];
	_ =	sdelay $0x4  }
0x342: {  	[tilespmem:$0x1FD60] =	vst v0;
	v0 =	vld [tilespmem:$0x45D0];
	_ =	sdelay $0x4  }
0x343: {  	[tilespmem:$0x1FD70] =	vst v0;
	v0 =	vld [tilespmem:$0x45E0];
	_ =	sdelay $0x4  }
0x344: {  	[tilespmem:$0x1FD80] =	vst v0;
	v0 =	vld [tilespmem:$0x45F0];
	_ =	sdelay $0x4  }
0x345: {  	[tilespmem:$0x1FD90] =	vst v0;
	v0 =	vld [tilespmem:$0x4600];
	_ =	sdelay $0x4  }
0x346: {  	[tilespmem:$0x1FDA0] =	vst v0;
	v0 =	vld [tilespmem:$0x4610];
	_ =	sdelay $0x4  }
0x347: {  	[tilespmem:$0x1FDB0] =	vst v0;
	v0 =	vld [tilespmem:$0x4620];
	_ =	sdelay $0x4  }
0x348: {  	[tilespmem:$0x1FDC0] =	vst v0;
	v0 =	vld [tilespmem:$0x4630];
	_ =	sdelay $0x4  }
0x349: {  	[tilespmem:$0x1FDD0] =	vst v0;
	v0 =	vld [tilespmem:$0x4640];
	_ =	sdelay $0x2  }
0x34a: {  	v3 =	vld [tilespmem:$0x4180]  }
0x34b: {  	v13 =	vld [tilespmem:$0x4190]  }
0x34c: {  	[tilespmem:$0x1FDE0] =	vst v0;
	v0 =	vld [tilespmem:$0x4650]  }
0x34d: {  	v18 =	vld [tilespmem:$0x41A0]  }
0x34e: {  	v21 =	vld [tilespmem:$0x41B0]  }
0x34f: {  	v26 =	vld [tilespmem:$0x41C0]  }
0x350: {  	v29 =	vld [tilespmem:$0x41D0]  }
0x351: {  	[tilespmem:$0x1FDF0] =	vst v0;
	v0 =	vld [tilespmem:$0x4660]  }
0x352: {  	[tilespmem:$0x1FFB0] =	vst v34;
	v34 =	vld [tilespmem:$0x41E0]  }
0x353: {  	v37 =	vld [tilespmem:$0x41F0]  }
0x354: {  	v42 =	vld [tilespmem:$0x4200]  }
0x355: {  	v45 =	vld [tilespmem:$0x4210]  }
0x356: {  	[tilespmem:$0x1FE00] =	vst v0;
	v0 =	vld [tilespmem:$0x4670]  }
0x357: {  	v50 =	vld [tilespmem:$0x4220]  }
0x358: {  	v53 =	vld [tilespmem:$0x4230]  }
0x359: {  	v56 =	vld [tilespmem:$0x4240]  }
0x35a: {  	v57 =	vld [tilespmem:$0x4250]  }
0x35b: {  	[tilespmem:$0x1FE10] =	vst v0;
	v0 =	vld [tilespmem:$0x4680]  }
0x35c: {  	v62 =	vld [tilespmem:$0x4260]  }
0x35d: {  	v2 =	vld [tilespmem:$0x4270]  }
0x35e: {  	v4 =	vld [tilespmem:$0x4280]  }
0x35f: {  	v5 =	vld [tilespmem:$0x4290]  }
0x360: {  	[tilespmem:$0x1FE20] =	vst v0;
	v0 =	vld [tilespmem:$0x4690]  }
0x361: {  	v6 =	vld [tilespmem:$0x42A0]  }
0x362: {  	v7 =	vld [tilespmem:$0x42B0]  }
0x363: {  	v8 =	vld [tilespmem:$0x42C0]  }
0x364: {  	v9 =	vld [tilespmem:$0x42D0]  }
0x365: {  	[tilespmem:$0x1FE30] =	vst v0;
	v0 =	vld [tilespmem:$0x46A0]  }
0x366: {  	v10 =	vld [tilespmem:$0x42E0]  }
0x367: {  	v11 =	vld [tilespmem:$0x42F0]  }
0x368: {  	v12 =	vld [tilespmem:$0x4300]  }
0x369: {  	v14 =	vld [tilespmem:$0x4310]  }
0x36a: {  	[tilespmem:$0x1FE40] =	vst v0;
	v0 =	vld [tilespmem:$0x46B0]  }
0x36b: {  	v15 =	vld [tilespmem:$0x4320]  }
0x36c: {  	v16 =	vld [tilespmem:$0x4330]  }
0x36d: {  	v17 =	vld [tilespmem:$0x4340]  }
0x36e: {  	v19 =	vld [tilespmem:$0x4350]  }
0x36f: {  	[tilespmem:$0x1FE50] =	vst v0;
	v0 =	vld [tilespmem:$0x46C0]  }
0x370: {  	v20 =	vld [tilespmem:$0x4360]  }
0x371: {  	v22 =	vld [tilespmem:$0x4370]  }
0x372: {  	v23 =	vld [tilespmem:$0x4380]  }
0x373: {  	v24 =	vld [tilespmem:$0x4390]  }
0x374: {  	[tilespmem:$0x1FE60] =	vst v0;
	v0 =	vld [tilespmem:$0x46D0]  }
0x375: {  	v25 =	vld [tilespmem:$0x43A0]  }
0x376: {  	v27 =	vld [tilespmem:$0x43B0]  }
0x377: {  	v28 =	vld [tilespmem:$0x43C0]  }
0x378: {  	v30 =	vld [tilespmem:$0x43D0]  }
0x379: {  	[tilespmem:$0x1FE70] =	vst v0;
	v0 =	vld [tilespmem:$0x46E0]  }
0x37a: {  	[tilespmem:$0x1FF90] =	vst v31;
	v31 =	vld [tilespmem:$0x43E0]  }
0x37b: {  	v32 =	vld [tilespmem:$0x43F0]  }
0x37c: {  	[tilespmem:$0x1FFA0] =	vst v33;
	v33 =	vld [tilespmem:$0x4400]  }
0x37d: {  	v35 =	vld [tilespmem:$0x4410]  }
0x37e: {  	[tilespmem:$0x1FE80] =	vst v0;
	v0 =	vld [tilespmem:$0x46F0]  }
0x37f: {  	v36 =	vld [tilespmem:$0x4420]  }
0x380: {  	v38 =	vld [tilespmem:$0x4430]  }
0x381: {  	v39 =	vld [tilespmem:$0x4440]  }
0x382: {  	v40 =	vld [tilespmem:$0x4450]  }
0x383: {  	[tilespmem:$0x1FE90] =	vst v0;
	v0 =	vld [tilespmem:$0x4700]  }
0x384: {  	v41 =	vld [tilespmem:$0x4460]  }
0x385: {  	v43 =	vld [tilespmem:$0x4470]  }
0x386: {  	v44 =	vld [tilespmem:$0x4480]  }
0x387: {  	v46 =	vld [tilespmem:$0x4490]  }
0x388: {  	[tilespmem:$0x1FEA0] =	vst v0;
	v0 =	vld [tilespmem:$0x4710]  }
0x389: {  	v47 =	vld [tilespmem:$0x44A0]  }
0x38a: {  	v48 =	vld [tilespmem:$0x44B0]  }
0x38b: {  	v49 =	vld [tilespmem:$0x44C0]  }
0x38c: {  	v51 =	vld [tilespmem:$0x44D0]  }
0x38d: {  	[tilespmem:$0x1FEB0] =	vst v0;
	v0 =	vld [tilespmem:$0x4720]  }
0x38e: {  	v52 =	vld [tilespmem:$0x44E0]  }
0x38f: {  	v63 =	vld [tilespmem:$0x44F0]  }
0x390: {  	v54 =	vld [tilespmem:$0x4500]  }
0x391: {  	v60 =	vld [tilespmem:$0x4510]  }
0x392: {  	[tilespmem:$0x1FEC0] =	vst v0;
	v0 =	vld [tilespmem:$0x4730]  }
0x393: {  	v61 =	vld [tilespmem:$0x4520]  }
0x394: {  	v58 =	vld [tilespmem:$0x4530]  }
0x395: {  	v59 =	vld [tilespmem:$0x4540]  }
0x396: {  	v55 =	vld [tilespmem:$0x4550]  }
0x397: {  	v3 =	vadd.f32 $0.0e+00, v3;
	[tilespmem:$0x1FED0] =	vst v0;
	v0 =	vld [tilespmem:$0x4740]  }
0x398: {  	v1 =	vadd.f32 $0.0e+00, v18;
	v18 =	vld [tilespmem:$0x4800]  }
0x399: {  	v3 =	vadd.f32 v26, v3;
	v26 =	vadd.f32 $0.0e+00, v21;
	v21 =	vld [tilespmem:$0x4810]  }
0x39a: {  	v1 =	vadd.f32 v34, v1;
	v34 =	vld [tilespmem:$0x4840]  }
0x39b: {  	v37 =	vadd.f32 v37, v26;
	v26 =	vld [tilespmem:$0x4820]  }
0x39c: {  	[tilespmem:$0x1FEE0] =	vst v0;
	v0 =	vld [tilespmem:$0x4750]  }
0x39d: {  	v3 =	vadd.f32 v42, v3;
	v42 =	vld [tilespmem:$0x4860]  }
0x39e: {  	v1 =	vadd.f32 v50, v1;
	v50 =	vld [tilespmem:$0x4880]  }
0x39f: {  	v53 =	vadd.f32 v53, v37;
	v37 =	vld [tilespmem:$0x4850]  }
0x3a0: {  	v3 =	vadd.f32 v56, v3;
	v56 =	vld [tilespmem:$0x48A0]  }
0x3a1: {  	[tilespmem:$0x1FEF0] =	vst v0;
	v0 =	vld [tilespmem:$0x4760]  }
0x3a2: {  	v1 =	vadd.f32 v62, v1;
	v62 =	vld [tilespmem:$0x48C0]  }
0x3a3: {  	v2 =	vadd.f32 v2, v53;
	v53 =	vld [tilespmem:$0x4890]  }
0x3a4: {  	v1 =	vadd.f32 v6, v1;
	v6 =	vld [tilespmem:$0x48F0]  }
0x3a5: {  	v3 =	vadd.f32 v4, v3;
	v2 =	vadd.f32 v7, v2;
	v7 =	vld [tilespmem:$0x4900]  }
0x3a6: {  	[tilespmem:$0x1FF00] =	vst v0;
	v0 =	vld [tilespmem:$0x4770]  }
0x3a7: {  	v3 =	vadd.f32 v8, v3;
	v8 =	vld [tilespmem:$0x4910]  }
0x3a8: {  	v1 =	vadd.f32 v10, v1;
	v10 =	vld [tilespmem:$0x4930]  }
0x3a9: {  	v2 =	vadd.f32 v11, v2;
	v11 =	vld [tilespmem:$0x4940]  }
0x3aa: {  	v3 =	vadd.f32 v12, v3;
	v1 =	vadd.f32 v15, v1;
	v12 =	vld [tilespmem:$0x4950]  }
0x3ab: {  	v2 =	vadd.f32 v16, v2;
	[tilespmem:$0x1FF10] =	vst v0;
	v0 =	vld [tilespmem:$0x4780]  }
0x3ac: {  	v15 =	vld [tilespmem:$0x4970];
	v1 =	vadd.f32 v20, v1  }
0x3ad: {  	v17 =	vadd.f32 v17, v3;
	v3 =	vld [tilespmem:$0x48D0];
	v2 =	vadd.f32 v22, v2  }
0x3ae: {  	v16 =	vld [tilespmem:$0x4980];
	v1 =	vadd.f32 v25, v1  }
0x3af: {  	v20 =	vld [tilespmem:$0x49B0];
	v2 =	vadd.f32 v27, v2  }
0x3b0: {  	v1 =	vadd.f32 v31, v1;
	[tilespmem:$0x1FF20] =	vst v0;
	v0 =	vld [tilespmem:$0x4790]  }
0x3b1: {  	v4 =	vadd.f32 v23, v17;
	v17 =	vld [tilespmem:$0x4990];
	v2 =	vadd.f32 v32, v2  }
0x3b2: {  	v22 =	vld [tilespmem:$0x49C0];
	v1 =	vadd.f32 v36, v1  }
0x3b3: {  	v23 =	vld [tilespmem:$0x49D0];
	v2 =	vadd.f32 v38, v2  }
0x3b4: {  	v25 =	vld [tilespmem:$0x49F0];
	v1 =	vadd.f32 v41, v1  }
0x3b5: {  	v2 =	vadd.f32 v43, v2;
	[tilespmem:$0x1FF30] =	vst v0;
	v0 =	vld [tilespmem:$0x47A0]  }
0x3b6: {  	v27 =	vld [tilespmem:$0x1FD00];
	v1 =	vadd.f32 v47, v1  }
0x3b7: {  	v4 =	vadd.f32 v28, v4;
	v28 =	vld [tilespmem:$0x1FD10];
	v2 =	vadd.f32 v48, v2  }
0x3b8: {  	v31 =	vld [tilespmem:$0x1FD30];
	v1 =	vadd.f32 v52, v1  }
0x3b9: {  	v32 =	vld [tilespmem:$0x1FD40];
	v2 =	vadd.f32 v63, v2  }
0x3ba: {  	v1 =	vadd.f32 v61, v1;
	[tilespmem:$0x1FF40] =	vst v0;
	v0 =	vld [tilespmem:$0x47B0]  }
0x3bb: {  	v4 =	vadd.f32 v33, v4;
	v33 =	vld [tilespmem:$0x1FD50];
	v2 =	vadd.f32 v58, v2  }
0x3bc: {  	v1 =	vadd.f32 v27, v1;
	v27 =	vld [tilespmem:$0x4A00]  }
0x3bd: {  	v2 =	vadd.f32 v28, v2;
	v28 =	vld [tilespmem:$0x4A10]  }
0x3be: {  	v1 =	vadd.f32 v32, v1;
	v32 =	vld [tilespmem:$0x4A40]  }
0x3bf: {  	[tilespmem:$0x1FF50] =	vst v0;
	v0 =	vld [tilespmem:$0x47C0]  }
0x3c0: {  	v38 =	vld [tilespmem:$0x1FD80]  }
0x3c1: {  	v2 =	vadd.f32 v33, v2;
	v33 =	vld [tilespmem:$0x4A50]  }
0x3c2: {  	v4 =	vadd.f32 v39, v4;
	v39 =	vld [tilespmem:$0x1FD90]  }
0x3c3: {  	v36 =	vld [tilespmem:$0x1FD70]  }
0x3c4: {  	[tilespmem:$0x1FF60] =	vst v0;
	v0 =	vld [tilespmem:$0x47D0]  }
0x3c5: {  	v1 =	vadd.f32 v38, v1;
	v38 =	vld [tilespmem:$0x4A80]  }
0x3c6: {  	v43 =	vld [tilespmem:$0x1FDC0]  }
0x3c7: {  	v2 =	vadd.f32 v39, v2;
	v39 =	vld [tilespmem:$0x4A90]  }
0x3c8: {  	v41 =	vld [tilespmem:$0x1FDB0]  }
0x3c9: {  	[tilespmem:$0x1FF70] =	vst v0;
	v0 =	vld [tilespmem:$0x47E0]  }
0x3ca: {  	v4 =	vadd.f32 v44, v4;
	v44 =	vld [tilespmem:$0x1FDD0]  }
0x3cb: {  	v1 =	vadd.f32 v43, v1;
	v43 =	vld [tilespmem:$0x4AC0]  }
0x3cc: {  	v47 =	vld [tilespmem:$0x1FDF0]  }
0x3cd: {  	v48 =	vld [tilespmem:$0x1FE00]  }
0x3ce: {  	v4 =	vadd.f32 v49, v4;
	v49 =	vld [tilespmem:$0x1FE10];
	[tilespmem:$0x1FF80] =	vst v0;
	v0 =	vadd.f32 $0.0e+00, v13  }
0x3cf: {  	v52 =	vld [tilespmem:$0x1FE30]  }
0x3d0: {  	v4 =	vadd.f32 v54, v4;
	v54 =	vld [tilespmem:$0x1FE40];
	v0 =	vadd.f32 v29, v0  }
0x3d1: {  	v58 =	vld [tilespmem:$0x1FE60]  }
0x3d2: {  	v4 =	vadd.f32 v59, v4;
	v59 =	vld [tilespmem:$0x1FE70];
	v0 =	vadd.f32 v45, v0  }
0x3d3: {  	v61 =	vld [tilespmem:$0x1FE90]  }
0x3d4: {  	v63 =	vld [tilespmem:$0x1FEA0];
	v0 =	vadd.f32 v57, v0  }
0x3d5: {  	v2 =	vadd.f32 v44, v2;
	v44 =	vld [tilespmem:$0x1FEB0]  }
0x3d6: {  	v1 =	vadd.f32 v48, v1;
	v48 =	vld [tilespmem:$0x1FEE0];
	v0 =	vadd.f32 v5, v0  }
0x3d7: {  	v2 =	vadd.f32 v49, v2;
	v49 =	vld [tilespmem:$0x1FEF0]  }
0x3d8: {  	v1 =	vadd.f32 v54, v1;
	v54 =	vld [tilespmem:$0x1FF20];
	v0 =	vadd.f32 v9, v0  }
0x3d9: {  	v13 =	vld [tilespmem:$0x47F0]  }
0x3da: {  	v29 =	vld [tilespmem:$0x4830];
	v0 =	vadd.f32 v14, v0  }
0x3db: {  	v45 =	vld [tilespmem:$0x4870]  }
0x3dc: {  	v57 =	vld [tilespmem:$0x48B0];
	v0 =	vadd.f32 v19, v0  }
0x3dd: {  	v5 =	vld [tilespmem:$0x48E0]  }
0x3de: {  	v9 =	vld [tilespmem:$0x4920];
	v0 =	vadd.f32 v24, v0  }
0x3df: {  	v14 =	vld [tilespmem:$0x4960]  }
0x3e0: {  	v0 =	vadd.f32 v30, v0;
	v30 =	vld [tilespmem:$0x1FD20]  }
0x3e1: {  	v19 =	vld [tilespmem:$0x49A0]  }
0x3e2: {  	v0 =	vadd.f32 v35, v0;
	v35 =	vld [tilespmem:$0x1FD60]  }
0x3e3: {  	v24 =	vld [tilespmem:$0x49E0]  }
0x3e4: {  	v0 =	vadd.f32 v40, v0;
	v40 =	vld [tilespmem:$0x1FDA0]  }
0x3e5: {  	v4 =	vadd.f32 v30, v4;
	v30 =	vld [tilespmem:$0x4A20]  }
0x3e6: {  	v0 =	vadd.f32 v46, v0;
	v46 =	vld [tilespmem:$0x1FDE0]  }
0x3e7: {  	v4 =	vadd.f32 v35, v4;
	v35 =	vld [tilespmem:$0x4A60]  }
0x3e8: {  	v0 =	vadd.f32 v51, v0;
	v51 =	vld [tilespmem:$0x1FE20]  }
0x3e9: {  	v4 =	vadd.f32 v40, v4;
	v40 =	vld [tilespmem:$0x4AA0]  }
0x3ea: {  	v0 =	vadd.f32 v60, v0;
	v60 =	vld [tilespmem:$0x1FE80]  }
0x3eb: {  	v4 =	vadd.f32 v46, v4;
	v46 =	vld [tilespmem:$0x1FEC0]  }
0x3ec: {  	v0 =	vadd.f32 v55, v0;
	v55 =	vld [tilespmem:$0x1FE50]  }
0x3ed: {  	v4 =	vadd.f32 v51, v4;
	v51 =	vld [tilespmem:$0x1FF00]  }
0x3ee: {  	v0 =	vadd.f32 v31, v0;
	v31 =	vld [tilespmem:$0x4A30]  }
0x3ef: {  	v4 =	vadd.f32 v58, v4;
	v58 =	vld [tilespmem:$0x1FF40]  }
0x3f0: {  	v1 =	vadd.f32 v60, v1;
	v60 =	vld [tilespmem:$0x1FF60]  }
0x3f1: {  	v0 =	vadd.f32 v36, v0;
	v36 =	vld [tilespmem:$0x4A70]  }
0x3f2: {  	v1 =	vadd.f32 v46, v1;
	v46 =	vld [tilespmem:$0x4AE0]  }
0x3f3: {  	v2 =	vadd.f32 v55, v2;
	v55 =	vld [tilespmem:$0x1FF30]  }
0x3f4: {  	v4 =	vadd.f32 v63, v4;
	v63 =	vld [tilespmem:$0x1FF80]  }
0x3f5: {  	v0 =	vadd.f32 v41, v0;
	v41 =	vld [tilespmem:$0x4AB0]  }
0x3f6: {  	v4 =	vadd.f32 v48, v4;
	v48 =	vld [tilespmem:$0x4B00]  }
0x3f7: {  	v2 =	vadd.f32 v61, v2;
	v61 =	vld [tilespmem:$0x1FF70]  }
0x3f8: {  	v1 =	vadd.f32 v51, v1;
	v51 =	vld [tilespmem:$0x4BC0]  }
0x3f9: {  	v0 =	vadd.f32 v47, v0;
	v47 =	vld [tilespmem:$0x1FED0]  }
0x3fa: {  	v4 =	vadd.f32 v54, v4;
	v54 =	vld [tilespmem:$0x4BF0]  }
0x3fb: {  	v1 =	vadd.f32 v58, v1;
	v58 =	vld [tilespmem:$0x4C30]  }
0x3fc: {  	v0 =	vadd.f32 v52, v0;
	v52 =	vld [tilespmem:$0x1FF10]  }
0x3fd: {  	v4 =	vadd.f32 v60, v4;
	v60 =	vld [tilespmem:$0x4C50]  }
0x3fe: {  	v1 =	vadd.f32 v63, v1;
	v63 =	vld [tilespmem:$0x4C80]  }
0x3ff: {  	v0 =	vadd.f32 v59, v0;
	v59 =	vld [tilespmem:$0x1FF50]  }
0x400: {  	v2 =	vadd.f32 v47, v2;
	v47 =	vld [tilespmem:$0x4AF0]  }
0x401: {  	v4 =	vadd.f32 v18, v4;
	v18 =	vld [tilespmem:$0x4B30];
	v0 =	vadd.f32 v44, v0  }
0x402: {  	v1 =	vadd.f32 v26, v1;
	v26 =	vld [tilespmem:$0x4B50];
	v2 =	vadd.f32 v52, v2  }
0x403: {  	v44 =	vld [tilespmem:$0x4AD0];
	v0 =	vadd.f32 v49, v0  }
0x404: {  	v4 =	vadd.f32 v34, v4;
	v34 =	vld [tilespmem:$0x4B70];
	v2 =	vadd.f32 v59, v2  }
0x405: {  	v1 =	vadd.f32 v42, v1;
	v42 =	vld [tilespmem:$0x4B90];
	v0 =	vadd.f32 v55, v0  }
0x406: {  	v52 =	vld [tilespmem:$0x4BD0];
	v2 =	vadd.f32 v13, v2  }
0x407: {  	v49 =	vld [tilespmem:$0x4B10];
	v4 =	vadd.f32 v50, v4;
	v0 =	vadd.f32 v61, v0  }
0x408: {  	v1 =	vadd.f32 v56, v1;
	v50 =	vld [tilespmem:$0x4BB0];
	v2 =	vadd.f32 v29, v2  }
0x409: {  	v56 =	vld [tilespmem:$0x4C10];
	v4 =	vadd.f32 v62, v4;
	v0 =	vadd.f32 v21, v0  }
0x40a: {  	v59 =	vld [tilespmem:$0x4C40];
	v1 =	vadd.f32 v5, v1;
	v2 =	vadd.f32 v45, v2  }
0x40b: {  	v55 =	vld [tilespmem:$0x4C00];
	v4 =	vadd.f32 v7, v4;
	v0 =	vadd.f32 v37, v0  }
0x40c: {  	v13 =	vld [tilespmem:$0x4B20];
	v1 =	vadd.f32 v9, v1;
	v2 =	vadd.f32 v57, v2  }
0x40d: {  	v62 =	vld [tilespmem:$0x4C70];
	v4 =	vadd.f32 v11, v4;
	v0 =	vadd.f32 v53, v0  }
0x40e: {  	v61 =	vld [tilespmem:$0x4C60];
	v1 =	vadd.f32 v14, v1;
	v2 =	vadd.f32 v6, v2  }
0x40f: {  	v29 =	vld [tilespmem:$0x4B60];
	v4 =	vadd.f32 v16, v4;
	v0 =	vadd.f32 v3, v0  }
0x410: {  	v21 =	vld [tilespmem:$0x4B40];
	v1 =	vadd.f32 v19, v1;
	v2 =	vadd.f32 v10, v2  }
0x411: {  	v45 =	vld [tilespmem:$0x4BA0];
	v4 =	vadd.f32 v22, v4;
	v0 =	vadd.f32 v8, v0  }
0x412: {  	v37 =	vld [tilespmem:$0x4B80];
	v1 =	vadd.f32 v24, v1;
	v2 =	vadd.f32 v15, v2  }
0x413: {  	v57 =	vld [tilespmem:$0x4C20];
	v4 =	vadd.f32 v27, v4;
	v0 =	vadd.f32 v12, v0  }
0x414: {  	v53 =	vld [tilespmem:$0x4BE0];
	v1 =	vadd.f32 v30, v1;
	v2 =	vadd.f32 v20, v2  }
0x415: {  	v30 =	vld [tilespmem:$0x4CA0];
	v4 =	vadd.f32 v32, v4;
	v0 =	vadd.f32 v17, v0  }
0x416: {  	v1 =	vadd.f32 v35, v1;
	v32 =	vld [tilespmem:$0x4CC0];
	v2 =	vadd.f32 v25, v2  }
0x417: {  	v35 =	vld [tilespmem:$0x4CF0];
	v4 =	vadd.f32 v38, v4;
	v0 =	vadd.f32 v23, v0  }
0x418: {  	v1 =	vadd.f32 v40, v1;
	v38 =	vld [tilespmem:$0x4D20];
	v2 =	vadd.f32 v31, v2  }
0x419: {  	v40 =	vld [tilespmem:$0x4D40];
	v4 =	vadd.f32 v43, v4;
	v0 =	vadd.f32 v28, v0  }
0x41a: {  	v1 =	vadd.f32 v46, v1;
	v43 =	vld [tilespmem:$0x4D60];
	v2 =	vadd.f32 v36, v2  }
0x41b: {  	v46 =	vld [tilespmem:$0x4D70];
	v4 =	vadd.f32 v48, v4;
	v0 =	vadd.f32 v33, v0  }
0x41c: {  	v1 =	vadd.f32 v13, v1;
	v31 =	vld [tilespmem:$0x4CB0];
	v2 =	vadd.f32 v41, v2  }
0x41d: {  	v48 =	vld [tilespmem:$0x4D80];
	v4 =	vadd.f32 v21, v4;
	v0 =	vadd.f32 v39, v0  }
0x41e: {  	v28 =	vld [tilespmem:$0x4C90];
	v1 =	vadd.f32 v29, v1;
	v2 =	vadd.f32 v47, v2  }
0x41f: {  	v36 =	vld [tilespmem:$0x4D00];
	v4 =	vadd.f32 v37, v4;
	v0 =	vadd.f32 v44, v0  }
0x420: {  	v33 =	vld [tilespmem:$0x4CD0];
	v1 =	vadd.f32 v45, v1;
	v2 =	vadd.f32 v18, v2  }
0x421: {  	v37 =	vld [tilespmem:$0x4D10];
	v4 =	vadd.f32 v51, v4;
	v0 =	vadd.f32 v49, v0  }
0x422: {  	v41 =	vld [tilespmem:$0x4D50];
	v1 =	vadd.f32 v53, v1;
	v2 =	vadd.f32 v34, v2  }
0x423: {  	v39 =	vld [tilespmem:$0x4D30];
	v4 =	vadd.f32 v55, v4;
	v0 =	vadd.f32 v26, v0  }
0x424: {  	v47 =	vld [tilespmem:$0x1FFA0];
	v1 =	vadd.f32 v57, v1;
	v2 =	vadd.f32 v50, v2  }
0x425: {  	v34 =	vld [tilespmem:$0x4CE0];
	v4 =	vadd.f32 v59, v4;
	v0 =	vadd.f32 v42, v0  }
0x426: {  	v1 =	vadd.f32 v61, v1;
	v42 =	vld [tilespmem:$0x1FF90];
	v2 =	vadd.f32 v54, v2  }
0x427: {  	vm3 =	vmand vm3, vm1;
	v4 =	vadd.f32 v63, v4;
	v50 =	vld [tilespmem:$0x1FFB0];
	v0 =	vadd.f32 v52, v0  }
0x428: {  	v51 =	vld [tilespmem:$0x4DA0];
	v44 =	vmpcnt.ones.xlane vm3;
	v1 =	vadd.f32 v30, v1;
	v2 =	vadd.f32 v58, v2  }
0x429: {  	v53 =	vld [tilespmem:$0x4DB0];
	vm3 =	veq.s32 v47, $0x0;
	v4 =	vadd.f32 v32, v4;
	v0 =	vadd.f32 v56, v0  }
0x42a: {  	v55 =	vld [tilespmem:$0x4DC0];
	v1 =	vadd.f32 v34, v1;
	v52 =	vmpcnt.ones.xlane vm3;
	v2 =	vadd.f32 v62, v2  }
0x42b: {  	v57 =	vld [tilespmem:$0x4DE0];
	v4 =	vadd.f32 v36, v4;
	vm14 =	veq.s32 v42, $0x0;
	v0 =	vadd.f32 v60, v0  }
0x42c: {  	v49 =	vld [tilespmem:$0x4D90];
	vm15 =	veq.s32 v50, $0x0;
	v45 =	vmpcnt.ones.xlane vm14;
	v2 =	vadd.f32 v31, v2  }
0x42d: {  	v59 =	vld [tilespmem:$0x1FFC0];
	v1 =	vadd.f32 v38, v1;
	vm3 =	vmand vm15, vm2;
	v0 =	vadd.f32 v28, v0  }
0x42e: {  	v61 =	vld [tilespmem:$0x1FFE0];
	v54 =	vmpcnt.ones.xlane vm3;
	v12 =	vadd.s32 v44, v45;
	v2 =	vadd.f32 v35, v2  }
0x42f: {  	v58 =	vld [tilespmem:$0x4DF0];
	v4 =	vadd.f32 v40, v4;
	v12 =	vadd.s32 v52, v12;
	v0 =	vadd.f32 v33, v0  }
0x430: {  	v62 =	vld [tilespmem:$0x1FFF0];
	v1 =	vadd.f32 v43, v1;
	v3 =	vadd.s32 v54, v12;
	v2 =	vadd.f32 v39, v2  }
0x431: {  	v60 =	vld [tilespmem:$0x1FFD0];
	v4 =	vadd.f32 v48, v4;
	v3 =	vcvt.s32.f32 v3;
	v0 =	vadd.f32 v37, v0  }
0x432: {  	v56 =	vld [tilespmem:$0x4DD0];
	v1 =	vadd.f32 v51, v1;
	v2 =	vadd.f32 v46, v2  }
0x433: {  	v4 =	vadd.f32 v55, v4;
	v6 =	vmul.f32 v3, v59;
	v0 =	vadd.f32 v41, v0  }
0x434: {  	v1 =	vadd.f32 v57, v1;
	v2 =	vadd.f32 v53, v2  }
0x435: {  	v4 =	vsub.f32 v4, v6;
	v6 =	vmul.f32 v3, v61;
	v0 =	vadd.f32 v49, v0  }
0x436: {  	v5 =	vmul.f32 v3, v60;
	v3 =	vmul.f32 v3, v62;
	v2 =	vadd.f32 v58, v2  }
0x437: {  	s17 =	sadd.s32 $0x380, s17;
	v1 =	vsub.f32 v1, v6;
	v0 =	vadd.f32 v56, v0  }
0x438: {  	p0 =	sne.s32 s17, $0x7000;
	v4 =	vmul.f32 $1.999999960e-02, v4;
	v2 =	vsub.f32 v2, v3  }
.Ltmp0:
0x439: {  	v1 =	vmul.f32 $1.999999960e-02, v1;
	v0 =	vsub.f32 v0, v5;
	(pc) =	sbr.rel @p0 .LBB2_2-.Ltmp0, $4  }
0x43a: {  	[tilespmem:s16+$0x40] =	vst v4;
	v63 =	vmul.f32 $1.999999960e-02, v2  }
0x43b: {  	[tilespmem:s16+$0x60] =	vst v1;
	v0 =	vmul.f32 $1.999999960e-02, v0  }
0x43c: {  	[tilespmem:s16+$0x70] =	vst v63  }
0x43d: {  	[tilespmem:s16+$0x50] =	vst v0;
	s16 =	sadd.s32 $0x100, s16  }
0x43e: {  	s15 =	sadd.s32 $0x1, s15  }
0x43f: {  	p0 =	sne.s32 s15, s6  }
.Ltmp1:
0x440: {  	_ = 	snop;
	(pc) =	sbr.rel @p0 .LBB2_1-.Ltmp1, $4  }
0x441: {  	[hbm4b:s5+s2] =	stream.linear.scatter [tilespmem:s14], [sflag:$0x3], $0x2000, $0x38;
	[tilespmem:$0x6E40] =	vst v63  }
0x442: {  	_ =	swait.ge [sflag:s7], $0x2000  }
0x443: {  	[sflag:s7] =	ssyncset.done $0x0  }
0x444: {  	[sflag:s7] =	ssyncadd.s32 $0xFFFFE000  }
0x445: {  	_ =	sfence.sel $0x180000  }
0x446: {  	[bflag:$0x0] =	sbarrier.arrive $0xFFFF  }
0x447: {  	p0 =	sne.s32 s0, $0x0;
	_ =	strace $0x90000047  }
0x448: {  	s0 =	sadd.s32 @!p0 $0x100000, s1;
	[bflag:$0x2] =	sbarrier.arrive $0xFFFF  }
0x449: {  	[sflag:s0] =	ssyncadd.tile.s32 @!p0 $0x1;
	_ =	shalt  }
.Lfunc_end2:
_tile_overlayer_lowered:
.L_overlay_start_2:
0x44a: {  	(tag) =	ssettag $0x2  }
0x44b: {  	s0 =	rddreg [dreg:$0x0];
	s2 =	stileid.u32  }
0x44c: {  	s1 =	rddreg [dreg:$0x1];
	p0 =	sne.s32 s2, $0x0  }
0x44d: {  	s3 =	rddreg [dreg:$0x2];
	[bflag:$0x3] =	sbarrier.arrive $0xFFFF;
	s2 =	simm.s32 @!p0 $0x1C03  }
0x44e: {  	[timem:s3], [sflag:s2] =	dma.local @!p0 [hbm:s0], s1  }
0x44f: {  	s0 =	simm.s32 @!p0 $0x3  }
0x450: {  	_ =	swait.ge @!p0 [sflag:s0], s1  }
0x451: {  	s1 =	ssub.s32 @!p0 $0x0, s1;
	[sflag:s0] =	ssyncset.done @!p0 $0x0  }
0x452: {  	[sflag:s0] =	ssyncadd.s32 @!p0 s1  }
0x453: {  	[bflag:$0x3] =	sbarrier.arrive $0xFFFF  }
0x454: {  	_ =	shalt  }

</sc_bundles>
